<compile_context>
chip_gen: v7x
topology: tpu7x:2x2x1
jax: 0.10.2.dev20260603
libtpu: 0.0.44.dev20260713+nightly
codegen_flags: <defaults>
</compile_context>

<pallas_src>
import functools

import jax
import jax.numpy as jnp
from jax import lax
from jax.experimental import pallas as pl
from jax.experimental.pallas import tpu as pltpu
from jax.experimental.pallas import tpu_sc as plsc

D = 128
C = 64
NBUF = 8
NW = 32
L = 16


def kernel(id, W, b):
    ids_flat = id.reshape(-1)
    b_flat = b.reshape(-1)
    N = ids_flat.size
    npw = N // NW
    nck = npw // C

    mesh = plsc.VectorSubcoreMesh(core_axis_name="c", subcore_axis_name="s")

    @functools.partial(
        pl.kernel,
        mesh=mesh,
        out_type=[
            jax.ShapeDtypeStruct((N, D), jnp.float32),
            jax.ShapeDtypeStruct((N,), jnp.float32),
        ],
        scratch_types=(
            [pltpu.VMEM((npw,), jnp.int32)]
            + [pltpu.VMEM((C, D), jnp.float32)] * NBUF
            + [pltpu.VMEM((C,), jnp.float32)] * NBUF
            + [pltpu.VMEM((nck * L,), jnp.int32),
               pltpu.VMEM((L,), jnp.int32),
               pltpu.VMEM((1, D), jnp.float32)]
            + [pltpu.SemaphoreType.DMA] * (2 * NBUF)
        ),
    )
    def k(ids_hbm, w_hbm, b_hbm, out_w, out_b, idx_v, *scr):
        rows = scr[:NBUF]
        bvs = scr[NBUF:2 * NBUF]
        flags_v = scr[2 * NBUF]
        acc_v = scr[2 * NBUF + 1]
        zrow_v = scr[2 * NBUF + 2]
        sg = scr[2 * NBUF + 3:2 * NBUF + 3 + NBUF]
        so = scr[2 * NBUF + 3 + NBUF:]

        cid = lax.axis_index("c")
        sid = lax.axis_index("s")
        wid = sid * 2 + cid
        base = wid * npw

        zi = jnp.zeros((L,), jnp.int32)
        oi = jnp.ones((L,), jnp.int32)
        zf = jnp.zeros((L,), jnp.float32)

        pltpu.sync_copy(ids_hbm.at[pl.ds(base, npw)], idx_v)
        acc_v[...] = zi
        for cc in range(D // L):
            zrow_v[0, pl.ds(cc * L, L)] = zf

        def gath_w(g, t):
            isl = idx_v.at[pl.ds(g * C, C)]
            return pltpu.make_async_copy(w_hbm.at[isl], rows[t], sg[t])

        def gath_b(g, t):
            isl = idx_v.at[pl.ds(g * C, C)]
            return pltpu.make_async_copy(b_hbm.at[isl], bvs[t], sg[t])

        def out_w_cp(g, t):
            return pltpu.make_async_copy(
                rows[t], out_w.at[pl.ds(base + g * C, C)], so[t])

        def out_b_cp(g, t):
            return pltpu.make_async_copy(
                bvs[t], out_b.at[pl.ds(base + g * C, C)], so[t])

        def issue(g, t):
            gath_w(g, t).start()
            gath_b(g, t).start()

        def wait_out(g, t):
            out_w_cp(g, t).wait()
            out_b_cp(g, t).wait()

        def process(g, t):
            gath_w(g, t).wait()
            gath_b(g, t).wait()
            off = g * C
            delta = zi
            for kk in range(C // L):
                idx16 = idx_v[pl.ds(off + kk * L, L)]
                zmask = idx16 == 0
                bv16 = bvs[t][pl.ds(kk * L, L)]
                bvs[t][pl.ds(kk * L, L)] = jnp.where(zmask, zf, bv16)
                delta = delta + jnp.where(zmask, oi, zi)
            flags_v[pl.ds(g * L, L)] = delta
            acc_v[...] = acc_v[...] + delta
            out_w_cp(g, t).start()
            out_b_cp(g, t).start()

        LEAD = 5
        TRAIL = NBUF - LEAD
        for g in range(NBUF):
            issue(g, g)
        for g in range(TRAIL):
            process(g, g)

        def body(j, carry):
            for c in range(NBUF):
                g = j * NBUF + TRAIL + c
                wait_out(g - TRAIL, c)
                issue(g + LEAD, c)
                process(g, (TRAIL + c) % NBUF)
            return carry

        lax.fori_loop(0, (nck - NBUF) // NBUF, body, 0)
        for g in range(nck - LEAD, nck):
            wait_out(g - TRAIL, (g - TRAIL) % NBUF)
            process(g, g % NBUF)
        for g in range(nck - TRAIL, nck):
            wait_out(g, g % NBUF)

        tot = acc_v[...]
        tw = tot[0]
        for l in range(1, L):
            tw = tw + tot[l]

        def zchunk(g, carry):
            delta = flags_v[pl.ds(g * L, L)]
            tz = delta[0]
            for l in range(1, L):
                tz = tz + delta[l]

            @pl.when(tz > 0)
            def _():
                for kk in range(C // L):
                    idx16 = idx_v[pl.ds(g * C + kk * L, L)]
                    for l in range(L):
                        sv = idx16[l]

                        @pl.when(sv == 0)
                        def _():
                            row = base + g * C + kk * L + l
                            pltpu.sync_copy(zrow_v,
                                            out_w.at[pl.ds(row, 1)])

            return carry

        @pl.when(tw > 0)
        def _():
            lax.fori_loop(0, nck, zchunk, 0)

    w_out, b_out = k(ids_flat, W, b_flat)
    return (w_out.reshape(id.shape[0], id.shape[1], D),
            b_out.reshape(id.shape[0], id.shape[1], 1))

# --- scband reference (transcript-rebuilt; emitter-appended) ---
"""Pipeline reference for scband-word2vec-skipgram-21225728377177 (READ-ONLY COPY).

The authoritative reference and input builder live on the scoring server;
editing this copy changes nothing except your own understanding.
"""

import jax, jax.numpy as jnp
import numpy as np

DICT_SIZE = 100000
EMBED_DIM = 128

def setup_inputs(seed: int = 0) -> dict:
    key = jax.random.key(seed)
    k1, k2, k3 = jax.random.split(key, 3)
    ids = jax.random.randint(k1, (4096, 64), 0, DICT_SIZE, dtype=jnp.int32)
    W = jax.random.normal(k2, (DICT_SIZE, EMBED_DIM), dtype=jnp.float32)
    b = jax.random.normal(k3, (DICT_SIZE, 1), dtype=jnp.float32)
    return {"id": ids, "W": W, "b": b}

def reference(id, W, b):
    # nn.Embedding(padding_idx=0): row 0 produces zeros
    W0 = W.at[0].set(0.0)
    b0 = b.at[0].set(0.0)
    w_out = jnp.take(W0, id, axis=0)   # [4096, 64, 128]
    b_out = jnp.take(b0, id, axis=0)   # [4096, 64, 1]
    return (w_out, b_out)

if __name__ == "__main__":
    import jax
    _d = setup_inputs()
    print(jax.jit(kernel)(*tuple(_d.values())))

</pallas_src>

<mosaic_0001>
#map = affine_map<(d0, d1) -> (0)>
#map1 = affine_map<(d0, d1) -> (0, 0)>
module attributes {stable_mosaic.version = 14 : i64} {
  func.func @k(%arg0: i32, %arg1: i32, %arg2: memref<262144xi32, #tpu.memory_space<hbm>>, %arg3: memref<100000x128xf32, #tpu.memory_space<hbm>>, %arg4: memref<100000xf32, #tpu.memory_space<hbm>>, %arg5: memref<262144x128xf32, #tpu.memory_space<hbm>>, %arg6: memref<262144xf32, #tpu.memory_space<hbm>>, %arg7: memref<8192xi32, #tpu.memory_space<vmem>>, %arg8: memref<64x128xf32, #tpu.memory_space<vmem>>, %arg9: memref<64x128xf32, #tpu.memory_space<vmem>>, %arg10: memref<64x128xf32, #tpu.memory_space<vmem>>, %arg11: memref<64x128xf32, #tpu.memory_space<vmem>>, %arg12: memref<64x128xf32, #tpu.memory_space<vmem>>, %arg13: memref<64x128xf32, #tpu.memory_space<vmem>>, %arg14: memref<64x128xf32, #tpu.memory_space<vmem>>, %arg15: memref<64x128xf32, #tpu.memory_space<vmem>>, %arg16: memref<64xf32, #tpu.memory_space<vmem>>, %arg17: memref<64xf32, #tpu.memory_space<vmem>>, %arg18: memref<64xf32, #tpu.memory_space<vmem>>, %arg19: memref<64xf32, #tpu.memory_space<vmem>>, %arg20: memref<64xf32, #tpu.memory_space<vmem>>, %arg21: memref<64xf32, #tpu.memory_space<vmem>>, %arg22: memref<64xf32, #tpu.memory_space<vmem>>, %arg23: memref<64xf32, #tpu.memory_space<vmem>>, %arg24: memref<2048xi32, #tpu.memory_space<vmem>>, %arg25: memref<16xi32, #tpu.memory_space<vmem>>, %arg26: memref<1x128xf32, #tpu.memory_space<vmem>>, %arg27: memref<!tpu.dma_semaphore, #tpu.memory_space<semaphore_mem>>, %arg28: memref<!tpu.dma_semaphore, #tpu.memory_space<semaphore_mem>>, %arg29: memref<!tpu.dma_semaphore, #tpu.memory_space<semaphore_mem>>, %arg30: memref<!tpu.dma_semaphore, #tpu.memory_space<semaphore_mem>>, %arg31: memref<!tpu.dma_semaphore, #tpu.memory_space<semaphore_mem>>, %arg32: memref<!tpu.dma_semaphore, #tpu.memory_space<semaphore_mem>>, %arg33: memref<!tpu.dma_semaphore, #tpu.memory_space<semaphore_mem>>, %arg34: memref<!tpu.dma_semaphore, #tpu.memory_space<semaphore_mem>>, %arg35: memref<!tpu.dma_semaphore, #tpu.memory_space<semaphore_mem>>, %arg36: memref<!tpu.dma_semaphore, #tpu.memory_space<semaphore_mem>>, %arg37: memref<!tpu.dma_semaphore, #tpu.memory_space<semaphore_mem>>, %arg38: memref<!tpu.dma_semaphore, #tpu.memory_space<semaphore_mem>>, %arg39: memref<!tpu.dma_semaphore, #tpu.memory_space<semaphore_mem>>, %arg40: memref<!tpu.dma_semaphore, #tpu.memory_space<semaphore_mem>>, %arg41: memref<!tpu.dma_semaphore, #tpu.memory_space<semaphore_mem>>, %arg42: memref<!tpu.dma_semaphore, #tpu.memory_space<semaphore_mem>>) attributes {dimension_semantics = [#tpu.dimension_semantics<core_parallel>, #tpu.dimension_semantics<subcore_parallel>], iteration_bounds = array<i64: 2, 16>, scalar_prefetch = 0 : i64, scratch_operands = 36 : i64, tpu.core_type = #tpu.core_type<sc_vector_subcore>, window_params = [{transform_indices = #map}, {transform_indices = #map1}, {transform_indices = #map}, {transform_indices = #map1}, {transform_indices = #map}]} {
    %mul3A = arith.constant 2 : i32
    %mul3A_0 = arith.muli %arg1, %mul3A : i32
    %add3A = arith.addi %mul3A_0, %arg0 : i32
    %mul3A_1 = arith.constant 8192 : i32
    %mul3A_2 = arith.muli %add3A, %mul3A_1 : i32
    %broadcast_in_dim3A = arith.constant 0 : i32
    %broadcast_in_dim3A_3 = vector.broadcast %broadcast_in_dim3A : i32 to vector<16xi32>
    %broadcast_in_dim3A_4 = arith.constant 1 : i32
    %broadcast_in_dim3A_5 = vector.broadcast %broadcast_in_dim3A_4 : i32 to vector<16xi32>
    %broadcast_in_dim3A_6 = arith.constant 0.000000e+00 : f32
    %broadcast_in_dim3A_7 = vector.broadcast %broadcast_in_dim3A_6 : f32 to vector<16xf32>
    "tpu.region"() ({
      %run_scoped3A = tpu.sem_alloc : memref<!tpu.dma_semaphore, #tpu.memory_space<semaphore_mem>>
      %dma_start3A_1021 = tpu.memref_slice %arg2[%mul3A_2] : memref<262144xi32, #tpu.memory_space<hbm>> -> memref<8192xi32, #tpu.memory_space<hbm>>
      %dma_start3A_1022 = tpu.memref_slice %arg2[%mul3A_2] : memref<262144xi32, #tpu.memory_space<hbm>> -> memref<8192xi32, #tpu.memory_space<hbm>>
      tpu.enqueue_dma source(%dma_start3A_1022 : memref<8192xi32, #tpu.memory_space<hbm>>) target(%arg7 : memref<8192xi32, #tpu.memory_space<vmem>>) target_semaphore(%run_scoped3A : memref<!tpu.dma_semaphore, #tpu.memory_space<semaphore_mem>>)
      %dma_wait3A_1023 = tpu.memref_slice %arg2[%mul3A_2] : memref<262144xi32, #tpu.memory_space<hbm>> -> memref<8192xi32, #tpu.memory_space<hbm>>
      %dma_wait3A_1024 = tpu.memref_slice %arg2[%mul3A_2] : memref<262144xi32, #tpu.memory_space<hbm>> -> memref<8192xi32, #tpu.memory_space<hbm>>
      tpu.wait_dma2 semaphore(%run_scoped3A : memref<!tpu.dma_semaphore, #tpu.memory_space<semaphore_mem>>) src(%dma_wait3A_1024 : memref<8192xi32, #tpu.memory_space<hbm>>) dst(%arg7 : memref<8192xi32, #tpu.memory_space<vmem>>)
      tpu.yield
    }) : () -> ()
    %swap3A = arith.constant 0 : index
    %swap3A_8 = tpu.vector_load %arg25[%swap3A] {strides = array<i32>} : memref<16xi32, #tpu.memory_space<vmem>>, vector<16xi32>,
    %swap3A_9 = vector.shape_cast %swap3A_8 : vector<16xi32> to vector<16xi32>
    %swap3A_10 = vector.shape_cast %broadcast_in_dim3A_3 : vector<16xi32> to vector<16xi32>
    tpu.vector_store %arg25[%swap3A], %swap3A_10 {strides = array<i32>} : memref<16xi32, #tpu.memory_space<vmem>>, vector<16xi32>,
    %swap3A_11 = arith.constant 0 : i32
    %swap3A_12 = arith.index_cast %swap3A_11 : i32 to index
    %swap3A_13 = arith.constant 0 : index
    %swap3A_14 = tpu.vector_load %arg26[%swap3A_12, %swap3A_13] {strides = array<i32>} : memref<1x128xf32, #tpu.memory_space<vmem>>, vector<1x16xf32>,
    %swap3A_15 = vector.shape_cast %swap3A_14 : vector<1x16xf32> to vector<16xf32>
    %swap3A_16 = vector.shape_cast %broadcast_in_dim3A_7 : vector<16xf32> to vector<1x16xf32>
    tpu.vector_store %arg26[%swap3A_12, %swap3A_13], %swap3A_16 {strides = array<i32>} : memref<1x128xf32, #tpu.memory_space<vmem>>, vector<1x16xf32>,
    %swap3A_17 = arith.constant 0 : i32
    %swap3A_18 = arith.index_cast %swap3A_17 : i32 to index
    %swap3A_19 = arith.constant 16 : index
    %swap3A_20 = tpu.vector_load %arg26[%swap3A_18, %swap3A_19] {strides = array<i32>} : memref<1x128xf32, #tpu.memory_space<vmem>>, vector<1x16xf32>,
    %swap3A_21 = vector.shape_cast %swap3A_20 : vector<1x16xf32> to vector<16xf32>
    %swap3A_22 = vector.shape_cast %broadcast_in_dim3A_7 : vector<16xf32> to vector<1x16xf32>
    tpu.vector_store %arg26[%swap3A_18, %swap3A_19], %swap3A_22 {strides = array<i32>} : memref<1x128xf32, #tpu.memory_space<vmem>>, vector<1x16xf32>,
    %swap3A_23 = arith.constant 0 : i32
    %swap3A_24 = arith.index_cast %swap3A_23 : i32 to index
    %swap3A_25 = arith.constant 32 : index
    %swap3A_26 = tpu.vector_load %arg26[%swap3A_24, %swap3A_25] {strides = array<i32>} : memref<1x128xf32, #tpu.memory_space<vmem>>, vector<1x16xf32>,
    %swap3A_27 = vector.shape_cast %swap3A_26 : vector<1x16xf32> to vector<16xf32>
    %swap3A_28 = vector.shape_cast %broadcast_in_dim3A_7 : vector<16xf32> to vector<1x16xf32>
    tpu.vector_store %arg26[%swap3A_24, %swap3A_25], %swap3A_28 {strides = array<i32>} : memref<1x128xf32, #tpu.memory_space<vmem>>, vector<1x16xf32>,
    %swap3A_29 = arith.constant 0 : i32
    %swap3A_30 = arith.index_cast %swap3A_29 : i32 to index
    %swap3A_31 = arith.constant 48 : index
    %swap3A_32 = tpu.vector_load %arg26[%swap3A_30, %swap3A_31] {strides = array<i32>} : memref<1x128xf32, #tpu.memory_space<vmem>>, vector<1x16xf32>,
    %swap3A_33 = vector.shape_cast %swap3A_32 : vector<1x16xf32> to vector<16xf32>
    %swap3A_34 = vector.shape_cast %broadcast_in_dim3A_7 : vector<16xf32> to vector<1x16xf32>
    tpu.vector_store %arg26[%swap3A_30, %swap3A_31], %swap3A_34 {strides = array<i32>} : memref<1x128xf32, #tpu.memory_space<vmem>>, vector<1x16xf32>,
    %swap3A_35 = arith.constant 0 : i32
    %swap3A_36 = arith.index_cast %swap3A_35 : i32 to index
    %swap3A_37 = arith.constant 64 : index
    %swap3A_38 = tpu.vector_load %arg26[%swap3A_36, %swap3A_37] {strides = array<i32>} : memref<1x128xf32, #tpu.memory_space<vmem>>, vector<1x16xf32>,
    %swap3A_39 = vector.shape_cast %swap3A_38 : vector<1x16xf32> to vector<16xf32>
    %swap3A_40 = vector.shape_cast %broadcast_in_dim3A_7 : vector<16xf32> to vector<1x16xf32>
    tpu.vector_store %arg26[%swap3A_36, %swap3A_37], %swap3A_40 {strides = array<i32>} : memref<1x128xf32, #tpu.memory_space<vmem>>, vector<1x16xf32>,
    %swap3A_41 = arith.constant 0 : i32
    %swap3A_42 = arith.index_cast %swap3A_41 : i32 to index
    %swap3A_43 = arith.constant 80 : index
    %swap3A_44 = tpu.vector_load %arg26[%swap3A_42, %swap3A_43] {strides = array<i32>} : memref<1x128xf32, #tpu.memory_space<vmem>>, vector<1x16xf32>,
    %swap3A_45 = vector.shape_cast %swap3A_44 : vector<1x16xf32> to vector<16xf32>
    %swap3A_46 = vector.shape_cast %broadcast_in_dim3A_7 : vector<16xf32> to vector<1x16xf32>
    tpu.vector_store %arg26[%swap3A_42, %swap3A_43], %swap3A_46 {strides = array<i32>} : memref<1x128xf32, #tpu.memory_space<vmem>>, vector<1x16xf32>,
    %swap3A_47 = arith.constant 0 : i32
    %swap3A_48 = arith.index_cast %swap3A_47 : i32 to index
    %swap3A_49 = arith.constant 96 : index
    %swap3A_50 = tpu.vector_load %arg26[%swap3A_48, %swap3A_49] {strides = array<i32>} : memref<1x128xf32, #tpu.memory_space<vmem>>, vector<1x16xf32>,
    %swap3A_51 = vector.shape_cast %swap3A_50 : vector<1x16xf32> to vector<16xf32>
    %swap3A_52 = vector.shape_cast %broadcast_in_dim3A_7 : vector<16xf32> to vector<1x16xf32>
    tpu.vector_store %arg26[%swap3A_48, %swap3A_49], %swap3A_52 {strides = array<i32>} : memref<1x128xf32, #tpu.memory_space<vmem>>, vector<1x16xf32>,
    %swap3A_53 = arith.constant 0 : i32
    %swap3A_54 = arith.index_cast %swap3A_53 : i32 to index
    %swap3A_55 = arith.constant 112 : index
    %swap3A_56 = tpu.vector_load %arg26[%swap3A_54, %swap3A_55] {strides = array<i32>} : memref<1x128xf32, #tpu.memory_space<vmem>>, vector<1x16xf32>,
    %swap3A_57 = vector.shape_cast %swap3A_56 : vector<1x16xf32> to vector<16xf32>
    %swap3A_58 = vector.shape_cast %broadcast_in_dim3A_7 : vector<16xf32> to vector<1x16xf32>
    tpu.vector_store %arg26[%swap3A_54, %swap3A_55], %swap3A_58 {strides = array<i32>} : memref<1x128xf32, #tpu.memory_space<vmem>>, vector<1x16xf32>,
    %dma_start3A = arith.constant 0 : i32
    %dma_start3A_59 = tpu.memref_slice %arg7[%dma_start3A] : memref<8192xi32, #tpu.memory_space<vmem>> -> memref<64xi32, #tpu.memory_space<vmem>>
    %dma_start3A_60 = arith.constant 0 : i32
    %dma_start3A_61 = arith.constant 0 : i32
    %dma_start3A_62 = tpu.memref_slice %arg3[%dma_start3A_60, %dma_start3A_61] : memref<100000x128xf32, #tpu.memory_space<hbm>> -> memref<100000x128xf32, #tpu.memory_space<hbm>>
    tpu.enqueue_indirect_dma source(%dma_start3A_62 : memref<100000x128xf32, #tpu.memory_space<hbm>>) target(%arg8 : memref<64x128xf32, #tpu.memory_space<vmem>>) offsets(%dma_start3A_59 : memref<64xi32, #tpu.memory_space<vmem>>) semaphore(%arg27 : memref<!tpu.dma_semaphore, #tpu.memory_space<semaphore_mem>>)
    %dma_start3A_63 = arith.constant 0 : i32
    %dma_start3A_64 = tpu.memref_slice %arg7[%dma_start3A_63] : memref<8192xi32, #tpu.memory_space<vmem>> -> memref<64xi32, #tpu.memory_space<vmem>>
    %dma_start3A_65 = arith.constant 0 : i32
    %dma_start3A_66 = tpu.memref_slice %arg4[%dma_start3A_65] : memref<100000xf32, #tpu.memory_space<hbm>> -> memref<100000xf32, #tpu.memory_space<hbm>>
    tpu.enqueue_indirect_dma source(%dma_start3A_66 : memref<100000xf32, #tpu.memory_space<hbm>>) target(%arg16 : memref<64xf32, #tpu.memory_space<vmem>>) offsets(%dma_start3A_64 : memref<64xi32, #tpu.memory_space<vmem>>) semaphore(%arg27 : memref<!tpu.dma_semaphore, #tpu.memory_space<semaphore_mem>>)
    %dma_start3A_67 = arith.constant 64 : i32
    %dma_start3A_68 = tpu.memref_slice %arg7[%dma_start3A_67] : memref<8192xi32, #tpu.memory_space<vmem>> -> memref<64xi32, #tpu.memory_space<vmem>>
    %dma_start3A_69 = arith.constant 0 : i32
    %dma_start3A_70 = arith.constant 0 : i32
    %dma_start3A_71 = tpu.memref_slice %arg3[%dma_start3A_69, %dma_start3A_70] : memref<100000x128xf32, #tpu.memory_space<hbm>> -> memref<100000x128xf32, #tpu.memory_space<hbm>>
    tpu.enqueue_indirect_dma source(%dma_start3A_71 : memref<100000x128xf32, #tpu.memory_space<hbm>>) target(%arg9 : memref<64x128xf32, #tpu.memory_space<vmem>>) offsets(%dma_start3A_68 : memref<64xi32, #tpu.memory_space<vmem>>) semaphore(%arg28 : memref<!tpu.dma_semaphore, #tpu.memory_space<semaphore_mem>>)
    %dma_start3A_72 = arith.constant 64 : i32
    %dma_start3A_73 = tpu.memref_slice %arg7[%dma_start3A_72] : memref<8192xi32, #tpu.memory_space<vmem>> -> memref<64xi32, #tpu.memory_space<vmem>>
    %dma_start3A_74 = arith.constant 0 : i32
    %dma_start3A_75 = tpu.memref_slice %arg4[%dma_start3A_74] : memref<100000xf32, #tpu.memory_space<hbm>> -> memref<100000xf32, #tpu.memory_space<hbm>>
    tpu.enqueue_indirect_dma source(%dma_start3A_75 : memref<100000xf32, #tpu.memory_space<hbm>>) target(%arg17 : memref<64xf32, #tpu.memory_space<vmem>>) offsets(%dma_start3A_73 : memref<64xi32, #tpu.memory_space<vmem>>) semaphore(%arg28 : memref<!tpu.dma_semaphore, #tpu.memory_space<semaphore_mem>>)
    %dma_start3A_76 = arith.constant 128 : i32
    %dma_start3A_77 = tpu.memref_slice %arg7[%dma_start3A_76] : memref<8192xi32, #tpu.memory_space<vmem>> -> memref<64xi32, #tpu.memory_space<vmem>>
    %dma_start3A_78 = arith.constant 0 : i32
    %dma_start3A_79 = arith.constant 0 : i32
    %dma_start3A_80 = tpu.memref_slice %arg3[%dma_start3A_78, %dma_start3A_79] : memref<100000x128xf32, #tpu.memory_space<hbm>> -> memref<100000x128xf32, #tpu.memory_space<hbm>>
    tpu.enqueue_indirect_dma source(%dma_start3A_80 : memref<100000x128xf32, #tpu.memory_space<hbm>>) target(%arg10 : memref<64x128xf32, #tpu.memory_space<vmem>>) offsets(%dma_start3A_77 : memref<64xi32, #tpu.memory_space<vmem>>) semaphore(%arg29 : memref<!tpu.dma_semaphore, #tpu.memory_space<semaphore_mem>>)
    %dma_start3A_81 = arith.constant 128 : i32
    %dma_start3A_82 = tpu.memref_slice %arg7[%dma_start3A_81] : memref<8192xi32, #tpu.memory_space<vmem>> -> memref<64xi32, #tpu.memory_space<vmem>>
    %dma_start3A_83 = arith.constant 0 : i32
    %dma_start3A_84 = tpu.memref_slice %arg4[%dma_start3A_83] : memref<100000xf32, #tpu.memory_space<hbm>> -> memref<100000xf32, #tpu.memory_space<hbm>>
    tpu.enqueue_indirect_dma source(%dma_start3A_84 : memref<100000xf32, #tpu.memory_space<hbm>>) target(%arg18 : memref<64xf32, #tpu.memory_space<vmem>>) offsets(%dma_start3A_82 : memref<64xi32, #tpu.memory_space<vmem>>) semaphore(%arg29 : memref<!tpu.dma_semaphore, #tpu.memory_space<semaphore_mem>>)
    %dma_start3A_85 = arith.constant 192 : i32
    %dma_start3A_86 = tpu.memref_slice %arg7[%dma_start3A_85] : memref<8192xi32, #tpu.memory_space<vmem>> -> memref<64xi32, #tpu.memory_space<vmem>>
    %dma_start3A_87 = arith.constant 0 : i32
    %dma_start3A_88 = arith.constant 0 : i32
    %dma_start3A_89 = tpu.memref_slice %arg3[%dma_start3A_87, %dma_start3A_88] : memref<100000x128xf32, #tpu.memory_space<hbm>> -> memref<100000x128xf32, #tpu.memory_space<hbm>>
    tpu.enqueue_indirect_dma source(%dma_start3A_89 : memref<100000x128xf32, #tpu.memory_space<hbm>>) target(%arg11 : memref<64x128xf32, #tpu.memory_space<vmem>>) offsets(%dma_start3A_86 : memref<64xi32, #tpu.memory_space<vmem>>) semaphore(%arg30 : memref<!tpu.dma_semaphore, #tpu.memory_space<semaphore_mem>>)
    %dma_start3A_90 = arith.constant 192 : i32
    %dma_start3A_91 = tpu.memref_slice %arg7[%dma_start3A_90] : memref<8192xi32, #tpu.memory_space<vmem>> -> memref<64xi32, #tpu.memory_space<vmem>>
    %dma_start3A_92 = arith.constant 0 : i32
    %dma_start3A_93 = tpu.memref_slice %arg4[%dma_start3A_92] : memref<100000xf32, #tpu.memory_space<hbm>> -> memref<100000xf32, #tpu.memory_space<hbm>>
    tpu.enqueue_indirect_dma source(%dma_start3A_93 : memref<100000xf32, #tpu.memory_space<hbm>>) target(%arg19 : memref<64xf32, #tpu.memory_space<vmem>>) offsets(%dma_start3A_91 : memref<64xi32, #tpu.memory_space<vmem>>) semaphore(%arg30 : memref<!tpu.dma_semaphore, #tpu.memory_space<semaphore_mem>>)
    %dma_start3A_94 = arith.constant 256 : i32
    %dma_start3A_95 = tpu.memref_slice %arg7[%dma_start3A_94] : memref<8192xi32, #tpu.memory_space<vmem>> -> memref<64xi32, #tpu.memory_space<vmem>>
    %dma_start3A_96 = arith.constant 0 : i32
    %dma_start3A_97 = arith.constant 0 : i32
    %dma_start3A_98 = tpu.memref_slice %arg3[%dma_start3A_96, %dma_start3A_97] : memref<100000x128xf32, #tpu.memory_space<hbm>> -> memref<100000x128xf32, #tpu.memory_space<hbm>>
    tpu.enqueue_indirect_dma source(%dma_start3A_98 : memref<100000x128xf32, #tpu.memory_space<hbm>>) target(%arg12 : memref<64x128xf32, #tpu.memory_space<vmem>>) offsets(%dma_start3A_95 : memref<64xi32, #tpu.memory_space<vmem>>) semaphore(%arg31 : memref<!tpu.dma_semaphore, #tpu.memory_space<semaphore_mem>>)
    %dma_start3A_99 = arith.constant 256 : i32
    %dma_start3A_100 = tpu.memref_slice %arg7[%dma_start3A_99] : memref<8192xi32, #tpu.memory_space<vmem>> -> memref<64xi32, #tpu.memory_space<vmem>>
    %dma_start3A_101 = arith.constant 0 : i32
    %dma_start3A_102 = tpu.memref_slice %arg4[%dma_start3A_101] : memref<100000xf32, #tpu.memory_space<hbm>> -> memref<100000xf32, #tpu.memory_space<hbm>>
    tpu.enqueue_indirect_dma source(%dma_start3A_102 : memref<100000xf32, #tpu.memory_space<hbm>>) target(%arg20 : memref<64xf32, #tpu.memory_space<vmem>>) offsets(%dma_start3A_100 : memref<64xi32, #tpu.memory_space<vmem>>) semaphore(%arg31 : memref<!tpu.dma_semaphore, #tpu.memory_space<semaphore_mem>>)
    %dma_start3A_103 = arith.constant 320 : i32
    %dma_start3A_104 = tpu.memref_slice %arg7[%dma_start3A_103] : memref<8192xi32, #tpu.memory_space<vmem>> -> memref<64xi32, #tpu.memory_space<vmem>>
    %dma_start3A_105 = arith.constant 0 : i32
    %dma_start3A_106 = arith.constant 0 : i32
    %dma_start3A_107 = tpu.memref_slice %arg3[%dma_start3A_105, %dma_start3A_106] : memref<100000x128xf32, #tpu.memory_space<hbm>> -> memref<100000x128xf32, #tpu.memory_space<hbm>>
    tpu.enqueue_indirect_dma source(%dma_start3A_107 : memref<100000x128xf32, #tpu.memory_space<hbm>>) target(%arg13 : memref<64x128xf32, #tpu.memory_space<vmem>>) offsets(%dma_start3A_104 : memref<64xi32, #tpu.memory_space<vmem>>) semaphore(%arg32 : memref<!tpu.dma_semaphore, #tpu.memory_space<semaphore_mem>>)
    %dma_start3A_108 = arith.constant 320 : i32
    %dma_start3A_109 = tpu.memref_slice %arg7[%dma_start3A_108] : memref<8192xi32, #tpu.memory_space<vmem>> -> memref<64xi32, #tpu.memory_space<vmem>>
    %dma_start3A_110 = arith.constant 0 : i32
    %dma_start3A_111 = tpu.memref_slice %arg4[%dma_start3A_110] : memref<100000xf32, #tpu.memory_space<hbm>> -> memref<100000xf32, #tpu.memory_space<hbm>>
    tpu.enqueue_indirect_dma source(%dma_start3A_111 : memref<100000xf32, #tpu.memory_space<hbm>>) target(%arg21 : memref<64xf32, #tpu.memory_space<vmem>>) offsets(%dma_start3A_109 : memref<64xi32, #tpu.memory_space<vmem>>) semaphore(%arg32 : memref<!tpu.dma_semaphore, #tpu.memory_space<semaphore_mem>>)
    %dma_start3A_112 = arith.constant 384 : i32
    %dma_start3A_113 = tpu.memref_slice %arg7[%dma_start3A_112] : memref<8192xi32, #tpu.memory_space<vmem>> -> memref<64xi32, #tpu.memory_space<vmem>>
    %dma_start3A_114 = arith.constant 0 : i32
    %dma_start3A_115 = arith.constant 0 : i32
    %dma_start3A_116 = tpu.memref_slice %arg3[%dma_start3A_114, %dma_start3A_115] : memref<100000x128xf32, #tpu.memory_space<hbm>> -> memref<100000x128xf32, #tpu.memory_space<hbm>>
    tpu.enqueue_indirect_dma source(%dma_start3A_116 : memref<100000x128xf32, #tpu.memory_space<hbm>>) target(%arg14 : memref<64x128xf32, #tpu.memory_space<vmem>>) offsets(%dma_start3A_113 : memref<64xi32, #tpu.memory_space<vmem>>) semaphore(%arg33 : memref<!tpu.dma_semaphore, #tpu.memory_space<semaphore_mem>>)
    %dma_start3A_117 = arith.constant 384 : i32
    %dma_start3A_118 = tpu.memref_slice %arg7[%dma_start3A_117] : memref<8192xi32, #tpu.memory_space<vmem>> -> memref<64xi32, #tpu.memory_space<vmem>>
    %dma_start3A_119 = arith.constant 0 : i32
    %dma_start3A_120 = tpu.memref_slice %arg4[%dma_start3A_119] : memref<100000xf32, #tpu.memory_space<hbm>> -> memref<100000xf32, #tpu.memory_space<hbm>>
    tpu.enqueue_indirect_dma source(%dma_start3A_120 : memref<100000xf32, #tpu.memory_space<hbm>>) target(%arg22 : memref<64xf32, #tpu.memory_space<vmem>>) offsets(%dma_start3A_118 : memref<64xi32, #tpu.memory_space<vmem>>) semaphore(%arg33 : memref<!tpu.dma_semaphore, #tpu.memory_space<semaphore_mem>>)
    %dma_start3A_121 = arith.constant 448 : i32
    %dma_start3A_122 = tpu.memref_slice %arg7[%dma_start3A_121] : memref<8192xi32, #tpu.memory_space<vmem>> -> memref<64xi32, #tpu.memory_space<vmem>>
    %dma_start3A_123 = arith.constant 0 : i32
    %dma_start3A_124 = arith.constant 0 : i32
    %dma_start3A_125 = tpu.memref_slice %arg3[%dma_start3A_123, %dma_start3A_124] : memref<100000x128xf32, #tpu.memory_space<hbm>> -> memref<100000x128xf32, #tpu.memory_space<hbm>>
    tpu.enqueue_indirect_dma source(%dma_start3A_125 : memref<100000x128xf32, #tpu.memory_space<hbm>>) target(%arg15 : memref<64x128xf32, #tpu.memory_space<vmem>>) offsets(%dma_start3A_122 : memref<64xi32, #tpu.memory_space<vmem>>) semaphore(%arg34 : memref<!tpu.dma_semaphore, #tpu.memory_space<semaphore_mem>>)
    %dma_start3A_126 = arith.constant 448 : i32
    %dma_start3A_127 = tpu.memref_slice %arg7[%dma_start3A_126] : memref<8192xi32, #tpu.memory_space<vmem>> -> memref<64xi32, #tpu.memory_space<vmem>>
    %dma_start3A_128 = arith.constant 0 : i32
    %dma_start3A_129 = tpu.memref_slice %arg4[%dma_start3A_128] : memref<100000xf32, #tpu.memory_space<hbm>> -> memref<100000xf32, #tpu.memory_space<hbm>>
    tpu.enqueue_indirect_dma source(%dma_start3A_129 : memref<100000xf32, #tpu.memory_space<hbm>>) target(%arg23 : memref<64xf32, #tpu.memory_space<vmem>>) offsets(%dma_start3A_127 : memref<64xi32, #tpu.memory_space<vmem>>) semaphore(%arg34 : memref<!tpu.dma_semaphore, #tpu.memory_space<semaphore_mem>>)
    %dma_wait3A = arith.constant 0 : i32
    %dma_wait3A_130 = tpu.memref_slice %arg7[%dma_wait3A] : memref<8192xi32, #tpu.memory_space<vmem>> -> memref<64xi32, #tpu.memory_space<vmem>>
    %dma_wait3A_131 = arith.constant 0 : i32
    %dma_wait3A_132 = arith.constant 0 : i32
    %dma_wait3A_133 = tpu.memref_slice %arg3[%dma_wait3A_131, %dma_wait3A_132] : memref<100000x128xf32, #tpu.memory_space<hbm>> -> memref<100000x128xf32, #tpu.memory_space<hbm>>
    tpu.wait_indirect_dma semaphore(%arg27 : memref<!tpu.dma_semaphore, #tpu.memory_space<semaphore_mem>>) src(%dma_wait3A_133 : memref<100000x128xf32, #tpu.memory_space<hbm>>) dst(%arg8 : memref<64x128xf32, #tpu.memory_space<vmem>>)
    %dma_wait3A_134 = arith.constant 0 : i32
    %dma_wait3A_135 = tpu.memref_slice %arg7[%dma_wait3A_134] : memref<8192xi32, #tpu.memory_space<vmem>> -> memref<64xi32, #tpu.memory_space<vmem>>
    %dma_wait3A_136 = arith.constant 0 : i32
    %dma_wait3A_137 = tpu.memref_slice %arg4[%dma_wait3A_136] : memref<100000xf32, #tpu.memory_space<hbm>> -> memref<100000xf32, #tpu.memory_space<hbm>>
    tpu.wait_indirect_dma semaphore(%arg27 : memref<!tpu.dma_semaphore, #tpu.memory_space<semaphore_mem>>) src(%dma_wait3A_137 : memref<100000xf32, #tpu.memory_space<hbm>>) dst(%arg16 : memref<64xf32, #tpu.memory_space<vmem>>)
    %get3A = arith.constant 0 : index
    %get3A_138 = tpu.vector_load %arg7[%get3A] {strides = array<i32>} : memref<8192xi32, #tpu.memory_space<vmem>>, vector<16xi32>,
    %get3A_139 = vector.shape_cast %get3A_138 : vector<16xi32> to vector<16xi32>
    %eq3A = arith.constant 0 : i32
    %eq3A_140 = vector.broadcast %eq3A : i32 to vector<16xi32>
    %eq3A_141 = arith.cmpi eq, %get3A_139, %eq3A_140 : vector<16xi32>
    %get3A_142 = arith.constant 0 : index
    %get3A_143 = tpu.vector_load %arg16[%get3A_142] {strides = array<i32>} : memref<64xf32, #tpu.memory_space<vmem>>, vector<16xf32>,
    %get3A_144 = vector.shape_cast %get3A_143 : vector<16xf32> to vector<16xf32>
    %select_n3A = arith.select %eq3A_141, %broadcast_in_dim3A_7, %get3A_144 : vector<16xi1>, vector<16xf32>
    %swap3A_145 = arith.constant 0 : index
    %swap3A_146 = tpu.vector_load %arg16[%swap3A_145] {strides = array<i32>} : memref<64xf32, #tpu.memory_space<vmem>>, vector<16xf32>,
    %swap3A_147 = vector.shape_cast %swap3A_146 : vector<16xf32> to vector<16xf32>
    %swap3A_148 = vector.shape_cast %select_n3A : vector<16xf32> to vector<16xf32>
    tpu.vector_store %arg16[%swap3A_145], %swap3A_148 {strides = array<i32>} : memref<64xf32, #tpu.memory_space<vmem>>, vector<16xf32>,
    %select_n3A_149 = arith.select %eq3A_141, %broadcast_in_dim3A_5, %broadcast_in_dim3A_3 : vector<16xi1>, vector<16xi32>
    %add3A_150 = arith.addi %broadcast_in_dim3A_3, %select_n3A_149 : vector<16xi32>
    %get3A_151 = arith.constant 16 : index
    %get3A_152 = tpu.vector_load %arg7[%get3A_151] {strides = array<i32>} : memref<8192xi32, #tpu.memory_space<vmem>>, vector<16xi32>,
    %get3A_153 = vector.shape_cast %get3A_152 : vector<16xi32> to vector<16xi32>
    %eq3A_154 = arith.constant 0 : i32
    %eq3A_155 = vector.broadcast %eq3A_154 : i32 to vector<16xi32>
    %eq3A_156 = arith.cmpi eq, %get3A_153, %eq3A_155 : vector<16xi32>
    %get3A_157 = arith.constant 16 : index
    %get3A_158 = tpu.vector_load %arg16[%get3A_157] {strides = array<i32>} : memref<64xf32, #tpu.memory_space<vmem>>, vector<16xf32>,
    %get3A_159 = vector.shape_cast %get3A_158 : vector<16xf32> to vector<16xf32>
    %select_n3A_160 = arith.select %eq3A_156, %broadcast_in_dim3A_7, %get3A_159 : vector<16xi1>, vector<16xf32>
    %swap3A_161 = arith.constant 16 : index
    %swap3A_162 = tpu.vector_load %arg16[%swap3A_161] {strides = array<i32>} : memref<64xf32, #tpu.memory_space<vmem>>, vector<16xf32>,
    %swap3A_163 = vector.shape_cast %swap3A_162 : vector<16xf32> to vector<16xf32>
    %swap3A_164 = vector.shape_cast %select_n3A_160 : vector<16xf32> to vector<16xf32>
    tpu.vector_store %arg16[%swap3A_161], %swap3A_164 {strides = array<i32>} : memref<64xf32, #tpu.memory_space<vmem>>, vector<16xf32>,
    %select_n3A_165 = arith.select %eq3A_156, %broadcast_in_dim3A_5, %broadcast_in_dim3A_3 : vector<16xi1>, vector<16xi32>
    %add3A_166 = arith.addi %add3A_150, %select_n3A_165 : vector<16xi32>
    %get3A_167 = arith.constant 32 : index
    %get3A_168 = tpu.vector_load %arg7[%get3A_167] {strides = array<i32>} : memref<8192xi32, #tpu.memory_space<vmem>>, vector<16xi32>,
    %get3A_169 = vector.shape_cast %get3A_168 : vector<16xi32> to vector<16xi32>
    %eq3A_170 = arith.constant 0 : i32
    %eq3A_171 = vector.broadcast %eq3A_170 : i32 to vector<16xi32>
    %eq3A_172 = arith.cmpi eq, %get3A_169, %eq3A_171 : vector<16xi32>
    %get3A_173 = arith.constant 32 : index
    %get3A_174 = tpu.vector_load %arg16[%get3A_173] {strides = array<i32>} : memref<64xf32, #tpu.memory_space<vmem>>, vector<16xf32>,
    %get3A_175 = vector.shape_cast %get3A_174 : vector<16xf32> to vector<16xf32>
    %select_n3A_176 = arith.select %eq3A_172, %broadcast_in_dim3A_7, %get3A_175 : vector<16xi1>, vector<16xf32>
    %swap3A_177 = arith.constant 32 : index
    %swap3A_178 = tpu.vector_load %arg16[%swap3A_177] {strides = array<i32>} : memref<64xf32, #tpu.memory_space<vmem>>, vector<16xf32>,
    %swap3A_179 = vector.shape_cast %swap3A_178 : vector<16xf32> to vector<16xf32>
    %swap3A_180 = vector.shape_cast %select_n3A_176 : vector<16xf32> to vector<16xf32>
    tpu.vector_store %arg16[%swap3A_177], %swap3A_180 {strides = array<i32>} : memref<64xf32, #tpu.memory_space<vmem>>, vector<16xf32>,
    %select_n3A_181 = arith.select %eq3A_172, %broadcast_in_dim3A_5, %broadcast_in_dim3A_3 : vector<16xi1>, vector<16xi32>
    %add3A_182 = arith.addi %add3A_166, %select_n3A_181 : vector<16xi32>
    %get3A_183 = arith.constant 48 : index
    %get3A_184 = tpu.vector_load %arg7[%get3A_183] {strides = array<i32>} : memref<8192xi32, #tpu.memory_space<vmem>>, vector<16xi32>,
    %get3A_185 = vector.shape_cast %get3A_184 : vector<16xi32> to vector<16xi32>
    %eq3A_186 = arith.constant 0 : i32
    %eq3A_187 = vector.broadcast %eq3A_186 : i32 to vector<16xi32>
    %eq3A_188 = arith.cmpi eq, %get3A_185, %eq3A_187 : vector<16xi32>
    %get3A_189 = arith.constant 48 : index
    %get3A_190 = tpu.vector_load %arg16[%get3A_189] {strides = array<i32>} : memref<64xf32, #tpu.memory_space<vmem>>, vector<16xf32>,
    %get3A_191 = vector.shape_cast %get3A_190 : vector<16xf32> to vector<16xf32>
    %select_n3A_192 = arith.select %eq3A_188, %broadcast_in_dim3A_7, %get3A_191 : vector<16xi1>, vector<16xf32>
    %swap3A_193 = arith.constant 48 : index
    %swap3A_194 = tpu.vector_load %arg16[%swap3A_193] {strides = array<i32>} : memref<64xf32, #tpu.memory_space<vmem>>, vector<16xf32>,
    %swap3A_195 = vector.shape_cast %swap3A_194 : vector<16xf32> to vector<16xf32>
    %swap3A_196 = vector.shape_cast %select_n3A_192 : vector<16xf32> to vector<16xf32>
    tpu.vector_store %arg16[%swap3A_193], %swap3A_196 {strides = array<i32>} : memref<64xf32, #tpu.memory_space<vmem>>, vector<16xf32>,
    %select_n3A_197 = arith.select %eq3A_188, %broadcast_in_dim3A_5, %broadcast_in_dim3A_3 : vector<16xi1>, vector<16xi32>
    %add3A_198 = arith.addi %add3A_182, %select_n3A_197 : vector<16xi32>
    %swap3A_199 = arith.constant 0 : index
    %swap3A_200 = tpu.vector_load %arg24[%swap3A_199] {strides = array<i32>} : memref<2048xi32, #tpu.memory_space<vmem>>, vector<16xi32>,
    %swap3A_201 = vector.shape_cast %swap3A_200 : vector<16xi32> to vector<16xi32>
    %swap3A_202 = vector.shape_cast %add3A_198 : vector<16xi32> to vector<16xi32>
    tpu.vector_store %arg24[%swap3A_199], %swap3A_202 {strides = array<i32>} : memref<2048xi32, #tpu.memory_space<vmem>>, vector<16xi32>,
    %get3A_203 = arith.constant 0 : index
    %get3A_204 = tpu.vector_load %arg25[%get3A_203] {strides = array<i32>} : memref<16xi32, #tpu.memory_space<vmem>>, vector<16xi32>,
    %get3A_205 = vector.shape_cast %get3A_204 : vector<16xi32> to vector<16xi32>
    %add3A_206 = arith.addi %get3A_205, %add3A_198 : vector<16xi32>
    %swap3A_207 = arith.constant 0 : index
    %swap3A_208 = tpu.vector_load %arg25[%swap3A_207] {strides = array<i32>} : memref<16xi32, #tpu.memory_space<vmem>>, vector<16xi32>,
    %swap3A_209 = vector.shape_cast %swap3A_208 : vector<16xi32> to vector<16xi32>
    %swap3A_210 = vector.shape_cast %add3A_206 : vector<16xi32> to vector<16xi32>
    tpu.vector_store %arg25[%swap3A_207], %swap3A_210 {strides = array<i32>} : memref<16xi32, #tpu.memory_space<vmem>>, vector<16xi32>,
    %add3A_211 = arith.constant 0 : i32
    %add3A_212 = arith.addi %mul3A_2, %add3A_211 : i32
    %dma_start3A_213 = arith.constant 0 : i32
    %dma_start3A_214 = tpu.memref_slice %arg5[%add3A_212, %dma_start3A_213] : memref<262144x128xf32, #tpu.memory_space<hbm>> -> memref<64x128xf32, #tpu.memory_space<hbm>>
    %dma_start3A_215 = arith.constant 0 : i32
    %dma_start3A_216 = tpu.memref_slice %arg5[%add3A_212, %dma_start3A_215] : memref<262144x128xf32, #tpu.memory_space<hbm>> -> memref<64x128xf32, #tpu.memory_space<hbm>>
    tpu.enqueue_dma source(%arg8 : memref<64x128xf32, #tpu.memory_space<vmem>>) target(%dma_start3A_216 : memref<64x128xf32, #tpu.memory_space<hbm>>) target_semaphore(%arg35 : memref<!tpu.dma_semaphore, #tpu.memory_space<semaphore_mem>>)
    %add3A_217 = arith.constant 0 : i32
    %add3A_218 = arith.addi %mul3A_2, %add3A_217 : i32
    %dma_start3A_219 = tpu.memref_slice %arg6[%add3A_218] : memref<262144xf32, #tpu.memory_space<hbm>> -> memref<64xf32, #tpu.memory_space<hbm>>
    %dma_start3A_220 = tpu.memref_slice %arg6[%add3A_218] : memref<262144xf32, #tpu.memory_space<hbm>> -> memref<64xf32, #tpu.memory_space<hbm>>
    tpu.enqueue_dma source(%arg16 : memref<64xf32, #tpu.memory_space<vmem>>) target(%dma_start3A_220 : memref<64xf32, #tpu.memory_space<hbm>>) target_semaphore(%arg35 : memref<!tpu.dma_semaphore, #tpu.memory_space<semaphore_mem>>)
    %dma_wait3A_221 = arith.constant 64 : i32
    %dma_wait3A_222 = tpu.memref_slice %arg7[%dma_wait3A_221] : memref<8192xi32, #tpu.memory_space<vmem>> -> memref<64xi32, #tpu.memory_space<vmem>>
    %dma_wait3A_223 = arith.constant 0 : i32
    %dma_wait3A_224 = arith.constant 0 : i32
    %dma_wait3A_225 = tpu.memref_slice %arg3[%dma_wait3A_223, %dma_wait3A_224] : memref<100000x128xf32, #tpu.memory_space<hbm>> -> memref<100000x128xf32, #tpu.memory_space<hbm>>
    tpu.wait_indirect_dma semaphore(%arg28 : memref<!tpu.dma_semaphore, #tpu.memory_space<semaphore_mem>>) src(%dma_wait3A_225 : memref<100000x128xf32, #tpu.memory_space<hbm>>) dst(%arg9 : memref<64x128xf32, #tpu.memory_space<vmem>>)
    %dma_wait3A_226 = arith.constant 64 : i32
    %dma_wait3A_227 = tpu.memref_slice %arg7[%dma_wait3A_226] : memref<8192xi32, #tpu.memory_space<vmem>> -> memref<64xi32, #tpu.memory_space<vmem>>
    %dma_wait3A_228 = arith.constant 0 : i32
    %dma_wait3A_229 = tpu.memref_slice %arg4[%dma_wait3A_228] : memref<100000xf32, #tpu.memory_space<hbm>> -> memref<100000xf32, #tpu.memory_space<hbm>>
    tpu.wait_indirect_dma semaphore(%arg28 : memref<!tpu.dma_semaphore, #tpu.memory_space<semaphore_mem>>) src(%dma_wait3A_229 : memref<100000xf32, #tpu.memory_space<hbm>>) dst(%arg17 : memref<64xf32, #tpu.memory_space<vmem>>)
    %get3A_230 = arith.constant 64 : index
    %get3A_231 = tpu.vector_load %arg7[%get3A_230] {strides = array<i32>} : memref<8192xi32, #tpu.memory_space<vmem>>, vector<16xi32>,
    %get3A_232 = vector.shape_cast %get3A_231 : vector<16xi32> to vector<16xi32>
    %eq3A_233 = arith.constant 0 : i32
    %eq3A_234 = vector.broadcast %eq3A_233 : i32 to vector<16xi32>
    %eq3A_235 = arith.cmpi eq, %get3A_232, %eq3A_234 : vector<16xi32>
    %get3A_236 = arith.constant 0 : index
    %get3A_237 = tpu.vector_load %arg17[%get3A_236] {strides = array<i32>} : memref<64xf32, #tpu.memory_space<vmem>>, vector<16xf32>,
    %get3A_238 = vector.shape_cast %get3A_237 : vector<16xf32> to vector<16xf32>
    %select_n3A_239 = arith.select %eq3A_235, %broadcast_in_dim3A_7, %get3A_238 : vector<16xi1>, vector<16xf32>
    %swap3A_240 = arith.constant 0 : index
    %swap3A_241 = tpu.vector_load %arg17[%swap3A_240] {strides = array<i32>} : memref<64xf32, #tpu.memory_space<vmem>>, vector<16xf32>,
    %swap3A_242 = vector.shape_cast %swap3A_241 : vector<16xf32> to vector<16xf32>
    %swap3A_243 = vector.shape_cast %select_n3A_239 : vector<16xf32> to vector<16xf32>
    tpu.vector_store %arg17[%swap3A_240], %swap3A_243 {strides = array<i32>} : memref<64xf32, #tpu.memory_space<vmem>>, vector<16xf32>,
    %select_n3A_244 = arith.select %eq3A_235, %broadcast_in_dim3A_5, %broadcast_in_dim3A_3 : vector<16xi1>, vector<16xi32>
    %add3A_245 = arith.addi %broadcast_in_dim3A_3, %select_n3A_244 : vector<16xi32>
    %get3A_246 = arith.constant 80 : index
    %get3A_247 = tpu.vector_load %arg7[%get3A_246] {strides = array<i32>} : memref<8192xi32, #tpu.memory_space<vmem>>, vector<16xi32>,
    %get3A_248 = vector.shape_cast %get3A_247 : vector<16xi32> to vector<16xi32>
    %eq3A_249 = arith.constant 0 : i32
    %eq3A_250 = vector.broadcast %eq3A_249 : i32 to vector<16xi32>
    %eq3A_251 = arith.cmpi eq, %get3A_248, %eq3A_250 : vector<16xi32>
    %get3A_252 = arith.constant 16 : index
    %get3A_253 = tpu.vector_load %arg17[%get3A_252] {strides = array<i32>} : memref<64xf32, #tpu.memory_space<vmem>>, vector<16xf32>,
    %get3A_254 = vector.shape_cast %get3A_253 : vector<16xf32> to vector<16xf32>
    %select_n3A_255 = arith.select %eq3A_251, %broadcast_in_dim3A_7, %get3A_254 : vector<16xi1>, vector<16xf32>
    %swap3A_256 = arith.constant 16 : index
    %swap3A_257 = tpu.vector_load %arg17[%swap3A_256] {strides = array<i32>} : memref<64xf32, #tpu.memory_space<vmem>>, vector<16xf32>,
    %swap3A_258 = vector.shape_cast %swap3A_257 : vector<16xf32> to vector<16xf32>
    %swap3A_259 = vector.shape_cast %select_n3A_255 : vector<16xf32> to vector<16xf32>
    tpu.vector_store %arg17[%swap3A_256], %swap3A_259 {strides = array<i32>} : memref<64xf32, #tpu.memory_space<vmem>>, vector<16xf32>,
    %select_n3A_260 = arith.select %eq3A_251, %broadcast_in_dim3A_5, %broadcast_in_dim3A_3 : vector<16xi1>, vector<16xi32>
    %add3A_261 = arith.addi %add3A_245, %select_n3A_260 : vector<16xi32>
    %get3A_262 = arith.constant 96 : index
    %get3A_263 = tpu.vector_load %arg7[%get3A_262] {strides = array<i32>} : memref<8192xi32, #tpu.memory_space<vmem>>, vector<16xi32>,
    %get3A_264 = vector.shape_cast %get3A_263 : vector<16xi32> to vector<16xi32>
    %eq3A_265 = arith.constant 0 : i32
    %eq3A_266 = vector.broadcast %eq3A_265 : i32 to vector<16xi32>
    %eq3A_267 = arith.cmpi eq, %get3A_264, %eq3A_266 : vector<16xi32>
    %get3A_268 = arith.constant 32 : index
    %get3A_269 = tpu.vector_load %arg17[%get3A_268] {strides = array<i32>} : memref<64xf32, #tpu.memory_space<vmem>>, vector<16xf32>,
    %get3A_270 = vector.shape_cast %get3A_269 : vector<16xf32> to vector<16xf32>
    %select_n3A_271 = arith.select %eq3A_267, %broadcast_in_dim3A_7, %get3A_270 : vector<16xi1>, vector<16xf32>
    %swap3A_272 = arith.constant 32 : index
    %swap3A_273 = tpu.vector_load %arg17[%swap3A_272] {strides = array<i32>} : memref<64xf32, #tpu.memory_space<vmem>>, vector<16xf32>,
    %swap3A_274 = vector.shape_cast %swap3A_273 : vector<16xf32> to vector<16xf32>
    %swap3A_275 = vector.shape_cast %select_n3A_271 : vector<16xf32> to vector<16xf32>
    tpu.vector_store %arg17[%swap3A_272], %swap3A_275 {strides = array<i32>} : memref<64xf32, #tpu.memory_space<vmem>>, vector<16xf32>,
    %select_n3A_276 = arith.select %eq3A_267, %broadcast_in_dim3A_5, %broadcast_in_dim3A_3 : vector<16xi1>, vector<16xi32>
    %add3A_277 = arith.addi %add3A_261, %select_n3A_276 : vector<16xi32>
    %get3A_278 = arith.constant 112 : index
    %get3A_279 = tpu.vector_load %arg7[%get3A_278] {strides = array<i32>} : memref<8192xi32, #tpu.memory_space<vmem>>, vector<16xi32>,
    %get3A_280 = vector.shape_cast %get3A_279 : vector<16xi32> to vector<16xi32>
    %eq3A_281 = arith.constant 0 : i32
    %eq3A_282 = vector.broadcast %eq3A_281 : i32 to vector<16xi32>
    %eq3A_283 = arith.cmpi eq, %get3A_280, %eq3A_282 : vector<16xi32>
    %get3A_284 = arith.constant 48 : index
    %get3A_285 = tpu.vector_load %arg17[%get3A_284] {strides = array<i32>} : memref<64xf32, #tpu.memory_space<vmem>>, vector<16xf32>,
    %get3A_286 = vector.shape_cast %get3A_285 : vector<16xf32> to vector<16xf32>
    %select_n3A_287 = arith.select %eq3A_283, %broadcast_in_dim3A_7, %get3A_286 : vector<16xi1>, vector<16xf32>
    %swap3A_288 = arith.constant 48 : index
    %swap3A_289 = tpu.vector_load %arg17[%swap3A_288] {strides = array<i32>} : memref<64xf32, #tpu.memory_space<vmem>>, vector<16xf32>,
    %swap3A_290 = vector.shape_cast %swap3A_289 : vector<16xf32> to vector<16xf32>
    %swap3A_291 = vector.shape_cast %select_n3A_287 : vector<16xf32> to vector<16xf32>
    tpu.vector_store %arg17[%swap3A_288], %swap3A_291 {strides = array<i32>} : memref<64xf32, #tpu.memory_space<vmem>>, vector<16xf32>,
    %select_n3A_292 = arith.select %eq3A_283, %broadcast_in_dim3A_5, %broadcast_in_dim3A_3 : vector<16xi1>, vector<16xi32>
    %add3A_293 = arith.addi %add3A_277, %select_n3A_292 : vector<16xi32>
    %swap3A_294 = arith.constant 16 : index
    %swap3A_295 = tpu.vector_load %arg24[%swap3A_294] {strides = array<i32>} : memref<2048xi32, #tpu.memory_space<vmem>>, vector<16xi32>,
    %swap3A_296 = vector.shape_cast %swap3A_295 : vector<16xi32> to vector<16xi32>
    %swap3A_297 = vector.shape_cast %add3A_293 : vector<16xi32> to vector<16xi32>
    tpu.vector_store %arg24[%swap3A_294], %swap3A_297 {strides = array<i32>} : memref<2048xi32, #tpu.memory_space<vmem>>, vector<16xi32>,
    %get3A_298 = arith.constant 0 : index
    %get3A_299 = tpu.vector_load %arg25[%get3A_298] {strides = array<i32>} : memref<16xi32, #tpu.memory_space<vmem>>, vector<16xi32>,
    %get3A_300 = vector.shape_cast %get3A_299 : vector<16xi32> to vector<16xi32>
    %add3A_301 = arith.addi %get3A_300, %add3A_293 : vector<16xi32>
    %swap3A_302 = arith.constant 0 : index
    %swap3A_303 = tpu.vector_load %arg25[%swap3A_302] {strides = array<i32>} : memref<16xi32, #tpu.memory_space<vmem>>, vector<16xi32>,
    %swap3A_304 = vector.shape_cast %swap3A_303 : vector<16xi32> to vector<16xi32>
    %swap3A_305 = vector.shape_cast %add3A_301 : vector<16xi32> to vector<16xi32>
    tpu.vector_store %arg25[%swap3A_302], %swap3A_305 {strides = array<i32>} : memref<16xi32, #tpu.memory_space<vmem>>, vector<16xi32>,
    %add3A_306 = arith.constant 64 : i32
    %add3A_307 = arith.addi %mul3A_2, %add3A_306 : i32
    %dma_start3A_308 = arith.constant 0 : i32
    %dma_start3A_309 = tpu.memref_slice %arg5[%add3A_307, %dma_start3A_308] : memref<262144x128xf32, #tpu.memory_space<hbm>> -> memref<64x128xf32, #tpu.memory_space<hbm>>
    %dma_start3A_310 = arith.constant 0 : i32
    %dma_start3A_311 = tpu.memref_slice %arg5[%add3A_307, %dma_start3A_310] : memref<262144x128xf32, #tpu.memory_space<hbm>> -> memref<64x128xf32, #tpu.memory_space<hbm>>
    tpu.enqueue_dma source(%arg9 : memref<64x128xf32, #tpu.memory_space<vmem>>) target(%dma_start3A_311 : memref<64x128xf32, #tpu.memory_space<hbm>>) target_semaphore(%arg36 : memref<!tpu.dma_semaphore, #tpu.memory_space<semaphore_mem>>)
    %add3A_312 = arith.constant 64 : i32
    %add3A_313 = arith.addi %mul3A_2, %add3A_312 : i32
    %dma_start3A_314 = tpu.memref_slice %arg6[%add3A_313] : memref<262144xf32, #tpu.memory_space<hbm>> -> memref<64xf32, #tpu.memory_space<hbm>>
    %dma_start3A_315 = tpu.memref_slice %arg6[%add3A_313] : memref<262144xf32, #tpu.memory_space<hbm>> -> memref<64xf32, #tpu.memory_space<hbm>>
    tpu.enqueue_dma source(%arg17 : memref<64xf32, #tpu.memory_space<vmem>>) target(%dma_start3A_315 : memref<64xf32, #tpu.memory_space<hbm>>) target_semaphore(%arg36 : memref<!tpu.dma_semaphore, #tpu.memory_space<semaphore_mem>>)
    %dma_wait3A_316 = arith.constant 128 : i32
    %dma_wait3A_317 = tpu.memref_slice %arg7[%dma_wait3A_316] : memref<8192xi32, #tpu.memory_space<vmem>> -> memref<64xi32, #tpu.memory_space<vmem>>
    %dma_wait3A_318 = arith.constant 0 : i32
    %dma_wait3A_319 = arith.constant 0 : i32
    %dma_wait3A_320 = tpu.memref_slice %arg3[%dma_wait3A_318, %dma_wait3A_319] : memref<100000x128xf32, #tpu.memory_space<hbm>> -> memref<100000x128xf32, #tpu.memory_space<hbm>>
    tpu.wait_indirect_dma semaphore(%arg29 : memref<!tpu.dma_semaphore, #tpu.memory_space<semaphore_mem>>) src(%dma_wait3A_320 : memref<100000x128xf32, #tpu.memory_space<hbm>>) dst(%arg10 : memref<64x128xf32, #tpu.memory_space<vmem>>)
    %dma_wait3A_321 = arith.constant 128 : i32
    %dma_wait3A_322 = tpu.memref_slice %arg7[%dma_wait3A_321] : memref<8192xi32, #tpu.memory_space<vmem>> -> memref<64xi32, #tpu.memory_space<vmem>>
    %dma_wait3A_323 = arith.constant 0 : i32
    %dma_wait3A_324 = tpu.memref_slice %arg4[%dma_wait3A_323] : memref<100000xf32, #tpu.memory_space<hbm>> -> memref<100000xf32, #tpu.memory_space<hbm>>
    tpu.wait_indirect_dma semaphore(%arg29 : memref<!tpu.dma_semaphore, #tpu.memory_space<semaphore_mem>>) src(%dma_wait3A_324 : memref<100000xf32, #tpu.memory_space<hbm>>) dst(%arg18 : memref<64xf32, #tpu.memory_space<vmem>>)
    %get3A_325 = arith.constant 128 : index
    %get3A_326 = tpu.vector_load %arg7[%get3A_325] {strides = array<i32>} : memref<8192xi32, #tpu.memory_space<vmem>>, vector<16xi32>,
    %get3A_327 = vector.shape_cast %get3A_326 : vector<16xi32> to vector<16xi32>
    %eq3A_328 = arith.constant 0 : i32
    %eq3A_329 = vector.broadcast %eq3A_328 : i32 to vector<16xi32>
    %eq3A_330 = arith.cmpi eq, %get3A_327, %eq3A_329 : vector<16xi32>
    %get3A_331 = arith.constant 0 : index
    %get3A_332 = tpu.vector_load %arg18[%get3A_331] {strides = array<i32>} : memref<64xf32, #tpu.memory_space<vmem>>, vector<16xf32>,
    %get3A_333 = vector.shape_cast %get3A_332 : vector<16xf32> to vector<16xf32>
    %select_n3A_334 = arith.select %eq3A_330, %broadcast_in_dim3A_7, %get3A_333 : vector<16xi1>, vector<16xf32>
    %swap3A_335 = arith.constant 0 : index
    %swap3A_336 = tpu.vector_load %arg18[%swap3A_335] {strides = array<i32>} : memref<64xf32, #tpu.memory_space<vmem>>, vector<16xf32>,
    %swap3A_337 = vector.shape_cast %swap3A_336 : vector<16xf32> to vector<16xf32>
    %swap3A_338 = vector.shape_cast %select_n3A_334 : vector<16xf32> to vector<16xf32>
    tpu.vector_store %arg18[%swap3A_335], %swap3A_338 {strides = array<i32>} : memref<64xf32, #tpu.memory_space<vmem>>, vector<16xf32>,
    %select_n3A_339 = arith.select %eq3A_330, %broadcast_in_dim3A_5, %broadcast_in_dim3A_3 : vector<16xi1>, vector<16xi32>
    %add3A_340 = arith.addi %broadcast_in_dim3A_3, %select_n3A_339 : vector<16xi32>
    %get3A_341 = arith.constant 144 : index
    %get3A_342 = tpu.vector_load %arg7[%get3A_341] {strides = array<i32>} : memref<8192xi32, #tpu.memory_space<vmem>>, vector<16xi32>,
    %get3A_343 = vector.shape_cast %get3A_342 : vector<16xi32> to vector<16xi32>
    %eq3A_344 = arith.constant 0 : i32
    %eq3A_345 = vector.broadcast %eq3A_344 : i32 to vector<16xi32>
    %eq3A_346 = arith.cmpi eq, %get3A_343, %eq3A_345 : vector<16xi32>
    %get3A_347 = arith.constant 16 : index
    %get3A_348 = tpu.vector_load %arg18[%get3A_347] {strides = array<i32>} : memref<64xf32, #tpu.memory_space<vmem>>, vector<16xf32>,
    %get3A_349 = vector.shape_cast %get3A_348 : vector<16xf32> to vector<16xf32>
    %select_n3A_350 = arith.select %eq3A_346, %broadcast_in_dim3A_7, %get3A_349 : vector<16xi1>, vector<16xf32>
    %swap3A_351 = arith.constant 16 : index
    %swap3A_352 = tpu.vector_load %arg18[%swap3A_351] {strides = array<i32>} : memref<64xf32, #tpu.memory_space<vmem>>, vector<16xf32>,
    %swap3A_353 = vector.shape_cast %swap3A_352 : vector<16xf32> to vector<16xf32>
    %swap3A_354 = vector.shape_cast %select_n3A_350 : vector<16xf32> to vector<16xf32>
    tpu.vector_store %arg18[%swap3A_351], %swap3A_354 {strides = array<i32>} : memref<64xf32, #tpu.memory_space<vmem>>, vector<16xf32>,
    %select_n3A_355 = arith.select %eq3A_346, %broadcast_in_dim3A_5, %broadcast_in_dim3A_3 : vector<16xi1>, vector<16xi32>
    %add3A_356 = arith.addi %add3A_340, %select_n3A_355 : vector<16xi32>
    %get3A_357 = arith.constant 160 : index
    %get3A_358 = tpu.vector_load %arg7[%get3A_357] {strides = array<i32>} : memref<8192xi32, #tpu.memory_space<vmem>>, vector<16xi32>,
    %get3A_359 = vector.shape_cast %get3A_358 : vector<16xi32> to vector<16xi32>
    %eq3A_360 = arith.constant 0 : i32
    %eq3A_361 = vector.broadcast %eq3A_360 : i32 to vector<16xi32>
    %eq3A_362 = arith.cmpi eq, %get3A_359, %eq3A_361 : vector<16xi32>
    %get3A_363 = arith.constant 32 : index
    %get3A_364 = tpu.vector_load %arg18[%get3A_363] {strides = array<i32>} : memref<64xf32, #tpu.memory_space<vmem>>, vector<16xf32>,
    %get3A_365 = vector.shape_cast %get3A_364 : vector<16xf32> to vector<16xf32>
    %select_n3A_366 = arith.select %eq3A_362, %broadcast_in_dim3A_7, %get3A_365 : vector<16xi1>, vector<16xf32>
    %swap3A_367 = arith.constant 32 : index
    %swap3A_368 = tpu.vector_load %arg18[%swap3A_367] {strides = array<i32>} : memref<64xf32, #tpu.memory_space<vmem>>, vector<16xf32>,
    %swap3A_369 = vector.shape_cast %swap3A_368 : vector<16xf32> to vector<16xf32>
    %swap3A_370 = vector.shape_cast %select_n3A_366 : vector<16xf32> to vector<16xf32>
    tpu.vector_store %arg18[%swap3A_367], %swap3A_370 {strides = array<i32>} : memref<64xf32, #tpu.memory_space<vmem>>, vector<16xf32>,
    %select_n3A_371 = arith.select %eq3A_362, %broadcast_in_dim3A_5, %broadcast_in_dim3A_3 : vector<16xi1>, vector<16xi32>
    %add3A_372 = arith.addi %add3A_356, %select_n3A_371 : vector<16xi32>
    %get3A_373 = arith.constant 176 : index
    %get3A_374 = tpu.vector_load %arg7[%get3A_373] {strides = array<i32>} : memref<8192xi32, #tpu.memory_space<vmem>>, vector<16xi32>,
    %get3A_375 = vector.shape_cast %get3A_374 : vector<16xi32> to vector<16xi32>
    %eq3A_376 = arith.constant 0 : i32
    %eq3A_377 = vector.broadcast %eq3A_376 : i32 to vector<16xi32>
    %eq3A_378 = arith.cmpi eq, %get3A_375, %eq3A_377 : vector<16xi32>
    %get3A_379 = arith.constant 48 : index
    %get3A_380 = tpu.vector_load %arg18[%get3A_379] {strides = array<i32>} : memref<64xf32, #tpu.memory_space<vmem>>, vector<16xf32>,
    %get3A_381 = vector.shape_cast %get3A_380 : vector<16xf32> to vector<16xf32>
    %select_n3A_382 = arith.select %eq3A_378, %broadcast_in_dim3A_7, %get3A_381 : vector<16xi1>, vector<16xf32>
    %swap3A_383 = arith.constant 48 : index
    %swap3A_384 = tpu.vector_load %arg18[%swap3A_383] {strides = array<i32>} : memref<64xf32, #tpu.memory_space<vmem>>, vector<16xf32>,
    %swap3A_385 = vector.shape_cast %swap3A_384 : vector<16xf32> to vector<16xf32>
    %swap3A_386 = vector.shape_cast %select_n3A_382 : vector<16xf32> to vector<16xf32>
    tpu.vector_store %arg18[%swap3A_383], %swap3A_386 {strides = array<i32>} : memref<64xf32, #tpu.memory_space<vmem>>, vector<16xf32>,
    %select_n3A_387 = arith.select %eq3A_378, %broadcast_in_dim3A_5, %broadcast_in_dim3A_3 : vector<16xi1>, vector<16xi32>
    %add3A_388 = arith.addi %add3A_372, %select_n3A_387 : vector<16xi32>
    %swap3A_389 = arith.constant 32 : index
    %swap3A_390 = tpu.vector_load %arg24[%swap3A_389] {strides = array<i32>} : memref<2048xi32, #tpu.memory_space<vmem>>, vector<16xi32>,
    %swap3A_391 = vector.shape_cast %swap3A_390 : vector<16xi32> to vector<16xi32>
    %swap3A_392 = vector.shape_cast %add3A_388 : vector<16xi32> to vector<16xi32>
    tpu.vector_store %arg24[%swap3A_389], %swap3A_392 {strides = array<i32>} : memref<2048xi32, #tpu.memory_space<vmem>>, vector<16xi32>,
    %get3A_393 = arith.constant 0 : index
    %get3A_394 = tpu.vector_load %arg25[%get3A_393] {strides = array<i32>} : memref<16xi32, #tpu.memory_space<vmem>>, vector<16xi32>,
    %get3A_395 = vector.shape_cast %get3A_394 : vector<16xi32> to vector<16xi32>
    %add3A_396 = arith.addi %get3A_395, %add3A_388 : vector<16xi32>
    %swap3A_397 = arith.constant 0 : index
    %swap3A_398 = tpu.vector_load %arg25[%swap3A_397] {strides = array<i32>} : memref<16xi32, #tpu.memory_space<vmem>>, vector<16xi32>,
    %swap3A_399 = vector.shape_cast %swap3A_398 : vector<16xi32> to vector<16xi32>
    %swap3A_400 = vector.shape_cast %add3A_396 : vector<16xi32> to vector<16xi32>
    tpu.vector_store %arg25[%swap3A_397], %swap3A_400 {strides = array<i32>} : memref<16xi32, #tpu.memory_space<vmem>>, vector<16xi32>,
    %add3A_401 = arith.constant 128 : i32
    %add3A_402 = arith.addi %mul3A_2, %add3A_401 : i32
    %dma_start3A_403 = arith.constant 0 : i32
    %dma_start3A_404 = tpu.memref_slice %arg5[%add3A_402, %dma_start3A_403] : memref<262144x128xf32, #tpu.memory_space<hbm>> -> memref<64x128xf32, #tpu.memory_space<hbm>>
    %dma_start3A_405 = arith.constant 0 : i32
    %dma_start3A_406 = tpu.memref_slice %arg5[%add3A_402, %dma_start3A_405] : memref<262144x128xf32, #tpu.memory_space<hbm>> -> memref<64x128xf32, #tpu.memory_space<hbm>>
    tpu.enqueue_dma source(%arg10 : memref<64x128xf32, #tpu.memory_space<vmem>>) target(%dma_start3A_406 : memref<64x128xf32, #tpu.memory_space<hbm>>) target_semaphore(%arg37 : memref<!tpu.dma_semaphore, #tpu.memory_space<semaphore_mem>>)
    %add3A_407 = arith.constant 128 : i32
    %add3A_408 = arith.addi %mul3A_2, %add3A_407 : i32
    %dma_start3A_409 = tpu.memref_slice %arg6[%add3A_408] : memref<262144xf32, #tpu.memory_space<hbm>> -> memref<64xf32, #tpu.memory_space<hbm>>
    %dma_start3A_410 = tpu.memref_slice %arg6[%add3A_408] : memref<262144xf32, #tpu.memory_space<hbm>> -> memref<64xf32, #tpu.memory_space<hbm>>
    tpu.enqueue_dma source(%arg18 : memref<64xf32, #tpu.memory_space<vmem>>) target(%dma_start3A_410 : memref<64xf32, #tpu.memory_space<hbm>>) target_semaphore(%arg37 : memref<!tpu.dma_semaphore, #tpu.memory_space<semaphore_mem>>)
    %scan3A = arith.constant 0 : i32
    %scan3A_411 = arith.constant 0 : i32
    %scan3A_412 = arith.constant 15 : i32
    %scan3A_413 = arith.addi %scan3A_411, %scan3A_412 : i32
    %scan3A_414 = arith.constant 1 : i32
    scf.for %scan3A_1021 = %scan3A_411 to %scan3A_413 step %scan3A_414  : i32 {
      %mul3A_1022 = arith.constant 8 : i32
      %mul3A_1023 = arith.muli %scan3A_1021, %mul3A_1022 : i32
      %add3A_1024 = arith.constant 3 : i32
      %add3A_1025 = arith.addi %mul3A_1023, %add3A_1024 : i32
      %add3A_1026 = arith.constant 0 : i32
      %add3A_1027 = arith.addi %add3A_1025, %add3A_1026 : i32
      %sub3A = arith.constant 3 : i32
      %sub3A_1028 = arith.subi %add3A_1027, %sub3A : i32
      %mul3A_1029 = arith.constant 64 : i32
      %mul3A_1030 = arith.muli %sub3A_1028, %mul3A_1029 : i32
      %add3A_1031 = arith.addi %mul3A_2, %mul3A_1030 : i32
      %dma_wait3A_1032 = arith.constant 0 : i32
      %dma_wait3A_1033 = tpu.memref_slice %arg5[%add3A_1031, %dma_wait3A_1032] : memref<262144x128xf32, #tpu.memory_space<hbm>> -> memref<64x128xf32, #tpu.memory_space<hbm>>
      %dma_wait3A_1034 = arith.constant 0 : i32
      %dma_wait3A_1035 = tpu.memref_slice %arg5[%add3A_1031, %dma_wait3A_1034] : memref<262144x128xf32, #tpu.memory_space<hbm>> -> memref<64x128xf32, #tpu.memory_space<hbm>>
      tpu.wait_dma2 semaphore(%arg35 : memref<!tpu.dma_semaphore, #tpu.memory_space<semaphore_mem>>) src(%arg8 : memref<64x128xf32, #tpu.memory_space<vmem>>) dst(%dma_wait3A_1035 : memref<64x128xf32, #tpu.memory_space<hbm>>)
      %mul3A_1036 = arith.constant 64 : i32
      %mul3A_1037 = arith.muli %sub3A_1028, %mul3A_1036 : i32
      %add3A_1038 = arith.addi %mul3A_2, %mul3A_1037 : i32
      %dma_wait3A_1039 = tpu.memref_slice %arg6[%add3A_1038] : memref<262144xf32, #tpu.memory_space<hbm>> -> memref<64xf32, #tpu.memory_space<hbm>>
      %dma_wait3A_1040 = tpu.memref_slice %arg6[%add3A_1038] : memref<262144xf32, #tpu.memory_space<hbm>> -> memref<64xf32, #tpu.memory_space<hbm>>
      tpu.wait_dma2 semaphore(%arg35 : memref<!tpu.dma_semaphore, #tpu.memory_space<semaphore_mem>>) src(%arg16 : memref<64xf32, #tpu.memory_space<vmem>>) dst(%dma_wait3A_1040 : memref<64xf32, #tpu.memory_space<hbm>>)
      %add3A_1041 = arith.constant 5 : i32
      %add3A_1042 = arith.addi %add3A_1027, %add3A_1041 : i32
      %mul3A_1043 = arith.constant 64 : i32
      %mul3A_1044 = arith.muli %add3A_1042, %mul3A_1043 : i32
      %dma_start3A_1045 = tpu.memref_slice %arg7[%mul3A_1044] : memref<8192xi32, #tpu.memory_space<vmem>> -> memref<64xi32, #tpu.memory_space<vmem>>
      %dma_start3A_1046 = arith.constant 0 : i32
      %dma_start3A_1047 = arith.constant 0 : i32
      %dma_start3A_1048 = tpu.memref_slice %arg3[%dma_start3A_1046, %dma_start3A_1047] : memref<100000x128xf32, #tpu.memory_space<hbm>> -> memref<100000x128xf32, #tpu.memory_space<hbm>>
      tpu.enqueue_indirect_dma source(%dma_start3A_1048 : memref<100000x128xf32, #tpu.memory_space<hbm>>) target(%arg8 : memref<64x128xf32, #tpu.memory_space<vmem>>) offsets(%dma_start3A_1045 : memref<64xi32, #tpu.memory_space<vmem>>) semaphore(%arg27 : memref<!tpu.dma_semaphore, #tpu.memory_space<semaphore_mem>>)
      %mul3A_1049 = arith.constant 64 : i32
      %mul3A_1050 = arith.muli %add3A_1042, %mul3A_1049 : i32
      %dma_start3A_1051 = tpu.memref_slice %arg7[%mul3A_1050] : memref<8192xi32, #tpu.memory_space<vmem>> -> memref<64xi32, #tpu.memory_space<vmem>>
      %dma_start3A_1052 = arith.constant 0 : i32
      %dma_start3A_1053 = tpu.memref_slice %arg4[%dma_start3A_1052] : memref<100000xf32, #tpu.memory_space<hbm>> -> memref<100000xf32, #tpu.memory_space<hbm>>
      tpu.enqueue_indirect_dma source(%dma_start3A_1053 : memref<100000xf32, #tpu.memory_space<hbm>>) target(%arg16 : memref<64xf32, #tpu.memory_space<vmem>>) offsets(%dma_start3A_1051 : memref<64xi32, #tpu.memory_space<vmem>>) semaphore(%arg27 : memref<!tpu.dma_semaphore, #tpu.memory_space<semaphore_mem>>)
      %mul3A_1054 = arith.constant 64 : i32
      %mul3A_1055 = arith.muli %add3A_1027, %mul3A_1054 : i32
      %dma_wait3A_1056 = tpu.memref_slice %arg7[%mul3A_1055] : memref<8192xi32, #tpu.memory_space<vmem>> -> memref<64xi32, #tpu.memory_space<vmem>>
      %dma_wait3A_1057 = arith.constant 0 : i32
      %dma_wait3A_1058 = arith.constant 0 : i32
      %dma_wait3A_1059 = tpu.memref_slice %arg3[%dma_wait3A_1057, %dma_wait3A_1058] : memref<100000x128xf32, #tpu.memory_space<hbm>> -> memref<100000x128xf32, #tpu.memory_space<hbm>>
      tpu.wait_indirect_dma semaphore(%arg30 : memref<!tpu.dma_semaphore, #tpu.memory_space<semaphore_mem>>) src(%dma_wait3A_1059 : memref<100000x128xf32, #tpu.memory_space<hbm>>) dst(%arg11 : memref<64x128xf32, #tpu.memory_space<vmem>>)
      %mul3A_1060 = arith.constant 64 : i32
      %mul3A_1061 = arith.muli %add3A_1027, %mul3A_1060 : i32
      %dma_wait3A_1062 = tpu.memref_slice %arg7[%mul3A_1061] : memref<8192xi32, #tpu.memory_space<vmem>> -> memref<64xi32, #tpu.memory_space<vmem>>
      %dma_wait3A_1063 = arith.constant 0 : i32
      %dma_wait3A_1064 = tpu.memref_slice %arg4[%dma_wait3A_1063] : memref<100000xf32, #tpu.memory_space<hbm>> -> memref<100000xf32, #tpu.memory_space<hbm>>
      tpu.wait_indirect_dma semaphore(%arg30 : memref<!tpu.dma_semaphore, #tpu.memory_space<semaphore_mem>>) src(%dma_wait3A_1064 : memref<100000xf32, #tpu.memory_space<hbm>>) dst(%arg19 : memref<64xf32, #tpu.memory_space<vmem>>)
      %mul3A_1065 = arith.constant 64 : i32
      %mul3A_1066 = arith.muli %add3A_1027, %mul3A_1065 : i32
      %add3A_1067 = arith.constant 0 : i32
      %add3A_1068 = arith.addi %mul3A_1066, %add3A_1067 : i32
      %get3A_1069 = arith.index_cast %add3A_1068 : i32 to index
      %get3A_1070 = tpu.vector_load %arg7[%get3A_1069] {strides = array<i32>} : memref<8192xi32, #tpu.memory_space<vmem>>, vector<16xi32>,
      %get3A_1071 = vector.shape_cast %get3A_1070 : vector<16xi32> to vector<16xi32>
      %eq3A_1072 = arith.constant 0 : i32
      %eq3A_1073 = vector.broadcast %eq3A_1072 : i32 to vector<16xi32>
      %eq3A_1074 = arith.cmpi eq, %get3A_1071, %eq3A_1073 : vector<16xi32>
      %get3A_1075 = arith.constant 0 : index
      %get3A_1076 = tpu.vector_load %arg19[%get3A_1075] {strides = array<i32>} : memref<64xf32, #tpu.memory_space<vmem>>, vector<16xf32>,
      %get3A_1077 = vector.shape_cast %get3A_1076 : vector<16xf32> to vector<16xf32>
      %select_n3A_1078 = arith.select %eq3A_1074, %broadcast_in_dim3A_7, %get3A_1077 : vector<16xi1>, vector<16xf32>
      %swap3A_1079 = arith.constant 0 : index
      %swap3A_1080 = tpu.vector_load %arg19[%swap3A_1079] {strides = array<i32>} : memref<64xf32, #tpu.memory_space<vmem>>, vector<16xf32>,
      %swap3A_1081 = vector.shape_cast %swap3A_1080 : vector<16xf32> to vector<16xf32>
      %swap3A_1082 = vector.shape_cast %select_n3A_1078 : vector<16xf32> to vector<16xf32>
      tpu.vector_store %arg19[%swap3A_1079], %swap3A_1082 {strides = array<i32>} : memref<64xf32, #tpu.memory_space<vmem>>, vector<16xf32>,
      %select_n3A_1083 = arith.select %eq3A_1074, %broadcast_in_dim3A_5, %broadcast_in_dim3A_3 : vector<16xi1>, vector<16xi32>
      %add3A_1084 = arith.addi %broadcast_in_dim3A_3, %select_n3A_1083 : vector<16xi32>
      %add3A_1085 = arith.constant 16 : i32
      %add3A_1086 = arith.addi %mul3A_1066, %add3A_1085 : i32
      %get3A_1087 = arith.index_cast %add3A_1086 : i32 to index
      %get3A_1088 = tpu.vector_load %arg7[%get3A_1087] {strides = array<i32>} : memref<8192xi32, #tpu.memory_space<vmem>>, vector<16xi32>,
      %get3A_1089 = vector.shape_cast %get3A_1088 : vector<16xi32> to vector<16xi32>
      %eq3A_1090 = arith.constant 0 : i32
      %eq3A_1091 = vector.broadcast %eq3A_1090 : i32 to vector<16xi32>
      %eq3A_1092 = arith.cmpi eq, %get3A_1089, %eq3A_1091 : vector<16xi32>
      %get3A_1093 = arith.constant 16 : index
      %get3A_1094 = tpu.vector_load %arg19[%get3A_1093] {strides = array<i32>} : memref<64xf32, #tpu.memory_space<vmem>>, vector<16xf32>,
      %get3A_1095 = vector.shape_cast %get3A_1094 : vector<16xf32> to vector<16xf32>
      %select_n3A_1096 = arith.select %eq3A_1092, %broadcast_in_dim3A_7, %get3A_1095 : vector<16xi1>, vector<16xf32>
      %swap3A_1097 = arith.constant 16 : index
      %swap3A_1098 = tpu.vector_load %arg19[%swap3A_1097] {strides = array<i32>} : memref<64xf32, #tpu.memory_space<vmem>>, vector<16xf32>,
      %swap3A_1099 = vector.shape_cast %swap3A_1098 : vector<16xf32> to vector<16xf32>
      %swap3A_1100 = vector.shape_cast %select_n3A_1096 : vector<16xf32> to vector<16xf32>
      tpu.vector_store %arg19[%swap3A_1097], %swap3A_1100 {strides = array<i32>} : memref<64xf32, #tpu.memory_space<vmem>>, vector<16xf32>,
      %select_n3A_1101 = arith.select %eq3A_1092, %broadcast_in_dim3A_5, %broadcast_in_dim3A_3 : vector<16xi1>, vector<16xi32>
      %add3A_1102 = arith.addi %add3A_1084, %select_n3A_1101 : vector<16xi32>
      %add3A_1103 = arith.constant 32 : i32
      %add3A_1104 = arith.addi %mul3A_1066, %add3A_1103 : i32
      %get3A_1105 = arith.index_cast %add3A_1104 : i32 to index
      %get3A_1106 = tpu.vector_load %arg7[%get3A_1105] {strides = array<i32>} : memref<8192xi32, #tpu.memory_space<vmem>>, vector<16xi32>,
      %get3A_1107 = vector.shape_cast %get3A_1106 : vector<16xi32> to vector<16xi32>
      %eq3A_1108 = arith.constant 0 : i32
      %eq3A_1109 = vector.broadcast %eq3A_1108 : i32 to vector<16xi32>
      %eq3A_1110 = arith.cmpi eq, %get3A_1107, %eq3A_1109 : vector<16xi32>
      %get3A_1111 = arith.constant 32 : index
      %get3A_1112 = tpu.vector_load %arg19[%get3A_1111] {strides = array<i32>} : memref<64xf32, #tpu.memory_space<vmem>>, vector<16xf32>,
      %get3A_1113 = vector.shape_cast %get3A_1112 : vector<16xf32> to vector<16xf32>
      %select_n3A_1114 = arith.select %eq3A_1110, %broadcast_in_dim3A_7, %get3A_1113 : vector<16xi1>, vector<16xf32>
      %swap3A_1115 = arith.constant 32 : index
      %swap3A_1116 = tpu.vector_load %arg19[%swap3A_1115] {strides = array<i32>} : memref<64xf32, #tpu.memory_space<vmem>>, vector<16xf32>,
      %swap3A_1117 = vector.shape_cast %swap3A_1116 : vector<16xf32> to vector<16xf32>
      %swap3A_1118 = vector.shape_cast %select_n3A_1114 : vector<16xf32> to vector<16xf32>
      tpu.vector_store %arg19[%swap3A_1115], %swap3A_1118 {strides = array<i32>} : memref<64xf32, #tpu.memory_space<vmem>>, vector<16xf32>,
      %select_n3A_1119 = arith.select %eq3A_1110, %broadcast_in_dim3A_5, %broadcast_in_dim3A_3 : vector<16xi1>, vector<16xi32>
      %add3A_1120 = arith.addi %add3A_1102, %select_n3A_1119 : vector<16xi32>
      %add3A_1121 = arith.constant 48 : i32
      %add3A_1122 = arith.addi %mul3A_1066, %add3A_1121 : i32
      %get3A_1123 = arith.index_cast %add3A_1122 : i32 to index
      %get3A_1124 = tpu.vector_load %arg7[%get3A_1123] {strides = array<i32>} : memref<8192xi32, #tpu.memory_space<vmem>>, vector<16xi32>,
      %get3A_1125 = vector.shape_cast %get3A_1124 : vector<16xi32> to vector<16xi32>
      %eq3A_1126 = arith.constant 0 : i32
      %eq3A_1127 = vector.broadcast %eq3A_1126 : i32 to vector<16xi32>
      %eq3A_1128 = arith.cmpi eq, %get3A_1125, %eq3A_1127 : vector<16xi32>
      %get3A_1129 = arith.constant 48 : index
      %get3A_1130 = tpu.vector_load %arg19[%get3A_1129] {strides = array<i32>} : memref<64xf32, #tpu.memory_space<vmem>>, vector<16xf32>,
      %get3A_1131 = vector.shape_cast %get3A_1130 : vector<16xf32> to vector<16xf32>
      %select_n3A_1132 = arith.select %eq3A_1128, %broadcast_in_dim3A_7, %get3A_1131 : vector<16xi1>, vector<16xf32>
      %swap3A_1133 = arith.constant 48 : index
      %swap3A_1134 = tpu.vector_load %arg19[%swap3A_1133] {strides = array<i32>} : memref<64xf32, #tpu.memory_space<vmem>>, vector<16xf32>,
      %swap3A_1135 = vector.shape_cast %swap3A_1134 : vector<16xf32> to vector<16xf32>
      %swap3A_1136 = vector.shape_cast %select_n3A_1132 : vector<16xf32> to vector<16xf32>
      tpu.vector_store %arg19[%swap3A_1133], %swap3A_1136 {strides = array<i32>} : memref<64xf32, #tpu.memory_space<vmem>>, vector<16xf32>,
      %select_n3A_1137 = arith.select %eq3A_1128, %broadcast_in_dim3A_5, %broadcast_in_dim3A_3 : vector<16xi1>, vector<16xi32>
      %add3A_1138 = arith.addi %add3A_1120, %select_n3A_1137 : vector<16xi32>
      %mul3A_1139 = arith.constant 16 : i32
      %mul3A_1140 = arith.muli %add3A_1027, %mul3A_1139 : i32
      %swap3A_1141 = arith.index_cast %mul3A_1140 : i32 to index
      %swap3A_1142 = tpu.vector_load %arg24[%swap3A_1141] {strides = array<i32>} : memref<2048xi32, #tpu.memory_space<vmem>>, vector<16xi32>,
      %swap3A_1143 = vector.shape_cast %swap3A_1142 : vector<16xi32> to vector<16xi32>
      %swap3A_1144 = vector.shape_cast %add3A_1138 : vector<16xi32> to vector<16xi32>
      tpu.vector_store %arg24[%swap3A_1141], %swap3A_1144 {strides = array<i32>} : memref<2048xi32, #tpu.memory_space<vmem>>, vector<16xi32>,
      %get3A_1145 = arith.constant 0 : index
      %get3A_1146 = tpu.vector_load %arg25[%get3A_1145] {strides = array<i32>} : memref<16xi32, #tpu.memory_space<vmem>>, vector<16xi32>,
      %get3A_1147 = vector.shape_cast %get3A_1146 : vector<16xi32> to vector<16xi32>
      %add3A_1148 = arith.addi %get3A_1147, %add3A_1138 : vector<16xi32>
      %swap3A_1149 = arith.constant 0 : index
      %swap3A_1150 = tpu.vector_load %arg25[%swap3A_1149] {strides = array<i32>} : memref<16xi32, #tpu.memory_space<vmem>>, vector<16xi32>,
      %swap3A_1151 = vector.shape_cast %swap3A_1150 : vector<16xi32> to vector<16xi32>
      %swap3A_1152 = vector.shape_cast %add3A_1148 : vector<16xi32> to vector<16xi32>
      tpu.vector_store %arg25[%swap3A_1149], %swap3A_1152 {strides = array<i32>} : memref<16xi32, #tpu.memory_space<vmem>>, vector<16xi32>,
      %mul3A_1153 = arith.constant 64 : i32
      %mul3A_1154 = arith.muli %add3A_1027, %mul3A_1153 : i32
      %add3A_1155 = arith.addi %mul3A_2, %mul3A_1154 : i32
      %dma_start3A_1156 = arith.constant 0 : i32
      %dma_start3A_1157 = tpu.memref_slice %arg5[%add3A_1155, %dma_start3A_1156] : memref<262144x128xf32, #tpu.memory_space<hbm>> -> memref<64x128xf32, #tpu.memory_space<hbm>>
      %dma_start3A_1158 = arith.constant 0 : i32
      %dma_start3A_1159 = tpu.memref_slice %arg5[%add3A_1155, %dma_start3A_1158] : memref<262144x128xf32, #tpu.memory_space<hbm>> -> memref<64x128xf32, #tpu.memory_space<hbm>>
      tpu.enqueue_dma source(%arg11 : memref<64x128xf32, #tpu.memory_space<vmem>>) target(%dma_start3A_1159 : memref<64x128xf32, #tpu.memory_space<hbm>>) target_semaphore(%arg38 : memref<!tpu.dma_semaphore, #tpu.memory_space<semaphore_mem>>)
      %mul3A_1160 = arith.constant 64 : i32
      %mul3A_1161 = arith.muli %add3A_1027, %mul3A_1160 : i32
      %add3A_1162 = arith.addi %mul3A_2, %mul3A_1161 : i32
      %dma_start3A_1163 = tpu.memref_slice %arg6[%add3A_1162] : memref<262144xf32, #tpu.memory_space<hbm>> -> memref<64xf32, #tpu.memory_space<hbm>>
      %dma_start3A_1164 = tpu.memref_slice %arg6[%add3A_1162] : memref<262144xf32, #tpu.memory_space<hbm>> -> memref<64xf32, #tpu.memory_space<hbm>>
      tpu.enqueue_dma source(%arg19 : memref<64xf32, #tpu.memory_space<vmem>>) target(%dma_start3A_1164 : memref<64xf32, #tpu.memory_space<hbm>>) target_semaphore(%arg38 : memref<!tpu.dma_semaphore, #tpu.memory_space<semaphore_mem>>)
      %mul3A_1165 = arith.constant 8 : i32
      %mul3A_1166 = arith.muli %scan3A_1021, %mul3A_1165 : i32
      %add3A_1167 = arith.constant 3 : i32
      %add3A_1168 = arith.addi %mul3A_1166, %add3A_1167 : i32
      %add3A_1169 = arith.constant 1 : i32
      %add3A_1170 = arith.addi %add3A_1168, %add3A_1169 : i32
      %sub3A_1171 = arith.constant 3 : i32
      %sub3A_1172 = arith.subi %add3A_1170, %sub3A_1171 : i32
      %mul3A_1173 = arith.constant 64 : i32
      %mul3A_1174 = arith.muli %sub3A_1172, %mul3A_1173 : i32
      %add3A_1175 = arith.addi %mul3A_2, %mul3A_1174 : i32
      %dma_wait3A_1176 = arith.constant 0 : i32
      %dma_wait3A_1177 = tpu.memref_slice %arg5[%add3A_1175, %dma_wait3A_1176] : memref<262144x128xf32, #tpu.memory_space<hbm>> -> memref<64x128xf32, #tpu.memory_space<hbm>>
      %dma_wait3A_1178 = arith.constant 0 : i32
      %dma_wait3A_1179 = tpu.memref_slice %arg5[%add3A_1175, %dma_wait3A_1178] : memref<262144x128xf32, #tpu.memory_space<hbm>> -> memref<64x128xf32, #tpu.memory_space<hbm>>
      tpu.wait_dma2 semaphore(%arg36 : memref<!tpu.dma_semaphore, #tpu.memory_space<semaphore_mem>>) src(%arg9 : memref<64x128xf32, #tpu.memory_space<vmem>>) dst(%dma_wait3A_1179 : memref<64x128xf32, #tpu.memory_space<hbm>>)
      %mul3A_1180 = arith.constant 64 : i32
      %mul3A_1181 = arith.muli %sub3A_1172, %mul3A_1180 : i32
      %add3A_1182 = arith.addi %mul3A_2, %mul3A_1181 : i32
      %dma_wait3A_1183 = tpu.memref_slice %arg6[%add3A_1182] : memref<262144xf32, #tpu.memory_space<hbm>> -> memref<64xf32, #tpu.memory_space<hbm>>
      %dma_wait3A_1184 = tpu.memref_slice %arg6[%add3A_1182] : memref<262144xf32, #tpu.memory_space<hbm>> -> memref<64xf32, #tpu.memory_space<hbm>>
      tpu.wait_dma2 semaphore(%arg36 : memref<!tpu.dma_semaphore, #tpu.memory_space<semaphore_mem>>) src(%arg17 : memref<64xf32, #tpu.memory_space<vmem>>) dst(%dma_wait3A_1184 : memref<64xf32, #tpu.memory_space<hbm>>)
      %add3A_1185 = arith.constant 5 : i32
      %add3A_1186 = arith.addi %add3A_1170, %add3A_1185 : i32
      %mul3A_1187 = arith.constant 64 : i32
      %mul3A_1188 = arith.muli %add3A_1186, %mul3A_1187 : i32
      %dma_start3A_1189 = tpu.memref_slice %arg7[%mul3A_1188] : memref<8192xi32, #tpu.memory_space<vmem>> -> memref<64xi32, #tpu.memory_space<vmem>>
      %dma_start3A_1190 = arith.constant 0 : i32
      %dma_start3A_1191 = arith.constant 0 : i32
      %dma_start3A_1192 = tpu.memref_slice %arg3[%dma_start3A_1190, %dma_start3A_1191] : memref<100000x128xf32, #tpu.memory_space<hbm>> -> memref<100000x128xf32, #tpu.memory_space<hbm>>
      tpu.enqueue_indirect_dma source(%dma_start3A_1192 : memref<100000x128xf32, #tpu.memory_space<hbm>>) target(%arg9 : memref<64x128xf32, #tpu.memory_space<vmem>>) offsets(%dma_start3A_1189 : memref<64xi32, #tpu.memory_space<vmem>>) semaphore(%arg28 : memref<!tpu.dma_semaphore, #tpu.memory_space<semaphore_mem>>)
      %mul3A_1193 = arith.constant 64 : i32
      %mul3A_1194 = arith.muli %add3A_1186, %mul3A_1193 : i32
      %dma_start3A_1195 = tpu.memref_slice %arg7[%mul3A_1194] : memref<8192xi32, #tpu.memory_space<vmem>> -> memref<64xi32, #tpu.memory_space<vmem>>
      %dma_start3A_1196 = arith.constant 0 : i32
      %dma_start3A_1197 = tpu.memref_slice %arg4[%dma_start3A_1196] : memref<100000xf32, #tpu.memory_space<hbm>> -> memref<100000xf32, #tpu.memory_space<hbm>>
      tpu.enqueue_indirect_dma source(%dma_start3A_1197 : memref<100000xf32, #tpu.memory_space<hbm>>) target(%arg17 : memref<64xf32, #tpu.memory_space<vmem>>) offsets(%dma_start3A_1195 : memref<64xi32, #tpu.memory_space<vmem>>) semaphore(%arg28 : memref<!tpu.dma_semaphore, #tpu.memory_space<semaphore_mem>>)
      %mul3A_1198 = arith.constant 64 : i32
      %mul3A_1199 = arith.muli %add3A_1170, %mul3A_1198 : i32
      %dma_wait3A_1200 = tpu.memref_slice %arg7[%mul3A_1199] : memref<8192xi32, #tpu.memory_space<vmem>> -> memref<64xi32, #tpu.memory_space<vmem>>
      %dma_wait3A_1201 = arith.constant 0 : i32
      %dma_wait3A_1202 = arith.constant 0 : i32
      %dma_wait3A_1203 = tpu.memref_slice %arg3[%dma_wait3A_1201, %dma_wait3A_1202] : memref<100000x128xf32, #tpu.memory_space<hbm>> -> memref<100000x128xf32, #tpu.memory_space<hbm>>
      tpu.wait_indirect_dma semaphore(%arg31 : memref<!tpu.dma_semaphore, #tpu.memory_space<semaphore_mem>>) src(%dma_wait3A_1203 : memref<100000x128xf32, #tpu.memory_space<hbm>>) dst(%arg12 : memref<64x128xf32, #tpu.memory_space<vmem>>)
      %mul3A_1204 = arith.constant 64 : i32
      %mul3A_1205 = arith.muli %add3A_1170, %mul3A_1204 : i32
      %dma_wait3A_1206 = tpu.memref_slice %arg7[%mul3A_1205] : memref<8192xi32, #tpu.memory_space<vmem>> -> memref<64xi32, #tpu.memory_space<vmem>>
      %dma_wait3A_1207 = arith.constant 0 : i32
      %dma_wait3A_1208 = tpu.memref_slice %arg4[%dma_wait3A_1207] : memref<100000xf32, #tpu.memory_space<hbm>> -> memref<100000xf32, #tpu.memory_space<hbm>>
      tpu.wait_indirect_dma semaphore(%arg31 : memref<!tpu.dma_semaphore, #tpu.memory_space<semaphore_mem>>) src(%dma_wait3A_1208 : memref<100000xf32, #tpu.memory_space<hbm>>) dst(%arg20 : memref<64xf32, #tpu.memory_space<vmem>>)
      %mul3A_1209 = arith.constant 64 : i32
      %mul3A_1210 = arith.muli %add3A_1170, %mul3A_1209 : i32
      %add3A_1211 = arith.constant 0 : i32
      %add3A_1212 = arith.addi %mul3A_1210, %add3A_1211 : i32
      %get3A_1213 = arith.index_cast %add3A_1212 : i32 to index
      %get3A_1214 = tpu.vector_load %arg7[%get3A_1213] {strides = array<i32>} : memref<8192xi32, #tpu.memory_space<vmem>>, vector<16xi32>,
      %get3A_1215 = vector.shape_cast %get3A_1214 : vector<16xi32> to vector<16xi32>
      %eq3A_1216 = arith.constant 0 : i32
      %eq3A_1217 = vector.broadcast %eq3A_1216 : i32 to vector<16xi32>
      %eq3A_1218 = arith.cmpi eq, %get3A_1215, %eq3A_1217 : vector<16xi32>
      %get3A_1219 = arith.constant 0 : index
      %get3A_1220 = tpu.vector_load %arg20[%get3A_1219] {strides = array<i32>} : memref<64xf32, #tpu.memory_space<vmem>>, vector<16xf32>,
      %get3A_1221 = vector.shape_cast %get3A_1220 : vector<16xf32> to vector<16xf32>
      %select_n3A_1222 = arith.select %eq3A_1218, %broadcast_in_dim3A_7, %get3A_1221 : vector<16xi1>, vector<16xf32>
      %swap3A_1223 = arith.constant 0 : index
      %swap3A_1224 = tpu.vector_load %arg20[%swap3A_1223] {strides = array<i32>} : memref<64xf32, #tpu.memory_space<vmem>>, vector<16xf32>,
      %swap3A_1225 = vector.shape_cast %swap3A_1224 : vector<16xf32> to vector<16xf32>
      %swap3A_1226 = vector.shape_cast %select_n3A_1222 : vector<16xf32> to vector<16xf32>
      tpu.vector_store %arg20[%swap3A_1223], %swap3A_1226 {strides = array<i32>} : memref<64xf32, #tpu.memory_space<vmem>>, vector<16xf32>,
      %select_n3A_1227 = arith.select %eq3A_1218, %broadcast_in_dim3A_5, %broadcast_in_dim3A_3 : vector<16xi1>, vector<16xi32>
      %add3A_1228 = arith.addi %broadcast_in_dim3A_3, %select_n3A_1227 : vector<16xi32>
      %add3A_1229 = arith.constant 16 : i32
      %add3A_1230 = arith.addi %mul3A_1210, %add3A_1229 : i32
      %get3A_1231 = arith.index_cast %add3A_1230 : i32 to index
      %get3A_1232 = tpu.vector_load %arg7[%get3A_1231] {strides = array<i32>} : memref<8192xi32, #tpu.memory_space<vmem>>, vector<16xi32>,
      %get3A_1233 = vector.shape_cast %get3A_1232 : vector<16xi32> to vector<16xi32>
      %eq3A_1234 = arith.constant 0 : i32
      %eq3A_1235 = vector.broadcast %eq3A_1234 : i32 to vector<16xi32>
      %eq3A_1236 = arith.cmpi eq, %get3A_1233, %eq3A_1235 : vector<16xi32>
      %get3A_1237 = arith.constant 16 : index
      %get3A_1238 = tpu.vector_load %arg20[%get3A_1237] {strides = array<i32>} : memref<64xf32, #tpu.memory_space<vmem>>, vector<16xf32>,
      %get3A_1239 = vector.shape_cast %get3A_1238 : vector<16xf32> to vector<16xf32>
      %select_n3A_1240 = arith.select %eq3A_1236, %broadcast_in_dim3A_7, %get3A_1239 : vector<16xi1>, vector<16xf32>
      %swap3A_1241 = arith.constant 16 : index
      %swap3A_1242 = tpu.vector_load %arg20[%swap3A_1241] {strides = array<i32>} : memref<64xf32, #tpu.memory_space<vmem>>, vector<16xf32>,
      %swap3A_1243 = vector.shape_cast %swap3A_1242 : vector<16xf32> to vector<16xf32>
      %swap3A_1244 = vector.shape_cast %select_n3A_1240 : vector<16xf32> to vector<16xf32>
      tpu.vector_store %arg20[%swap3A_1241], %swap3A_1244 {strides = array<i32>} : memref<64xf32, #tpu.memory_space<vmem>>, vector<16xf32>,
      %select_n3A_1245 = arith.select %eq3A_1236, %broadcast_in_dim3A_5, %broadcast_in_dim3A_3 : vector<16xi1>, vector<16xi32>
      %add3A_1246 = arith.addi %add3A_1228, %select_n3A_1245 : vector<16xi32>
      %add3A_1247 = arith.constant 32 : i32
      %add3A_1248 = arith.addi %mul3A_1210, %add3A_1247 : i32
      %get3A_1249 = arith.index_cast %add3A_1248 : i32 to index
      %get3A_1250 = tpu.vector_load %arg7[%get3A_1249] {strides = array<i32>} : memref<8192xi32, #tpu.memory_space<vmem>>, vector<16xi32>,
      %get3A_1251 = vector.shape_cast %get3A_1250 : vector<16xi32> to vector<16xi32>
      %eq3A_1252 = arith.constant 0 : i32
      %eq3A_1253 = vector.broadcast %eq3A_1252 : i32 to vector<16xi32>
      %eq3A_1254 = arith.cmpi eq, %get3A_1251, %eq3A_1253 : vector<16xi32>
      %get3A_1255 = arith.constant 32 : index
      %get3A_1256 = tpu.vector_load %arg20[%get3A_1255] {strides = array<i32>} : memref<64xf32, #tpu.memory_space<vmem>>, vector<16xf32>,
      %get3A_1257 = vector.shape_cast %get3A_1256 : vector<16xf32> to vector<16xf32>
      %select_n3A_1258 = arith.select %eq3A_1254, %broadcast_in_dim3A_7, %get3A_1257 : vector<16xi1>, vector<16xf32>
      %swap3A_1259 = arith.constant 32 : index
      %swap3A_1260 = tpu.vector_load %arg20[%swap3A_1259] {strides = array<i32>} : memref<64xf32, #tpu.memory_space<vmem>>, vector<16xf32>,
      %swap3A_1261 = vector.shape_cast %swap3A_1260 : vector<16xf32> to vector<16xf32>
      %swap3A_1262 = vector.shape_cast %select_n3A_1258 : vector<16xf32> to vector<16xf32>
      tpu.vector_store %arg20[%swap3A_1259], %swap3A_1262 {strides = array<i32>} : memref<64xf32, #tpu.memory_space<vmem>>, vector<16xf32>,
      %select_n3A_1263 = arith.select %eq3A_1254, %broadcast_in_dim3A_5, %broadcast_in_dim3A_3 : vector<16xi1>, vector<16xi32>
      %add3A_1264 = arith.addi %add3A_1246, %select_n3A_1263 : vector<16xi32>
      %add3A_1265 = arith.constant 48 : i32
      %add3A_1266 = arith.addi %mul3A_1210, %add3A_1265 : i32
      %get3A_1267 = arith.index_cast %add3A_1266 : i32 to index
      %get3A_1268 = tpu.vector_load %arg7[%get3A_1267] {strides = array<i32>} : memref<8192xi32, #tpu.memory_space<vmem>>, vector<16xi32>,
      %get3A_1269 = vector.shape_cast %get3A_1268 : vector<16xi32> to vector<16xi32>
      %eq3A_1270 = arith.constant 0 : i32
      %eq3A_1271 = vector.broadcast %eq3A_1270 : i32 to vector<16xi32>
      %eq3A_1272 = arith.cmpi eq, %get3A_1269, %eq3A_1271 : vector<16xi32>
      %get3A_1273 = arith.constant 48 : index
      %get3A_1274 = tpu.vector_load %arg20[%get3A_1273] {strides = array<i32>} : memref<64xf32, #tpu.memory_space<vmem>>, vector<16xf32>,
      %get3A_1275 = vector.shape_cast %get3A_1274 : vector<16xf32> to vector<16xf32>
      %select_n3A_1276 = arith.select %eq3A_1272, %broadcast_in_dim3A_7, %get3A_1275 : vector<16xi1>, vector<16xf32>
      %swap3A_1277 = arith.constant 48 : index
      %swap3A_1278 = tpu.vector_load %arg20[%swap3A_1277] {strides = array<i32>} : memref<64xf32, #tpu.memory_space<vmem>>, vector<16xf32>,
      %swap3A_1279 = vector.shape_cast %swap3A_1278 : vector<16xf32> to vector<16xf32>
      %swap3A_1280 = vector.shape_cast %select_n3A_1276 : vector<16xf32> to vector<16xf32>
      tpu.vector_store %arg20[%swap3A_1277], %swap3A_1280 {strides = array<i32>} : memref<64xf32, #tpu.memory_space<vmem>>, vector<16xf32>,
      %select_n3A_1281 = arith.select %eq3A_1272, %broadcast_in_dim3A_5, %broadcast_in_dim3A_3 : vector<16xi1>, vector<16xi32>
      %add3A_1282 = arith.addi %add3A_1264, %select_n3A_1281 : vector<16xi32>
      %mul3A_1283 = arith.constant 16 : i32
      %mul3A_1284 = arith.muli %add3A_1170, %mul3A_1283 : i32
      %swap3A_1285 = arith.index_cast %mul3A_1284 : i32 to index
      %swap3A_1286 = tpu.vector_load %arg24[%swap3A_1285] {strides = array<i32>} : memref<2048xi32, #tpu.memory_space<vmem>>, vector<16xi32>,
      %swap3A_1287 = vector.shape_cast %swap3A_1286 : vector<16xi32> to vector<16xi32>
      %swap3A_1288 = vector.shape_cast %add3A_1282 : vector<16xi32> to vector<16xi32>
      tpu.vector_store %arg24[%swap3A_1285], %swap3A_1288 {strides = array<i32>} : memref<2048xi32, #tpu.memory_space<vmem>>, vector<16xi32>,
      %get3A_1289 = arith.constant 0 : index
      %get3A_1290 = tpu.vector_load %arg25[%get3A_1289] {strides = array<i32>} : memref<16xi32, #tpu.memory_space<vmem>>, vector<16xi32>,
      %get3A_1291 = vector.shape_cast %get3A_1290 : vector<16xi32> to vector<16xi32>
      %add3A_1292 = arith.addi %get3A_1291, %add3A_1282 : vector<16xi32>
      %swap3A_1293 = arith.constant 0 : index
      %swap3A_1294 = tpu.vector_load %arg25[%swap3A_1293] {strides = array<i32>} : memref<16xi32, #tpu.memory_space<vmem>>, vector<16xi32>,
      %swap3A_1295 = vector.shape_cast %swap3A_1294 : vector<16xi32> to vector<16xi32>
      %swap3A_1296 = vector.shape_cast %add3A_1292 : vector<16xi32> to vector<16xi32>
      tpu.vector_store %arg25[%swap3A_1293], %swap3A_1296 {strides = array<i32>} : memref<16xi32, #tpu.memory_space<vmem>>, vector<16xi32>,
      %mul3A_1297 = arith.constant 64 : i32
      %mul3A_1298 = arith.muli %add3A_1170, %mul3A_1297 : i32
      %add3A_1299 = arith.addi %mul3A_2, %mul3A_1298 : i32
      %dma_start3A_1300 = arith.constant 0 : i32
      %dma_start3A_1301 = tpu.memref_slice %arg5[%add3A_1299, %dma_start3A_1300] : memref<262144x128xf32, #tpu.memory_space<hbm>> -> memref<64x128xf32, #tpu.memory_space<hbm>>
      %dma_start3A_1302 = arith.constant 0 : i32
      %dma_start3A_1303 = tpu.memref_slice %arg5[%add3A_1299, %dma_start3A_1302] : memref<262144x128xf32, #tpu.memory_space<hbm>> -> memref<64x128xf32, #tpu.memory_space<hbm>>
      tpu.enqueue_dma source(%arg12 : memref<64x128xf32, #tpu.memory_space<vmem>>) target(%dma_start3A_1303 : memref<64x128xf32, #tpu.memory_space<hbm>>) target_semaphore(%arg39 : memref<!tpu.dma_semaphore, #tpu.memory_space<semaphore_mem>>)
      %mul3A_1304 = arith.constant 64 : i32
      %mul3A_1305 = arith.muli %add3A_1170, %mul3A_1304 : i32
      %add3A_1306 = arith.addi %mul3A_2, %mul3A_1305 : i32
      %dma_start3A_1307 = tpu.memref_slice %arg6[%add3A_1306] : memref<262144xf32, #tpu.memory_space<hbm>> -> memref<64xf32, #tpu.memory_space<hbm>>
      %dma_start3A_1308 = tpu.memref_slice %arg6[%add3A_1306] : memref<262144xf32, #tpu.memory_space<hbm>> -> memref<64xf32, #tpu.memory_space<hbm>>
      tpu.enqueue_dma source(%arg20 : memref<64xf32, #tpu.memory_space<vmem>>) target(%dma_start3A_1308 : memref<64xf32, #tpu.memory_space<hbm>>) target_semaphore(%arg39 : memref<!tpu.dma_semaphore, #tpu.memory_space<semaphore_mem>>)
      %mul3A_1309 = arith.constant 8 : i32
      %mul3A_1310 = arith.muli %scan3A_1021, %mul3A_1309 : i32
      %add3A_1311 = arith.constant 3 : i32
      %add3A_1312 = arith.addi %mul3A_1310, %add3A_1311 : i32
      %add3A_1313 = arith.constant 2 : i32
      %add3A_1314 = arith.addi %add3A_1312, %add3A_1313 : i32
      %sub3A_1315 = arith.constant 3 : i32
      %sub3A_1316 = arith.subi %add3A_1314, %sub3A_1315 : i32
      %mul3A_1317 = arith.constant 64 : i32
      %mul3A_1318 = arith.muli %sub3A_1316, %mul3A_1317 : i32
      %add3A_1319 = arith.addi %mul3A_2, %mul3A_1318 : i32
      %dma_wait3A_1320 = arith.constant 0 : i32
      %dma_wait3A_1321 = tpu.memref_slice %arg5[%add3A_1319, %dma_wait3A_1320] : memref<262144x128xf32, #tpu.memory_space<hbm>> -> memref<64x128xf32, #tpu.memory_space<hbm>>
      %dma_wait3A_1322 = arith.constant 0 : i32
      %dma_wait3A_1323 = tpu.memref_slice %arg5[%add3A_1319, %dma_wait3A_1322] : memref<262144x128xf32, #tpu.memory_space<hbm>> -> memref<64x128xf32, #tpu.memory_space<hbm>>
      tpu.wait_dma2 semaphore(%arg37 : memref<!tpu.dma_semaphore, #tpu.memory_space<semaphore_mem>>) src(%arg10 : memref<64x128xf32, #tpu.memory_space<vmem>>) dst(%dma_wait3A_1323 : memref<64x128xf32, #tpu.memory_space<hbm>>)
      %mul3A_1324 = arith.constant 64 : i32
      %mul3A_1325 = arith.muli %sub3A_1316, %mul3A_1324 : i32
      %add3A_1326 = arith.addi %mul3A_2, %mul3A_1325 : i32
      %dma_wait3A_1327 = tpu.memref_slice %arg6[%add3A_1326] : memref<262144xf32, #tpu.memory_space<hbm>> -> memref<64xf32, #tpu.memory_space<hbm>>
      %dma_wait3A_1328 = tpu.memref_slice %arg6[%add3A_1326] : memref<262144xf32, #tpu.memory_space<hbm>> -> memref<64xf32, #tpu.memory_space<hbm>>
      tpu.wait_dma2 semaphore(%arg37 : memref<!tpu.dma_semaphore, #tpu.memory_space<semaphore_mem>>) src(%arg18 : memref<64xf32, #tpu.memory_space<vmem>>) dst(%dma_wait3A_1328 : memref<64xf32, #tpu.memory_space<hbm>>)
      %add3A_1329 = arith.constant 5 : i32
      %add3A_1330 = arith.addi %add3A_1314, %add3A_1329 : i32
      %mul3A_1331 = arith.constant 64 : i32
      %mul3A_1332 = arith.muli %add3A_1330, %mul3A_1331 : i32
      %dma_start3A_1333 = tpu.memref_slice %arg7[%mul3A_1332] : memref<8192xi32, #tpu.memory_space<vmem>> -> memref<64xi32, #tpu.memory_space<vmem>>
      %dma_start3A_1334 = arith.constant 0 : i32
      %dma_start3A_1335 = arith.constant 0 : i32
      %dma_start3A_1336 = tpu.memref_slice %arg3[%dma_start3A_1334, %dma_start3A_1335] : memref<100000x128xf32, #tpu.memory_space<hbm>> -> memref<100000x128xf32, #tpu.memory_space<hbm>>
      tpu.enqueue_indirect_dma source(%dma_start3A_1336 : memref<100000x128xf32, #tpu.memory_space<hbm>>) target(%arg10 : memref<64x128xf32, #tpu.memory_space<vmem>>) offsets(%dma_start3A_1333 : memref<64xi32, #tpu.memory_space<vmem>>) semaphore(%arg29 : memref<!tpu.dma_semaphore, #tpu.memory_space<semaphore_mem>>)
      %mul3A_1337 = arith.constant 64 : i32
      %mul3A_1338 = arith.muli %add3A_1330, %mul3A_1337 : i32
      %dma_start3A_1339 = tpu.memref_slice %arg7[%mul3A_1338] : memref<8192xi32, #tpu.memory_space<vmem>> -> memref<64xi32, #tpu.memory_space<vmem>>
      %dma_start3A_1340 = arith.constant 0 : i32
      %dma_start3A_1341 = tpu.memref_slice %arg4[%dma_start3A_1340] : memref<100000xf32, #tpu.memory_space<hbm>> -> memref<100000xf32, #tpu.memory_space<hbm>>
      tpu.enqueue_indirect_dma source(%dma_start3A_1341 : memref<100000xf32, #tpu.memory_space<hbm>>) target(%arg18 : memref<64xf32, #tpu.memory_space<vmem>>) offsets(%dma_start3A_1339 : memref<64xi32, #tpu.memory_space<vmem>>) semaphore(%arg29 : memref<!tpu.dma_semaphore, #tpu.memory_space<semaphore_mem>>)
      %mul3A_1342 = arith.constant 64 : i32
      %mul3A_1343 = arith.muli %add3A_1314, %mul3A_1342 : i32
      %dma_wait3A_1344 = tpu.memref_slice %arg7[%mul3A_1343] : memref<8192xi32, #tpu.memory_space<vmem>> -> memref<64xi32, #tpu.memory_space<vmem>>
      %dma_wait3A_1345 = arith.constant 0 : i32
      %dma_wait3A_1346 = arith.constant 0 : i32
      %dma_wait3A_1347 = tpu.memref_slice %arg3[%dma_wait3A_1345, %dma_wait3A_1346] : memref<100000x128xf32, #tpu.memory_space<hbm>> -> memref<100000x128xf32, #tpu.memory_space<hbm>>
      tpu.wait_indirect_dma semaphore(%arg32 : memref<!tpu.dma_semaphore, #tpu.memory_space<semaphore_mem>>) src(%dma_wait3A_1347 : memref<100000x128xf32, #tpu.memory_space<hbm>>) dst(%arg13 : memref<64x128xf32, #tpu.memory_space<vmem>>)
      %mul3A_1348 = arith.constant 64 : i32
      %mul3A_1349 = arith.muli %add3A_1314, %mul3A_1348 : i32
      %dma_wait3A_1350 = tpu.memref_slice %arg7[%mul3A_1349] : memref<8192xi32, #tpu.memory_space<vmem>> -> memref<64xi32, #tpu.memory_space<vmem>>
      %dma_wait3A_1351 = arith.constant 0 : i32
      %dma_wait3A_1352 = tpu.memref_slice %arg4[%dma_wait3A_1351] : memref<100000xf32, #tpu.memory_space<hbm>> -> memref<100000xf32, #tpu.memory_space<hbm>>
      tpu.wait_indirect_dma semaphore(%arg32 : memref<!tpu.dma_semaphore, #tpu.memory_space<semaphore_mem>>) src(%dma_wait3A_1352 : memref<100000xf32, #tpu.memory_space<hbm>>) dst(%arg21 : memref<64xf32, #tpu.memory_space<vmem>>)
      %mul3A_1353 = arith.constant 64 : i32
      %mul3A_1354 = arith.muli %add3A_1314, %mul3A_1353 : i32
      %add3A_1355 = arith.constant 0 : i32
      %add3A_1356 = arith.addi %mul3A_1354, %add3A_1355 : i32
      %get3A_1357 = arith.index_cast %add3A_1356 : i32 to index
      %get3A_1358 = tpu.vector_load %arg7[%get3A_1357] {strides = array<i32>} : memref<8192xi32, #tpu.memory_space<vmem>>, vector<16xi32>,
      %get3A_1359 = vector.shape_cast %get3A_1358 : vector<16xi32> to vector<16xi32>
      %eq3A_1360 = arith.constant 0 : i32
      %eq3A_1361 = vector.broadcast %eq3A_1360 : i32 to vector<16xi32>
      %eq3A_1362 = arith.cmpi eq, %get3A_1359, %eq3A_1361 : vector<16xi32>
      %get3A_1363 = arith.constant 0 : index
      %get3A_1364 = tpu.vector_load %arg21[%get3A_1363] {strides = array<i32>} : memref<64xf32, #tpu.memory_space<vmem>>, vector<16xf32>,
      %get3A_1365 = vector.shape_cast %get3A_1364 : vector<16xf32> to vector<16xf32>
      %select_n3A_1366 = arith.select %eq3A_1362, %broadcast_in_dim3A_7, %get3A_1365 : vector<16xi1>, vector<16xf32>
      %swap3A_1367 = arith.constant 0 : index
      %swap3A_1368 = tpu.vector_load %arg21[%swap3A_1367] {strides = array<i32>} : memref<64xf32, #tpu.memory_space<vmem>>, vector<16xf32>,
      %swap3A_1369 = vector.shape_cast %swap3A_1368 : vector<16xf32> to vector<16xf32>
      %swap3A_1370 = vector.shape_cast %select_n3A_1366 : vector<16xf32> to vector<16xf32>
      tpu.vector_store %arg21[%swap3A_1367], %swap3A_1370 {strides = array<i32>} : memref<64xf32, #tpu.memory_space<vmem>>, vector<16xf32>,
      %select_n3A_1371 = arith.select %eq3A_1362, %broadcast_in_dim3A_5, %broadcast_in_dim3A_3 : vector<16xi1>, vector<16xi32>
      %add3A_1372 = arith.addi %broadcast_in_dim3A_3, %select_n3A_1371 : vector<16xi32>
      %add3A_1373 = arith.constant 16 : i32
      %add3A_1374 = arith.addi %mul3A_1354, %add3A_1373 : i32
      %get3A_1375 = arith.index_cast %add3A_1374 : i32 to index
      %get3A_1376 = tpu.vector_load %arg7[%get3A_1375] {strides = array<i32>} : memref<8192xi32, #tpu.memory_space<vmem>>, vector<16xi32>,
      %get3A_1377 = vector.shape_cast %get3A_1376 : vector<16xi32> to vector<16xi32>
      %eq3A_1378 = arith.constant 0 : i32
      %eq3A_1379 = vector.broadcast %eq3A_1378 : i32 to vector<16xi32>
      %eq3A_1380 = arith.cmpi eq, %get3A_1377, %eq3A_1379 : vector<16xi32>
      %get3A_1381 = arith.constant 16 : index
      %get3A_1382 = tpu.vector_load %arg21[%get3A_1381] {strides = array<i32>} : memref<64xf32, #tpu.memory_space<vmem>>, vector<16xf32>,
      %get3A_1383 = vector.shape_cast %get3A_1382 : vector<16xf32> to vector<16xf32>
      %select_n3A_1384 = arith.select %eq3A_1380, %broadcast_in_dim3A_7, %get3A_1383 : vector<16xi1>, vector<16xf32>
      %swap3A_1385 = arith.constant 16 : index
      %swap3A_1386 = tpu.vector_load %arg21[%swap3A_1385] {strides = array<i32>} : memref<64xf32, #tpu.memory_space<vmem>>, vector<16xf32>,
      %swap3A_1387 = vector.shape_cast %swap3A_1386 : vector<16xf32> to vector<16xf32>
      %swap3A_1388 = vector.shape_cast %select_n3A_1384 : vector<16xf32> to vector<16xf32>
      tpu.vector_store %arg21[%swap3A_1385], %swap3A_1388 {strides = array<i32>} : memref<64xf32, #tpu.memory_space<vmem>>, vector<16xf32>,
      %select_n3A_1389 = arith.select %eq3A_1380, %broadcast_in_dim3A_5, %broadcast_in_dim3A_3 : vector<16xi1>, vector<16xi32>
      %add3A_1390 = arith.addi %add3A_1372, %select_n3A_1389 : vector<16xi32>
      %add3A_1391 = arith.constant 32 : i32
      %add3A_1392 = arith.addi %mul3A_1354, %add3A_1391 : i32
      %get3A_1393 = arith.index_cast %add3A_1392 : i32 to index
      %get3A_1394 = tpu.vector_load %arg7[%get3A_1393] {strides = array<i32>} : memref<8192xi32, #tpu.memory_space<vmem>>, vector<16xi32>,
      %get3A_1395 = vector.shape_cast %get3A_1394 : vector<16xi32> to vector<16xi32>
      %eq3A_1396 = arith.constant 0 : i32
      %eq3A_1397 = vector.broadcast %eq3A_1396 : i32 to vector<16xi32>
      %eq3A_1398 = arith.cmpi eq, %get3A_1395, %eq3A_1397 : vector<16xi32>
      %get3A_1399 = arith.constant 32 : index
      %get3A_1400 = tpu.vector_load %arg21[%get3A_1399] {strides = array<i32>} : memref<64xf32, #tpu.memory_space<vmem>>, vector<16xf32>,
      %get3A_1401 = vector.shape_cast %get3A_1400 : vector<16xf32> to vector<16xf32>
      %select_n3A_1402 = arith.select %eq3A_1398, %broadcast_in_dim3A_7, %get3A_1401 : vector<16xi1>, vector<16xf32>
      %swap3A_1403 = arith.constant 32 : index
      %swap3A_1404 = tpu.vector_load %arg21[%swap3A_1403] {strides = array<i32>} : memref<64xf32, #tpu.memory_space<vmem>>, vector<16xf32>,
      %swap3A_1405 = vector.shape_cast %swap3A_1404 : vector<16xf32> to vector<16xf32>
      %swap3A_1406 = vector.shape_cast %select_n3A_1402 : vector<16xf32> to vector<16xf32>
      tpu.vector_store %arg21[%swap3A_1403], %swap3A_1406 {strides = array<i32>} : memref<64xf32, #tpu.memory_space<vmem>>, vector<16xf32>,
      %select_n3A_1407 = arith.select %eq3A_1398, %broadcast_in_dim3A_5, %broadcast_in_dim3A_3 : vector<16xi1>, vector<16xi32>
      %add3A_1408 = arith.addi %add3A_1390, %select_n3A_1407 : vector<16xi32>
      %add3A_1409 = arith.constant 48 : i32
      %add3A_1410 = arith.addi %mul3A_1354, %add3A_1409 : i32
      %get3A_1411 = arith.index_cast %add3A_1410 : i32 to index
      %get3A_1412 = tpu.vector_load %arg7[%get3A_1411] {strides = array<i32>} : memref<8192xi32, #tpu.memory_space<vmem>>, vector<16xi32>,
      %get3A_1413 = vector.shape_cast %get3A_1412 : vector<16xi32> to vector<16xi32>
      %eq3A_1414 = arith.constant 0 : i32
      %eq3A_1415 = vector.broadcast %eq3A_1414 : i32 to vector<16xi32>
      %eq3A_1416 = arith.cmpi eq, %get3A_1413, %eq3A_1415 : vector<16xi32>
      %get3A_1417 = arith.constant 48 : index
      %get3A_1418 = tpu.vector_load %arg21[%get3A_1417] {strides = array<i32>} : memref<64xf32, #tpu.memory_space<vmem>>, vector<16xf32>,
      %get3A_1419 = vector.shape_cast %get3A_1418 : vector<16xf32> to vector<16xf32>
      %select_n3A_1420 = arith.select %eq3A_1416, %broadcast_in_dim3A_7, %get3A_1419 : vector<16xi1>, vector<16xf32>
      %swap3A_1421 = arith.constant 48 : index
      %swap3A_1422 = tpu.vector_load %arg21[%swap3A_1421] {strides = array<i32>} : memref<64xf32, #tpu.memory_space<vmem>>, vector<16xf32>,
      %swap3A_1423 = vector.shape_cast %swap3A_1422 : vector<16xf32> to vector<16xf32>
      %swap3A_1424 = vector.shape_cast %select_n3A_1420 : vector<16xf32> to vector<16xf32>
      tpu.vector_store %arg21[%swap3A_1421], %swap3A_1424 {strides = array<i32>} : memref<64xf32, #tpu.memory_space<vmem>>, vector<16xf32>,
      %select_n3A_1425 = arith.select %eq3A_1416, %broadcast_in_dim3A_5, %broadcast_in_dim3A_3 : vector<16xi1>, vector<16xi32>
      %add3A_1426 = arith.addi %add3A_1408, %select_n3A_1425 : vector<16xi32>
      %mul3A_1427 = arith.constant 16 : i32
      %mul3A_1428 = arith.muli %add3A_1314, %mul3A_1427 : i32
      %swap3A_1429 = arith.index_cast %mul3A_1428 : i32 to index
      %swap3A_1430 = tpu.vector_load %arg24[%swap3A_1429] {strides = array<i32>} : memref<2048xi32, #tpu.memory_space<vmem>>, vector<16xi32>,
      %swap3A_1431 = vector.shape_cast %swap3A_1430 : vector<16xi32> to vector<16xi32>
      %swap3A_1432 = vector.shape_cast %add3A_1426 : vector<16xi32> to vector<16xi32>
      tpu.vector_store %arg24[%swap3A_1429], %swap3A_1432 {strides = array<i32>} : memref<2048xi32, #tpu.memory_space<vmem>>, vector<16xi32>,
      %get3A_1433 = arith.constant 0 : index
      %get3A_1434 = tpu.vector_load %arg25[%get3A_1433] {strides = array<i32>} : memref<16xi32, #tpu.memory_space<vmem>>, vector<16xi32>,
      %get3A_1435 = vector.shape_cast %get3A_1434 : vector<16xi32> to vector<16xi32>
      %add3A_1436 = arith.addi %get3A_1435, %add3A_1426 : vector<16xi32>
      %swap3A_1437 = arith.constant 0 : index
      %swap3A_1438 = tpu.vector_load %arg25[%swap3A_1437] {strides = array<i32>} : memref<16xi32, #tpu.memory_space<vmem>>, vector<16xi32>,
      %swap3A_1439 = vector.shape_cast %swap3A_1438 : vector<16xi32> to vector<16xi32>
      %swap3A_1440 = vector.shape_cast %add3A_1436 : vector<16xi32> to vector<16xi32>
      tpu.vector_store %arg25[%swap3A_1437], %swap3A_1440 {strides = array<i32>} : memref<16xi32, #tpu.memory_space<vmem>>, vector<16xi32>,
      %mul3A_1441 = arith.constant 64 : i32
      %mul3A_1442 = arith.muli %add3A_1314, %mul3A_1441 : i32
      %add3A_1443 = arith.addi %mul3A_2, %mul3A_1442 : i32
      %dma_start3A_1444 = arith.constant 0 : i32
      %dma_start3A_1445 = tpu.memref_slice %arg5[%add3A_1443, %dma_start3A_1444] : memref<262144x128xf32, #tpu.memory_space<hbm>> -> memref<64x128xf32, #tpu.memory_space<hbm>>
      %dma_start3A_1446 = arith.constant 0 : i32
      %dma_start3A_1447 = tpu.memref_slice %arg5[%add3A_1443, %dma_start3A_1446] : memref<262144x128xf32, #tpu.memory_space<hbm>> -> memref<64x128xf32, #tpu.memory_space<hbm>>
      tpu.enqueue_dma source(%arg13 : memref<64x128xf32, #tpu.memory_space<vmem>>) target(%dma_start3A_1447 : memref<64x128xf32, #tpu.memory_space<hbm>>) target_semaphore(%arg40 : memref<!tpu.dma_semaphore, #tpu.memory_space<semaphore_mem>>)
      %mul3A_1448 = arith.constant 64 : i32
      %mul3A_1449 = arith.muli %add3A_1314, %mul3A_1448 : i32
      %add3A_1450 = arith.addi %mul3A_2, %mul3A_1449 : i32
      %dma_start3A_1451 = tpu.memref_slice %arg6[%add3A_1450] : memref<262144xf32, #tpu.memory_space<hbm>> -> memref<64xf32, #tpu.memory_space<hbm>>
      %dma_start3A_1452 = tpu.memref_slice %arg6[%add3A_1450] : memref<262144xf32, #tpu.memory_space<hbm>> -> memref<64xf32, #tpu.memory_space<hbm>>
      tpu.enqueue_dma source(%arg21 : memref<64xf32, #tpu.memory_space<vmem>>) target(%dma_start3A_1452 : memref<64xf32, #tpu.memory_space<hbm>>) target_semaphore(%arg40 : memref<!tpu.dma_semaphore, #tpu.memory_space<semaphore_mem>>)
      %mul3A_1453 = arith.constant 8 : i32
      %mul3A_1454 = arith.muli %scan3A_1021, %mul3A_1453 : i32
      %add3A_1455 = arith.constant 3 : i32
      %add3A_1456 = arith.addi %mul3A_1454, %add3A_1455 : i32
      %add3A_1457 = arith.constant 3 : i32
      %add3A_1458 = arith.addi %add3A_1456, %add3A_1457 : i32
      %sub3A_1459 = arith.constant 3 : i32
      %sub3A_1460 = arith.subi %add3A_1458, %sub3A_1459 : i32
      %mul3A_1461 = arith.constant 64 : i32
      %mul3A_1462 = arith.muli %sub3A_1460, %mul3A_1461 : i32
      %add3A_1463 = arith.addi %mul3A_2, %mul3A_1462 : i32
      %dma_wait3A_1464 = arith.constant 0 : i32
      %dma_wait3A_1465 = tpu.memref_slice %arg5[%add3A_1463, %dma_wait3A_1464] : memref<262144x128xf32, #tpu.memory_space<hbm>> -> memref<64x128xf32, #tpu.memory_space<hbm>>
      %dma_wait3A_1466 = arith.constant 0 : i32
      %dma_wait3A_1467 = tpu.memref_slice %arg5[%add3A_1463, %dma_wait3A_1466] : memref<262144x128xf32, #tpu.memory_space<hbm>> -> memref<64x128xf32, #tpu.memory_space<hbm>>
      tpu.wait_dma2 semaphore(%arg38 : memref<!tpu.dma_semaphore, #tpu.memory_space<semaphore_mem>>) src(%arg11 : memref<64x128xf32, #tpu.memory_space<vmem>>) dst(%dma_wait3A_1467 : memref<64x128xf32, #tpu.memory_space<hbm>>)
      %mul3A_1468 = arith.constant 64 : i32
      %mul3A_1469 = arith.muli %sub3A_1460, %mul3A_1468 : i32
      %add3A_1470 = arith.addi %mul3A_2, %mul3A_1469 : i32
      %dma_wait3A_1471 = tpu.memref_slice %arg6[%add3A_1470] : memref<262144xf32, #tpu.memory_space<hbm>> -> memref<64xf32, #tpu.memory_space<hbm>>
      %dma_wait3A_1472 = tpu.memref_slice %arg6[%add3A_1470] : memref<262144xf32, #tpu.memory_space<hbm>> -> memref<64xf32, #tpu.memory_space<hbm>>
      tpu.wait_dma2 semaphore(%arg38 : memref<!tpu.dma_semaphore, #tpu.memory_space<semaphore_mem>>) src(%arg19 : memref<64xf32, #tpu.memory_space<vmem>>) dst(%dma_wait3A_1472 : memref<64xf32, #tpu.memory_space<hbm>>)
      %add3A_1473 = arith.constant 5 : i32
      %add3A_1474 = arith.addi %add3A_1458, %add3A_1473 : i32
      %mul3A_1475 = arith.constant 64 : i32
      %mul3A_1476 = arith.muli %add3A_1474, %mul3A_1475 : i32
      %dma_start3A_1477 = tpu.memref_slice %arg7[%mul3A_1476] : memref<8192xi32, #tpu.memory_space<vmem>> -> memref<64xi32, #tpu.memory_space<vmem>>
      %dma_start3A_1478 = arith.constant 0 : i32
      %dma_start3A_1479 = arith.constant 0 : i32
      %dma_start3A_1480 = tpu.memref_slice %arg3[%dma_start3A_1478, %dma_start3A_1479] : memref<100000x128xf32, #tpu.memory_space<hbm>> -> memref<100000x128xf32, #tpu.memory_space<hbm>>
      tpu.enqueue_indirect_dma source(%dma_start3A_1480 : memref<100000x128xf32, #tpu.memory_space<hbm>>) target(%arg11 : memref<64x128xf32, #tpu.memory_space<vmem>>) offsets(%dma_start3A_1477 : memref<64xi32, #tpu.memory_space<vmem>>) semaphore(%arg30 : memref<!tpu.dma_semaphore, #tpu.memory_space<semaphore_mem>>)
      %mul3A_1481 = arith.constant 64 : i32
      %mul3A_1482 = arith.muli %add3A_1474, %mul3A_1481 : i32
      %dma_start3A_1483 = tpu.memref_slice %arg7[%mul3A_1482] : memref<8192xi32, #tpu.memory_space<vmem>> -> memref<64xi32, #tpu.memory_space<vmem>>
      %dma_start3A_1484 = arith.constant 0 : i32
      %dma_start3A_1485 = tpu.memref_slice %arg4[%dma_start3A_1484] : memref<100000xf32, #tpu.memory_space<hbm>> -> memref<100000xf32, #tpu.memory_space<hbm>>
      tpu.enqueue_indirect_dma source(%dma_start3A_1485 : memref<100000xf32, #tpu.memory_space<hbm>>) target(%arg19 : memref<64xf32, #tpu.memory_space<vmem>>) offsets(%dma_start3A_1483 : memref<64xi32, #tpu.memory_space<vmem>>) semaphore(%arg30 : memref<!tpu.dma_semaphore, #tpu.memory_space<semaphore_mem>>)
      %mul3A_1486 = arith.constant 64 : i32
      %mul3A_1487 = arith.muli %add3A_1458, %mul3A_1486 : i32
      %dma_wait3A_1488 = tpu.memref_slice %arg7[%mul3A_1487] : memref<8192xi32, #tpu.memory_space<vmem>> -> memref<64xi32, #tpu.memory_space<vmem>>
      %dma_wait3A_1489 = arith.constant 0 : i32
      %dma_wait3A_1490 = arith.constant 0 : i32
      %dma_wait3A_1491 = tpu.memref_slice %arg3[%dma_wait3A_1489, %dma_wait3A_1490] : memref<100000x128xf32, #tpu.memory_space<hbm>> -> memref<100000x128xf32, #tpu.memory_space<hbm>>
      tpu.wait_indirect_dma semaphore(%arg33 : memref<!tpu.dma_semaphore, #tpu.memory_space<semaphore_mem>>) src(%dma_wait3A_1491 : memref<100000x128xf32, #tpu.memory_space<hbm>>) dst(%arg14 : memref<64x128xf32, #tpu.memory_space<vmem>>)
      %mul3A_1492 = arith.constant 64 : i32
      %mul3A_1493 = arith.muli %add3A_1458, %mul3A_1492 : i32
      %dma_wait3A_1494 = tpu.memref_slice %arg7[%mul3A_1493] : memref<8192xi32, #tpu.memory_space<vmem>> -> memref<64xi32, #tpu.memory_space<vmem>>
      %dma_wait3A_1495 = arith.constant 0 : i32
      %dma_wait3A_1496 = tpu.memref_slice %arg4[%dma_wait3A_1495] : memref<100000xf32, #tpu.memory_space<hbm>> -> memref<100000xf32, #tpu.memory_space<hbm>>
      tpu.wait_indirect_dma semaphore(%arg33 : memref<!tpu.dma_semaphore, #tpu.memory_space<semaphore_mem>>) src(%dma_wait3A_1496 : memref<100000xf32, #tpu.memory_space<hbm>>) dst(%arg22 : memref<64xf32, #tpu.memory_space<vmem>>)
      %mul3A_1497 = arith.constant 64 : i32
      %mul3A_1498 = arith.muli %add3A_1458, %mul3A_1497 : i32
      %add3A_1499 = arith.constant 0 : i32
      %add3A_1500 = arith.addi %mul3A_1498, %add3A_1499 : i32
      %get3A_1501 = arith.index_cast %add3A_1500 : i32 to index
      %get3A_1502 = tpu.vector_load %arg7[%get3A_1501] {strides = array<i32>} : memref<8192xi32, #tpu.memory_space<vmem>>, vector<16xi32>,
      %get3A_1503 = vector.shape_cast %get3A_1502 : vector<16xi32> to vector<16xi32>
      %eq3A_1504 = arith.constant 0 : i32
      %eq3A_1505 = vector.broadcast %eq3A_1504 : i32 to vector<16xi32>
      %eq3A_1506 = arith.cmpi eq, %get3A_1503, %eq3A_1505 : vector<16xi32>
      %get3A_1507 = arith.constant 0 : index
      %get3A_1508 = tpu.vector_load %arg22[%get3A_1507] {strides = array<i32>} : memref<64xf32, #tpu.memory_space<vmem>>, vector<16xf32>,
      %get3A_1509 = vector.shape_cast %get3A_1508 : vector<16xf32> to vector<16xf32>
      %select_n3A_1510 = arith.select %eq3A_1506, %broadcast_in_dim3A_7, %get3A_1509 : vector<16xi1>, vector<16xf32>
      %swap3A_1511 = arith.constant 0 : index
      %swap3A_1512 = tpu.vector_load %arg22[%swap3A_1511] {strides = array<i32>} : memref<64xf32, #tpu.memory_space<vmem>>, vector<16xf32>,
      %swap3A_1513 = vector.shape_cast %swap3A_1512 : vector<16xf32> to vector<16xf32>
      %swap3A_1514 = vector.shape_cast %select_n3A_1510 : vector<16xf32> to vector<16xf32>
      tpu.vector_store %arg22[%swap3A_1511], %swap3A_1514 {strides = array<i32>} : memref<64xf32, #tpu.memory_space<vmem>>, vector<16xf32>,
      %select_n3A_1515 = arith.select %eq3A_1506, %broadcast_in_dim3A_5, %broadcast_in_dim3A_3 : vector<16xi1>, vector<16xi32>
      %add3A_1516 = arith.addi %broadcast_in_dim3A_3, %select_n3A_1515 : vector<16xi32>
      %add3A_1517 = arith.constant 16 : i32
      %add3A_1518 = arith.addi %mul3A_1498, %add3A_1517 : i32
      %get3A_1519 = arith.index_cast %add3A_1518 : i32 to index
      %get3A_1520 = tpu.vector_load %arg7[%get3A_1519] {strides = array<i32>} : memref<8192xi32, #tpu.memory_space<vmem>>, vector<16xi32>,
      %get3A_1521 = vector.shape_cast %get3A_1520 : vector<16xi32> to vector<16xi32>
      %eq3A_1522 = arith.constant 0 : i32
      %eq3A_1523 = vector.broadcast %eq3A_1522 : i32 to vector<16xi32>
      %eq3A_1524 = arith.cmpi eq, %get3A_1521, %eq3A_1523 : vector<16xi32>
      %get3A_1525 = arith.constant 16 : index
      %get3A_1526 = tpu.vector_load %arg22[%get3A_1525] {strides = array<i32>} : memref<64xf32, #tpu.memory_space<vmem>>, vector<16xf32>,
      %get3A_1527 = vector.shape_cast %get3A_1526 : vector<16xf32> to vector<16xf32>
      %select_n3A_1528 = arith.select %eq3A_1524, %broadcast_in_dim3A_7, %get3A_1527 : vector<16xi1>, vector<16xf32>
      %swap3A_1529 = arith.constant 16 : index
      %swap3A_1530 = tpu.vector_load %arg22[%swap3A_1529] {strides = array<i32>} : memref<64xf32, #tpu.memory_space<vmem>>, vector<16xf32>,
      %swap3A_1531 = vector.shape_cast %swap3A_1530 : vector<16xf32> to vector<16xf32>
      %swap3A_1532 = vector.shape_cast %select_n3A_1528 : vector<16xf32> to vector<16xf32>
      tpu.vector_store %arg22[%swap3A_1529], %swap3A_1532 {strides = array<i32>} : memref<64xf32, #tpu.memory_space<vmem>>, vector<16xf32>,
      %select_n3A_1533 = arith.select %eq3A_1524, %broadcast_in_dim3A_5, %broadcast_in_dim3A_3 : vector<16xi1>, vector<16xi32>
      %add3A_1534 = arith.addi %add3A_1516, %select_n3A_1533 : vector<16xi32>
      %add3A_1535 = arith.constant 32 : i32
      %add3A_1536 = arith.addi %mul3A_1498, %add3A_1535 : i32
      %get3A_1537 = arith.index_cast %add3A_1536 : i32 to index
      %get3A_1538 = tpu.vector_load %arg7[%get3A_1537] {strides = array<i32>} : memref<8192xi32, #tpu.memory_space<vmem>>, vector<16xi32>,
      %get3A_1539 = vector.shape_cast %get3A_1538 : vector<16xi32> to vector<16xi32>
      %eq3A_1540 = arith.constant 0 : i32
      %eq3A_1541 = vector.broadcast %eq3A_1540 : i32 to vector<16xi32>
      %eq3A_1542 = arith.cmpi eq, %get3A_1539, %eq3A_1541 : vector<16xi32>
      %get3A_1543 = arith.constant 32 : index
      %get3A_1544 = tpu.vector_load %arg22[%get3A_1543] {strides = array<i32>} : memref<64xf32, #tpu.memory_space<vmem>>, vector<16xf32>,
      %get3A_1545 = vector.shape_cast %get3A_1544 : vector<16xf32> to vector<16xf32>
      %select_n3A_1546 = arith.select %eq3A_1542, %broadcast_in_dim3A_7, %get3A_1545 : vector<16xi1>, vector<16xf32>
      %swap3A_1547 = arith.constant 32 : index
      %swap3A_1548 = tpu.vector_load %arg22[%swap3A_1547] {strides = array<i32>} : memref<64xf32, #tpu.memory_space<vmem>>, vector<16xf32>,
      %swap3A_1549 = vector.shape_cast %swap3A_1548 : vector<16xf32> to vector<16xf32>
      %swap3A_1550 = vector.shape_cast %select_n3A_1546 : vector<16xf32> to vector<16xf32>
      tpu.vector_store %arg22[%swap3A_1547], %swap3A_1550 {strides = array<i32>} : memref<64xf32, #tpu.memory_space<vmem>>, vector<16xf32>,
      %select_n3A_1551 = arith.select %eq3A_1542, %broadcast_in_dim3A_5, %broadcast_in_dim3A_3 : vector<16xi1>, vector<16xi32>
      %add3A_1552 = arith.addi %add3A_1534, %select_n3A_1551 : vector<16xi32>
      %add3A_1553 = arith.constant 48 : i32
      %add3A_1554 = arith.addi %mul3A_1498, %add3A_1553 : i32
      %get3A_1555 = arith.index_cast %add3A_1554 : i32 to index
      %get3A_1556 = tpu.vector_load %arg7[%get3A_1555] {strides = array<i32>} : memref<8192xi32, #tpu.memory_space<vmem>>, vector<16xi32>,
      %get3A_1557 = vector.shape_cast %get3A_1556 : vector<16xi32> to vector<16xi32>
      %eq3A_1558 = arith.constant 0 : i32
      %eq3A_1559 = vector.broadcast %eq3A_1558 : i32 to vector<16xi32>
      %eq3A_1560 = arith.cmpi eq, %get3A_1557, %eq3A_1559 : vector<16xi32>
      %get3A_1561 = arith.constant 48 : index
      %get3A_1562 = tpu.vector_load %arg22[%get3A_1561] {strides = array<i32>} : memref<64xf32, #tpu.memory_space<vmem>>, vector<16xf32>,
      %get3A_1563 = vector.shape_cast %get3A_1562 : vector<16xf32> to vector<16xf32>
      %select_n3A_1564 = arith.select %eq3A_1560, %broadcast_in_dim3A_7, %get3A_1563 : vector<16xi1>, vector<16xf32>
      %swap3A_1565 = arith.constant 48 : index
      %swap3A_1566 = tpu.vector_load %arg22[%swap3A_1565] {strides = array<i32>} : memref<64xf32, #tpu.memory_space<vmem>>, vector<16xf32>,
      %swap3A_1567 = vector.shape_cast %swap3A_1566 : vector<16xf32> to vector<16xf32>
      %swap3A_1568 = vector.shape_cast %select_n3A_1564 : vector<16xf32> to vector<16xf32>
      tpu.vector_store %arg22[%swap3A_1565], %swap3A_1568 {strides = array<i32>} : memref<64xf32, #tpu.memory_space<vmem>>, vector<16xf32>,
      %select_n3A_1569 = arith.select %eq3A_1560, %broadcast_in_dim3A_5, %broadcast_in_dim3A_3 : vector<16xi1>, vector<16xi32>
      %add3A_1570 = arith.addi %add3A_1552, %select_n3A_1569 : vector<16xi32>
      %mul3A_1571 = arith.constant 16 : i32
      %mul3A_1572 = arith.muli %add3A_1458, %mul3A_1571 : i32
      %swap3A_1573 = arith.index_cast %mul3A_1572 : i32 to index
      %swap3A_1574 = tpu.vector_load %arg24[%swap3A_1573] {strides = array<i32>} : memref<2048xi32, #tpu.memory_space<vmem>>, vector<16xi32>,
      %swap3A_1575 = vector.shape_cast %swap3A_1574 : vector<16xi32> to vector<16xi32>
      %swap3A_1576 = vector.shape_cast %add3A_1570 : vector<16xi32> to vector<16xi32>
      tpu.vector_store %arg24[%swap3A_1573], %swap3A_1576 {strides = array<i32>} : memref<2048xi32, #tpu.memory_space<vmem>>, vector<16xi32>,
      %get3A_1577 = arith.constant 0 : index
      %get3A_1578 = tpu.vector_load %arg25[%get3A_1577] {strides = array<i32>} : memref<16xi32, #tpu.memory_space<vmem>>, vector<16xi32>,
      %get3A_1579 = vector.shape_cast %get3A_1578 : vector<16xi32> to vector<16xi32>
      %add3A_1580 = arith.addi %get3A_1579, %add3A_1570 : vector<16xi32>
      %swap3A_1581 = arith.constant 0 : index
      %swap3A_1582 = tpu.vector_load %arg25[%swap3A_1581] {strides = array<i32>} : memref<16xi32, #tpu.memory_space<vmem>>, vector<16xi32>,
      %swap3A_1583 = vector.shape_cast %swap3A_1582 : vector<16xi32> to vector<16xi32>
      %swap3A_1584 = vector.shape_cast %add3A_1580 : vector<16xi32> to vector<16xi32>
      tpu.vector_store %arg25[%swap3A_1581], %swap3A_1584 {strides = array<i32>} : memref<16xi32, #tpu.memory_space<vmem>>, vector<16xi32>,
      %mul3A_1585 = arith.constant 64 : i32
      %mul3A_1586 = arith.muli %add3A_1458, %mul3A_1585 : i32
      %add3A_1587 = arith.addi %mul3A_2, %mul3A_1586 : i32
      %dma_start3A_1588 = arith.constant 0 : i32
      %dma_start3A_1589 = tpu.memref_slice %arg5[%add3A_1587, %dma_start3A_1588] : memref<262144x128xf32, #tpu.memory_space<hbm>> -> memref<64x128xf32, #tpu.memory_space<hbm>>
      %dma_start3A_1590 = arith.constant 0 : i32
      %dma_start3A_1591 = tpu.memref_slice %arg5[%add3A_1587, %dma_start3A_1590] : memref<262144x128xf32, #tpu.memory_space<hbm>> -> memref<64x128xf32, #tpu.memory_space<hbm>>
      tpu.enqueue_dma source(%arg14 : memref<64x128xf32, #tpu.memory_space<vmem>>) target(%dma_start3A_1591 : memref<64x128xf32, #tpu.memory_space<hbm>>) target_semaphore(%arg41 : memref<!tpu.dma_semaphore, #tpu.memory_space<semaphore_mem>>)
      %mul3A_1592 = arith.constant 64 : i32
      %mul3A_1593 = arith.muli %add3A_1458, %mul3A_1592 : i32
      %add3A_1594 = arith.addi %mul3A_2, %mul3A_1593 : i32
      %dma_start3A_1595 = tpu.memref_slice %arg6[%add3A_1594] : memref<262144xf32, #tpu.memory_space<hbm>> -> memref<64xf32, #tpu.memory_space<hbm>>
      %dma_start3A_1596 = tpu.memref_slice %arg6[%add3A_1594] : memref<262144xf32, #tpu.memory_space<hbm>> -> memref<64xf32, #tpu.memory_space<hbm>>
      tpu.enqueue_dma source(%arg22 : memref<64xf32, #tpu.memory_space<vmem>>) target(%dma_start3A_1596 : memref<64xf32, #tpu.memory_space<hbm>>) target_semaphore(%arg41 : memref<!tpu.dma_semaphore, #tpu.memory_space<semaphore_mem>>)
      %mul3A_1597 = arith.constant 8 : i32
      %mul3A_1598 = arith.muli %scan3A_1021, %mul3A_1597 : i32
      %add3A_1599 = arith.constant 3 : i32
      %add3A_1600 = arith.addi %mul3A_1598, %add3A_1599 : i32
      %add3A_1601 = arith.constant 4 : i32
      %add3A_1602 = arith.addi %add3A_1600, %add3A_1601 : i32
      %sub3A_1603 = arith.constant 3 : i32
      %sub3A_1604 = arith.subi %add3A_1602, %sub3A_1603 : i32
      %mul3A_1605 = arith.constant 64 : i32
      %mul3A_1606 = arith.muli %sub3A_1604, %mul3A_1605 : i32
      %add3A_1607 = arith.addi %mul3A_2, %mul3A_1606 : i32
      %dma_wait3A_1608 = arith.constant 0 : i32
      %dma_wait3A_1609 = tpu.memref_slice %arg5[%add3A_1607, %dma_wait3A_1608] : memref<262144x128xf32, #tpu.memory_space<hbm>> -> memref<64x128xf32, #tpu.memory_space<hbm>>
      %dma_wait3A_1610 = arith.constant 0 : i32
      %dma_wait3A_1611 = tpu.memref_slice %arg5[%add3A_1607, %dma_wait3A_1610] : memref<262144x128xf32, #tpu.memory_space<hbm>> -> memref<64x128xf32, #tpu.memory_space<hbm>>
      tpu.wait_dma2 semaphore(%arg39 : memref<!tpu.dma_semaphore, #tpu.memory_space<semaphore_mem>>) src(%arg12 : memref<64x128xf32, #tpu.memory_space<vmem>>) dst(%dma_wait3A_1611 : memref<64x128xf32, #tpu.memory_space<hbm>>)
      %mul3A_1612 = arith.constant 64 : i32
      %mul3A_1613 = arith.muli %sub3A_1604, %mul3A_1612 : i32
      %add3A_1614 = arith.addi %mul3A_2, %mul3A_1613 : i32
      %dma_wait3A_1615 = tpu.memref_slice %arg6[%add3A_1614] : memref<262144xf32, #tpu.memory_space<hbm>> -> memref<64xf32, #tpu.memory_space<hbm>>
      %dma_wait3A_1616 = tpu.memref_slice %arg6[%add3A_1614] : memref<262144xf32, #tpu.memory_space<hbm>> -> memref<64xf32, #tpu.memory_space<hbm>>
      tpu.wait_dma2 semaphore(%arg39 : memref<!tpu.dma_semaphore, #tpu.memory_space<semaphore_mem>>) src(%arg20 : memref<64xf32, #tpu.memory_space<vmem>>) dst(%dma_wait3A_1616 : memref<64xf32, #tpu.memory_space<hbm>>)
      %add3A_1617 = arith.constant 5 : i32
      %add3A_1618 = arith.addi %add3A_1602, %add3A_1617 : i32
      %mul3A_1619 = arith.constant 64 : i32
      %mul3A_1620 = arith.muli %add3A_1618, %mul3A_1619 : i32
      %dma_start3A_1621 = tpu.memref_slice %arg7[%mul3A_1620] : memref<8192xi32, #tpu.memory_space<vmem>> -> memref<64xi32, #tpu.memory_space<vmem>>
      %dma_start3A_1622 = arith.constant 0 : i32
      %dma_start3A_1623 = arith.constant 0 : i32
      %dma_start3A_1624 = tpu.memref_slice %arg3[%dma_start3A_1622, %dma_start3A_1623] : memref<100000x128xf32, #tpu.memory_space<hbm>> -> memref<100000x128xf32, #tpu.memory_space<hbm>>
      tpu.enqueue_indirect_dma source(%dma_start3A_1624 : memref<100000x128xf32, #tpu.memory_space<hbm>>) target(%arg12 : memref<64x128xf32, #tpu.memory_space<vmem>>) offsets(%dma_start3A_1621 : memref<64xi32, #tpu.memory_space<vmem>>) semaphore(%arg31 : memref<!tpu.dma_semaphore, #tpu.memory_space<semaphore_mem>>)
      %mul3A_1625 = arith.constant 64 : i32
      %mul3A_1626 = arith.muli %add3A_1618, %mul3A_1625 : i32
      %dma_start3A_1627 = tpu.memref_slice %arg7[%mul3A_1626] : memref<8192xi32, #tpu.memory_space<vmem>> -> memref<64xi32, #tpu.memory_space<vmem>>
      %dma_start3A_1628 = arith.constant 0 : i32
      %dma_start3A_1629 = tpu.memref_slice %arg4[%dma_start3A_1628] : memref<100000xf32, #tpu.memory_space<hbm>> -> memref<100000xf32, #tpu.memory_space<hbm>>
      tpu.enqueue_indirect_dma source(%dma_start3A_1629 : memref<100000xf32, #tpu.memory_space<hbm>>) target(%arg20 : memref<64xf32, #tpu.memory_space<vmem>>) offsets(%dma_start3A_1627 : memref<64xi32, #tpu.memory_space<vmem>>) semaphore(%arg31 : memref<!tpu.dma_semaphore, #tpu.memory_space<semaphore_mem>>)
      %mul3A_1630 = arith.constant 64 : i32
      %mul3A_1631 = arith.muli %add3A_1602, %mul3A_1630 : i32
      %dma_wait3A_1632 = tpu.memref_slice %arg7[%mul3A_1631] : memref<8192xi32, #tpu.memory_space<vmem>> -> memref<64xi32, #tpu.memory_space<vmem>>
      %dma_wait3A_1633 = arith.constant 0 : i32
      %dma_wait3A_1634 = arith.constant 0 : i32
      %dma_wait3A_1635 = tpu.memref_slice %arg3[%dma_wait3A_1633, %dma_wait3A_1634] : memref<100000x128xf32, #tpu.memory_space<hbm>> -> memref<100000x128xf32, #tpu.memory_space<hbm>>
      tpu.wait_indirect_dma semaphore(%arg34 : memref<!tpu.dma_semaphore, #tpu.memory_space<semaphore_mem>>) src(%dma_wait3A_1635 : memref<100000x128xf32, #tpu.memory_space<hbm>>) dst(%arg15 : memref<64x128xf32, #tpu.memory_space<vmem>>)
      %mul3A_1636 = arith.constant 64 : i32
      %mul3A_1637 = arith.muli %add3A_1602, %mul3A_1636 : i32
      %dma_wait3A_1638 = tpu.memref_slice %arg7[%mul3A_1637] : memref<8192xi32, #tpu.memory_space<vmem>> -> memref<64xi32, #tpu.memory_space<vmem>>
      %dma_wait3A_1639 = arith.constant 0 : i32
      %dma_wait3A_1640 = tpu.memref_slice %arg4[%dma_wait3A_1639] : memref<100000xf32, #tpu.memory_space<hbm>> -> memref<100000xf32, #tpu.memory_space<hbm>>
      tpu.wait_indirect_dma semaphore(%arg34 : memref<!tpu.dma_semaphore, #tpu.memory_space<semaphore_mem>>) src(%dma_wait3A_1640 : memref<100000xf32, #tpu.memory_space<hbm>>) dst(%arg23 : memref<64xf32, #tpu.memory_space<vmem>>)
      %mul3A_1641 = arith.constant 64 : i32
      %mul3A_1642 = arith.muli %add3A_1602, %mul3A_1641 : i32
      %add3A_1643 = arith.constant 0 : i32
      %add3A_1644 = arith.addi %mul3A_1642, %add3A_1643 : i32
      %get3A_1645 = arith.index_cast %add3A_1644 : i32 to index
      %get3A_1646 = tpu.vector_load %arg7[%get3A_1645] {strides = array<i32>} : memref<8192xi32, #tpu.memory_space<vmem>>, vector<16xi32>,
      %get3A_1647 = vector.shape_cast %get3A_1646 : vector<16xi32> to vector<16xi32>
      %eq3A_1648 = arith.constant 0 : i32
      %eq3A_1649 = vector.broadcast %eq3A_1648 : i32 to vector<16xi32>
      %eq3A_1650 = arith.cmpi eq, %get3A_1647, %eq3A_1649 : vector<16xi32>
      %get3A_1651 = arith.constant 0 : index
      %get3A_1652 = tpu.vector_load %arg23[%get3A_1651] {strides = array<i32>} : memref<64xf32, #tpu.memory_space<vmem>>, vector<16xf32>,
      %get3A_1653 = vector.shape_cast %get3A_1652 : vector<16xf32> to vector<16xf32>
      %select_n3A_1654 = arith.select %eq3A_1650, %broadcast_in_dim3A_7, %get3A_1653 : vector<16xi1>, vector<16xf32>
      %swap3A_1655 = arith.constant 0 : index
      %swap3A_1656 = tpu.vector_load %arg23[%swap3A_1655] {strides = array<i32>} : memref<64xf32, #tpu.memory_space<vmem>>, vector<16xf32>,
      %swap3A_1657 = vector.shape_cast %swap3A_1656 : vector<16xf32> to vector<16xf32>
      %swap3A_1658 = vector.shape_cast %select_n3A_1654 : vector<16xf32> to vector<16xf32>
      tpu.vector_store %arg23[%swap3A_1655], %swap3A_1658 {strides = array<i32>} : memref<64xf32, #tpu.memory_space<vmem>>, vector<16xf32>,
      %select_n3A_1659 = arith.select %eq3A_1650, %broadcast_in_dim3A_5, %broadcast_in_dim3A_3 : vector<16xi1>, vector<16xi32>
      %add3A_1660 = arith.addi %broadcast_in_dim3A_3, %select_n3A_1659 : vector<16xi32>
      %add3A_1661 = arith.constant 16 : i32
      %add3A_1662 = arith.addi %mul3A_1642, %add3A_1661 : i32
      %get3A_1663 = arith.index_cast %add3A_1662 : i32 to index
      %get3A_1664 = tpu.vector_load %arg7[%get3A_1663] {strides = array<i32>} : memref<8192xi32, #tpu.memory_space<vmem>>, vector<16xi32>,
      %get3A_1665 = vector.shape_cast %get3A_1664 : vector<16xi32> to vector<16xi32>
      %eq3A_1666 = arith.constant 0 : i32
      %eq3A_1667 = vector.broadcast %eq3A_1666 : i32 to vector<16xi32>
      %eq3A_1668 = arith.cmpi eq, %get3A_1665, %eq3A_1667 : vector<16xi32>
      %get3A_1669 = arith.constant 16 : index
      %get3A_1670 = tpu.vector_load %arg23[%get3A_1669] {strides = array<i32>} : memref<64xf32, #tpu.memory_space<vmem>>, vector<16xf32>,
      %get3A_1671 = vector.shape_cast %get3A_1670 : vector<16xf32> to vector<16xf32>
      %select_n3A_1672 = arith.select %eq3A_1668, %broadcast_in_dim3A_7, %get3A_1671 : vector<16xi1>, vector<16xf32>
      %swap3A_1673 = arith.constant 16 : index
      %swap3A_1674 = tpu.vector_load %arg23[%swap3A_1673] {strides = array<i32>} : memref<64xf32, #tpu.memory_space<vmem>>, vector<16xf32>,
      %swap3A_1675 = vector.shape_cast %swap3A_1674 : vector<16xf32> to vector<16xf32>
      %swap3A_1676 = vector.shape_cast %select_n3A_1672 : vector<16xf32> to vector<16xf32>
      tpu.vector_store %arg23[%swap3A_1673], %swap3A_1676 {strides = array<i32>} : memref<64xf32, #tpu.memory_space<vmem>>, vector<16xf32>,
      %select_n3A_1677 = arith.select %eq3A_1668, %broadcast_in_dim3A_5, %broadcast_in_dim3A_3 : vector<16xi1>, vector<16xi32>
      %add3A_1678 = arith.addi %add3A_1660, %select_n3A_1677 : vector<16xi32>
      %add3A_1679 = arith.constant 32 : i32
      %add3A_1680 = arith.addi %mul3A_1642, %add3A_1679 : i32
      %get3A_1681 = arith.index_cast %add3A_1680 : i32 to index
      %get3A_1682 = tpu.vector_load %arg7[%get3A_1681] {strides = array<i32>} : memref<8192xi32, #tpu.memory_space<vmem>>, vector<16xi32>,
      %get3A_1683 = vector.shape_cast %get3A_1682 : vector<16xi32> to vector<16xi32>
      %eq3A_1684 = arith.constant 0 : i32
      %eq3A_1685 = vector.broadcast %eq3A_1684 : i32 to vector<16xi32>
      %eq3A_1686 = arith.cmpi eq, %get3A_1683, %eq3A_1685 : vector<16xi32>
      %get3A_1687 = arith.constant 32 : index
      %get3A_1688 = tpu.vector_load %arg23[%get3A_1687] {strides = array<i32>} : memref<64xf32, #tpu.memory_space<vmem>>, vector<16xf32>,
      %get3A_1689 = vector.shape_cast %get3A_1688 : vector<16xf32> to vector<16xf32>
      %select_n3A_1690 = arith.select %eq3A_1686, %broadcast_in_dim3A_7, %get3A_1689 : vector<16xi1>, vector<16xf32>
      %swap3A_1691 = arith.constant 32 : index
      %swap3A_1692 = tpu.vector_load %arg23[%swap3A_1691] {strides = array<i32>} : memref<64xf32, #tpu.memory_space<vmem>>, vector<16xf32>,
      %swap3A_1693 = vector.shape_cast %swap3A_1692 : vector<16xf32> to vector<16xf32>
      %swap3A_1694 = vector.shape_cast %select_n3A_1690 : vector<16xf32> to vector<16xf32>
      tpu.vector_store %arg23[%swap3A_1691], %swap3A_1694 {strides = array<i32>} : memref<64xf32, #tpu.memory_space<vmem>>, vector<16xf32>,
      %select_n3A_1695 = arith.select %eq3A_1686, %broadcast_in_dim3A_5, %broadcast_in_dim3A_3 : vector<16xi1>, vector<16xi32>
      %add3A_1696 = arith.addi %add3A_1678, %select_n3A_1695 : vector<16xi32>
      %add3A_1697 = arith.constant 48 : i32
      %add3A_1698 = arith.addi %mul3A_1642, %add3A_1697 : i32
      %get3A_1699 = arith.index_cast %add3A_1698 : i32 to index
      %get3A_1700 = tpu.vector_load %arg7[%get3A_1699] {strides = array<i32>} : memref<8192xi32, #tpu.memory_space<vmem>>, vector<16xi32>,
      %get3A_1701 = vector.shape_cast %get3A_1700 : vector<16xi32> to vector<16xi32>
      %eq3A_1702 = arith.constant 0 : i32
      %eq3A_1703 = vector.broadcast %eq3A_1702 : i32 to vector<16xi32>
      %eq3A_1704 = arith.cmpi eq, %get3A_1701, %eq3A_1703 : vector<16xi32>
      %get3A_1705 = arith.constant 48 : index
      %get3A_1706 = tpu.vector_load %arg23[%get3A_1705] {strides = array<i32>} : memref<64xf32, #tpu.memory_space<vmem>>, vector<16xf32>,
      %get3A_1707 = vector.shape_cast %get3A_1706 : vector<16xf32> to vector<16xf32>
      %select_n3A_1708 = arith.select %eq3A_1704, %broadcast_in_dim3A_7, %get3A_1707 : vector<16xi1>, vector<16xf32>
      %swap3A_1709 = arith.constant 48 : index
      %swap3A_1710 = tpu.vector_load %arg23[%swap3A_1709] {strides = array<i32>} : memref<64xf32, #tpu.memory_space<vmem>>, vector<16xf32>,
      %swap3A_1711 = vector.shape_cast %swap3A_1710 : vector<16xf32> to vector<16xf32>
      %swap3A_1712 = vector.shape_cast %select_n3A_1708 : vector<16xf32> to vector<16xf32>
      tpu.vector_store %arg23[%swap3A_1709], %swap3A_1712 {strides = array<i32>} : memref<64xf32, #tpu.memory_space<vmem>>, vector<16xf32>,
      %select_n3A_1713 = arith.select %eq3A_1704, %broadcast_in_dim3A_5, %broadcast_in_dim3A_3 : vector<16xi1>, vector<16xi32>
      %add3A_1714 = arith.addi %add3A_1696, %select_n3A_1713 : vector<16xi32>
      %mul3A_1715 = arith.constant 16 : i32
      %mul3A_1716 = arith.muli %add3A_1602, %mul3A_1715 : i32
      %swap3A_1717 = arith.index_cast %mul3A_1716 : i32 to index
      %swap3A_1718 = tpu.vector_load %arg24[%swap3A_1717] {strides = array<i32>} : memref<2048xi32, #tpu.memory_space<vmem>>, vector<16xi32>,
      %swap3A_1719 = vector.shape_cast %swap3A_1718 : vector<16xi32> to vector<16xi32>
      %swap3A_1720 = vector.shape_cast %add3A_1714 : vector<16xi32> to vector<16xi32>
      tpu.vector_store %arg24[%swap3A_1717], %swap3A_1720 {strides = array<i32>} : memref<2048xi32, #tpu.memory_space<vmem>>, vector<16xi32>,
      %get3A_1721 = arith.constant 0 : index
      %get3A_1722 = tpu.vector_load %arg25[%get3A_1721] {strides = array<i32>} : memref<16xi32, #tpu.memory_space<vmem>>, vector<16xi32>,
      %get3A_1723 = vector.shape_cast %get3A_1722 : vector<16xi32> to vector<16xi32>
      %add3A_1724 = arith.addi %get3A_1723, %add3A_1714 : vector<16xi32>
      %swap3A_1725 = arith.constant 0 : index
      %swap3A_1726 = tpu.vector_load %arg25[%swap3A_1725] {strides = array<i32>} : memref<16xi32, #tpu.memory_space<vmem>>, vector<16xi32>,
      %swap3A_1727 = vector.shape_cast %swap3A_1726 : vector<16xi32> to vector<16xi32>
      %swap3A_1728 = vector.shape_cast %add3A_1724 : vector<16xi32> to vector<16xi32>
      tpu.vector_store %arg25[%swap3A_1725], %swap3A_1728 {strides = array<i32>} : memref<16xi32, #tpu.memory_space<vmem>>, vector<16xi32>,
      %mul3A_1729 = arith.constant 64 : i32
      %mul3A_1730 = arith.muli %add3A_1602, %mul3A_1729 : i32
      %add3A_1731 = arith.addi %mul3A_2, %mul3A_1730 : i32
      %dma_start3A_1732 = arith.constant 0 : i32
      %dma_start3A_1733 = tpu.memref_slice %arg5[%add3A_1731, %dma_start3A_1732] : memref<262144x128xf32, #tpu.memory_space<hbm>> -> memref<64x128xf32, #tpu.memory_space<hbm>>
      %dma_start3A_1734 = arith.constant 0 : i32
      %dma_start3A_1735 = tpu.memref_slice %arg5[%add3A_1731, %dma_start3A_1734] : memref<262144x128xf32, #tpu.memory_space<hbm>> -> memref<64x128xf32, #tpu.memory_space<hbm>>
      tpu.enqueue_dma source(%arg15 : memref<64x128xf32, #tpu.memory_space<vmem>>) target(%dma_start3A_1735 : memref<64x128xf32, #tpu.memory_space<hbm>>) target_semaphore(%arg42 : memref<!tpu.dma_semaphore, #tpu.memory_space<semaphore_mem>>)
      %mul3A_1736 = arith.constant 64 : i32
      %mul3A_1737 = arith.muli %add3A_1602, %mul3A_1736 : i32
      %add3A_1738 = arith.addi %mul3A_2, %mul3A_1737 : i32
      %dma_start3A_1739 = tpu.memref_slice %arg6[%add3A_1738] : memref<262144xf32, #tpu.memory_space<hbm>> -> memref<64xf32, #tpu.memory_space<hbm>>
      %dma_start3A_1740 = tpu.memref_slice %arg6[%add3A_1738] : memref<262144xf32, #tpu.memory_space<hbm>> -> memref<64xf32, #tpu.memory_space<hbm>>
      tpu.enqueue_dma source(%arg23 : memref<64xf32, #tpu.memory_space<vmem>>) target(%dma_start3A_1740 : memref<64xf32, #tpu.memory_space<hbm>>) target_semaphore(%arg42 : memref<!tpu.dma_semaphore, #tpu.memory_space<semaphore_mem>>)
      %mul3A_1741 = arith.constant 8 : i32
      %mul3A_1742 = arith.muli %scan3A_1021, %mul3A_1741 : i32
      %add3A_1743 = arith.constant 3 : i32
      %add3A_1744 = arith.addi %mul3A_1742, %add3A_1743 : i32
      %add3A_1745 = arith.constant 5 : i32
      %add3A_1746 = arith.addi %add3A_1744, %add3A_1745 : i32
      %sub3A_1747 = arith.constant 3 : i32
      %sub3A_1748 = arith.subi %add3A_1746, %sub3A_1747 : i32
      %mul3A_1749 = arith.constant 64 : i32
      %mul3A_1750 = arith.muli %sub3A_1748, %mul3A_1749 : i32
      %add3A_1751 = arith.addi %mul3A_2, %mul3A_1750 : i32
      %dma_wait3A_1752 = arith.constant 0 : i32
      %dma_wait3A_1753 = tpu.memref_slice %arg5[%add3A_1751, %dma_wait3A_1752] : memref<262144x128xf32, #tpu.memory_space<hbm>> -> memref<64x128xf32, #tpu.memory_space<hbm>>
      %dma_wait3A_1754 = arith.constant 0 : i32
      %dma_wait3A_1755 = tpu.memref_slice %arg5[%add3A_1751, %dma_wait3A_1754] : memref<262144x128xf32, #tpu.memory_space<hbm>> -> memref<64x128xf32, #tpu.memory_space<hbm>>
      tpu.wait_dma2 semaphore(%arg40 : memref<!tpu.dma_semaphore, #tpu.memory_space<semaphore_mem>>) src(%arg13 : memref<64x128xf32, #tpu.memory_space<vmem>>) dst(%dma_wait3A_1755 : memref<64x128xf32, #tpu.memory_space<hbm>>)
      %mul3A_1756 = arith.constant 64 : i32
      %mul3A_1757 = arith.muli %sub3A_1748, %mul3A_1756 : i32
      %add3A_1758 = arith.addi %mul3A_2, %mul3A_1757 : i32
      %dma_wait3A_1759 = tpu.memref_slice %arg6[%add3A_1758] : memref<262144xf32, #tpu.memory_space<hbm>> -> memref<64xf32, #tpu.memory_space<hbm>>
      %dma_wait3A_1760 = tpu.memref_slice %arg6[%add3A_1758] : memref<262144xf32, #tpu.memory_space<hbm>> -> memref<64xf32, #tpu.memory_space<hbm>>
      tpu.wait_dma2 semaphore(%arg40 : memref<!tpu.dma_semaphore, #tpu.memory_space<semaphore_mem>>) src(%arg21 : memref<64xf32, #tpu.memory_space<vmem>>) dst(%dma_wait3A_1760 : memref<64xf32, #tpu.memory_space<hbm>>)
      %add3A_1761 = arith.constant 5 : i32
      %add3A_1762 = arith.addi %add3A_1746, %add3A_1761 : i32
      %mul3A_1763 = arith.constant 64 : i32
      %mul3A_1764 = arith.muli %add3A_1762, %mul3A_1763 : i32
      %dma_start3A_1765 = tpu.memref_slice %arg7[%mul3A_1764] : memref<8192xi32, #tpu.memory_space<vmem>> -> memref<64xi32, #tpu.memory_space<vmem>>
      %dma_start3A_1766 = arith.constant 0 : i32
      %dma_start3A_1767 = arith.constant 0 : i32
      %dma_start3A_1768 = tpu.memref_slice %arg3[%dma_start3A_1766, %dma_start3A_1767] : memref<100000x128xf32, #tpu.memory_space<hbm>> -> memref<100000x128xf32, #tpu.memory_space<hbm>>
      tpu.enqueue_indirect_dma source(%dma_start3A_1768 : memref<100000x128xf32, #tpu.memory_space<hbm>>) target(%arg13 : memref<64x128xf32, #tpu.memory_space<vmem>>) offsets(%dma_start3A_1765 : memref<64xi32, #tpu.memory_space<vmem>>) semaphore(%arg32 : memref<!tpu.dma_semaphore, #tpu.memory_space<semaphore_mem>>)
      %mul3A_1769 = arith.constant 64 : i32
      %mul3A_1770 = arith.muli %add3A_1762, %mul3A_1769 : i32
      %dma_start3A_1771 = tpu.memref_slice %arg7[%mul3A_1770] : memref<8192xi32, #tpu.memory_space<vmem>> -> memref<64xi32, #tpu.memory_space<vmem>>
      %dma_start3A_1772 = arith.constant 0 : i32
      %dma_start3A_1773 = tpu.memref_slice %arg4[%dma_start3A_1772] : memref<100000xf32, #tpu.memory_space<hbm>> -> memref<100000xf32, #tpu.memory_space<hbm>>
      tpu.enqueue_indirect_dma source(%dma_start3A_1773 : memref<100000xf32, #tpu.memory_space<hbm>>) target(%arg21 : memref<64xf32, #tpu.memory_space<vmem>>) offsets(%dma_start3A_1771 : memref<64xi32, #tpu.memory_space<vmem>>) semaphore(%arg32 : memref<!tpu.dma_semaphore, #tpu.memory_space<semaphore_mem>>)
      %mul3A_1774 = arith.constant 64 : i32
      %mul3A_1775 = arith.muli %add3A_1746, %mul3A_1774 : i32
      %dma_wait3A_1776 = tpu.memref_slice %arg7[%mul3A_1775] : memref<8192xi32, #tpu.memory_space<vmem>> -> memref<64xi32, #tpu.memory_space<vmem>>
      %dma_wait3A_1777 = arith.constant 0 : i32
      %dma_wait3A_1778 = arith.constant 0 : i32
      %dma_wait3A_1779 = tpu.memref_slice %arg3[%dma_wait3A_1777, %dma_wait3A_1778] : memref<100000x128xf32, #tpu.memory_space<hbm>> -> memref<100000x128xf32, #tpu.memory_space<hbm>>
      tpu.wait_indirect_dma semaphore(%arg27 : memref<!tpu.dma_semaphore, #tpu.memory_space<semaphore_mem>>) src(%dma_wait3A_1779 : memref<100000x128xf32, #tpu.memory_space<hbm>>) dst(%arg8 : memref<64x128xf32, #tpu.memory_space<vmem>>)
      %mul3A_1780 = arith.constant 64 : i32
      %mul3A_1781 = arith.muli %add3A_1746, %mul3A_1780 : i32
      %dma_wait3A_1782 = tpu.memref_slice %arg7[%mul3A_1781] : memref<8192xi32, #tpu.memory_space<vmem>> -> memref<64xi32, #tpu.memory_space<vmem>>
      %dma_wait3A_1783 = arith.constant 0 : i32
      %dma_wait3A_1784 = tpu.memref_slice %arg4[%dma_wait3A_1783] : memref<100000xf32, #tpu.memory_space<hbm>> -> memref<100000xf32, #tpu.memory_space<hbm>>
      tpu.wait_indirect_dma semaphore(%arg27 : memref<!tpu.dma_semaphore, #tpu.memory_space<semaphore_mem>>) src(%dma_wait3A_1784 : memref<100000xf32, #tpu.memory_space<hbm>>) dst(%arg16 : memref<64xf32, #tpu.memory_space<vmem>>)
      %mul3A_1785 = arith.constant 64 : i32
      %mul3A_1786 = arith.muli %add3A_1746, %mul3A_1785 : i32
      %add3A_1787 = arith.constant 0 : i32
      %add3A_1788 = arith.addi %mul3A_1786, %add3A_1787 : i32
      %get3A_1789 = arith.index_cast %add3A_1788 : i32 to index
      %get3A_1790 = tpu.vector_load %arg7[%get3A_1789] {strides = array<i32>} : memref<8192xi32, #tpu.memory_space<vmem>>, vector<16xi32>,
      %get3A_1791 = vector.shape_cast %get3A_1790 : vector<16xi32> to vector<16xi32>
      %eq3A_1792 = arith.constant 0 : i32
      %eq3A_1793 = vector.broadcast %eq3A_1792 : i32 to vector<16xi32>
      %eq3A_1794 = arith.cmpi eq, %get3A_1791, %eq3A_1793 : vector<16xi32>
      %get3A_1795 = arith.constant 0 : index
      %get3A_1796 = tpu.vector_load %arg16[%get3A_1795] {strides = array<i32>} : memref<64xf32, #tpu.memory_space<vmem>>, vector<16xf32>,
      %get3A_1797 = vector.shape_cast %get3A_1796 : vector<16xf32> to vector<16xf32>
      %select_n3A_1798 = arith.select %eq3A_1794, %broadcast_in_dim3A_7, %get3A_1797 : vector<16xi1>, vector<16xf32>
      %swap3A_1799 = arith.constant 0 : index
      %swap3A_1800 = tpu.vector_load %arg16[%swap3A_1799] {strides = array<i32>} : memref<64xf32, #tpu.memory_space<vmem>>, vector<16xf32>,
      %swap3A_1801 = vector.shape_cast %swap3A_1800 : vector<16xf32> to vector<16xf32>
      %swap3A_1802 = vector.shape_cast %select_n3A_1798 : vector<16xf32> to vector<16xf32>
      tpu.vector_store %arg16[%swap3A_1799], %swap3A_1802 {strides = array<i32>} : memref<64xf32, #tpu.memory_space<vmem>>, vector<16xf32>,
      %select_n3A_1803 = arith.select %eq3A_1794, %broadcast_in_dim3A_5, %broadcast_in_dim3A_3 : vector<16xi1>, vector<16xi32>
      %add3A_1804 = arith.addi %broadcast_in_dim3A_3, %select_n3A_1803 : vector<16xi32>
      %add3A_1805 = arith.constant 16 : i32
      %add3A_1806 = arith.addi %mul3A_1786, %add3A_1805 : i32
      %get3A_1807 = arith.index_cast %add3A_1806 : i32 to index
      %get3A_1808 = tpu.vector_load %arg7[%get3A_1807] {strides = array<i32>} : memref<8192xi32, #tpu.memory_space<vmem>>, vector<16xi32>,
      %get3A_1809 = vector.shape_cast %get3A_1808 : vector<16xi32> to vector<16xi32>
      %eq3A_1810 = arith.constant 0 : i32
      %eq3A_1811 = vector.broadcast %eq3A_1810 : i32 to vector<16xi32>
      %eq3A_1812 = arith.cmpi eq, %get3A_1809, %eq3A_1811 : vector<16xi32>
      %get3A_1813 = arith.constant 16 : index
      %get3A_1814 = tpu.vector_load %arg16[%get3A_1813] {strides = array<i32>} : memref<64xf32, #tpu.memory_space<vmem>>, vector<16xf32>,
      %get3A_1815 = vector.shape_cast %get3A_1814 : vector<16xf32> to vector<16xf32>
      %select_n3A_1816 = arith.select %eq3A_1812, %broadcast_in_dim3A_7, %get3A_1815 : vector<16xi1>, vector<16xf32>
      %swap3A_1817 = arith.constant 16 : index
      %swap3A_1818 = tpu.vector_load %arg16[%swap3A_1817] {strides = array<i32>} : memref<64xf32, #tpu.memory_space<vmem>>, vector<16xf32>,
      %swap3A_1819 = vector.shape_cast %swap3A_1818 : vector<16xf32> to vector<16xf32>
      %swap3A_1820 = vector.shape_cast %select_n3A_1816 : vector<16xf32> to vector<16xf32>
      tpu.vector_store %arg16[%swap3A_1817], %swap3A_1820 {strides = array<i32>} : memref<64xf32, #tpu.memory_space<vmem>>, vector<16xf32>,
      %select_n3A_1821 = arith.select %eq3A_1812, %broadcast_in_dim3A_5, %broadcast_in_dim3A_3 : vector<16xi1>, vector<16xi32>
      %add3A_1822 = arith.addi %add3A_1804, %select_n3A_1821 : vector<16xi32>
      %add3A_1823 = arith.constant 32 : i32
      %add3A_1824 = arith.addi %mul3A_1786, %add3A_1823 : i32
      %get3A_1825 = arith.index_cast %add3A_1824 : i32 to index
      %get3A_1826 = tpu.vector_load %arg7[%get3A_1825] {strides = array<i32>} : memref<8192xi32, #tpu.memory_space<vmem>>, vector<16xi32>,
      %get3A_1827 = vector.shape_cast %get3A_1826 : vector<16xi32> to vector<16xi32>
      %eq3A_1828 = arith.constant 0 : i32
      %eq3A_1829 = vector.broadcast %eq3A_1828 : i32 to vector<16xi32>
      %eq3A_1830 = arith.cmpi eq, %get3A_1827, %eq3A_1829 : vector<16xi32>
      %get3A_1831 = arith.constant 32 : index
      %get3A_1832 = tpu.vector_load %arg16[%get3A_1831] {strides = array<i32>} : memref<64xf32, #tpu.memory_space<vmem>>, vector<16xf32>,
      %get3A_1833 = vector.shape_cast %get3A_1832 : vector<16xf32> to vector<16xf32>
      %select_n3A_1834 = arith.select %eq3A_1830, %broadcast_in_dim3A_7, %get3A_1833 : vector<16xi1>, vector<16xf32>
      %swap3A_1835 = arith.constant 32 : index
      %swap3A_1836 = tpu.vector_load %arg16[%swap3A_1835] {strides = array<i32>} : memref<64xf32, #tpu.memory_space<vmem>>, vector<16xf32>,
      %swap3A_1837 = vector.shape_cast %swap3A_1836 : vector<16xf32> to vector<16xf32>
      %swap3A_1838 = vector.shape_cast %select_n3A_1834 : vector<16xf32> to vector<16xf32>
      tpu.vector_store %arg16[%swap3A_1835], %swap3A_1838 {strides = array<i32>} : memref<64xf32, #tpu.memory_space<vmem>>, vector<16xf32>,
      %select_n3A_1839 = arith.select %eq3A_1830, %broadcast_in_dim3A_5, %broadcast_in_dim3A_3 : vector<16xi1>, vector<16xi32>
      %add3A_1840 = arith.addi %add3A_1822, %select_n3A_1839 : vector<16xi32>
      %add3A_1841 = arith.constant 48 : i32
      %add3A_1842 = arith.addi %mul3A_1786, %add3A_1841 : i32
      %get3A_1843 = arith.index_cast %add3A_1842 : i32 to index
      %get3A_1844 = tpu.vector_load %arg7[%get3A_1843] {strides = array<i32>} : memref<8192xi32, #tpu.memory_space<vmem>>, vector<16xi32>,
      %get3A_1845 = vector.shape_cast %get3A_1844 : vector<16xi32> to vector<16xi32>
      %eq3A_1846 = arith.constant 0 : i32
      %eq3A_1847 = vector.broadcast %eq3A_1846 : i32 to vector<16xi32>
      %eq3A_1848 = arith.cmpi eq, %get3A_1845, %eq3A_1847 : vector<16xi32>
      %get3A_1849 = arith.constant 48 : index
      %get3A_1850 = tpu.vector_load %arg16[%get3A_1849] {strides = array<i32>} : memref<64xf32, #tpu.memory_space<vmem>>, vector<16xf32>,
      %get3A_1851 = vector.shape_cast %get3A_1850 : vector<16xf32> to vector<16xf32>
      %select_n3A_1852 = arith.select %eq3A_1848, %broadcast_in_dim3A_7, %get3A_1851 : vector<16xi1>, vector<16xf32>
      %swap3A_1853 = arith.constant 48 : index
      %swap3A_1854 = tpu.vector_load %arg16[%swap3A_1853] {strides = array<i32>} : memref<64xf32, #tpu.memory_space<vmem>>, vector<16xf32>,
      %swap3A_1855 = vector.shape_cast %swap3A_1854 : vector<16xf32> to vector<16xf32>
      %swap3A_1856 = vector.shape_cast %select_n3A_1852 : vector<16xf32> to vector<16xf32>
      tpu.vector_store %arg16[%swap3A_1853], %swap3A_1856 {strides = array<i32>} : memref<64xf32, #tpu.memory_space<vmem>>, vector<16xf32>,
      %select_n3A_1857 = arith.select %eq3A_1848, %broadcast_in_dim3A_5, %broadcast_in_dim3A_3 : vector<16xi1>, vector<16xi32>
      %add3A_1858 = arith.addi %add3A_1840, %select_n3A_1857 : vector<16xi32>
      %mul3A_1859 = arith.constant 16 : i32
      %mul3A_1860 = arith.muli %add3A_1746, %mul3A_1859 : i32
      %swap3A_1861 = arith.index_cast %mul3A_1860 : i32 to index
      %swap3A_1862 = tpu.vector_load %arg24[%swap3A_1861] {strides = array<i32>} : memref<2048xi32, #tpu.memory_space<vmem>>, vector<16xi32>,
      %swap3A_1863 = vector.shape_cast %swap3A_1862 : vector<16xi32> to vector<16xi32>
      %swap3A_1864 = vector.shape_cast %add3A_1858 : vector<16xi32> to vector<16xi32>
      tpu.vector_store %arg24[%swap3A_1861], %swap3A_1864 {strides = array<i32>} : memref<2048xi32, #tpu.memory_space<vmem>>, vector<16xi32>,
      %get3A_1865 = arith.constant 0 : index
      %get3A_1866 = tpu.vector_load %arg25[%get3A_1865] {strides = array<i32>} : memref<16xi32, #tpu.memory_space<vmem>>, vector<16xi32>,
      %get3A_1867 = vector.shape_cast %get3A_1866 : vector<16xi32> to vector<16xi32>
      %add3A_1868 = arith.addi %get3A_1867, %add3A_1858 : vector<16xi32>
      %swap3A_1869 = arith.constant 0 : index
      %swap3A_1870 = tpu.vector_load %arg25[%swap3A_1869] {strides = array<i32>} : memref<16xi32, #tpu.memory_space<vmem>>, vector<16xi32>,
      %swap3A_1871 = vector.shape_cast %swap3A_1870 : vector<16xi32> to vector<16xi32>
      %swap3A_1872 = vector.shape_cast %add3A_1868 : vector<16xi32> to vector<16xi32>
      tpu.vector_store %arg25[%swap3A_1869], %swap3A_1872 {strides = array<i32>} : memref<16xi32, #tpu.memory_space<vmem>>, vector<16xi32>,
      %mul3A_1873 = arith.constant 64 : i32
      %mul3A_1874 = arith.muli %add3A_1746, %mul3A_1873 : i32
      %add3A_1875 = arith.addi %mul3A_2, %mul3A_1874 : i32
      %dma_start3A_1876 = arith.constant 0 : i32
      %dma_start3A_1877 = tpu.memref_slice %arg5[%add3A_1875, %dma_start3A_1876] : memref<262144x128xf32, #tpu.memory_space<hbm>> -> memref<64x128xf32, #tpu.memory_space<hbm>>
      %dma_start3A_1878 = arith.constant 0 : i32
      %dma_start3A_1879 = tpu.memref_slice %arg5[%add3A_1875, %dma_start3A_1878] : memref<262144x128xf32, #tpu.memory_space<hbm>> -> memref<64x128xf32, #tpu.memory_space<hbm>>
      tpu.enqueue_dma source(%arg8 : memref<64x128xf32, #tpu.memory_space<vmem>>) target(%dma_start3A_1879 : memref<64x128xf32, #tpu.memory_space<hbm>>) target_semaphore(%arg35 : memref<!tpu.dma_semaphore, #tpu.memory_space<semaphore_mem>>)
      %mul3A_1880 = arith.constant 64 : i32
      %mul3A_1881 = arith.muli %add3A_1746, %mul3A_1880 : i32
      %add3A_1882 = arith.addi %mul3A_2, %mul3A_1881 : i32
      %dma_start3A_1883 = tpu.memref_slice %arg6[%add3A_1882] : memref<262144xf32, #tpu.memory_space<hbm>> -> memref<64xf32, #tpu.memory_space<hbm>>
      %dma_start3A_1884 = tpu.memref_slice %arg6[%add3A_1882] : memref<262144xf32, #tpu.memory_space<hbm>> -> memref<64xf32, #tpu.memory_space<hbm>>
      tpu.enqueue_dma source(%arg16 : memref<64xf32, #tpu.memory_space<vmem>>) target(%dma_start3A_1884 : memref<64xf32, #tpu.memory_space<hbm>>) target_semaphore(%arg35 : memref<!tpu.dma_semaphore, #tpu.memory_space<semaphore_mem>>)
      %mul3A_1885 = arith.constant 8 : i32
      %mul3A_1886 = arith.muli %scan3A_1021, %mul3A_1885 : i32
      %add3A_1887 = arith.constant 3 : i32
      %add3A_1888 = arith.addi %mul3A_1886, %add3A_1887 : i32
      %add3A_1889 = arith.constant 6 : i32
      %add3A_1890 = arith.addi %add3A_1888, %add3A_1889 : i32
      %sub3A_1891 = arith.constant 3 : i32
      %sub3A_1892 = arith.subi %add3A_1890, %sub3A_1891 : i32
      %mul3A_1893 = arith.constant 64 : i32
      %mul3A_1894 = arith.muli %sub3A_1892, %mul3A_1893 : i32
      %add3A_1895 = arith.addi %mul3A_2, %mul3A_1894 : i32
      %dma_wait3A_1896 = arith.constant 0 : i32
      %dma_wait3A_1897 = tpu.memref_slice %arg5[%add3A_1895, %dma_wait3A_1896] : memref<262144x128xf32, #tpu.memory_space<hbm>> -> memref<64x128xf32, #tpu.memory_space<hbm>>
      %dma_wait3A_1898 = arith.constant 0 : i32
      %dma_wait3A_1899 = tpu.memref_slice %arg5[%add3A_1895, %dma_wait3A_1898] : memref<262144x128xf32, #tpu.memory_space<hbm>> -> memref<64x128xf32, #tpu.memory_space<hbm>>
      tpu.wait_dma2 semaphore(%arg41 : memref<!tpu.dma_semaphore, #tpu.memory_space<semaphore_mem>>) src(%arg14 : memref<64x128xf32, #tpu.memory_space<vmem>>) dst(%dma_wait3A_1899 : memref<64x128xf32, #tpu.memory_space<hbm>>)
      %mul3A_1900 = arith.constant 64 : i32
      %mul3A_1901 = arith.muli %sub3A_1892, %mul3A_1900 : i32
      %add3A_1902 = arith.addi %mul3A_2, %mul3A_1901 : i32
      %dma_wait3A_1903 = tpu.memref_slice %arg6[%add3A_1902] : memref<262144xf32, #tpu.memory_space<hbm>> -> memref<64xf32, #tpu.memory_space<hbm>>
      %dma_wait3A_1904 = tpu.memref_slice %arg6[%add3A_1902] : memref<262144xf32, #tpu.memory_space<hbm>> -> memref<64xf32, #tpu.memory_space<hbm>>
      tpu.wait_dma2 semaphore(%arg41 : memref<!tpu.dma_semaphore, #tpu.memory_space<semaphore_mem>>) src(%arg22 : memref<64xf32, #tpu.memory_space<vmem>>) dst(%dma_wait3A_1904 : memref<64xf32, #tpu.memory_space<hbm>>)
      %add3A_1905 = arith.constant 5 : i32
      %add3A_1906 = arith.addi %add3A_1890, %add3A_1905 : i32
      %mul3A_1907 = arith.constant 64 : i32
      %mul3A_1908 = arith.muli %add3A_1906, %mul3A_1907 : i32
      %dma_start3A_1909 = tpu.memref_slice %arg7[%mul3A_1908] : memref<8192xi32, #tpu.memory_space<vmem>> -> memref<64xi32, #tpu.memory_space<vmem>>
      %dma_start3A_1910 = arith.constant 0 : i32
      %dma_start3A_1911 = arith.constant 0 : i32
      %dma_start3A_1912 = tpu.memref_slice %arg3[%dma_start3A_1910, %dma_start3A_1911] : memref<100000x128xf32, #tpu.memory_space<hbm>> -> memref<100000x128xf32, #tpu.memory_space<hbm>>
      tpu.enqueue_indirect_dma source(%dma_start3A_1912 : memref<100000x128xf32, #tpu.memory_space<hbm>>) target(%arg14 : memref<64x128xf32, #tpu.memory_space<vmem>>) offsets(%dma_start3A_1909 : memref<64xi32, #tpu.memory_space<vmem>>) semaphore(%arg33 : memref<!tpu.dma_semaphore, #tpu.memory_space<semaphore_mem>>)
      %mul3A_1913 = arith.constant 64 : i32
      %mul3A_1914 = arith.muli %add3A_1906, %mul3A_1913 : i32
      %dma_start3A_1915 = tpu.memref_slice %arg7[%mul3A_1914] : memref<8192xi32, #tpu.memory_space<vmem>> -> memref<64xi32, #tpu.memory_space<vmem>>
      %dma_start3A_1916 = arith.constant 0 : i32
      %dma_start3A_1917 = tpu.memref_slice %arg4[%dma_start3A_1916] : memref<100000xf32, #tpu.memory_space<hbm>> -> memref<100000xf32, #tpu.memory_space<hbm>>
      tpu.enqueue_indirect_dma source(%dma_start3A_1917 : memref<100000xf32, #tpu.memory_space<hbm>>) target(%arg22 : memref<64xf32, #tpu.memory_space<vmem>>) offsets(%dma_start3A_1915 : memref<64xi32, #tpu.memory_space<vmem>>) semaphore(%arg33 : memref<!tpu.dma_semaphore, #tpu.memory_space<semaphore_mem>>)
      %mul3A_1918 = arith.constant 64 : i32
      %mul3A_1919 = arith.muli %add3A_1890, %mul3A_1918 : i32
      %dma_wait3A_1920 = tpu.memref_slice %arg7[%mul3A_1919] : memref<8192xi32, #tpu.memory_space<vmem>> -> memref<64xi32, #tpu.memory_space<vmem>>
      %dma_wait3A_1921 = arith.constant 0 : i32
      %dma_wait3A_1922 = arith.constant 0 : i32
      %dma_wait3A_1923 = tpu.memref_slice %arg3[%dma_wait3A_1921, %dma_wait3A_1922] : memref<100000x128xf32, #tpu.memory_space<hbm>> -> memref<100000x128xf32, #tpu.memory_space<hbm>>
      tpu.wait_indirect_dma semaphore(%arg28 : memref<!tpu.dma_semaphore, #tpu.memory_space<semaphore_mem>>) src(%dma_wait3A_1923 : memref<100000x128xf32, #tpu.memory_space<hbm>>) dst(%arg9 : memref<64x128xf32, #tpu.memory_space<vmem>>)
      %mul3A_1924 = arith.constant 64 : i32
      %mul3A_1925 = arith.muli %add3A_1890, %mul3A_1924 : i32
      %dma_wait3A_1926 = tpu.memref_slice %arg7[%mul3A_1925] : memref<8192xi32, #tpu.memory_space<vmem>> -> memref<64xi32, #tpu.memory_space<vmem>>
      %dma_wait3A_1927 = arith.constant 0 : i32
      %dma_wait3A_1928 = tpu.memref_slice %arg4[%dma_wait3A_1927] : memref<100000xf32, #tpu.memory_space<hbm>> -> memref<100000xf32, #tpu.memory_space<hbm>>
      tpu.wait_indirect_dma semaphore(%arg28 : memref<!tpu.dma_semaphore, #tpu.memory_space<semaphore_mem>>) src(%dma_wait3A_1928 : memref<100000xf32, #tpu.memory_space<hbm>>) dst(%arg17 : memref<64xf32, #tpu.memory_space<vmem>>)
      %mul3A_1929 = arith.constant 64 : i32
      %mul3A_1930 = arith.muli %add3A_1890, %mul3A_1929 : i32
      %add3A_1931 = arith.constant 0 : i32
      %add3A_1932 = arith.addi %mul3A_1930, %add3A_1931 : i32
      %get3A_1933 = arith.index_cast %add3A_1932 : i32 to index
      %get3A_1934 = tpu.vector_load %arg7[%get3A_1933] {strides = array<i32>} : memref<8192xi32, #tpu.memory_space<vmem>>, vector<16xi32>,
      %get3A_1935 = vector.shape_cast %get3A_1934 : vector<16xi32> to vector<16xi32>
      %eq3A_1936 = arith.constant 0 : i32
      %eq3A_1937 = vector.broadcast %eq3A_1936 : i32 to vector<16xi32>
      %eq3A_1938 = arith.cmpi eq, %get3A_1935, %eq3A_1937 : vector<16xi32>
      %get3A_1939 = arith.constant 0 : index
      %get3A_1940 = tpu.vector_load %arg17[%get3A_1939] {strides = array<i32>} : memref<64xf32, #tpu.memory_space<vmem>>, vector<16xf32>,
      %get3A_1941 = vector.shape_cast %get3A_1940 : vector<16xf32> to vector<16xf32>
      %select_n3A_1942 = arith.select %eq3A_1938, %broadcast_in_dim3A_7, %get3A_1941 : vector<16xi1>, vector<16xf32>
      %swap3A_1943 = arith.constant 0 : index
      %swap3A_1944 = tpu.vector_load %arg17[%swap3A_1943] {strides = array<i32>} : memref<64xf32, #tpu.memory_space<vmem>>, vector<16xf32>,
      %swap3A_1945 = vector.shape_cast %swap3A_1944 : vector<16xf32> to vector<16xf32>
      %swap3A_1946 = vector.shape_cast %select_n3A_1942 : vector<16xf32> to vector<16xf32>
      tpu.vector_store %arg17[%swap3A_1943], %swap3A_1946 {strides = array<i32>} : memref<64xf32, #tpu.memory_space<vmem>>, vector<16xf32>,
      %select_n3A_1947 = arith.select %eq3A_1938, %broadcast_in_dim3A_5, %broadcast_in_dim3A_3 : vector<16xi1>, vector<16xi32>
      %add3A_1948 = arith.addi %broadcast_in_dim3A_3, %select_n3A_1947 : vector<16xi32>
      %add3A_1949 = arith.constant 16 : i32
      %add3A_1950 = arith.addi %mul3A_1930, %add3A_1949 : i32
      %get3A_1951 = arith.index_cast %add3A_1950 : i32 to index
      %get3A_1952 = tpu.vector_load %arg7[%get3A_1951] {strides = array<i32>} : memref<8192xi32, #tpu.memory_space<vmem>>, vector<16xi32>,
      %get3A_1953 = vector.shape_cast %get3A_1952 : vector<16xi32> to vector<16xi32>
      %eq3A_1954 = arith.constant 0 : i32
      %eq3A_1955 = vector.broadcast %eq3A_1954 : i32 to vector<16xi32>
      %eq3A_1956 = arith.cmpi eq, %get3A_1953, %eq3A_1955 : vector<16xi32>
      %get3A_1957 = arith.constant 16 : index
      %get3A_1958 = tpu.vector_load %arg17[%get3A_1957] {strides = array<i32>} : memref<64xf32, #tpu.memory_space<vmem>>, vector<16xf32>,
      %get3A_1959 = vector.shape_cast %get3A_1958 : vector<16xf32> to vector<16xf32>
      %select_n3A_1960 = arith.select %eq3A_1956, %broadcast_in_dim3A_7, %get3A_1959 : vector<16xi1>, vector<16xf32>
      %swap3A_1961 = arith.constant 16 : index
      %swap3A_1962 = tpu.vector_load %arg17[%swap3A_1961] {strides = array<i32>} : memref<64xf32, #tpu.memory_space<vmem>>, vector<16xf32>,
      %swap3A_1963 = vector.shape_cast %swap3A_1962 : vector<16xf32> to vector<16xf32>
      %swap3A_1964 = vector.shape_cast %select_n3A_1960 : vector<16xf32> to vector<16xf32>
      tpu.vector_store %arg17[%swap3A_1961], %swap3A_1964 {strides = array<i32>} : memref<64xf32, #tpu.memory_space<vmem>>, vector<16xf32>,
      %select_n3A_1965 = arith.select %eq3A_1956, %broadcast_in_dim3A_5, %broadcast_in_dim3A_3 : vector<16xi1>, vector<16xi32>
      %add3A_1966 = arith.addi %add3A_1948, %select_n3A_1965 : vector<16xi32>
      %add3A_1967 = arith.constant 32 : i32
      %add3A_1968 = arith.addi %mul3A_1930, %add3A_1967 : i32
      %get3A_1969 = arith.index_cast %add3A_1968 : i32 to index
      %get3A_1970 = tpu.vector_load %arg7[%get3A_1969] {strides = array<i32>} : memref<8192xi32, #tpu.memory_space<vmem>>, vector<16xi32>,
      %get3A_1971 = vector.shape_cast %get3A_1970 : vector<16xi32> to vector<16xi32>
      %eq3A_1972 = arith.constant 0 : i32
      %eq3A_1973 = vector.broadcast %eq3A_1972 : i32 to vector<16xi32>
      %eq3A_1974 = arith.cmpi eq, %get3A_1971, %eq3A_1973 : vector<16xi32>
      %get3A_1975 = arith.constant 32 : index
      %get3A_1976 = tpu.vector_load %arg17[%get3A_1975] {strides = array<i32>} : memref<64xf32, #tpu.memory_space<vmem>>, vector<16xf32>,
      %get3A_1977 = vector.shape_cast %get3A_1976 : vector<16xf32> to vector<16xf32>
      %select_n3A_1978 = arith.select %eq3A_1974, %broadcast_in_dim3A_7, %get3A_1977 : vector<16xi1>, vector<16xf32>
      %swap3A_1979 = arith.constant 32 : index
      %swap3A_1980 = tpu.vector_load %arg17[%swap3A_1979] {strides = array<i32>} : memref<64xf32, #tpu.memory_space<vmem>>, vector<16xf32>,
      %swap3A_1981 = vector.shape_cast %swap3A_1980 : vector<16xf32> to vector<16xf32>
      %swap3A_1982 = vector.shape_cast %select_n3A_1978 : vector<16xf32> to vector<16xf32>
      tpu.vector_store %arg17[%swap3A_1979], %swap3A_1982 {strides = array<i32>} : memref<64xf32, #tpu.memory_space<vmem>>, vector<16xf32>,
      %select_n3A_1983 = arith.select %eq3A_1974, %broadcast_in_dim3A_5, %broadcast_in_dim3A_3 : vector<16xi1>, vector<16xi32>
      %add3A_1984 = arith.addi %add3A_1966, %select_n3A_1983 : vector<16xi32>
      %add3A_1985 = arith.constant 48 : i32
      %add3A_1986 = arith.addi %mul3A_1930, %add3A_1985 : i32
      %get3A_1987 = arith.index_cast %add3A_1986 : i32 to index
      %get3A_1988 = tpu.vector_load %arg7[%get3A_1987] {strides = array<i32>} : memref<8192xi32, #tpu.memory_space<vmem>>, vector<16xi32>,
      %get3A_1989 = vector.shape_cast %get3A_1988 : vector<16xi32> to vector<16xi32>
      %eq3A_1990 = arith.constant 0 : i32
      %eq3A_1991 = vector.broadcast %eq3A_1990 : i32 to vector<16xi32>
      %eq3A_1992 = arith.cmpi eq, %get3A_1989, %eq3A_1991 : vector<16xi32>
      %get3A_1993 = arith.constant 48 : index
      %get3A_1994 = tpu.vector_load %arg17[%get3A_1993] {strides = array<i32>} : memref<64xf32, #tpu.memory_space<vmem>>, vector<16xf32>,
      %get3A_1995 = vector.shape_cast %get3A_1994 : vector<16xf32> to vector<16xf32>
      %select_n3A_1996 = arith.select %eq3A_1992, %broadcast_in_dim3A_7, %get3A_1995 : vector<16xi1>, vector<16xf32>
      %swap3A_1997 = arith.constant 48 : index
      %swap3A_1998 = tpu.vector_load %arg17[%swap3A_1997] {strides = array<i32>} : memref<64xf32, #tpu.memory_space<vmem>>, vector<16xf32>,
      %swap3A_1999 = vector.shape_cast %swap3A_1998 : vector<16xf32> to vector<16xf32>
      %swap3A_2000 = vector.shape_cast %select_n3A_1996 : vector<16xf32> to vector<16xf32>
      tpu.vector_store %arg17[%swap3A_1997], %swap3A_2000 {strides = array<i32>} : memref<64xf32, #tpu.memory_space<vmem>>, vector<16xf32>,
      %select_n3A_2001 = arith.select %eq3A_1992, %broadcast_in_dim3A_5, %broadcast_in_dim3A_3 : vector<16xi1>, vector<16xi32>
      %add3A_2002 = arith.addi %add3A_1984, %select_n3A_2001 : vector<16xi32>
      %mul3A_2003 = arith.constant 16 : i32
      %mul3A_2004 = arith.muli %add3A_1890, %mul3A_2003 : i32
      %swap3A_2005 = arith.index_cast %mul3A_2004 : i32 to index
      %swap3A_2006 = tpu.vector_load %arg24[%swap3A_2005] {strides = array<i32>} : memref<2048xi32, #tpu.memory_space<vmem>>, vector<16xi32>,
      %swap3A_2007 = vector.shape_cast %swap3A_2006 : vector<16xi32> to vector<16xi32>
      %swap3A_2008 = vector.shape_cast %add3A_2002 : vector<16xi32> to vector<16xi32>
      tpu.vector_store %arg24[%swap3A_2005], %swap3A_2008 {strides = array<i32>} : memref<2048xi32, #tpu.memory_space<vmem>>, vector<16xi32>,
      %get3A_2009 = arith.constant 0 : index
      %get3A_2010 = tpu.vector_load %arg25[%get3A_2009] {strides = array<i32>} : memref<16xi32, #tpu.memory_space<vmem>>, vector<16xi32>,
      %get3A_2011 = vector.shape_cast %get3A_2010 : vector<16xi32> to vector<16xi32>
      %add3A_2012 = arith.addi %get3A_2011, %add3A_2002 : vector<16xi32>
      %swap3A_2013 = arith.constant 0 : index
      %swap3A_2014 = tpu.vector_load %arg25[%swap3A_2013] {strides = array<i32>} : memref<16xi32, #tpu.memory_space<vmem>>, vector<16xi32>,
      %swap3A_2015 = vector.shape_cast %swap3A_2014 : vector<16xi32> to vector<16xi32>
      %swap3A_2016 = vector.shape_cast %add3A_2012 : vector<16xi32> to vector<16xi32>
      tpu.vector_store %arg25[%swap3A_2013], %swap3A_2016 {strides = array<i32>} : memref<16xi32, #tpu.memory_space<vmem>>, vector<16xi32>,
      %mul3A_2017 = arith.constant 64 : i32
      %mul3A_2018 = arith.muli %add3A_1890, %mul3A_2017 : i32
      %add3A_2019 = arith.addi %mul3A_2, %mul3A_2018 : i32
      %dma_start3A_2020 = arith.constant 0 : i32
      %dma_start3A_2021 = tpu.memref_slice %arg5[%add3A_2019, %dma_start3A_2020] : memref<262144x128xf32, #tpu.memory_space<hbm>> -> memref<64x128xf32, #tpu.memory_space<hbm>>
      %dma_start3A_2022 = arith.constant 0 : i32
      %dma_start3A_2023 = tpu.memref_slice %arg5[%add3A_2019, %dma_start3A_2022] : memref<262144x128xf32, #tpu.memory_space<hbm>> -> memref<64x128xf32, #tpu.memory_space<hbm>>
      tpu.enqueue_dma source(%arg9 : memref<64x128xf32, #tpu.memory_space<vmem>>) target(%dma_start3A_2023 : memref<64x128xf32, #tpu.memory_space<hbm>>) target_semaphore(%arg36 : memref<!tpu.dma_semaphore, #tpu.memory_space<semaphore_mem>>)
      %mul3A_2024 = arith.constant 64 : i32
      %mul3A_2025 = arith.muli %add3A_1890, %mul3A_2024 : i32
      %add3A_2026 = arith.addi %mul3A_2, %mul3A_2025 : i32
      %dma_start3A_2027 = tpu.memref_slice %arg6[%add3A_2026] : memref<262144xf32, #tpu.memory_space<hbm>> -> memref<64xf32, #tpu.memory_space<hbm>>
      %dma_start3A_2028 = tpu.memref_slice %arg6[%add3A_2026] : memref<262144xf32, #tpu.memory_space<hbm>> -> memref<64xf32, #tpu.memory_space<hbm>>
      tpu.enqueue_dma source(%arg17 : memref<64xf32, #tpu.memory_space<vmem>>) target(%dma_start3A_2028 : memref<64xf32, #tpu.memory_space<hbm>>) target_semaphore(%arg36 : memref<!tpu.dma_semaphore, #tpu.memory_space<semaphore_mem>>)
      %mul3A_2029 = arith.constant 8 : i32
      %mul3A_2030 = arith.muli %scan3A_1021, %mul3A_2029 : i32
      %add3A_2031 = arith.constant 3 : i32
      %add3A_2032 = arith.addi %mul3A_2030, %add3A_2031 : i32
      %add3A_2033 = arith.constant 7 : i32
      %add3A_2034 = arith.addi %add3A_2032, %add3A_2033 : i32
      %sub3A_2035 = arith.constant 3 : i32
      %sub3A_2036 = arith.subi %add3A_2034, %sub3A_2035 : i32
      %mul3A_2037 = arith.constant 64 : i32
      %mul3A_2038 = arith.muli %sub3A_2036, %mul3A_2037 : i32
      %add3A_2039 = arith.addi %mul3A_2, %mul3A_2038 : i32
      %dma_wait3A_2040 = arith.constant 0 : i32
      %dma_wait3A_2041 = tpu.memref_slice %arg5[%add3A_2039, %dma_wait3A_2040] : memref<262144x128xf32, #tpu.memory_space<hbm>> -> memref<64x128xf32, #tpu.memory_space<hbm>>
      %dma_wait3A_2042 = arith.constant 0 : i32
      %dma_wait3A_2043 = tpu.memref_slice %arg5[%add3A_2039, %dma_wait3A_2042] : memref<262144x128xf32, #tpu.memory_space<hbm>> -> memref<64x128xf32, #tpu.memory_space<hbm>>
      tpu.wait_dma2 semaphore(%arg42 : memref<!tpu.dma_semaphore, #tpu.memory_space<semaphore_mem>>) src(%arg15 : memref<64x128xf32, #tpu.memory_space<vmem>>) dst(%dma_wait3A_2043 : memref<64x128xf32, #tpu.memory_space<hbm>>)
      %mul3A_2044 = arith.constant 64 : i32
      %mul3A_2045 = arith.muli %sub3A_2036, %mul3A_2044 : i32
      %add3A_2046 = arith.addi %mul3A_2, %mul3A_2045 : i32
      %dma_wait3A_2047 = tpu.memref_slice %arg6[%add3A_2046] : memref<262144xf32, #tpu.memory_space<hbm>> -> memref<64xf32, #tpu.memory_space<hbm>>
      %dma_wait3A_2048 = tpu.memref_slice %arg6[%add3A_2046] : memref<262144xf32, #tpu.memory_space<hbm>> -> memref<64xf32, #tpu.memory_space<hbm>>
      tpu.wait_dma2 semaphore(%arg42 : memref<!tpu.dma_semaphore, #tpu.memory_space<semaphore_mem>>) src(%arg23 : memref<64xf32, #tpu.memory_space<vmem>>) dst(%dma_wait3A_2048 : memref<64xf32, #tpu.memory_space<hbm>>)
      %add3A_2049 = arith.constant 5 : i32
      %add3A_2050 = arith.addi %add3A_2034, %add3A_2049 : i32
      %mul3A_2051 = arith.constant 64 : i32
      %mul3A_2052 = arith.muli %add3A_2050, %mul3A_2051 : i32
      %dma_start3A_2053 = tpu.memref_slice %arg7[%mul3A_2052] : memref<8192xi32, #tpu.memory_space<vmem>> -> memref<64xi32, #tpu.memory_space<vmem>>
      %dma_start3A_2054 = arith.constant 0 : i32
      %dma_start3A_2055 = arith.constant 0 : i32
      %dma_start3A_2056 = tpu.memref_slice %arg3[%dma_start3A_2054, %dma_start3A_2055] : memref<100000x128xf32, #tpu.memory_space<hbm>> -> memref<100000x128xf32, #tpu.memory_space<hbm>>
      tpu.enqueue_indirect_dma source(%dma_start3A_2056 : memref<100000x128xf32, #tpu.memory_space<hbm>>) target(%arg15 : memref<64x128xf32, #tpu.memory_space<vmem>>) offsets(%dma_start3A_2053 : memref<64xi32, #tpu.memory_space<vmem>>) semaphore(%arg34 : memref<!tpu.dma_semaphore, #tpu.memory_space<semaphore_mem>>)
      %mul3A_2057 = arith.constant 64 : i32
      %mul3A_2058 = arith.muli %add3A_2050, %mul3A_2057 : i32
      %dma_start3A_2059 = tpu.memref_slice %arg7[%mul3A_2058] : memref<8192xi32, #tpu.memory_space<vmem>> -> memref<64xi32, #tpu.memory_space<vmem>>
      %dma_start3A_2060 = arith.constant 0 : i32
      %dma_start3A_2061 = tpu.memref_slice %arg4[%dma_start3A_2060] : memref<100000xf32, #tpu.memory_space<hbm>> -> memref<100000xf32, #tpu.memory_space<hbm>>
      tpu.enqueue_indirect_dma source(%dma_start3A_2061 : memref<100000xf32, #tpu.memory_space<hbm>>) target(%arg23 : memref<64xf32, #tpu.memory_space<vmem>>) offsets(%dma_start3A_2059 : memref<64xi32, #tpu.memory_space<vmem>>) semaphore(%arg34 : memref<!tpu.dma_semaphore, #tpu.memory_space<semaphore_mem>>)
      %mul3A_2062 = arith.constant 64 : i32
      %mul3A_2063 = arith.muli %add3A_2034, %mul3A_2062 : i32
      %dma_wait3A_2064 = tpu.memref_slice %arg7[%mul3A_2063] : memref<8192xi32, #tpu.memory_space<vmem>> -> memref<64xi32, #tpu.memory_space<vmem>>
      %dma_wait3A_2065 = arith.constant 0 : i32
      %dma_wait3A_2066 = arith.constant 0 : i32
      %dma_wait3A_2067 = tpu.memref_slice %arg3[%dma_wait3A_2065, %dma_wait3A_2066] : memref<100000x128xf32, #tpu.memory_space<hbm>> -> memref<100000x128xf32, #tpu.memory_space<hbm>>
      tpu.wait_indirect_dma semaphore(%arg29 : memref<!tpu.dma_semaphore, #tpu.memory_space<semaphore_mem>>) src(%dma_wait3A_2067 : memref<100000x128xf32, #tpu.memory_space<hbm>>) dst(%arg10 : memref<64x128xf32, #tpu.memory_space<vmem>>)
      %mul3A_2068 = arith.constant 64 : i32
      %mul3A_2069 = arith.muli %add3A_2034, %mul3A_2068 : i32
      %dma_wait3A_2070 = tpu.memref_slice %arg7[%mul3A_2069] : memref<8192xi32, #tpu.memory_space<vmem>> -> memref<64xi32, #tpu.memory_space<vmem>>
      %dma_wait3A_2071 = arith.constant 0 : i32
      %dma_wait3A_2072 = tpu.memref_slice %arg4[%dma_wait3A_2071] : memref<100000xf32, #tpu.memory_space<hbm>> -> memref<100000xf32, #tpu.memory_space<hbm>>
      tpu.wait_indirect_dma semaphore(%arg29 : memref<!tpu.dma_semaphore, #tpu.memory_space<semaphore_mem>>) src(%dma_wait3A_2072 : memref<100000xf32, #tpu.memory_space<hbm>>) dst(%arg18 : memref<64xf32, #tpu.memory_space<vmem>>)
      %mul3A_2073 = arith.constant 64 : i32
      %mul3A_2074 = arith.muli %add3A_2034, %mul3A_2073 : i32
      %add3A_2075 = arith.constant 0 : i32
      %add3A_2076 = arith.addi %mul3A_2074, %add3A_2075 : i32
      %get3A_2077 = arith.index_cast %add3A_2076 : i32 to index
      %get3A_2078 = tpu.vector_load %arg7[%get3A_2077] {strides = array<i32>} : memref<8192xi32, #tpu.memory_space<vmem>>, vector<16xi32>,
      %get3A_2079 = vector.shape_cast %get3A_2078 : vector<16xi32> to vector<16xi32>
      %eq3A_2080 = arith.constant 0 : i32
      %eq3A_2081 = vector.broadcast %eq3A_2080 : i32 to vector<16xi32>
      %eq3A_2082 = arith.cmpi eq, %get3A_2079, %eq3A_2081 : vector<16xi32>
      %get3A_2083 = arith.constant 0 : index
      %get3A_2084 = tpu.vector_load %arg18[%get3A_2083] {strides = array<i32>} : memref<64xf32, #tpu.memory_space<vmem>>, vector<16xf32>,
      %get3A_2085 = vector.shape_cast %get3A_2084 : vector<16xf32> to vector<16xf32>
      %select_n3A_2086 = arith.select %eq3A_2082, %broadcast_in_dim3A_7, %get3A_2085 : vector<16xi1>, vector<16xf32>
      %swap3A_2087 = arith.constant 0 : index
      %swap3A_2088 = tpu.vector_load %arg18[%swap3A_2087] {strides = array<i32>} : memref<64xf32, #tpu.memory_space<vmem>>, vector<16xf32>,
      %swap3A_2089 = vector.shape_cast %swap3A_2088 : vector<16xf32> to vector<16xf32>
      %swap3A_2090 = vector.shape_cast %select_n3A_2086 : vector<16xf32> to vector<16xf32>
      tpu.vector_store %arg18[%swap3A_2087], %swap3A_2090 {strides = array<i32>} : memref<64xf32, #tpu.memory_space<vmem>>, vector<16xf32>,
      %select_n3A_2091 = arith.select %eq3A_2082, %broadcast_in_dim3A_5, %broadcast_in_dim3A_3 : vector<16xi1>, vector<16xi32>
      %add3A_2092 = arith.addi %broadcast_in_dim3A_3, %select_n3A_2091 : vector<16xi32>
      %add3A_2093 = arith.constant 16 : i32
      %add3A_2094 = arith.addi %mul3A_2074, %add3A_2093 : i32
      %get3A_2095 = arith.index_cast %add3A_2094 : i32 to index
      %get3A_2096 = tpu.vector_load %arg7[%get3A_2095] {strides = array<i32>} : memref<8192xi32, #tpu.memory_space<vmem>>, vector<16xi32>,
      %get3A_2097 = vector.shape_cast %get3A_2096 : vector<16xi32> to vector<16xi32>
      %eq3A_2098 = arith.constant 0 : i32
      %eq3A_2099 = vector.broadcast %eq3A_2098 : i32 to vector<16xi32>
      %eq3A_2100 = arith.cmpi eq, %get3A_2097, %eq3A_2099 : vector<16xi32>
      %get3A_2101 = arith.constant 16 : index
      %get3A_2102 = tpu.vector_load %arg18[%get3A_2101] {strides = array<i32>} : memref<64xf32, #tpu.memory_space<vmem>>, vector<16xf32>,
      %get3A_2103 = vector.shape_cast %get3A_2102 : vector<16xf32> to vector<16xf32>
      %select_n3A_2104 = arith.select %eq3A_2100, %broadcast_in_dim3A_7, %get3A_2103 : vector<16xi1>, vector<16xf32>
      %swap3A_2105 = arith.constant 16 : index
      %swap3A_2106 = tpu.vector_load %arg18[%swap3A_2105] {strides = array<i32>} : memref<64xf32, #tpu.memory_space<vmem>>, vector<16xf32>,
      %swap3A_2107 = vector.shape_cast %swap3A_2106 : vector<16xf32> to vector<16xf32>
      %swap3A_2108 = vector.shape_cast %select_n3A_2104 : vector<16xf32> to vector<16xf32>
      tpu.vector_store %arg18[%swap3A_2105], %swap3A_2108 {strides = array<i32>} : memref<64xf32, #tpu.memory_space<vmem>>, vector<16xf32>,
      %select_n3A_2109 = arith.select %eq3A_2100, %broadcast_in_dim3A_5, %broadcast_in_dim3A_3 : vector<16xi1>, vector<16xi32>
      %add3A_2110 = arith.addi %add3A_2092, %select_n3A_2109 : vector<16xi32>
      %add3A_2111 = arith.constant 32 : i32
      %add3A_2112 = arith.addi %mul3A_2074, %add3A_2111 : i32
      %get3A_2113 = arith.index_cast %add3A_2112 : i32 to index
      %get3A_2114 = tpu.vector_load %arg7[%get3A_2113] {strides = array<i32>} : memref<8192xi32, #tpu.memory_space<vmem>>, vector<16xi32>,
      %get3A_2115 = vector.shape_cast %get3A_2114 : vector<16xi32> to vector<16xi32>
      %eq3A_2116 = arith.constant 0 : i32
      %eq3A_2117 = vector.broadcast %eq3A_2116 : i32 to vector<16xi32>
      %eq3A_2118 = arith.cmpi eq, %get3A_2115, %eq3A_2117 : vector<16xi32>
      %get3A_2119 = arith.constant 32 : index
      %get3A_2120 = tpu.vector_load %arg18[%get3A_2119] {strides = array<i32>} : memref<64xf32, #tpu.memory_space<vmem>>, vector<16xf32>,
      %get3A_2121 = vector.shape_cast %get3A_2120 : vector<16xf32> to vector<16xf32>
      %select_n3A_2122 = arith.select %eq3A_2118, %broadcast_in_dim3A_7, %get3A_2121 : vector<16xi1>, vector<16xf32>
      %swap3A_2123 = arith.constant 32 : index
      %swap3A_2124 = tpu.vector_load %arg18[%swap3A_2123] {strides = array<i32>} : memref<64xf32, #tpu.memory_space<vmem>>, vector<16xf32>,
      %swap3A_2125 = vector.shape_cast %swap3A_2124 : vector<16xf32> to vector<16xf32>
      %swap3A_2126 = vector.shape_cast %select_n3A_2122 : vector<16xf32> to vector<16xf32>
      tpu.vector_store %arg18[%swap3A_2123], %swap3A_2126 {strides = array<i32>} : memref<64xf32, #tpu.memory_space<vmem>>, vector<16xf32>,
      %select_n3A_2127 = arith.select %eq3A_2118, %broadcast_in_dim3A_5, %broadcast_in_dim3A_3 : vector<16xi1>, vector<16xi32>
      %add3A_2128 = arith.addi %add3A_2110, %select_n3A_2127 : vector<16xi32>
      %add3A_2129 = arith.constant 48 : i32
      %add3A_2130 = arith.addi %mul3A_2074, %add3A_2129 : i32
      %get3A_2131 = arith.index_cast %add3A_2130 : i32 to index
      %get3A_2132 = tpu.vector_load %arg7[%get3A_2131] {strides = array<i32>} : memref<8192xi32, #tpu.memory_space<vmem>>, vector<16xi32>,
      %get3A_2133 = vector.shape_cast %get3A_2132 : vector<16xi32> to vector<16xi32>
      %eq3A_2134 = arith.constant 0 : i32
      %eq3A_2135 = vector.broadcast %eq3A_2134 : i32 to vector<16xi32>
      %eq3A_2136 = arith.cmpi eq, %get3A_2133, %eq3A_2135 : vector<16xi32>
      %get3A_2137 = arith.constant 48 : index
      %get3A_2138 = tpu.vector_load %arg18[%get3A_2137] {strides = array<i32>} : memref<64xf32, #tpu.memory_space<vmem>>, vector<16xf32>,
      %get3A_2139 = vector.shape_cast %get3A_2138 : vector<16xf32> to vector<16xf32>
      %select_n3A_2140 = arith.select %eq3A_2136, %broadcast_in_dim3A_7, %get3A_2139 : vector<16xi1>, vector<16xf32>
      %swap3A_2141 = arith.constant 48 : index
      %swap3A_2142 = tpu.vector_load %arg18[%swap3A_2141] {strides = array<i32>} : memref<64xf32, #tpu.memory_space<vmem>>, vector<16xf32>,
      %swap3A_2143 = vector.shape_cast %swap3A_2142 : vector<16xf32> to vector<16xf32>
      %swap3A_2144 = vector.shape_cast %select_n3A_2140 : vector<16xf32> to vector<16xf32>
      tpu.vector_store %arg18[%swap3A_2141], %swap3A_2144 {strides = array<i32>} : memref<64xf32, #tpu.memory_space<vmem>>, vector<16xf32>,
      %select_n3A_2145 = arith.select %eq3A_2136, %broadcast_in_dim3A_5, %broadcast_in_dim3A_3 : vector<16xi1>, vector<16xi32>
      %add3A_2146 = arith.addi %add3A_2128, %select_n3A_2145 : vector<16xi32>
      %mul3A_2147 = arith.constant 16 : i32
      %mul3A_2148 = arith.muli %add3A_2034, %mul3A_2147 : i32
      %swap3A_2149 = arith.index_cast %mul3A_2148 : i32 to index
      %swap3A_2150 = tpu.vector_load %arg24[%swap3A_2149] {strides = array<i32>} : memref<2048xi32, #tpu.memory_space<vmem>>, vector<16xi32>,
      %swap3A_2151 = vector.shape_cast %swap3A_2150 : vector<16xi32> to vector<16xi32>
      %swap3A_2152 = vector.shape_cast %add3A_2146 : vector<16xi32> to vector<16xi32>
      tpu.vector_store %arg24[%swap3A_2149], %swap3A_2152 {strides = array<i32>} : memref<2048xi32, #tpu.memory_space<vmem>>, vector<16xi32>,
      %get3A_2153 = arith.constant 0 : index
      %get3A_2154 = tpu.vector_load %arg25[%get3A_2153] {strides = array<i32>} : memref<16xi32, #tpu.memory_space<vmem>>, vector<16xi32>,
      %get3A_2155 = vector.shape_cast %get3A_2154 : vector<16xi32> to vector<16xi32>
      %add3A_2156 = arith.addi %get3A_2155, %add3A_2146 : vector<16xi32>
      %swap3A_2157 = arith.constant 0 : index
      %swap3A_2158 = tpu.vector_load %arg25[%swap3A_2157] {strides = array<i32>} : memref<16xi32, #tpu.memory_space<vmem>>, vector<16xi32>,
      %swap3A_2159 = vector.shape_cast %swap3A_2158 : vector<16xi32> to vector<16xi32>
      %swap3A_2160 = vector.shape_cast %add3A_2156 : vector<16xi32> to vector<16xi32>
      tpu.vector_store %arg25[%swap3A_2157], %swap3A_2160 {strides = array<i32>} : memref<16xi32, #tpu.memory_space<vmem>>, vector<16xi32>,
      %mul3A_2161 = arith.constant 64 : i32
      %mul3A_2162 = arith.muli %add3A_2034, %mul3A_2161 : i32
      %add3A_2163 = arith.addi %mul3A_2, %mul3A_2162 : i32
      %dma_start3A_2164 = arith.constant 0 : i32
      %dma_start3A_2165 = tpu.memref_slice %arg5[%add3A_2163, %dma_start3A_2164] : memref<262144x128xf32, #tpu.memory_space<hbm>> -> memref<64x128xf32, #tpu.memory_space<hbm>>
      %dma_start3A_2166 = arith.constant 0 : i32
      %dma_start3A_2167 = tpu.memref_slice %arg5[%add3A_2163, %dma_start3A_2166] : memref<262144x128xf32, #tpu.memory_space<hbm>> -> memref<64x128xf32, #tpu.memory_space<hbm>>
      tpu.enqueue_dma source(%arg10 : memref<64x128xf32, #tpu.memory_space<vmem>>) target(%dma_start3A_2167 : memref<64x128xf32, #tpu.memory_space<hbm>>) target_semaphore(%arg37 : memref<!tpu.dma_semaphore, #tpu.memory_space<semaphore_mem>>)
      %mul3A_2168 = arith.constant 64 : i32
      %mul3A_2169 = arith.muli %add3A_2034, %mul3A_2168 : i32
      %add3A_2170 = arith.addi %mul3A_2, %mul3A_2169 : i32
      %dma_start3A_2171 = tpu.memref_slice %arg6[%add3A_2170] : memref<262144xf32, #tpu.memory_space<hbm>> -> memref<64xf32, #tpu.memory_space<hbm>>
      %dma_start3A_2172 = tpu.memref_slice %arg6[%add3A_2170] : memref<262144xf32, #tpu.memory_space<hbm>> -> memref<64xf32, #tpu.memory_space<hbm>>
      tpu.enqueue_dma source(%arg18 : memref<64xf32, #tpu.memory_space<vmem>>) target(%dma_start3A_2172 : memref<64xf32, #tpu.memory_space<hbm>>) target_semaphore(%arg37 : memref<!tpu.dma_semaphore, #tpu.memory_space<semaphore_mem>>)
    }
    %scan3A_415 = arith.constant 15 : i32
    %add3A_416 = arith.constant 7680 : i32
    %add3A_417 = arith.addi %mul3A_2, %add3A_416 : i32
    %dma_wait3A_418 = arith.constant 0 : i32
    %dma_wait3A_419 = tpu.memref_slice %arg5[%add3A_417, %dma_wait3A_418] : memref<262144x128xf32, #tpu.memory_space<hbm>> -> memref<64x128xf32, #tpu.memory_space<hbm>>
    %dma_wait3A_420 = arith.constant 0 : i32
    %dma_wait3A_421 = tpu.memref_slice %arg5[%add3A_417, %dma_wait3A_420] : memref<262144x128xf32, #tpu.memory_space<hbm>> -> memref<64x128xf32, #tpu.memory_space<hbm>>
    tpu.wait_dma2 semaphore(%arg35 : memref<!tpu.dma_semaphore, #tpu.memory_space<semaphore_mem>>) src(%arg8 : memref<64x128xf32, #tpu.memory_space<vmem>>) dst(%dma_wait3A_421 : memref<64x128xf32, #tpu.memory_space<hbm>>)
    %add3A_422 = arith.constant 7680 : i32
    %add3A_423 = arith.addi %mul3A_2, %add3A_422 : i32
    %dma_wait3A_424 = tpu.memref_slice %arg6[%add3A_423] : memref<262144xf32, #tpu.memory_space<hbm>> -> memref<64xf32, #tpu.memory_space<hbm>>
    %dma_wait3A_425 = tpu.memref_slice %arg6[%add3A_423] : memref<262144xf32, #tpu.memory_space<hbm>> -> memref<64xf32, #tpu.memory_space<hbm>>
    tpu.wait_dma2 semaphore(%arg35 : memref<!tpu.dma_semaphore, #tpu.memory_space<semaphore_mem>>) src(%arg16 : memref<64xf32, #tpu.memory_space<vmem>>) dst(%dma_wait3A_425 : memref<64xf32, #tpu.memory_space<hbm>>)
    %dma_wait3A_426 = arith.constant 7872 : i32
    %dma_wait3A_427 = tpu.memref_slice %arg7[%dma_wait3A_426] : memref<8192xi32, #tpu.memory_space<vmem>> -> memref<64xi32, #tpu.memory_space<vmem>>
    %dma_wait3A_428 = arith.constant 0 : i32
    %dma_wait3A_429 = arith.constant 0 : i32
    %dma_wait3A_430 = tpu.memref_slice %arg3[%dma_wait3A_428, %dma_wait3A_429] : memref<100000x128xf32, #tpu.memory_space<hbm>> -> memref<100000x128xf32, #tpu.memory_space<hbm>>
    tpu.wait_indirect_dma semaphore(%arg30 : memref<!tpu.dma_semaphore, #tpu.memory_space<semaphore_mem>>) src(%dma_wait3A_430 : memref<100000x128xf32, #tpu.memory_space<hbm>>) dst(%arg11 : memref<64x128xf32, #tpu.memory_space<vmem>>)
    %dma_wait3A_431 = arith.constant 7872 : i32
    %dma_wait3A_432 = tpu.memref_slice %arg7[%dma_wait3A_431] : memref<8192xi32, #tpu.memory_space<vmem>> -> memref<64xi32, #tpu.memory_space<vmem>>
    %dma_wait3A_433 = arith.constant 0 : i32
    %dma_wait3A_434 = tpu.memref_slice %arg4[%dma_wait3A_433] : memref<100000xf32, #tpu.memory_space<hbm>> -> memref<100000xf32, #tpu.memory_space<hbm>>
    tpu.wait_indirect_dma semaphore(%arg30 : memref<!tpu.dma_semaphore, #tpu.memory_space<semaphore_mem>>) src(%dma_wait3A_434 : memref<100000xf32, #tpu.memory_space<hbm>>) dst(%arg19 : memref<64xf32, #tpu.memory_space<vmem>>)
    %get3A_435 = arith.constant 7872 : index
    %get3A_436 = tpu.vector_load %arg7[%get3A_435] {strides = array<i32>} : memref<8192xi32, #tpu.memory_space<vmem>>, vector<16xi32>,
    %get3A_437 = vector.shape_cast %get3A_436 : vector<16xi32> to vector<16xi32>
    %eq3A_438 = arith.constant 0 : i32
    %eq3A_439 = vector.broadcast %eq3A_438 : i32 to vector<16xi32>
    %eq3A_440 = arith.cmpi eq, %get3A_437, %eq3A_439 : vector<16xi32>
    %get3A_441 = arith.constant 0 : index
    %get3A_442 = tpu.vector_load %arg19[%get3A_441] {strides = array<i32>} : memref<64xf32, #tpu.memory_space<vmem>>, vector<16xf32>,
    %get3A_443 = vector.shape_cast %get3A_442 : vector<16xf32> to vector<16xf32>
    %select_n3A_444 = arith.select %eq3A_440, %broadcast_in_dim3A_7, %get3A_443 : vector<16xi1>, vector<16xf32>
    %swap3A_445 = arith.constant 0 : index
    %swap3A_446 = tpu.vector_load %arg19[%swap3A_445] {strides = array<i32>} : memref<64xf32, #tpu.memory_space<vmem>>, vector<16xf32>,
    %swap3A_447 = vector.shape_cast %swap3A_446 : vector<16xf32> to vector<16xf32>
    %swap3A_448 = vector.shape_cast %select_n3A_444 : vector<16xf32> to vector<16xf32>
    tpu.vector_store %arg19[%swap3A_445], %swap3A_448 {strides = array<i32>} : memref<64xf32, #tpu.memory_space<vmem>>, vector<16xf32>,
    %select_n3A_449 = arith.select %eq3A_440, %broadcast_in_dim3A_5, %broadcast_in_dim3A_3 : vector<16xi1>, vector<16xi32>
    %add3A_450 = arith.addi %broadcast_in_dim3A_3, %select_n3A_449 : vector<16xi32>
    %get3A_451 = arith.constant 7888 : index
    %get3A_452 = tpu.vector_load %arg7[%get3A_451] {strides = array<i32>} : memref<8192xi32, #tpu.memory_space<vmem>>, vector<16xi32>,
    %get3A_453 = vector.shape_cast %get3A_452 : vector<16xi32> to vector<16xi32>
    %eq3A_454 = arith.constant 0 : i32
    %eq3A_455 = vector.broadcast %eq3A_454 : i32 to vector<16xi32>
    %eq3A_456 = arith.cmpi eq, %get3A_453, %eq3A_455 : vector<16xi32>
    %get3A_457 = arith.constant 16 : index
    %get3A_458 = tpu.vector_load %arg19[%get3A_457] {strides = array<i32>} : memref<64xf32, #tpu.memory_space<vmem>>, vector<16xf32>,
    %get3A_459 = vector.shape_cast %get3A_458 : vector<16xf32> to vector<16xf32>
    %select_n3A_460 = arith.select %eq3A_456, %broadcast_in_dim3A_7, %get3A_459 : vector<16xi1>, vector<16xf32>
    %swap3A_461 = arith.constant 16 : index
    %swap3A_462 = tpu.vector_load %arg19[%swap3A_461] {strides = array<i32>} : memref<64xf32, #tpu.memory_space<vmem>>, vector<16xf32>,
    %swap3A_463 = vector.shape_cast %swap3A_462 : vector<16xf32> to vector<16xf32>
    %swap3A_464 = vector.shape_cast %select_n3A_460 : vector<16xf32> to vector<16xf32>
    tpu.vector_store %arg19[%swap3A_461], %swap3A_464 {strides = array<i32>} : memref<64xf32, #tpu.memory_space<vmem>>, vector<16xf32>,
    %select_n3A_465 = arith.select %eq3A_456, %broadcast_in_dim3A_5, %broadcast_in_dim3A_3 : vector<16xi1>, vector<16xi32>
    %add3A_466 = arith.addi %add3A_450, %select_n3A_465 : vector<16xi32>
    %get3A_467 = arith.constant 7904 : index
    %get3A_468 = tpu.vector_load %arg7[%get3A_467] {strides = array<i32>} : memref<8192xi32, #tpu.memory_space<vmem>>, vector<16xi32>,
    %get3A_469 = vector.shape_cast %get3A_468 : vector<16xi32> to vector<16xi32>
    %eq3A_470 = arith.constant 0 : i32
    %eq3A_471 = vector.broadcast %eq3A_470 : i32 to vector<16xi32>
    %eq3A_472 = arith.cmpi eq, %get3A_469, %eq3A_471 : vector<16xi32>
    %get3A_473 = arith.constant 32 : index
    %get3A_474 = tpu.vector_load %arg19[%get3A_473] {strides = array<i32>} : memref<64xf32, #tpu.memory_space<vmem>>, vector<16xf32>,
    %get3A_475 = vector.shape_cast %get3A_474 : vector<16xf32> to vector<16xf32>
    %select_n3A_476 = arith.select %eq3A_472, %broadcast_in_dim3A_7, %get3A_475 : vector<16xi1>, vector<16xf32>
    %swap3A_477 = arith.constant 32 : index
    %swap3A_478 = tpu.vector_load %arg19[%swap3A_477] {strides = array<i32>} : memref<64xf32, #tpu.memory_space<vmem>>, vector<16xf32>,
    %swap3A_479 = vector.shape_cast %swap3A_478 : vector<16xf32> to vector<16xf32>
    %swap3A_480 = vector.shape_cast %select_n3A_476 : vector<16xf32> to vector<16xf32>
    tpu.vector_store %arg19[%swap3A_477], %swap3A_480 {strides = array<i32>} : memref<64xf32, #tpu.memory_space<vmem>>, vector<16xf32>,
    %select_n3A_481 = arith.select %eq3A_472, %broadcast_in_dim3A_5, %broadcast_in_dim3A_3 : vector<16xi1>, vector<16xi32>
    %add3A_482 = arith.addi %add3A_466, %select_n3A_481 : vector<16xi32>
    %get3A_483 = arith.constant 7920 : index
    %get3A_484 = tpu.vector_load %arg7[%get3A_483] {strides = array<i32>} : memref<8192xi32, #tpu.memory_space<vmem>>, vector<16xi32>,
    %get3A_485 = vector.shape_cast %get3A_484 : vector<16xi32> to vector<16xi32>
    %eq3A_486 = arith.constant 0 : i32
    %eq3A_487 = vector.broadcast %eq3A_486 : i32 to vector<16xi32>
    %eq3A_488 = arith.cmpi eq, %get3A_485, %eq3A_487 : vector<16xi32>
    %get3A_489 = arith.constant 48 : index
    %get3A_490 = tpu.vector_load %arg19[%get3A_489] {strides = array<i32>} : memref<64xf32, #tpu.memory_space<vmem>>, vector<16xf32>,
    %get3A_491 = vector.shape_cast %get3A_490 : vector<16xf32> to vector<16xf32>
    %select_n3A_492 = arith.select %eq3A_488, %broadcast_in_dim3A_7, %get3A_491 : vector<16xi1>, vector<16xf32>
    %swap3A_493 = arith.constant 48 : index
    %swap3A_494 = tpu.vector_load %arg19[%swap3A_493] {strides = array<i32>} : memref<64xf32, #tpu.memory_space<vmem>>, vector<16xf32>,
    %swap3A_495 = vector.shape_cast %swap3A_494 : vector<16xf32> to vector<16xf32>
    %swap3A_496 = vector.shape_cast %select_n3A_492 : vector<16xf32> to vector<16xf32>
    tpu.vector_store %arg19[%swap3A_493], %swap3A_496 {strides = array<i32>} : memref<64xf32, #tpu.memory_space<vmem>>, vector<16xf32>,
    %select_n3A_497 = arith.select %eq3A_488, %broadcast_in_dim3A_5, %broadcast_in_dim3A_3 : vector<16xi1>, vector<16xi32>
    %add3A_498 = arith.addi %add3A_482, %select_n3A_497 : vector<16xi32>
    %swap3A_499 = arith.constant 1968 : index
    %swap3A_500 = tpu.vector_load %arg24[%swap3A_499] {strides = array<i32>} : memref<2048xi32, #tpu.memory_space<vmem>>, vector<16xi32>,
    %swap3A_501 = vector.shape_cast %swap3A_500 : vector<16xi32> to vector<16xi32>
    %swap3A_502 = vector.shape_cast %add3A_498 : vector<16xi32> to vector<16xi32>
    tpu.vector_store %arg24[%swap3A_499], %swap3A_502 {strides = array<i32>} : memref<2048xi32, #tpu.memory_space<vmem>>, vector<16xi32>,
    %get3A_503 = arith.constant 0 : index
    %get3A_504 = tpu.vector_load %arg25[%get3A_503] {strides = array<i32>} : memref<16xi32, #tpu.memory_space<vmem>>, vector<16xi32>,
    %get3A_505 = vector.shape_cast %get3A_504 : vector<16xi32> to vector<16xi32>
    %add3A_506 = arith.addi %get3A_505, %add3A_498 : vector<16xi32>
    %swap3A_507 = arith.constant 0 : index
    %swap3A_508 = tpu.vector_load %arg25[%swap3A_507] {strides = array<i32>} : memref<16xi32, #tpu.memory_space<vmem>>, vector<16xi32>,
    %swap3A_509 = vector.shape_cast %swap3A_508 : vector<16xi32> to vector<16xi32>
    %swap3A_510 = vector.shape_cast %add3A_506 : vector<16xi32> to vector<16xi32>
    tpu.vector_store %arg25[%swap3A_507], %swap3A_510 {strides = array<i32>} : memref<16xi32, #tpu.memory_space<vmem>>, vector<16xi32>,
    %add3A_511 = arith.constant 7872 : i32
    %add3A_512 = arith.addi %mul3A_2, %add3A_511 : i32
    %dma_start3A_513 = arith.constant 0 : i32
    %dma_start3A_514 = tpu.memref_slice %arg5[%add3A_512, %dma_start3A_513] : memref<262144x128xf32, #tpu.memory_space<hbm>> -> memref<64x128xf32, #tpu.memory_space<hbm>>
    %dma_start3A_515 = arith.constant 0 : i32
    %dma_start3A_516 = tpu.memref_slice %arg5[%add3A_512, %dma_start3A_515] : memref<262144x128xf32, #tpu.memory_space<hbm>> -> memref<64x128xf32, #tpu.memory_space<hbm>>
    tpu.enqueue_dma source(%arg11 : memref<64x128xf32, #tpu.memory_space<vmem>>) target(%dma_start3A_516 : memref<64x128xf32, #tpu.memory_space<hbm>>) target_semaphore(%arg38 : memref<!tpu.dma_semaphore, #tpu.memory_space<semaphore_mem>>)
    %add3A_517 = arith.constant 7872 : i32
    %add3A_518 = arith.addi %mul3A_2, %add3A_517 : i32
    %dma_start3A_519 = tpu.memref_slice %arg6[%add3A_518] : memref<262144xf32, #tpu.memory_space<hbm>> -> memref<64xf32, #tpu.memory_space<hbm>>
    %dma_start3A_520 = tpu.memref_slice %arg6[%add3A_518] : memref<262144xf32, #tpu.memory_space<hbm>> -> memref<64xf32, #tpu.memory_space<hbm>>
    tpu.enqueue_dma source(%arg19 : memref<64xf32, #tpu.memory_space<vmem>>) target(%dma_start3A_520 : memref<64xf32, #tpu.memory_space<hbm>>) target_semaphore(%arg38 : memref<!tpu.dma_semaphore, #tpu.memory_space<semaphore_mem>>)
    %add3A_521 = arith.constant 7744 : i32
    %add3A_522 = arith.addi %mul3A_2, %add3A_521 : i32
    %dma_wait3A_523 = arith.constant 0 : i32
    %dma_wait3A_524 = tpu.memref_slice %arg5[%add3A_522, %dma_wait3A_523] : memref<262144x128xf32, #tpu.memory_space<hbm>> -> memref<64x128xf32, #tpu.memory_space<hbm>>
    %dma_wait3A_525 = arith.constant 0 : i32
    %dma_wait3A_526 = tpu.memref_slice %arg5[%add3A_522, %dma_wait3A_525] : memref<262144x128xf32, #tpu.memory_space<hbm>> -> memref<64x128xf32, #tpu.memory_space<hbm>>
    tpu.wait_dma2 semaphore(%arg36 : memref<!tpu.dma_semaphore, #tpu.memory_space<semaphore_mem>>) src(%arg9 : memref<64x128xf32, #tpu.memory_space<vmem>>) dst(%dma_wait3A_526 : memref<64x128xf32, #tpu.memory_space<hbm>>)
    %add3A_527 = arith.constant 7744 : i32
    %add3A_528 = arith.addi %mul3A_2, %add3A_527 : i32
    %dma_wait3A_529 = tpu.memref_slice %arg6[%add3A_528] : memref<262144xf32, #tpu.memory_space<hbm>> -> memref<64xf32, #tpu.memory_space<hbm>>
    %dma_wait3A_530 = tpu.memref_slice %arg6[%add3A_528] : memref<262144xf32, #tpu.memory_space<hbm>> -> memref<64xf32, #tpu.memory_space<hbm>>
    tpu.wait_dma2 semaphore(%arg36 : memref<!tpu.dma_semaphore, #tpu.memory_space<semaphore_mem>>) src(%arg17 : memref<64xf32, #tpu.memory_space<vmem>>) dst(%dma_wait3A_530 : memref<64xf32, #tpu.memory_space<hbm>>)
    %dma_wait3A_531 = arith.constant 7936 : i32
    %dma_wait3A_532 = tpu.memref_slice %arg7[%dma_wait3A_531] : memref<8192xi32, #tpu.memory_space<vmem>> -> memref<64xi32, #tpu.memory_space<vmem>>
    %dma_wait3A_533 = arith.constant 0 : i32
    %dma_wait3A_534 = arith.constant 0 : i32
    %dma_wait3A_535 = tpu.memref_slice %arg3[%dma_wait3A_533, %dma_wait3A_534] : memref<100000x128xf32, #tpu.memory_space<hbm>> -> memref<100000x128xf32, #tpu.memory_space<hbm>>
    tpu.wait_indirect_dma semaphore(%arg31 : memref<!tpu.dma_semaphore, #tpu.memory_space<semaphore_mem>>) src(%dma_wait3A_535 : memref<100000x128xf32, #tpu.memory_space<hbm>>) dst(%arg12 : memref<64x128xf32, #tpu.memory_space<vmem>>)
    %dma_wait3A_536 = arith.constant 7936 : i32
    %dma_wait3A_537 = tpu.memref_slice %arg7[%dma_wait3A_536] : memref<8192xi32, #tpu.memory_space<vmem>> -> memref<64xi32, #tpu.memory_space<vmem>>
    %dma_wait3A_538 = arith.constant 0 : i32
    %dma_wait3A_539 = tpu.memref_slice %arg4[%dma_wait3A_538] : memref<100000xf32, #tpu.memory_space<hbm>> -> memref<100000xf32, #tpu.memory_space<hbm>>
    tpu.wait_indirect_dma semaphore(%arg31 : memref<!tpu.dma_semaphore, #tpu.memory_space<semaphore_mem>>) src(%dma_wait3A_539 : memref<100000xf32, #tpu.memory_space<hbm>>) dst(%arg20 : memref<64xf32, #tpu.memory_space<vmem>>)
    %get3A_540 = arith.constant 7936 : index
    %get3A_541 = tpu.vector_load %arg7[%get3A_540] {strides = array<i32>} : memref<8192xi32, #tpu.memory_space<vmem>>, vector<16xi32>,
    %get3A_542 = vector.shape_cast %get3A_541 : vector<16xi32> to vector<16xi32>
    %eq3A_543 = arith.constant 0 : i32
    %eq3A_544 = vector.broadcast %eq3A_543 : i32 to vector<16xi32>
    %eq3A_545 = arith.cmpi eq, %get3A_542, %eq3A_544 : vector<16xi32>
    %get3A_546 = arith.constant 0 : index
    %get3A_547 = tpu.vector_load %arg20[%get3A_546] {strides = array<i32>} : memref<64xf32, #tpu.memory_space<vmem>>, vector<16xf32>,
    %get3A_548 = vector.shape_cast %get3A_547 : vector<16xf32> to vector<16xf32>
    %select_n3A_549 = arith.select %eq3A_545, %broadcast_in_dim3A_7, %get3A_548 : vector<16xi1>, vector<16xf32>
    %swap3A_550 = arith.constant 0 : index
    %swap3A_551 = tpu.vector_load %arg20[%swap3A_550] {strides = array<i32>} : memref<64xf32, #tpu.memory_space<vmem>>, vector<16xf32>,
    %swap3A_552 = vector.shape_cast %swap3A_551 : vector<16xf32> to vector<16xf32>
    %swap3A_553 = vector.shape_cast %select_n3A_549 : vector<16xf32> to vector<16xf32>
    tpu.vector_store %arg20[%swap3A_550], %swap3A_553 {strides = array<i32>} : memref<64xf32, #tpu.memory_space<vmem>>, vector<16xf32>,
    %select_n3A_554 = arith.select %eq3A_545, %broadcast_in_dim3A_5, %broadcast_in_dim3A_3 : vector<16xi1>, vector<16xi32>
    %add3A_555 = arith.addi %broadcast_in_dim3A_3, %select_n3A_554 : vector<16xi32>
    %get3A_556 = arith.constant 7952 : index
    %get3A_557 = tpu.vector_load %arg7[%get3A_556] {strides = array<i32>} : memref<8192xi32, #tpu.memory_space<vmem>>, vector<16xi32>,
    %get3A_558 = vector.shape_cast %get3A_557 : vector<16xi32> to vector<16xi32>
    %eq3A_559 = arith.constant 0 : i32
    %eq3A_560 = vector.broadcast %eq3A_559 : i32 to vector<16xi32>
    %eq3A_561 = arith.cmpi eq, %get3A_558, %eq3A_560 : vector<16xi32>
    %get3A_562 = arith.constant 16 : index
    %get3A_563 = tpu.vector_load %arg20[%get3A_562] {strides = array<i32>} : memref<64xf32, #tpu.memory_space<vmem>>, vector<16xf32>,
    %get3A_564 = vector.shape_cast %get3A_563 : vector<16xf32> to vector<16xf32>
    %select_n3A_565 = arith.select %eq3A_561, %broadcast_in_dim3A_7, %get3A_564 : vector<16xi1>, vector<16xf32>
    %swap3A_566 = arith.constant 16 : index
    %swap3A_567 = tpu.vector_load %arg20[%swap3A_566] {strides = array<i32>} : memref<64xf32, #tpu.memory_space<vmem>>, vector<16xf32>,
    %swap3A_568 = vector.shape_cast %swap3A_567 : vector<16xf32> to vector<16xf32>
    %swap3A_569 = vector.shape_cast %select_n3A_565 : vector<16xf32> to vector<16xf32>
    tpu.vector_store %arg20[%swap3A_566], %swap3A_569 {strides = array<i32>} : memref<64xf32, #tpu.memory_space<vmem>>, vector<16xf32>,
    %select_n3A_570 = arith.select %eq3A_561, %broadcast_in_dim3A_5, %broadcast_in_dim3A_3 : vector<16xi1>, vector<16xi32>
    %add3A_571 = arith.addi %add3A_555, %select_n3A_570 : vector<16xi32>
    %get3A_572 = arith.constant 7968 : index
    %get3A_573 = tpu.vector_load %arg7[%get3A_572] {strides = array<i32>} : memref<8192xi32, #tpu.memory_space<vmem>>, vector<16xi32>,
    %get3A_574 = vector.shape_cast %get3A_573 : vector<16xi32> to vector<16xi32>
    %eq3A_575 = arith.constant 0 : i32
    %eq3A_576 = vector.broadcast %eq3A_575 : i32 to vector<16xi32>
    %eq3A_577 = arith.cmpi eq, %get3A_574, %eq3A_576 : vector<16xi32>
    %get3A_578 = arith.constant 32 : index
    %get3A_579 = tpu.vector_load %arg20[%get3A_578] {strides = array<i32>} : memref<64xf32, #tpu.memory_space<vmem>>, vector<16xf32>,
    %get3A_580 = vector.shape_cast %get3A_579 : vector<16xf32> to vector<16xf32>
    %select_n3A_581 = arith.select %eq3A_577, %broadcast_in_dim3A_7, %get3A_580 : vector<16xi1>, vector<16xf32>
    %swap3A_582 = arith.constant 32 : index
    %swap3A_583 = tpu.vector_load %arg20[%swap3A_582] {strides = array<i32>} : memref<64xf32, #tpu.memory_space<vmem>>, vector<16xf32>,
    %swap3A_584 = vector.shape_cast %swap3A_583 : vector<16xf32> to vector<16xf32>
    %swap3A_585 = vector.shape_cast %select_n3A_581 : vector<16xf32> to vector<16xf32>
    tpu.vector_store %arg20[%swap3A_582], %swap3A_585 {strides = array<i32>} : memref<64xf32, #tpu.memory_space<vmem>>, vector<16xf32>,
    %select_n3A_586 = arith.select %eq3A_577, %broadcast_in_dim3A_5, %broadcast_in_dim3A_3 : vector<16xi1>, vector<16xi32>
    %add3A_587 = arith.addi %add3A_571, %select_n3A_586 : vector<16xi32>
    %get3A_588 = arith.constant 7984 : index
    %get3A_589 = tpu.vector_load %arg7[%get3A_588] {strides = array<i32>} : memref<8192xi32, #tpu.memory_space<vmem>>, vector<16xi32>,
    %get3A_590 = vector.shape_cast %get3A_589 : vector<16xi32> to vector<16xi32>
    %eq3A_591 = arith.constant 0 : i32
    %eq3A_592 = vector.broadcast %eq3A_591 : i32 to vector<16xi32>
    %eq3A_593 = arith.cmpi eq, %get3A_590, %eq3A_592 : vector<16xi32>
    %get3A_594 = arith.constant 48 : index
    %get3A_595 = tpu.vector_load %arg20[%get3A_594] {strides = array<i32>} : memref<64xf32, #tpu.memory_space<vmem>>, vector<16xf32>,
    %get3A_596 = vector.shape_cast %get3A_595 : vector<16xf32> to vector<16xf32>
    %select_n3A_597 = arith.select %eq3A_593, %broadcast_in_dim3A_7, %get3A_596 : vector<16xi1>, vector<16xf32>
    %swap3A_598 = arith.constant 48 : index
    %swap3A_599 = tpu.vector_load %arg20[%swap3A_598] {strides = array<i32>} : memref<64xf32, #tpu.memory_space<vmem>>, vector<16xf32>,
    %swap3A_600 = vector.shape_cast %swap3A_599 : vector<16xf32> to vector<16xf32>
    %swap3A_601 = vector.shape_cast %select_n3A_597 : vector<16xf32> to vector<16xf32>
    tpu.vector_store %arg20[%swap3A_598], %swap3A_601 {strides = array<i32>} : memref<64xf32, #tpu.memory_space<vmem>>, vector<16xf32>,
    %select_n3A_602 = arith.select %eq3A_593, %broadcast_in_dim3A_5, %broadcast_in_dim3A_3 : vector<16xi1>, vector<16xi32>
    %add3A_603 = arith.addi %add3A_587, %select_n3A_602 : vector<16xi32>
    %swap3A_604 = arith.constant 1984 : index
    %swap3A_605 = tpu.vector_load %arg24[%swap3A_604] {strides = array<i32>} : memref<2048xi32, #tpu.memory_space<vmem>>, vector<16xi32>,
    %swap3A_606 = vector.shape_cast %swap3A_605 : vector<16xi32> to vector<16xi32>
    %swap3A_607 = vector.shape_cast %add3A_603 : vector<16xi32> to vector<16xi32>
    tpu.vector_store %arg24[%swap3A_604], %swap3A_607 {strides = array<i32>} : memref<2048xi32, #tpu.memory_space<vmem>>, vector<16xi32>,
    %get3A_608 = arith.constant 0 : index
    %get3A_609 = tpu.vector_load %arg25[%get3A_608] {strides = array<i32>} : memref<16xi32, #tpu.memory_space<vmem>>, vector<16xi32>,
    %get3A_610 = vector.shape_cast %get3A_609 : vector<16xi32> to vector<16xi32>
    %add3A_611 = arith.addi %get3A_610, %add3A_603 : vector<16xi32>
    %swap3A_612 = arith.constant 0 : index
    %swap3A_613 = tpu.vector_load %arg25[%swap3A_612] {strides = array<i32>} : memref<16xi32, #tpu.memory_space<vmem>>, vector<16xi32>,
    %swap3A_614 = vector.shape_cast %swap3A_613 : vector<16xi32> to vector<16xi32>
    %swap3A_615 = vector.shape_cast %add3A_611 : vector<16xi32> to vector<16xi32>
    tpu.vector_store %arg25[%swap3A_612], %swap3A_615 {strides = array<i32>} : memref<16xi32, #tpu.memory_space<vmem>>, vector<16xi32>,
    %add3A_616 = arith.constant 7936 : i32
    %add3A_617 = arith.addi %mul3A_2, %add3A_616 : i32
    %dma_start3A_618 = arith.constant 0 : i32
    %dma_start3A_619 = tpu.memref_slice %arg5[%add3A_617, %dma_start3A_618] : memref<262144x128xf32, #tpu.memory_space<hbm>> -> memref<64x128xf32, #tpu.memory_space<hbm>>
    %dma_start3A_620 = arith.constant 0 : i32
    %dma_start3A_621 = tpu.memref_slice %arg5[%add3A_617, %dma_start3A_620] : memref<262144x128xf32, #tpu.memory_space<hbm>> -> memref<64x128xf32, #tpu.memory_space<hbm>>
    tpu.enqueue_dma source(%arg12 : memref<64x128xf32, #tpu.memory_space<vmem>>) target(%dma_start3A_621 : memref<64x128xf32, #tpu.memory_space<hbm>>) target_semaphore(%arg39 : memref<!tpu.dma_semaphore, #tpu.memory_space<semaphore_mem>>)
    %add3A_622 = arith.constant 7936 : i32
    %add3A_623 = arith.addi %mul3A_2, %add3A_622 : i32
    %dma_start3A_624 = tpu.memref_slice %arg6[%add3A_623] : memref<262144xf32, #tpu.memory_space<hbm>> -> memref<64xf32, #tpu.memory_space<hbm>>
    %dma_start3A_625 = tpu.memref_slice %arg6[%add3A_623] : memref<262144xf32, #tpu.memory_space<hbm>> -> memref<64xf32, #tpu.memory_space<hbm>>
    tpu.enqueue_dma source(%arg20 : memref<64xf32, #tpu.memory_space<vmem>>) target(%dma_start3A_625 : memref<64xf32, #tpu.memory_space<hbm>>) target_semaphore(%arg39 : memref<!tpu.dma_semaphore, #tpu.memory_space<semaphore_mem>>)
    %add3A_626 = arith.constant 7808 : i32
    %add3A_627 = arith.addi %mul3A_2, %add3A_626 : i32
    %dma_wait3A_628 = arith.constant 0 : i32
    %dma_wait3A_629 = tpu.memref_slice %arg5[%add3A_627, %dma_wait3A_628] : memref<262144x128xf32, #tpu.memory_space<hbm>> -> memref<64x128xf32, #tpu.memory_space<hbm>>
    %dma_wait3A_630 = arith.constant 0 : i32
    %dma_wait3A_631 = tpu.memref_slice %arg5[%add3A_627, %dma_wait3A_630] : memref<262144x128xf32, #tpu.memory_space<hbm>> -> memref<64x128xf32, #tpu.memory_space<hbm>>
    tpu.wait_dma2 semaphore(%arg37 : memref<!tpu.dma_semaphore, #tpu.memory_space<semaphore_mem>>) src(%arg10 : memref<64x128xf32, #tpu.memory_space<vmem>>) dst(%dma_wait3A_631 : memref<64x128xf32, #tpu.memory_space<hbm>>)
    %add3A_632 = arith.constant 7808 : i32
    %add3A_633 = arith.addi %mul3A_2, %add3A_632 : i32
    %dma_wait3A_634 = tpu.memref_slice %arg6[%add3A_633] : memref<262144xf32, #tpu.memory_space<hbm>> -> memref<64xf32, #tpu.memory_space<hbm>>
    %dma_wait3A_635 = tpu.memref_slice %arg6[%add3A_633] : memref<262144xf32, #tpu.memory_space<hbm>> -> memref<64xf32, #tpu.memory_space<hbm>>
    tpu.wait_dma2 semaphore(%arg37 : memref<!tpu.dma_semaphore, #tpu.memory_space<semaphore_mem>>) src(%arg18 : memref<64xf32, #tpu.memory_space<vmem>>) dst(%dma_wait3A_635 : memref<64xf32, #tpu.memory_space<hbm>>)
    %dma_wait3A_636 = arith.constant 8000 : i32
    %dma_wait3A_637 = tpu.memref_slice %arg7[%dma_wait3A_636] : memref<8192xi32, #tpu.memory_space<vmem>> -> memref<64xi32, #tpu.memory_space<vmem>>
    %dma_wait3A_638 = arith.constant 0 : i32
    %dma_wait3A_639 = arith.constant 0 : i32
    %dma_wait3A_640 = tpu.memref_slice %arg3[%dma_wait3A_638, %dma_wait3A_639] : memref<100000x128xf32, #tpu.memory_space<hbm>> -> memref<100000x128xf32, #tpu.memory_space<hbm>>
    tpu.wait_indirect_dma semaphore(%arg32 : memref<!tpu.dma_semaphore, #tpu.memory_space<semaphore_mem>>) src(%dma_wait3A_640 : memref<100000x128xf32, #tpu.memory_space<hbm>>) dst(%arg13 : memref<64x128xf32, #tpu.memory_space<vmem>>)
    %dma_wait3A_641 = arith.constant 8000 : i32
    %dma_wait3A_642 = tpu.memref_slice %arg7[%dma_wait3A_641] : memref<8192xi32, #tpu.memory_space<vmem>> -> memref<64xi32, #tpu.memory_space<vmem>>
    %dma_wait3A_643 = arith.constant 0 : i32
    %dma_wait3A_644 = tpu.memref_slice %arg4[%dma_wait3A_643] : memref<100000xf32, #tpu.memory_space<hbm>> -> memref<100000xf32, #tpu.memory_space<hbm>>
    tpu.wait_indirect_dma semaphore(%arg32 : memref<!tpu.dma_semaphore, #tpu.memory_space<semaphore_mem>>) src(%dma_wait3A_644 : memref<100000xf32, #tpu.memory_space<hbm>>) dst(%arg21 : memref<64xf32, #tpu.memory_space<vmem>>)
    %get3A_645 = arith.constant 8000 : index
    %get3A_646 = tpu.vector_load %arg7[%get3A_645] {strides = array<i32>} : memref<8192xi32, #tpu.memory_space<vmem>>, vector<16xi32>,
    %get3A_647 = vector.shape_cast %get3A_646 : vector<16xi32> to vector<16xi32>
    %eq3A_648 = arith.constant 0 : i32
    %eq3A_649 = vector.broadcast %eq3A_648 : i32 to vector<16xi32>
    %eq3A_650 = arith.cmpi eq, %get3A_647, %eq3A_649 : vector<16xi32>
    %get3A_651 = arith.constant 0 : index
    %get3A_652 = tpu.vector_load %arg21[%get3A_651] {strides = array<i32>} : memref<64xf32, #tpu.memory_space<vmem>>, vector<16xf32>,
    %get3A_653 = vector.shape_cast %get3A_652 : vector<16xf32> to vector<16xf32>
    %select_n3A_654 = arith.select %eq3A_650, %broadcast_in_dim3A_7, %get3A_653 : vector<16xi1>, vector<16xf32>
    %swap3A_655 = arith.constant 0 : index
    %swap3A_656 = tpu.vector_load %arg21[%swap3A_655] {strides = array<i32>} : memref<64xf32, #tpu.memory_space<vmem>>, vector<16xf32>,
    %swap3A_657 = vector.shape_cast %swap3A_656 : vector<16xf32> to vector<16xf32>
    %swap3A_658 = vector.shape_cast %select_n3A_654 : vector<16xf32> to vector<16xf32>
    tpu.vector_store %arg21[%swap3A_655], %swap3A_658 {strides = array<i32>} : memref<64xf32, #tpu.memory_space<vmem>>, vector<16xf32>,
    %select_n3A_659 = arith.select %eq3A_650, %broadcast_in_dim3A_5, %broadcast_in_dim3A_3 : vector<16xi1>, vector<16xi32>
    %add3A_660 = arith.addi %broadcast_in_dim3A_3, %select_n3A_659 : vector<16xi32>
    %get3A_661 = arith.constant 8016 : index
    %get3A_662 = tpu.vector_load %arg7[%get3A_661] {strides = array<i32>} : memref<8192xi32, #tpu.memory_space<vmem>>, vector<16xi32>,
    %get3A_663 = vector.shape_cast %get3A_662 : vector<16xi32> to vector<16xi32>
    %eq3A_664 = arith.constant 0 : i32
    %eq3A_665 = vector.broadcast %eq3A_664 : i32 to vector<16xi32>
    %eq3A_666 = arith.cmpi eq, %get3A_663, %eq3A_665 : vector<16xi32>
    %get3A_667 = arith.constant 16 : index
    %get3A_668 = tpu.vector_load %arg21[%get3A_667] {strides = array<i32>} : memref<64xf32, #tpu.memory_space<vmem>>, vector<16xf32>,
    %get3A_669 = vector.shape_cast %get3A_668 : vector<16xf32> to vector<16xf32>
    %select_n3A_670 = arith.select %eq3A_666, %broadcast_in_dim3A_7, %get3A_669 : vector<16xi1>, vector<16xf32>
    %swap3A_671 = arith.constant 16 : index
    %swap3A_672 = tpu.vector_load %arg21[%swap3A_671] {strides = array<i32>} : memref<64xf32, #tpu.memory_space<vmem>>, vector<16xf32>,
    %swap3A_673 = vector.shape_cast %swap3A_672 : vector<16xf32> to vector<16xf32>
    %swap3A_674 = vector.shape_cast %select_n3A_670 : vector<16xf32> to vector<16xf32>
    tpu.vector_store %arg21[%swap3A_671], %swap3A_674 {strides = array<i32>} : memref<64xf32, #tpu.memory_space<vmem>>, vector<16xf32>,
    %select_n3A_675 = arith.select %eq3A_666, %broadcast_in_dim3A_5, %broadcast_in_dim3A_3 : vector<16xi1>, vector<16xi32>
    %add3A_676 = arith.addi %add3A_660, %select_n3A_675 : vector<16xi32>
    %get3A_677 = arith.constant 8032 : index
    %get3A_678 = tpu.vector_load %arg7[%get3A_677] {strides = array<i32>} : memref<8192xi32, #tpu.memory_space<vmem>>, vector<16xi32>,
    %get3A_679 = vector.shape_cast %get3A_678 : vector<16xi32> to vector<16xi32>
    %eq3A_680 = arith.constant 0 : i32
    %eq3A_681 = vector.broadcast %eq3A_680 : i32 to vector<16xi32>
    %eq3A_682 = arith.cmpi eq, %get3A_679, %eq3A_681 : vector<16xi32>
    %get3A_683 = arith.constant 32 : index
    %get3A_684 = tpu.vector_load %arg21[%get3A_683] {strides = array<i32>} : memref<64xf32, #tpu.memory_space<vmem>>, vector<16xf32>,
    %get3A_685 = vector.shape_cast %get3A_684 : vector<16xf32> to vector<16xf32>
    %select_n3A_686 = arith.select %eq3A_682, %broadcast_in_dim3A_7, %get3A_685 : vector<16xi1>, vector<16xf32>
    %swap3A_687 = arith.constant 32 : index
    %swap3A_688 = tpu.vector_load %arg21[%swap3A_687] {strides = array<i32>} : memref<64xf32, #tpu.memory_space<vmem>>, vector<16xf32>,
    %swap3A_689 = vector.shape_cast %swap3A_688 : vector<16xf32> to vector<16xf32>
    %swap3A_690 = vector.shape_cast %select_n3A_686 : vector<16xf32> to vector<16xf32>
    tpu.vector_store %arg21[%swap3A_687], %swap3A_690 {strides = array<i32>} : memref<64xf32, #tpu.memory_space<vmem>>, vector<16xf32>,
    %select_n3A_691 = arith.select %eq3A_682, %broadcast_in_dim3A_5, %broadcast_in_dim3A_3 : vector<16xi1>, vector<16xi32>
    %add3A_692 = arith.addi %add3A_676, %select_n3A_691 : vector<16xi32>
    %get3A_693 = arith.constant 8048 : index
    %get3A_694 = tpu.vector_load %arg7[%get3A_693] {strides = array<i32>} : memref<8192xi32, #tpu.memory_space<vmem>>, vector<16xi32>,
    %get3A_695 = vector.shape_cast %get3A_694 : vector<16xi32> to vector<16xi32>
    %eq3A_696 = arith.constant 0 : i32
    %eq3A_697 = vector.broadcast %eq3A_696 : i32 to vector<16xi32>
    %eq3A_698 = arith.cmpi eq, %get3A_695, %eq3A_697 : vector<16xi32>
    %get3A_699 = arith.constant 48 : index
    %get3A_700 = tpu.vector_load %arg21[%get3A_699] {strides = array<i32>} : memref<64xf32, #tpu.memory_space<vmem>>, vector<16xf32>,
    %get3A_701 = vector.shape_cast %get3A_700 : vector<16xf32> to vector<16xf32>
    %select_n3A_702 = arith.select %eq3A_698, %broadcast_in_dim3A_7, %get3A_701 : vector<16xi1>, vector<16xf32>
    %swap3A_703 = arith.constant 48 : index
    %swap3A_704 = tpu.vector_load %arg21[%swap3A_703] {strides = array<i32>} : memref<64xf32, #tpu.memory_space<vmem>>, vector<16xf32>,
    %swap3A_705 = vector.shape_cast %swap3A_704 : vector<16xf32> to vector<16xf32>
    %swap3A_706 = vector.shape_cast %select_n3A_702 : vector<16xf32> to vector<16xf32>
    tpu.vector_store %arg21[%swap3A_703], %swap3A_706 {strides = array<i32>} : memref<64xf32, #tpu.memory_space<vmem>>, vector<16xf32>,
    %select_n3A_707 = arith.select %eq3A_698, %broadcast_in_dim3A_5, %broadcast_in_dim3A_3 : vector<16xi1>, vector<16xi32>
    %add3A_708 = arith.addi %add3A_692, %select_n3A_707 : vector<16xi32>
    %swap3A_709 = arith.constant 2000 : index
    %swap3A_710 = tpu.vector_load %arg24[%swap3A_709] {strides = array<i32>} : memref<2048xi32, #tpu.memory_space<vmem>>, vector<16xi32>,
    %swap3A_711 = vector.shape_cast %swap3A_710 : vector<16xi32> to vector<16xi32>
    %swap3A_712 = vector.shape_cast %add3A_708 : vector<16xi32> to vector<16xi32>
    tpu.vector_store %arg24[%swap3A_709], %swap3A_712 {strides = array<i32>} : memref<2048xi32, #tpu.memory_space<vmem>>, vector<16xi32>,
    %get3A_713 = arith.constant 0 : index
    %get3A_714 = tpu.vector_load %arg25[%get3A_713] {strides = array<i32>} : memref<16xi32, #tpu.memory_space<vmem>>, vector<16xi32>,
    %get3A_715 = vector.shape_cast %get3A_714 : vector<16xi32> to vector<16xi32>
    %add3A_716 = arith.addi %get3A_715, %add3A_708 : vector<16xi32>
    %swap3A_717 = arith.constant 0 : index
    %swap3A_718 = tpu.vector_load %arg25[%swap3A_717] {strides = array<i32>} : memref<16xi32, #tpu.memory_space<vmem>>, vector<16xi32>,
    %swap3A_719 = vector.shape_cast %swap3A_718 : vector<16xi32> to vector<16xi32>
    %swap3A_720 = vector.shape_cast %add3A_716 : vector<16xi32> to vector<16xi32>
    tpu.vector_store %arg25[%swap3A_717], %swap3A_720 {strides = array<i32>} : memref<16xi32, #tpu.memory_space<vmem>>, vector<16xi32>,
    %add3A_721 = arith.constant 8000 : i32
    %add3A_722 = arith.addi %mul3A_2, %add3A_721 : i32
    %dma_start3A_723 = arith.constant 0 : i32
    %dma_start3A_724 = tpu.memref_slice %arg5[%add3A_722, %dma_start3A_723] : memref<262144x128xf32, #tpu.memory_space<hbm>> -> memref<64x128xf32, #tpu.memory_space<hbm>>
    %dma_start3A_725 = arith.constant 0 : i32
    %dma_start3A_726 = tpu.memref_slice %arg5[%add3A_722, %dma_start3A_725] : memref<262144x128xf32, #tpu.memory_space<hbm>> -> memref<64x128xf32, #tpu.memory_space<hbm>>
    tpu.enqueue_dma source(%arg13 : memref<64x128xf32, #tpu.memory_space<vmem>>) target(%dma_start3A_726 : memref<64x128xf32, #tpu.memory_space<hbm>>) target_semaphore(%arg40 : memref<!tpu.dma_semaphore, #tpu.memory_space<semaphore_mem>>)
    %add3A_727 = arith.constant 8000 : i32
    %add3A_728 = arith.addi %mul3A_2, %add3A_727 : i32
    %dma_start3A_729 = tpu.memref_slice %arg6[%add3A_728] : memref<262144xf32, #tpu.memory_space<hbm>> -> memref<64xf32, #tpu.memory_space<hbm>>
    %dma_start3A_730 = tpu.memref_slice %arg6[%add3A_728] : memref<262144xf32, #tpu.memory_space<hbm>> -> memref<64xf32, #tpu.memory_space<hbm>>
    tpu.enqueue_dma source(%arg21 : memref<64xf32, #tpu.memory_space<vmem>>) target(%dma_start3A_730 : memref<64xf32, #tpu.memory_space<hbm>>) target_semaphore(%arg40 : memref<!tpu.dma_semaphore, #tpu.memory_space<semaphore_mem>>)
    %add3A_731 = arith.constant 7872 : i32
    %add3A_732 = arith.addi %mul3A_2, %add3A_731 : i32
    %dma_wait3A_733 = arith.constant 0 : i32
    %dma_wait3A_734 = tpu.memref_slice %arg5[%add3A_732, %dma_wait3A_733] : memref<262144x128xf32, #tpu.memory_space<hbm>> -> memref<64x128xf32, #tpu.memory_space<hbm>>
    %dma_wait3A_735 = arith.constant 0 : i32
    %dma_wait3A_736 = tpu.memref_slice %arg5[%add3A_732, %dma_wait3A_735] : memref<262144x128xf32, #tpu.memory_space<hbm>> -> memref<64x128xf32, #tpu.memory_space<hbm>>
    tpu.wait_dma2 semaphore(%arg38 : memref<!tpu.dma_semaphore, #tpu.memory_space<semaphore_mem>>) src(%arg11 : memref<64x128xf32, #tpu.memory_space<vmem>>) dst(%dma_wait3A_736 : memref<64x128xf32, #tpu.memory_space<hbm>>)
    %add3A_737 = arith.constant 7872 : i32
    %add3A_738 = arith.addi %mul3A_2, %add3A_737 : i32
    %dma_wait3A_739 = tpu.memref_slice %arg6[%add3A_738] : memref<262144xf32, #tpu.memory_space<hbm>> -> memref<64xf32, #tpu.memory_space<hbm>>
    %dma_wait3A_740 = tpu.memref_slice %arg6[%add3A_738] : memref<262144xf32, #tpu.memory_space<hbm>> -> memref<64xf32, #tpu.memory_space<hbm>>
    tpu.wait_dma2 semaphore(%arg38 : memref<!tpu.dma_semaphore, #tpu.memory_space<semaphore_mem>>) src(%arg19 : memref<64xf32, #tpu.memory_space<vmem>>) dst(%dma_wait3A_740 : memref<64xf32, #tpu.memory_space<hbm>>)
    %dma_wait3A_741 = arith.constant 8064 : i32
    %dma_wait3A_742 = tpu.memref_slice %arg7[%dma_wait3A_741] : memref<8192xi32, #tpu.memory_space<vmem>> -> memref<64xi32, #tpu.memory_space<vmem>>
    %dma_wait3A_743 = arith.constant 0 : i32
    %dma_wait3A_744 = arith.constant 0 : i32
    %dma_wait3A_745 = tpu.memref_slice %arg3[%dma_wait3A_743, %dma_wait3A_744] : memref<100000x128xf32, #tpu.memory_space<hbm>> -> memref<100000x128xf32, #tpu.memory_space<hbm>>
    tpu.wait_indirect_dma semaphore(%arg33 : memref<!tpu.dma_semaphore, #tpu.memory_space<semaphore_mem>>) src(%dma_wait3A_745 : memref<100000x128xf32, #tpu.memory_space<hbm>>) dst(%arg14 : memref<64x128xf32, #tpu.memory_space<vmem>>)
    %dma_wait3A_746 = arith.constant 8064 : i32
    %dma_wait3A_747 = tpu.memref_slice %arg7[%dma_wait3A_746] : memref<8192xi32, #tpu.memory_space<vmem>> -> memref<64xi32, #tpu.memory_space<vmem>>
    %dma_wait3A_748 = arith.constant 0 : i32
    %dma_wait3A_749 = tpu.memref_slice %arg4[%dma_wait3A_748] : memref<100000xf32, #tpu.memory_space<hbm>> -> memref<100000xf32, #tpu.memory_space<hbm>>
    tpu.wait_indirect_dma semaphore(%arg33 : memref<!tpu.dma_semaphore, #tpu.memory_space<semaphore_mem>>) src(%dma_wait3A_749 : memref<100000xf32, #tpu.memory_space<hbm>>) dst(%arg22 : memref<64xf32, #tpu.memory_space<vmem>>)
    %get3A_750 = arith.constant 8064 : index
    %get3A_751 = tpu.vector_load %arg7[%get3A_750] {strides = array<i32>} : memref<8192xi32, #tpu.memory_space<vmem>>, vector<16xi32>,
    %get3A_752 = vector.shape_cast %get3A_751 : vector<16xi32> to vector<16xi32>
    %eq3A_753 = arith.constant 0 : i32
    %eq3A_754 = vector.broadcast %eq3A_753 : i32 to vector<16xi32>
    %eq3A_755 = arith.cmpi eq, %get3A_752, %eq3A_754 : vector<16xi32>
    %get3A_756 = arith.constant 0 : index
    %get3A_757 = tpu.vector_load %arg22[%get3A_756] {strides = array<i32>} : memref<64xf32, #tpu.memory_space<vmem>>, vector<16xf32>,
    %get3A_758 = vector.shape_cast %get3A_757 : vector<16xf32> to vector<16xf32>
    %select_n3A_759 = arith.select %eq3A_755, %broadcast_in_dim3A_7, %get3A_758 : vector<16xi1>, vector<16xf32>
    %swap3A_760 = arith.constant 0 : index
    %swap3A_761 = tpu.vector_load %arg22[%swap3A_760] {strides = array<i32>} : memref<64xf32, #tpu.memory_space<vmem>>, vector<16xf32>,
    %swap3A_762 = vector.shape_cast %swap3A_761 : vector<16xf32> to vector<16xf32>
    %swap3A_763 = vector.shape_cast %select_n3A_759 : vector<16xf32> to vector<16xf32>
    tpu.vector_store %arg22[%swap3A_760], %swap3A_763 {strides = array<i32>} : memref<64xf32, #tpu.memory_space<vmem>>, vector<16xf32>,
    %select_n3A_764 = arith.select %eq3A_755, %broadcast_in_dim3A_5, %broadcast_in_dim3A_3 : vector<16xi1>, vector<16xi32>
    %add3A_765 = arith.addi %broadcast_in_dim3A_3, %select_n3A_764 : vector<16xi32>
    %get3A_766 = arith.constant 8080 : index
    %get3A_767 = tpu.vector_load %arg7[%get3A_766] {strides = array<i32>} : memref<8192xi32, #tpu.memory_space<vmem>>, vector<16xi32>,
    %get3A_768 = vector.shape_cast %get3A_767 : vector<16xi32> to vector<16xi32>
    %eq3A_769 = arith.constant 0 : i32
    %eq3A_770 = vector.broadcast %eq3A_769 : i32 to vector<16xi32>
    %eq3A_771 = arith.cmpi eq, %get3A_768, %eq3A_770 : vector<16xi32>
    %get3A_772 = arith.constant 16 : index
    %get3A_773 = tpu.vector_load %arg22[%get3A_772] {strides = array<i32>} : memref<64xf32, #tpu.memory_space<vmem>>, vector<16xf32>,
    %get3A_774 = vector.shape_cast %get3A_773 : vector<16xf32> to vector<16xf32>
    %select_n3A_775 = arith.select %eq3A_771, %broadcast_in_dim3A_7, %get3A_774 : vector<16xi1>, vector<16xf32>
    %swap3A_776 = arith.constant 16 : index
    %swap3A_777 = tpu.vector_load %arg22[%swap3A_776] {strides = array<i32>} : memref<64xf32, #tpu.memory_space<vmem>>, vector<16xf32>,
    %swap3A_778 = vector.shape_cast %swap3A_777 : vector<16xf32> to vector<16xf32>
    %swap3A_779 = vector.shape_cast %select_n3A_775 : vector<16xf32> to vector<16xf32>
    tpu.vector_store %arg22[%swap3A_776], %swap3A_779 {strides = array<i32>} : memref<64xf32, #tpu.memory_space<vmem>>, vector<16xf32>,
    %select_n3A_780 = arith.select %eq3A_771, %broadcast_in_dim3A_5, %broadcast_in_dim3A_3 : vector<16xi1>, vector<16xi32>
    %add3A_781 = arith.addi %add3A_765, %select_n3A_780 : vector<16xi32>
    %get3A_782 = arith.constant 8096 : index
    %get3A_783 = tpu.vector_load %arg7[%get3A_782] {strides = array<i32>} : memref<8192xi32, #tpu.memory_space<vmem>>, vector<16xi32>,
    %get3A_784 = vector.shape_cast %get3A_783 : vector<16xi32> to vector<16xi32>
    %eq3A_785 = arith.constant 0 : i32
    %eq3A_786 = vector.broadcast %eq3A_785 : i32 to vector<16xi32>
    %eq3A_787 = arith.cmpi eq, %get3A_784, %eq3A_786 : vector<16xi32>
    %get3A_788 = arith.constant 32 : index
    %get3A_789 = tpu.vector_load %arg22[%get3A_788] {strides = array<i32>} : memref<64xf32, #tpu.memory_space<vmem>>, vector<16xf32>,
    %get3A_790 = vector.shape_cast %get3A_789 : vector<16xf32> to vector<16xf32>
    %select_n3A_791 = arith.select %eq3A_787, %broadcast_in_dim3A_7, %get3A_790 : vector<16xi1>, vector<16xf32>
    %swap3A_792 = arith.constant 32 : index
    %swap3A_793 = tpu.vector_load %arg22[%swap3A_792] {strides = array<i32>} : memref<64xf32, #tpu.memory_space<vmem>>, vector<16xf32>,
    %swap3A_794 = vector.shape_cast %swap3A_793 : vector<16xf32> to vector<16xf32>
    %swap3A_795 = vector.shape_cast %select_n3A_791 : vector<16xf32> to vector<16xf32>
    tpu.vector_store %arg22[%swap3A_792], %swap3A_795 {strides = array<i32>} : memref<64xf32, #tpu.memory_space<vmem>>, vector<16xf32>,
    %select_n3A_796 = arith.select %eq3A_787, %broadcast_in_dim3A_5, %broadcast_in_dim3A_3 : vector<16xi1>, vector<16xi32>
    %add3A_797 = arith.addi %add3A_781, %select_n3A_796 : vector<16xi32>
    %get3A_798 = arith.constant 8112 : index
    %get3A_799 = tpu.vector_load %arg7[%get3A_798] {strides = array<i32>} : memref<8192xi32, #tpu.memory_space<vmem>>, vector<16xi32>,
    %get3A_800 = vector.shape_cast %get3A_799 : vector<16xi32> to vector<16xi32>
    %eq3A_801 = arith.constant 0 : i32
    %eq3A_802 = vector.broadcast %eq3A_801 : i32 to vector<16xi32>
    %eq3A_803 = arith.cmpi eq, %get3A_800, %eq3A_802 : vector<16xi32>
    %get3A_804 = arith.constant 48 : index
    %get3A_805 = tpu.vector_load %arg22[%get3A_804] {strides = array<i32>} : memref<64xf32, #tpu.memory_space<vmem>>, vector<16xf32>,
    %get3A_806 = vector.shape_cast %get3A_805 : vector<16xf32> to vector<16xf32>
    %select_n3A_807 = arith.select %eq3A_803, %broadcast_in_dim3A_7, %get3A_806 : vector<16xi1>, vector<16xf32>
    %swap3A_808 = arith.constant 48 : index
    %swap3A_809 = tpu.vector_load %arg22[%swap3A_808] {strides = array<i32>} : memref<64xf32, #tpu.memory_space<vmem>>, vector<16xf32>,
    %swap3A_810 = vector.shape_cast %swap3A_809 : vector<16xf32> to vector<16xf32>
    %swap3A_811 = vector.shape_cast %select_n3A_807 : vector<16xf32> to vector<16xf32>
    tpu.vector_store %arg22[%swap3A_808], %swap3A_811 {strides = array<i32>} : memref<64xf32, #tpu.memory_space<vmem>>, vector<16xf32>,
    %select_n3A_812 = arith.select %eq3A_803, %broadcast_in_dim3A_5, %broadcast_in_dim3A_3 : vector<16xi1>, vector<16xi32>
    %add3A_813 = arith.addi %add3A_797, %select_n3A_812 : vector<16xi32>
    %swap3A_814 = arith.constant 2016 : index
    %swap3A_815 = tpu.vector_load %arg24[%swap3A_814] {strides = array<i32>} : memref<2048xi32, #tpu.memory_space<vmem>>, vector<16xi32>,
    %swap3A_816 = vector.shape_cast %swap3A_815 : vector<16xi32> to vector<16xi32>
    %swap3A_817 = vector.shape_cast %add3A_813 : vector<16xi32> to vector<16xi32>
    tpu.vector_store %arg24[%swap3A_814], %swap3A_817 {strides = array<i32>} : memref<2048xi32, #tpu.memory_space<vmem>>, vector<16xi32>,
    %get3A_818 = arith.constant 0 : index
    %get3A_819 = tpu.vector_load %arg25[%get3A_818] {strides = array<i32>} : memref<16xi32, #tpu.memory_space<vmem>>, vector<16xi32>,
    %get3A_820 = vector.shape_cast %get3A_819 : vector<16xi32> to vector<16xi32>
    %add3A_821 = arith.addi %get3A_820, %add3A_813 : vector<16xi32>
    %swap3A_822 = arith.constant 0 : index
    %swap3A_823 = tpu.vector_load %arg25[%swap3A_822] {strides = array<i32>} : memref<16xi32, #tpu.memory_space<vmem>>, vector<16xi32>,
    %swap3A_824 = vector.shape_cast %swap3A_823 : vector<16xi32> to vector<16xi32>
    %swap3A_825 = vector.shape_cast %add3A_821 : vector<16xi32> to vector<16xi32>
    tpu.vector_store %arg25[%swap3A_822], %swap3A_825 {strides = array<i32>} : memref<16xi32, #tpu.memory_space<vmem>>, vector<16xi32>,
    %add3A_826 = arith.constant 8064 : i32
    %add3A_827 = arith.addi %mul3A_2, %add3A_826 : i32
    %dma_start3A_828 = arith.constant 0 : i32
    %dma_start3A_829 = tpu.memref_slice %arg5[%add3A_827, %dma_start3A_828] : memref<262144x128xf32, #tpu.memory_space<hbm>> -> memref<64x128xf32, #tpu.memory_space<hbm>>
    %dma_start3A_830 = arith.constant 0 : i32
    %dma_start3A_831 = tpu.memref_slice %arg5[%add3A_827, %dma_start3A_830] : memref<262144x128xf32, #tpu.memory_space<hbm>> -> memref<64x128xf32, #tpu.memory_space<hbm>>
    tpu.enqueue_dma source(%arg14 : memref<64x128xf32, #tpu.memory_space<vmem>>) target(%dma_start3A_831 : memref<64x128xf32, #tpu.memory_space<hbm>>) target_semaphore(%arg41 : memref<!tpu.dma_semaphore, #tpu.memory_space<semaphore_mem>>)
    %add3A_832 = arith.constant 8064 : i32
    %add3A_833 = arith.addi %mul3A_2, %add3A_832 : i32
    %dma_start3A_834 = tpu.memref_slice %arg6[%add3A_833] : memref<262144xf32, #tpu.memory_space<hbm>> -> memref<64xf32, #tpu.memory_space<hbm>>
    %dma_start3A_835 = tpu.memref_slice %arg6[%add3A_833] : memref<262144xf32, #tpu.memory_space<hbm>> -> memref<64xf32, #tpu.memory_space<hbm>>
    tpu.enqueue_dma source(%arg22 : memref<64xf32, #tpu.memory_space<vmem>>) target(%dma_start3A_835 : memref<64xf32, #tpu.memory_space<hbm>>) target_semaphore(%arg41 : memref<!tpu.dma_semaphore, #tpu.memory_space<semaphore_mem>>)
    %add3A_836 = arith.constant 7936 : i32
    %add3A_837 = arith.addi %mul3A_2, %add3A_836 : i32
    %dma_wait3A_838 = arith.constant 0 : i32
    %dma_wait3A_839 = tpu.memref_slice %arg5[%add3A_837, %dma_wait3A_838] : memref<262144x128xf32, #tpu.memory_space<hbm>> -> memref<64x128xf32, #tpu.memory_space<hbm>>
    %dma_wait3A_840 = arith.constant 0 : i32
    %dma_wait3A_841 = tpu.memref_slice %arg5[%add3A_837, %dma_wait3A_840] : memref<262144x128xf32, #tpu.memory_space<hbm>> -> memref<64x128xf32, #tpu.memory_space<hbm>>
    tpu.wait_dma2 semaphore(%arg39 : memref<!tpu.dma_semaphore, #tpu.memory_space<semaphore_mem>>) src(%arg12 : memref<64x128xf32, #tpu.memory_space<vmem>>) dst(%dma_wait3A_841 : memref<64x128xf32, #tpu.memory_space<hbm>>)
    %add3A_842 = arith.constant 7936 : i32
    %add3A_843 = arith.addi %mul3A_2, %add3A_842 : i32
    %dma_wait3A_844 = tpu.memref_slice %arg6[%add3A_843] : memref<262144xf32, #tpu.memory_space<hbm>> -> memref<64xf32, #tpu.memory_space<hbm>>
    %dma_wait3A_845 = tpu.memref_slice %arg6[%add3A_843] : memref<262144xf32, #tpu.memory_space<hbm>> -> memref<64xf32, #tpu.memory_space<hbm>>
    tpu.wait_dma2 semaphore(%arg39 : memref<!tpu.dma_semaphore, #tpu.memory_space<semaphore_mem>>) src(%arg20 : memref<64xf32, #tpu.memory_space<vmem>>) dst(%dma_wait3A_845 : memref<64xf32, #tpu.memory_space<hbm>>)
    %dma_wait3A_846 = arith.constant 8128 : i32
    %dma_wait3A_847 = tpu.memref_slice %arg7[%dma_wait3A_846] : memref<8192xi32, #tpu.memory_space<vmem>> -> memref<64xi32, #tpu.memory_space<vmem>>
    %dma_wait3A_848 = arith.constant 0 : i32
    %dma_wait3A_849 = arith.constant 0 : i32
    %dma_wait3A_850 = tpu.memref_slice %arg3[%dma_wait3A_848, %dma_wait3A_849] : memref<100000x128xf32, #tpu.memory_space<hbm>> -> memref<100000x128xf32, #tpu.memory_space<hbm>>
    tpu.wait_indirect_dma semaphore(%arg34 : memref<!tpu.dma_semaphore, #tpu.memory_space<semaphore_mem>>) src(%dma_wait3A_850 : memref<100000x128xf32, #tpu.memory_space<hbm>>) dst(%arg15 : memref<64x128xf32, #tpu.memory_space<vmem>>)
    %dma_wait3A_851 = arith.constant 8128 : i32
    %dma_wait3A_852 = tpu.memref_slice %arg7[%dma_wait3A_851] : memref<8192xi32, #tpu.memory_space<vmem>> -> memref<64xi32, #tpu.memory_space<vmem>>
    %dma_wait3A_853 = arith.constant 0 : i32
    %dma_wait3A_854 = tpu.memref_slice %arg4[%dma_wait3A_853] : memref<100000xf32, #tpu.memory_space<hbm>> -> memref<100000xf32, #tpu.memory_space<hbm>>
    tpu.wait_indirect_dma semaphore(%arg34 : memref<!tpu.dma_semaphore, #tpu.memory_space<semaphore_mem>>) src(%dma_wait3A_854 : memref<100000xf32, #tpu.memory_space<hbm>>) dst(%arg23 : memref<64xf32, #tpu.memory_space<vmem>>)
    %get3A_855 = arith.constant 8128 : index
    %get3A_856 = tpu.vector_load %arg7[%get3A_855] {strides = array<i32>} : memref<8192xi32, #tpu.memory_space<vmem>>, vector<16xi32>,
    %get3A_857 = vector.shape_cast %get3A_856 : vector<16xi32> to vector<16xi32>
    %eq3A_858 = arith.constant 0 : i32
    %eq3A_859 = vector.broadcast %eq3A_858 : i32 to vector<16xi32>
    %eq3A_860 = arith.cmpi eq, %get3A_857, %eq3A_859 : vector<16xi32>
    %get3A_861 = arith.constant 0 : index
    %get3A_862 = tpu.vector_load %arg23[%get3A_861] {strides = array<i32>} : memref<64xf32, #tpu.memory_space<vmem>>, vector<16xf32>,
    %get3A_863 = vector.shape_cast %get3A_862 : vector<16xf32> to vector<16xf32>
    %select_n3A_864 = arith.select %eq3A_860, %broadcast_in_dim3A_7, %get3A_863 : vector<16xi1>, vector<16xf32>
    %swap3A_865 = arith.constant 0 : index
    %swap3A_866 = tpu.vector_load %arg23[%swap3A_865] {strides = array<i32>} : memref<64xf32, #tpu.memory_space<vmem>>, vector<16xf32>,
    %swap3A_867 = vector.shape_cast %swap3A_866 : vector<16xf32> to vector<16xf32>
    %swap3A_868 = vector.shape_cast %select_n3A_864 : vector<16xf32> to vector<16xf32>
    tpu.vector_store %arg23[%swap3A_865], %swap3A_868 {strides = array<i32>} : memref<64xf32, #tpu.memory_space<vmem>>, vector<16xf32>,
    %select_n3A_869 = arith.select %eq3A_860, %broadcast_in_dim3A_5, %broadcast_in_dim3A_3 : vector<16xi1>, vector<16xi32>
    %add3A_870 = arith.addi %broadcast_in_dim3A_3, %select_n3A_869 : vector<16xi32>
    %get3A_871 = arith.constant 8144 : index
    %get3A_872 = tpu.vector_load %arg7[%get3A_871] {strides = array<i32>} : memref<8192xi32, #tpu.memory_space<vmem>>, vector<16xi32>,
    %get3A_873 = vector.shape_cast %get3A_872 : vector<16xi32> to vector<16xi32>
    %eq3A_874 = arith.constant 0 : i32
    %eq3A_875 = vector.broadcast %eq3A_874 : i32 to vector<16xi32>
    %eq3A_876 = arith.cmpi eq, %get3A_873, %eq3A_875 : vector<16xi32>
    %get3A_877 = arith.constant 16 : index
    %get3A_878 = tpu.vector_load %arg23[%get3A_877] {strides = array<i32>} : memref<64xf32, #tpu.memory_space<vmem>>, vector<16xf32>,
    %get3A_879 = vector.shape_cast %get3A_878 : vector<16xf32> to vector<16xf32>
    %select_n3A_880 = arith.select %eq3A_876, %broadcast_in_dim3A_7, %get3A_879 : vector<16xi1>, vector<16xf32>
    %swap3A_881 = arith.constant 16 : index
    %swap3A_882 = tpu.vector_load %arg23[%swap3A_881] {strides = array<i32>} : memref<64xf32, #tpu.memory_space<vmem>>, vector<16xf32>,
    %swap3A_883 = vector.shape_cast %swap3A_882 : vector<16xf32> to vector<16xf32>
    %swap3A_884 = vector.shape_cast %select_n3A_880 : vector<16xf32> to vector<16xf32>
    tpu.vector_store %arg23[%swap3A_881], %swap3A_884 {strides = array<i32>} : memref<64xf32, #tpu.memory_space<vmem>>, vector<16xf32>,
    %select_n3A_885 = arith.select %eq3A_876, %broadcast_in_dim3A_5, %broadcast_in_dim3A_3 : vector<16xi1>, vector<16xi32>
    %add3A_886 = arith.addi %add3A_870, %select_n3A_885 : vector<16xi32>
    %get3A_887 = arith.constant 8160 : index
    %get3A_888 = tpu.vector_load %arg7[%get3A_887] {strides = array<i32>} : memref<8192xi32, #tpu.memory_space<vmem>>, vector<16xi32>,
    %get3A_889 = vector.shape_cast %get3A_888 : vector<16xi32> to vector<16xi32>
    %eq3A_890 = arith.constant 0 : i32
    %eq3A_891 = vector.broadcast %eq3A_890 : i32 to vector<16xi32>
    %eq3A_892 = arith.cmpi eq, %get3A_889, %eq3A_891 : vector<16xi32>
    %get3A_893 = arith.constant 32 : index
    %get3A_894 = tpu.vector_load %arg23[%get3A_893] {strides = array<i32>} : memref<64xf32, #tpu.memory_space<vmem>>, vector<16xf32>,
    %get3A_895 = vector.shape_cast %get3A_894 : vector<16xf32> to vector<16xf32>
    %select_n3A_896 = arith.select %eq3A_892, %broadcast_in_dim3A_7, %get3A_895 : vector<16xi1>, vector<16xf32>
    %swap3A_897 = arith.constant 32 : index
    %swap3A_898 = tpu.vector_load %arg23[%swap3A_897] {strides = array<i32>} : memref<64xf32, #tpu.memory_space<vmem>>, vector<16xf32>,
    %swap3A_899 = vector.shape_cast %swap3A_898 : vector<16xf32> to vector<16xf32>
    %swap3A_900 = vector.shape_cast %select_n3A_896 : vector<16xf32> to vector<16xf32>
    tpu.vector_store %arg23[%swap3A_897], %swap3A_900 {strides = array<i32>} : memref<64xf32, #tpu.memory_space<vmem>>, vector<16xf32>,
    %select_n3A_901 = arith.select %eq3A_892, %broadcast_in_dim3A_5, %broadcast_in_dim3A_3 : vector<16xi1>, vector<16xi32>
    %add3A_902 = arith.addi %add3A_886, %select_n3A_901 : vector<16xi32>
    %get3A_903 = arith.constant 8176 : index
    %get3A_904 = tpu.vector_load %arg7[%get3A_903] {strides = array<i32>} : memref<8192xi32, #tpu.memory_space<vmem>>, vector<16xi32>,
    %get3A_905 = vector.shape_cast %get3A_904 : vector<16xi32> to vector<16xi32>
    %eq3A_906 = arith.constant 0 : i32
    %eq3A_907 = vector.broadcast %eq3A_906 : i32 to vector<16xi32>
    %eq3A_908 = arith.cmpi eq, %get3A_905, %eq3A_907 : vector<16xi32>
    %get3A_909 = arith.constant 48 : index
    %get3A_910 = tpu.vector_load %arg23[%get3A_909] {strides = array<i32>} : memref<64xf32, #tpu.memory_space<vmem>>, vector<16xf32>,
    %get3A_911 = vector.shape_cast %get3A_910 : vector<16xf32> to vector<16xf32>
    %select_n3A_912 = arith.select %eq3A_908, %broadcast_in_dim3A_7, %get3A_911 : vector<16xi1>, vector<16xf32>
    %swap3A_913 = arith.constant 48 : index
    %swap3A_914 = tpu.vector_load %arg23[%swap3A_913] {strides = array<i32>} : memref<64xf32, #tpu.memory_space<vmem>>, vector<16xf32>,
    %swap3A_915 = vector.shape_cast %swap3A_914 : vector<16xf32> to vector<16xf32>
    %swap3A_916 = vector.shape_cast %select_n3A_912 : vector<16xf32> to vector<16xf32>
    tpu.vector_store %arg23[%swap3A_913], %swap3A_916 {strides = array<i32>} : memref<64xf32, #tpu.memory_space<vmem>>, vector<16xf32>,
    %select_n3A_917 = arith.select %eq3A_908, %broadcast_in_dim3A_5, %broadcast_in_dim3A_3 : vector<16xi1>, vector<16xi32>
    %add3A_918 = arith.addi %add3A_902, %select_n3A_917 : vector<16xi32>
    %swap3A_919 = arith.constant 2032 : index
    %swap3A_920 = tpu.vector_load %arg24[%swap3A_919] {strides = array<i32>} : memref<2048xi32, #tpu.memory_space<vmem>>, vector<16xi32>,
    %swap3A_921 = vector.shape_cast %swap3A_920 : vector<16xi32> to vector<16xi32>
    %swap3A_922 = vector.shape_cast %add3A_918 : vector<16xi32> to vector<16xi32>
    tpu.vector_store %arg24[%swap3A_919], %swap3A_922 {strides = array<i32>} : memref<2048xi32, #tpu.memory_space<vmem>>, vector<16xi32>,
    %get3A_923 = arith.constant 0 : index
    %get3A_924 = tpu.vector_load %arg25[%get3A_923] {strides = array<i32>} : memref<16xi32, #tpu.memory_space<vmem>>, vector<16xi32>,
    %get3A_925 = vector.shape_cast %get3A_924 : vector<16xi32> to vector<16xi32>
    %add3A_926 = arith.addi %get3A_925, %add3A_918 : vector<16xi32>
    %swap3A_927 = arith.constant 0 : index
    %swap3A_928 = tpu.vector_load %arg25[%swap3A_927] {strides = array<i32>} : memref<16xi32, #tpu.memory_space<vmem>>, vector<16xi32>,
    %swap3A_929 = vector.shape_cast %swap3A_928 : vector<16xi32> to vector<16xi32>
    %swap3A_930 = vector.shape_cast %add3A_926 : vector<16xi32> to vector<16xi32>
    tpu.vector_store %arg25[%swap3A_927], %swap3A_930 {strides = array<i32>} : memref<16xi32, #tpu.memory_space<vmem>>, vector<16xi32>,
    %add3A_931 = arith.constant 8128 : i32
    %add3A_932 = arith.addi %mul3A_2, %add3A_931 : i32
    %dma_start3A_933 = arith.constant 0 : i32
    %dma_start3A_934 = tpu.memref_slice %arg5[%add3A_932, %dma_start3A_933] : memref<262144x128xf32, #tpu.memory_space<hbm>> -> memref<64x128xf32, #tpu.memory_space<hbm>>
    %dma_start3A_935 = arith.constant 0 : i32
    %dma_start3A_936 = tpu.memref_slice %arg5[%add3A_932, %dma_start3A_935] : memref<262144x128xf32, #tpu.memory_space<hbm>> -> memref<64x128xf32, #tpu.memory_space<hbm>>
    tpu.enqueue_dma source(%arg15 : memref<64x128xf32, #tpu.memory_space<vmem>>) target(%dma_start3A_936 : memref<64x128xf32, #tpu.memory_space<hbm>>) target_semaphore(%arg42 : memref<!tpu.dma_semaphore, #tpu.memory_space<semaphore_mem>>)
    %add3A_937 = arith.constant 8128 : i32
    %add3A_938 = arith.addi %mul3A_2, %add3A_937 : i32
    %dma_start3A_939 = tpu.memref_slice %arg6[%add3A_938] : memref<262144xf32, #tpu.memory_space<hbm>> -> memref<64xf32, #tpu.memory_space<hbm>>
    %dma_start3A_940 = tpu.memref_slice %arg6[%add3A_938] : memref<262144xf32, #tpu.memory_space<hbm>> -> memref<64xf32, #tpu.memory_space<hbm>>
    tpu.enqueue_dma source(%arg23 : memref<64xf32, #tpu.memory_space<vmem>>) target(%dma_start3A_940 : memref<64xf32, #tpu.memory_space<hbm>>) target_semaphore(%arg42 : memref<!tpu.dma_semaphore, #tpu.memory_space<semaphore_mem>>)
    %add3A_941 = arith.constant 8000 : i32
    %add3A_942 = arith.addi %mul3A_2, %add3A_941 : i32
    %dma_wait3A_943 = arith.constant 0 : i32
    %dma_wait3A_944 = tpu.memref_slice %arg5[%add3A_942, %dma_wait3A_943] : memref<262144x128xf32, #tpu.memory_space<hbm>> -> memref<64x128xf32, #tpu.memory_space<hbm>>
    %dma_wait3A_945 = arith.constant 0 : i32
    %dma_wait3A_946 = tpu.memref_slice %arg5[%add3A_942, %dma_wait3A_945] : memref<262144x128xf32, #tpu.memory_space<hbm>> -> memref<64x128xf32, #tpu.memory_space<hbm>>
    tpu.wait_dma2 semaphore(%arg40 : memref<!tpu.dma_semaphore, #tpu.memory_space<semaphore_mem>>) src(%arg13 : memref<64x128xf32, #tpu.memory_space<vmem>>) dst(%dma_wait3A_946 : memref<64x128xf32, #tpu.memory_space<hbm>>)
    %add3A_947 = arith.constant 8000 : i32
    %add3A_948 = arith.addi %mul3A_2, %add3A_947 : i32
    %dma_wait3A_949 = tpu.memref_slice %arg6[%add3A_948] : memref<262144xf32, #tpu.memory_space<hbm>> -> memref<64xf32, #tpu.memory_space<hbm>>
    %dma_wait3A_950 = tpu.memref_slice %arg6[%add3A_948] : memref<262144xf32, #tpu.memory_space<hbm>> -> memref<64xf32, #tpu.memory_space<hbm>>
    tpu.wait_dma2 semaphore(%arg40 : memref<!tpu.dma_semaphore, #tpu.memory_space<semaphore_mem>>) src(%arg21 : memref<64xf32, #tpu.memory_space<vmem>>) dst(%dma_wait3A_950 : memref<64xf32, #tpu.memory_space<hbm>>)
    %add3A_951 = arith.constant 8064 : i32
    %add3A_952 = arith.addi %mul3A_2, %add3A_951 : i32
    %dma_wait3A_953 = arith.constant 0 : i32
    %dma_wait3A_954 = tpu.memref_slice %arg5[%add3A_952, %dma_wait3A_953] : memref<262144x128xf32, #tpu.memory_space<hbm>> -> memref<64x128xf32, #tpu.memory_space<hbm>>
    %dma_wait3A_955 = arith.constant 0 : i32
    %dma_wait3A_956 = tpu.memref_slice %arg5[%add3A_952, %dma_wait3A_955] : memref<262144x128xf32, #tpu.memory_space<hbm>> -> memref<64x128xf32, #tpu.memory_space<hbm>>
    tpu.wait_dma2 semaphore(%arg41 : memref<!tpu.dma_semaphore, #tpu.memory_space<semaphore_mem>>) src(%arg14 : memref<64x128xf32, #tpu.memory_space<vmem>>) dst(%dma_wait3A_956 : memref<64x128xf32, #tpu.memory_space<hbm>>)
    %add3A_957 = arith.constant 8064 : i32
    %add3A_958 = arith.addi %mul3A_2, %add3A_957 : i32
    %dma_wait3A_959 = tpu.memref_slice %arg6[%add3A_958] : memref<262144xf32, #tpu.memory_space<hbm>> -> memref<64xf32, #tpu.memory_space<hbm>>
    %dma_wait3A_960 = tpu.memref_slice %arg6[%add3A_958] : memref<262144xf32, #tpu.memory_space<hbm>> -> memref<64xf32, #tpu.memory_space<hbm>>
    tpu.wait_dma2 semaphore(%arg41 : memref<!tpu.dma_semaphore, #tpu.memory_space<semaphore_mem>>) src(%arg22 : memref<64xf32, #tpu.memory_space<vmem>>) dst(%dma_wait3A_960 : memref<64xf32, #tpu.memory_space<hbm>>)
    %add3A_961 = arith.constant 8128 : i32
    %add3A_962 = arith.addi %mul3A_2, %add3A_961 : i32
    %dma_wait3A_963 = arith.constant 0 : i32
    %dma_wait3A_964 = tpu.memref_slice %arg5[%add3A_962, %dma_wait3A_963] : memref<262144x128xf32, #tpu.memory_space<hbm>> -> memref<64x128xf32, #tpu.memory_space<hbm>>
    %dma_wait3A_965 = arith.constant 0 : i32
    %dma_wait3A_966 = tpu.memref_slice %arg5[%add3A_962, %dma_wait3A_965] : memref<262144x128xf32, #tpu.memory_space<hbm>> -> memref<64x128xf32, #tpu.memory_space<hbm>>
    tpu.wait_dma2 semaphore(%arg42 : memref<!tpu.dma_semaphore, #tpu.memory_space<semaphore_mem>>) src(%arg15 : memref<64x128xf32, #tpu.memory_space<vmem>>) dst(%dma_wait3A_966 : memref<64x128xf32, #tpu.memory_space<hbm>>)
    %add3A_967 = arith.constant 8128 : i32
    %add3A_968 = arith.addi %mul3A_2, %add3A_967 : i32
    %dma_wait3A_969 = tpu.memref_slice %arg6[%add3A_968] : memref<262144xf32, #tpu.memory_space<hbm>> -> memref<64xf32, #tpu.memory_space<hbm>>
    %dma_wait3A_970 = tpu.memref_slice %arg6[%add3A_968] : memref<262144xf32, #tpu.memory_space<hbm>> -> memref<64xf32, #tpu.memory_space<hbm>>
    tpu.wait_dma2 semaphore(%arg42 : memref<!tpu.dma_semaphore, #tpu.memory_space<semaphore_mem>>) src(%arg23 : memref<64xf32, #tpu.memory_space<vmem>>) dst(%dma_wait3A_970 : memref<64xf32, #tpu.memory_space<hbm>>)
    %get3A_971 = arith.constant 0 : index
    %get3A_972 = tpu.vector_load %arg25[%get3A_971] {strides = array<i32>} : memref<16xi32, #tpu.memory_space<vmem>>, vector<16xi32>,
    %get3A_973 = vector.shape_cast %get3A_972 : vector<16xi32> to vector<16xi32>
    %slice3A = vector.extract_strided_slice %get3A_973 {offsets = [0], sizes = [1], strides = [1]} : vector<16xi32> to vector<1xi32>
    %squeeze3A = vector.extract %slice3A[0] : i32 from vector<1xi32>
    %slice3A_974 = vector.extract_strided_slice %get3A_973 {offsets = [1], sizes = [1], strides = [1]} : vector<16xi32> to vector<1xi32>
    %squeeze3A_975 = vector.extract %slice3A_974[0] : i32 from vector<1xi32>
    %add3A_976 = arith.addi %squeeze3A, %squeeze3A_975 : i32
    %slice3A_977 = vector.extract_strided_slice %get3A_973 {offsets = [2], sizes = [1], strides = [1]} : vector<16xi32> to vector<1xi32>
    %squeeze3A_978 = vector.extract %slice3A_977[0] : i32 from vector<1xi32>
    %add3A_979 = arith.addi %add3A_976, %squeeze3A_978 : i32
    %slice3A_980 = vector.extract_strided_slice %get3A_973 {offsets = [3], sizes = [1], strides = [1]} : vector<16xi32> to vector<1xi32>
    %squeeze3A_981 = vector.extract %slice3A_980[0] : i32 from vector<1xi32>
    %add3A_982 = arith.addi %add3A_979, %squeeze3A_981 : i32
    %slice3A_983 = vector.extract_strided_slice %get3A_973 {offsets = [4], sizes = [1], strides = [1]} : vector<16xi32> to vector<1xi32>
    %squeeze3A_984 = vector.extract %slice3A_983[0] : i32 from vector<1xi32>
    %add3A_985 = arith.addi %add3A_982, %squeeze3A_984 : i32
    %slice3A_986 = vector.extract_strided_slice %get3A_973 {offsets = [5], sizes = [1], strides = [1]} : vector<16xi32> to vector<1xi32>
    %squeeze3A_987 = vector.extract %slice3A_986[0] : i32 from vector<1xi32>
    %add3A_988 = arith.addi %add3A_985, %squeeze3A_987 : i32
    %slice3A_989 = vector.extract_strided_slice %get3A_973 {offsets = [6], sizes = [1], strides = [1]} : vector<16xi32> to vector<1xi32>
    %squeeze3A_990 = vector.extract %slice3A_989[0] : i32 from vector<1xi32>
    %add3A_991 = arith.addi %add3A_988, %squeeze3A_990 : i32
    %slice3A_992 = vector.extract_strided_slice %get3A_973 {offsets = [7], sizes = [1], strides = [1]} : vector<16xi32> to vector<1xi32>
    %squeeze3A_993 = vector.extract %slice3A_992[0] : i32 from vector<1xi32>
    %add3A_994 = arith.addi %add3A_991, %squeeze3A_993 : i32
    %slice3A_995 = vector.extract_strided_slice %get3A_973 {offsets = [8], sizes = [1], strides = [1]} : vector<16xi32> to vector<1xi32>
    %squeeze3A_996 = vector.extract %slice3A_995[0] : i32 from vector<1xi32>
    %add3A_997 = arith.addi %add3A_994, %squeeze3A_996 : i32
    %slice3A_998 = vector.extract_strided_slice %get3A_973 {offsets = [9], sizes = [1], strides = [1]} : vector<16xi32> to vector<1xi32>
    %squeeze3A_999 = vector.extract %slice3A_998[0] : i32 from vector<1xi32>
    %add3A_1000 = arith.addi %add3A_997, %squeeze3A_999 : i32
    %slice3A_1001 = vector.extract_strided_slice %get3A_973 {offsets = [10], sizes = [1], strides = [1]} : vector<16xi32> to vector<1xi32>
    %squeeze3A_1002 = vector.extract %slice3A_1001[0] : i32 from vector<1xi32>
    %add3A_1003 = arith.addi %add3A_1000, %squeeze3A_1002 : i32
    %slice3A_1004 = vector.extract_strided_slice %get3A_973 {offsets = [11], sizes = [1], strides = [1]} : vector<16xi32> to vector<1xi32>
    %squeeze3A_1005 = vector.extract %slice3A_1004[0] : i32 from vector<1xi32>
    %add3A_1006 = arith.addi %add3A_1003, %squeeze3A_1005 : i32
    %slice3A_1007 = vector.extract_strided_slice %get3A_973 {offsets = [12], sizes = [1], strides = [1]} : vector<16xi32> to vector<1xi32>
    %squeeze3A_1008 = vector.extract %slice3A_1007[0] : i32 from vector<1xi32>
    %add3A_1009 = arith.addi %add3A_1006, %squeeze3A_1008 : i32
    %slice3A_1010 = vector.extract_strided_slice %get3A_973 {offsets = [13], sizes = [1], strides = [1]} : vector<16xi32> to vector<1xi32>
    %squeeze3A_1011 = vector.extract %slice3A_1010[0] : i32 from vector<1xi32>
    %add3A_1012 = arith.addi %add3A_1009, %squeeze3A_1011 : i32
    %slice3A_1013 = vector.extract_strided_slice %get3A_973 {offsets = [14], sizes = [1], strides = [1]} : vector<16xi32> to vector<1xi32>
    %squeeze3A_1014 = vector.extract %slice3A_1013[0] : i32 from vector<1xi32>
    %add3A_1015 = arith.addi %add3A_1012, %squeeze3A_1014 : i32
    %slice3A_1016 = vector.extract_strided_slice %get3A_973 {offsets = [15], sizes = [1], strides = [1]} : vector<16xi32> to vector<1xi32>
    %squeeze3A_1017 = vector.extract %slice3A_1016[0] : i32 from vector<1xi32>
    %add3A_1018 = arith.addi %add3A_1015, %squeeze3A_1017 : i32
    %gt3A = arith.constant 0 : i32
    %gt3A_1019 = arith.cmpi sgt, %add3A_1018, %gt3A : i32
    %convert_element_type3A = arith.extui %gt3A_1019 : i1 to i32
    %cond3A = arith.constant 0 : i32
    %cond3A_1020 = arith.cmpi ne, %convert_element_type3A, %cond3A : i32
    scf.if %cond3A_1020 {
      %scan3A_1021 = arith.constant 0 : i32
      %scan3A_1022 = arith.constant 0 : i32
      %scan3A_1023 = arith.constant 128 : i32
      %scan3A_1024 = arith.addi %scan3A_1022, %scan3A_1023 : i32
      %scan3A_1025 = arith.constant 1 : i32
      scf.for %scan3A_1027 = %scan3A_1022 to %scan3A_1024 step %scan3A_1025  : i32 {
        %mul3A_1028 = arith.constant 16 : i32
        %mul3A_1029 = arith.muli %scan3A_1027, %mul3A_1028 : i32
        %get3A_1030 = arith.index_cast %mul3A_1029 : i32 to index
        %get3A_1031 = tpu.vector_load %arg24[%get3A_1030] {strides = array<i32>} : memref<2048xi32, #tpu.memory_space<vmem>>, vector<16xi32>,
        %get3A_1032 = vector.shape_cast %get3A_1031 : vector<16xi32> to vector<16xi32>
        %slice3A_1033 = vector.extract_strided_slice %get3A_1032 {offsets = [0], sizes = [1], strides = [1]} : vector<16xi32> to vector<1xi32>
        %squeeze3A_1034 = vector.extract %slice3A_1033[0] : i32 from vector<1xi32>
        %slice3A_1035 = vector.extract_strided_slice %get3A_1032 {offsets = [1], sizes = [1], strides = [1]} : vector<16xi32> to vector<1xi32>
        %squeeze3A_1036 = vector.extract %slice3A_1035[0] : i32 from vector<1xi32>
        %add3A_1037 = arith.addi %squeeze3A_1034, %squeeze3A_1036 : i32
        %slice3A_1038 = vector.extract_strided_slice %get3A_1032 {offsets = [2], sizes = [1], strides = [1]} : vector<16xi32> to vector<1xi32>
        %squeeze3A_1039 = vector.extract %slice3A_1038[0] : i32 from vector<1xi32>
        %add3A_1040 = arith.addi %add3A_1037, %squeeze3A_1039 : i32
        %slice3A_1041 = vector.extract_strided_slice %get3A_1032 {offsets = [3], sizes = [1], strides = [1]} : vector<16xi32> to vector<1xi32>
        %squeeze3A_1042 = vector.extract %slice3A_1041[0] : i32 from vector<1xi32>
        %add3A_1043 = arith.addi %add3A_1040, %squeeze3A_1042 : i32
        %slice3A_1044 = vector.extract_strided_slice %get3A_1032 {offsets = [4], sizes = [1], strides = [1]} : vector<16xi32> to vector<1xi32>
        %squeeze3A_1045 = vector.extract %slice3A_1044[0] : i32 from vector<1xi32>
        %add3A_1046 = arith.addi %add3A_1043, %squeeze3A_1045 : i32
        %slice3A_1047 = vector.extract_strided_slice %get3A_1032 {offsets = [5], sizes = [1], strides = [1]} : vector<16xi32> to vector<1xi32>
        %squeeze3A_1048 = vector.extract %slice3A_1047[0] : i32 from vector<1xi32>
        %add3A_1049 = arith.addi %add3A_1046, %squeeze3A_1048 : i32
        %slice3A_1050 = vector.extract_strided_slice %get3A_1032 {offsets = [6], sizes = [1], strides = [1]} : vector<16xi32> to vector<1xi32>
        %squeeze3A_1051 = vector.extract %slice3A_1050[0] : i32 from vector<1xi32>
        %add3A_1052 = arith.addi %add3A_1049, %squeeze3A_1051 : i32
        %slice3A_1053 = vector.extract_strided_slice %get3A_1032 {offsets = [7], sizes = [1], strides = [1]} : vector<16xi32> to vector<1xi32>
        %squeeze3A_1054 = vector.extract %slice3A_1053[0] : i32 from vector<1xi32>
        %add3A_1055 = arith.addi %add3A_1052, %squeeze3A_1054 : i32
        %slice3A_1056 = vector.extract_strided_slice %get3A_1032 {offsets = [8], sizes = [1], strides = [1]} : vector<16xi32> to vector<1xi32>
        %squeeze3A_1057 = vector.extract %slice3A_1056[0] : i32 from vector<1xi32>
        %add3A_1058 = arith.addi %add3A_1055, %squeeze3A_1057 : i32
        %slice3A_1059 = vector.extract_strided_slice %get3A_1032 {offsets = [9], sizes = [1], strides = [1]} : vector<16xi32> to vector<1xi32>
        %squeeze3A_1060 = vector.extract %slice3A_1059[0] : i32 from vector<1xi32>
        %add3A_1061 = arith.addi %add3A_1058, %squeeze3A_1060 : i32
        %slice3A_1062 = vector.extract_strided_slice %get3A_1032 {offsets = [10], sizes = [1], strides = [1]} : vector<16xi32> to vector<1xi32>
        %squeeze3A_1063 = vector.extract %slice3A_1062[0] : i32 from vector<1xi32>
        %add3A_1064 = arith.addi %add3A_1061, %squeeze3A_1063 : i32
        %slice3A_1065 = vector.extract_strided_slice %get3A_1032 {offsets = [11], sizes = [1], strides = [1]} : vector<16xi32> to vector<1xi32>
        %squeeze3A_1066 = vector.extract %slice3A_1065[0] : i32 from vector<1xi32>
        %add3A_1067 = arith.addi %add3A_1064, %squeeze3A_1066 : i32
        %slice3A_1068 = vector.extract_strided_slice %get3A_1032 {offsets = [12], sizes = [1], strides = [1]} : vector<16xi32> to vector<1xi32>
        %squeeze3A_1069 = vector.extract %slice3A_1068[0] : i32 from vector<1xi32>
        %add3A_1070 = arith.addi %add3A_1067, %squeeze3A_1069 : i32
        %slice3A_1071 = vector.extract_strided_slice %get3A_1032 {offsets = [13], sizes = [1], strides = [1]} : vector<16xi32> to vector<1xi32>
        %squeeze3A_1072 = vector.extract %slice3A_1071[0] : i32 from vector<1xi32>
        %add3A_1073 = arith.addi %add3A_1070, %squeeze3A_1072 : i32
        %slice3A_1074 = vector.extract_strided_slice %get3A_1032 {offsets = [14], sizes = [1], strides = [1]} : vector<16xi32> to vector<1xi32>
        %squeeze3A_1075 = vector.extract %slice3A_1074[0] : i32 from vector<1xi32>
        %add3A_1076 = arith.addi %add3A_1073, %squeeze3A_1075 : i32
        %slice3A_1077 = vector.extract_strided_slice %get3A_1032 {offsets = [15], sizes = [1], strides = [1]} : vector<16xi32> to vector<1xi32>
        %squeeze3A_1078 = vector.extract %slice3A_1077[0] : i32 from vector<1xi32>
        %add3A_1079 = arith.addi %add3A_1076, %squeeze3A_1078 : i32
        %gt3A_1080 = arith.constant 0 : i32
        %gt3A_1081 = arith.cmpi sgt, %add3A_1079, %gt3A_1080 : i32
        %convert_element_type3A_1082 = arith.extui %gt3A_1081 : i1 to i32
        %cond3A_1083 = arith.constant 0 : i32
        %cond3A_1084 = arith.cmpi ne, %convert_element_type3A_1082, %cond3A_1083 : i32
        scf.if %cond3A_1084 {
          %mul3A_1085 = arith.constant 64 : i32
          %mul3A_1086 = arith.muli %scan3A_1027, %mul3A_1085 : i32
          %add3A_1087 = arith.constant 0 : i32
          %add3A_1088 = arith.addi %mul3A_1086, %add3A_1087 : i32
          %get3A_1089 = arith.index_cast %add3A_1088 : i32 to index
          %get3A_1090 = tpu.vector_load %arg7[%get3A_1089] {strides = array<i32>} : memref<8192xi32, #tpu.memory_space<vmem>>, vector<16xi32>,
          %get3A_1091 = vector.shape_cast %get3A_1090 : vector<16xi32> to vector<16xi32>
          %slice3A_1092 = vector.extract_strided_slice %get3A_1091 {offsets = [0], sizes = [1], strides = [1]} : vector<16xi32> to vector<1xi32>
          %squeeze3A_1093 = vector.extract %slice3A_1092[0] : i32 from vector<1xi32>
          %eq3A_1094 = arith.constant 0 : i32
          %eq3A_1095 = arith.cmpi eq, %squeeze3A_1093, %eq3A_1094 : i32
          %convert_element_type3A_1096 = arith.extui %eq3A_1095 : i1 to i32
          %cond3A_1097 = arith.constant 0 : i32
          %cond3A_1098 = arith.cmpi ne, %convert_element_type3A_1096, %cond3A_1097 : i32
          scf.if %cond3A_1098 {
            %mul3A_1561 = arith.constant 64 : i32
            %mul3A_1562 = arith.muli %scan3A_1027, %mul3A_1561 : i32
            %add3A_1563 = arith.addi %mul3A_2, %mul3A_1562 : i32
            %add3A_1564 = arith.constant 0 : i32
            %add3A_1565 = arith.addi %add3A_1563, %add3A_1564 : i32
            %add3A_1566 = arith.constant 0 : i32
            %add3A_1567 = arith.addi %add3A_1565, %add3A_1566 : i32
            "tpu.region"() ({
              %run_scoped3A = tpu.sem_alloc : memref<!tpu.dma_semaphore, #tpu.memory_space<semaphore_mem>>
              %dma_start3A_1568 = arith.constant 0 : i32
              %dma_start3A_1569 = tpu.memref_slice %arg5[%add3A_1567, %dma_start3A_1568] : memref<262144x128xf32, #tpu.memory_space<hbm>> -> memref<1x128xf32, #tpu.memory_space<hbm>>
              %dma_start3A_1570 = arith.constant 0 : i32
              %dma_start3A_1571 = tpu.memref_slice %arg5[%add3A_1567, %dma_start3A_1570] : memref<262144x128xf32, #tpu.memory_space<hbm>> -> memref<1x128xf32, #tpu.memory_space<hbm>>
              tpu.enqueue_dma source(%arg26 : memref<1x128xf32, #tpu.memory_space<vmem>>) target(%dma_start3A_1571 : memref<1x128xf32, #tpu.memory_space<hbm>>) target_semaphore(%run_scoped3A : memref<!tpu.dma_semaphore, #tpu.memory_space<semaphore_mem>>)
              %dma_wait3A_1572 = arith.constant 0 : i32
              %dma_wait3A_1573 = tpu.memref_slice %arg5[%add3A_1567, %dma_wait3A_1572] : memref<262144x128xf32, #tpu.memory_space<hbm>> -> memref<1x128xf32, #tpu.memory_space<hbm>>
              %dma_wait3A_1574 = arith.constant 0 : i32
              %dma_wait3A_1575 = tpu.memref_slice %arg5[%add3A_1567, %dma_wait3A_1574] : memref<262144x128xf32, #tpu.memory_space<hbm>> -> memref<1x128xf32, #tpu.memory_space<hbm>>
              tpu.wait_dma2 semaphore(%run_scoped3A : memref<!tpu.dma_semaphore, #tpu.memory_space<semaphore_mem>>) src(%arg26 : memref<1x128xf32, #tpu.memory_space<vmem>>) dst(%dma_wait3A_1575 : memref<1x128xf32, #tpu.memory_space<hbm>>)
              tpu.yield
            }) : () -> ()
          } else {
          }
          %slice3A_1099 = vector.extract_strided_slice %get3A_1091 {offsets = [1], sizes = [1], strides = [1]} : vector<16xi32> to vector<1xi32>
          %squeeze3A_1100 = vector.extract %slice3A_1099[0] : i32 from vector<1xi32>
          %eq3A_1101 = arith.constant 0 : i32
          %eq3A_1102 = arith.cmpi eq, %squeeze3A_1100, %eq3A_1101 : i32
          %convert_element_type3A_1103 = arith.extui %eq3A_1102 : i1 to i32
          %cond3A_1104 = arith.constant 0 : i32
          %cond3A_1105 = arith.cmpi ne, %convert_element_type3A_1103, %cond3A_1104 : i32
          scf.if %cond3A_1105 {
            %mul3A_1561 = arith.constant 64 : i32
            %mul3A_1562 = arith.muli %scan3A_1027, %mul3A_1561 : i32
            %add3A_1563 = arith.addi %mul3A_2, %mul3A_1562 : i32
            %add3A_1564 = arith.constant 0 : i32
            %add3A_1565 = arith.addi %add3A_1563, %add3A_1564 : i32
            %add3A_1566 = arith.constant 1 : i32
            %add3A_1567 = arith.addi %add3A_1565, %add3A_1566 : i32
            "tpu.region"() ({
              %run_scoped3A = tpu.sem_alloc : memref<!tpu.dma_semaphore, #tpu.memory_space<semaphore_mem>>
              %dma_start3A_1568 = arith.constant 0 : i32
              %dma_start3A_1569 = tpu.memref_slice %arg5[%add3A_1567, %dma_start3A_1568] : memref<262144x128xf32, #tpu.memory_space<hbm>> -> memref<1x128xf32, #tpu.memory_space<hbm>>
              %dma_start3A_1570 = arith.constant 0 : i32
              %dma_start3A_1571 = tpu.memref_slice %arg5[%add3A_1567, %dma_start3A_1570] : memref<262144x128xf32, #tpu.memory_space<hbm>> -> memref<1x128xf32, #tpu.memory_space<hbm>>
              tpu.enqueue_dma source(%arg26 : memref<1x128xf32, #tpu.memory_space<vmem>>) target(%dma_start3A_1571 : memref<1x128xf32, #tpu.memory_space<hbm>>) target_semaphore(%run_scoped3A : memref<!tpu.dma_semaphore, #tpu.memory_space<semaphore_mem>>)
              %dma_wait3A_1572 = arith.constant 0 : i32
              %dma_wait3A_1573 = tpu.memref_slice %arg5[%add3A_1567, %dma_wait3A_1572] : memref<262144x128xf32, #tpu.memory_space<hbm>> -> memref<1x128xf32, #tpu.memory_space<hbm>>
              %dma_wait3A_1574 = arith.constant 0 : i32
              %dma_wait3A_1575 = tpu.memref_slice %arg5[%add3A_1567, %dma_wait3A_1574] : memref<262144x128xf32, #tpu.memory_space<hbm>> -> memref<1x128xf32, #tpu.memory_space<hbm>>
              tpu.wait_dma2 semaphore(%run_scoped3A : memref<!tpu.dma_semaphore, #tpu.memory_space<semaphore_mem>>) src(%arg26 : memref<1x128xf32, #tpu.memory_space<vmem>>) dst(%dma_wait3A_1575 : memref<1x128xf32, #tpu.memory_space<hbm>>)
              tpu.yield
            }) : () -> ()
          } else {
          }
          %slice3A_1106 = vector.extract_strided_slice %get3A_1091 {offsets = [2], sizes = [1], strides = [1]} : vector<16xi32> to vector<1xi32>
          %squeeze3A_1107 = vector.extract %slice3A_1106[0] : i32 from vector<1xi32>
          %eq3A_1108 = arith.constant 0 : i32
          %eq3A_1109 = arith.cmpi eq, %squeeze3A_1107, %eq3A_1108 : i32
          %convert_element_type3A_1110 = arith.extui %eq3A_1109 : i1 to i32
          %cond3A_1111 = arith.constant 0 : i32
          %cond3A_1112 = arith.cmpi ne, %convert_element_type3A_1110, %cond3A_1111 : i32
          scf.if %cond3A_1112 {
            %mul3A_1561 = arith.constant 64 : i32
            %mul3A_1562 = arith.muli %scan3A_1027, %mul3A_1561 : i32
            %add3A_1563 = arith.addi %mul3A_2, %mul3A_1562 : i32
            %add3A_1564 = arith.constant 0 : i32
            %add3A_1565 = arith.addi %add3A_1563, %add3A_1564 : i32
            %add3A_1566 = arith.constant 2 : i32
            %add3A_1567 = arith.addi %add3A_1565, %add3A_1566 : i32
            "tpu.region"() ({
              %run_scoped3A = tpu.sem_alloc : memref<!tpu.dma_semaphore, #tpu.memory_space<semaphore_mem>>
              %dma_start3A_1568 = arith.constant 0 : i32
              %dma_start3A_1569 = tpu.memref_slice %arg5[%add3A_1567, %dma_start3A_1568] : memref<262144x128xf32, #tpu.memory_space<hbm>> -> memref<1x128xf32, #tpu.memory_space<hbm>>
              %dma_start3A_1570 = arith.constant 0 : i32
              %dma_start3A_1571 = tpu.memref_slice %arg5[%add3A_1567, %dma_start3A_1570] : memref<262144x128xf32, #tpu.memory_space<hbm>> -> memref<1x128xf32, #tpu.memory_space<hbm>>
              tpu.enqueue_dma source(%arg26 : memref<1x128xf32, #tpu.memory_space<vmem>>) target(%dma_start3A_1571 : memref<1x128xf32, #tpu.memory_space<hbm>>) target_semaphore(%run_scoped3A : memref<!tpu.dma_semaphore, #tpu.memory_space<semaphore_mem>>)
              %dma_wait3A_1572 = arith.constant 0 : i32
              %dma_wait3A_1573 = tpu.memref_slice %arg5[%add3A_1567, %dma_wait3A_1572] : memref<262144x128xf32, #tpu.memory_space<hbm>> -> memref<1x128xf32, #tpu.memory_space<hbm>>
              %dma_wait3A_1574 = arith.constant 0 : i32
              %dma_wait3A_1575 = tpu.memref_slice %arg5[%add3A_1567, %dma_wait3A_1574] : memref<262144x128xf32, #tpu.memory_space<hbm>> -> memref<1x128xf32, #tpu.memory_space<hbm>>
              tpu.wait_dma2 semaphore(%run_scoped3A : memref<!tpu.dma_semaphore, #tpu.memory_space<semaphore_mem>>) src(%arg26 : memref<1x128xf32, #tpu.memory_space<vmem>>) dst(%dma_wait3A_1575 : memref<1x128xf32, #tpu.memory_space<hbm>>)
              tpu.yield
            }) : () -> ()
          } else {
          }
          %slice3A_1113 = vector.extract_strided_slice %get3A_1091 {offsets = [3], sizes = [1], strides = [1]} : vector<16xi32> to vector<1xi32>
          %squeeze3A_1114 = vector.extract %slice3A_1113[0] : i32 from vector<1xi32>
          %eq3A_1115 = arith.constant 0 : i32
          %eq3A_1116 = arith.cmpi eq, %squeeze3A_1114, %eq3A_1115 : i32
          %convert_element_type3A_1117 = arith.extui %eq3A_1116 : i1 to i32
          %cond3A_1118 = arith.constant 0 : i32
          %cond3A_1119 = arith.cmpi ne, %convert_element_type3A_1117, %cond3A_1118 : i32
          scf.if %cond3A_1119 {
            %mul3A_1561 = arith.constant 64 : i32
            %mul3A_1562 = arith.muli %scan3A_1027, %mul3A_1561 : i32
            %add3A_1563 = arith.addi %mul3A_2, %mul3A_1562 : i32
            %add3A_1564 = arith.constant 0 : i32
            %add3A_1565 = arith.addi %add3A_1563, %add3A_1564 : i32
            %add3A_1566 = arith.constant 3 : i32
            %add3A_1567 = arith.addi %add3A_1565, %add3A_1566 : i32
            "tpu.region"() ({
              %run_scoped3A = tpu.sem_alloc : memref<!tpu.dma_semaphore, #tpu.memory_space<semaphore_mem>>
              %dma_start3A_1568 = arith.constant 0 : i32
              %dma_start3A_1569 = tpu.memref_slice %arg5[%add3A_1567, %dma_start3A_1568] : memref<262144x128xf32, #tpu.memory_space<hbm>> -> memref<1x128xf32, #tpu.memory_space<hbm>>
              %dma_start3A_1570 = arith.constant 0 : i32
              %dma_start3A_1571 = tpu.memref_slice %arg5[%add3A_1567, %dma_start3A_1570] : memref<262144x128xf32, #tpu.memory_space<hbm>> -> memref<1x128xf32, #tpu.memory_space<hbm>>
              tpu.enqueue_dma source(%arg26 : memref<1x128xf32, #tpu.memory_space<vmem>>) target(%dma_start3A_1571 : memref<1x128xf32, #tpu.memory_space<hbm>>) target_semaphore(%run_scoped3A : memref<!tpu.dma_semaphore, #tpu.memory_space<semaphore_mem>>)
              %dma_wait3A_1572 = arith.constant 0 : i32
              %dma_wait3A_1573 = tpu.memref_slice %arg5[%add3A_1567, %dma_wait3A_1572] : memref<262144x128xf32, #tpu.memory_space<hbm>> -> memref<1x128xf32, #tpu.memory_space<hbm>>
              %dma_wait3A_1574 = arith.constant 0 : i32
              %dma_wait3A_1575 = tpu.memref_slice %arg5[%add3A_1567, %dma_wait3A_1574] : memref<262144x128xf32, #tpu.memory_space<hbm>> -> memref<1x128xf32, #tpu.memory_space<hbm>>
              tpu.wait_dma2 semaphore(%run_scoped3A : memref<!tpu.dma_semaphore, #tpu.memory_space<semaphore_mem>>) src(%arg26 : memref<1x128xf32, #tpu.memory_space<vmem>>) dst(%dma_wait3A_1575 : memref<1x128xf32, #tpu.memory_space<hbm>>)
              tpu.yield
            }) : () -> ()
          } else {
          }
          %slice3A_1120 = vector.extract_strided_slice %get3A_1091 {offsets = [4], sizes = [1], strides = [1]} : vector<16xi32> to vector<1xi32>
          %squeeze3A_1121 = vector.extract %slice3A_1120[0] : i32 from vector<1xi32>
          %eq3A_1122 = arith.constant 0 : i32
          %eq3A_1123 = arith.cmpi eq, %squeeze3A_1121, %eq3A_1122 : i32
          %convert_element_type3A_1124 = arith.extui %eq3A_1123 : i1 to i32
          %cond3A_1125 = arith.constant 0 : i32
          %cond3A_1126 = arith.cmpi ne, %convert_element_type3A_1124, %cond3A_1125 : i32
          scf.if %cond3A_1126 {
            %mul3A_1561 = arith.constant 64 : i32
            %mul3A_1562 = arith.muli %scan3A_1027, %mul3A_1561 : i32
            %add3A_1563 = arith.addi %mul3A_2, %mul3A_1562 : i32
            %add3A_1564 = arith.constant 0 : i32
            %add3A_1565 = arith.addi %add3A_1563, %add3A_1564 : i32
            %add3A_1566 = arith.constant 4 : i32
            %add3A_1567 = arith.addi %add3A_1565, %add3A_1566 : i32
            "tpu.region"() ({
              %run_scoped3A = tpu.sem_alloc : memref<!tpu.dma_semaphore, #tpu.memory_space<semaphore_mem>>
              %dma_start3A_1568 = arith.constant 0 : i32
              %dma_start3A_1569 = tpu.memref_slice %arg5[%add3A_1567, %dma_start3A_1568] : memref<262144x128xf32, #tpu.memory_space<hbm>> -> memref<1x128xf32, #tpu.memory_space<hbm>>
              %dma_start3A_1570 = arith.constant 0 : i32
              %dma_start3A_1571 = tpu.memref_slice %arg5[%add3A_1567, %dma_start3A_1570] : memref<262144x128xf32, #tpu.memory_space<hbm>> -> memref<1x128xf32, #tpu.memory_space<hbm>>
              tpu.enqueue_dma source(%arg26 : memref<1x128xf32, #tpu.memory_space<vmem>>) target(%dma_start3A_1571 : memref<1x128xf32, #tpu.memory_space<hbm>>) target_semaphore(%run_scoped3A : memref<!tpu.dma_semaphore, #tpu.memory_space<semaphore_mem>>)
              %dma_wait3A_1572 = arith.constant 0 : i32
              %dma_wait3A_1573 = tpu.memref_slice %arg5[%add3A_1567, %dma_wait3A_1572] : memref<262144x128xf32, #tpu.memory_space<hbm>> -> memref<1x128xf32, #tpu.memory_space<hbm>>
              %dma_wait3A_1574 = arith.constant 0 : i32
              %dma_wait3A_1575 = tpu.memref_slice %arg5[%add3A_1567, %dma_wait3A_1574] : memref<262144x128xf32, #tpu.memory_space<hbm>> -> memref<1x128xf32, #tpu.memory_space<hbm>>
              tpu.wait_dma2 semaphore(%run_scoped3A : memref<!tpu.dma_semaphore, #tpu.memory_space<semaphore_mem>>) src(%arg26 : memref<1x128xf32, #tpu.memory_space<vmem>>) dst(%dma_wait3A_1575 : memref<1x128xf32, #tpu.memory_space<hbm>>)
              tpu.yield
            }) : () -> ()
          } else {
          }
          %slice3A_1127 = vector.extract_strided_slice %get3A_1091 {offsets = [5], sizes = [1], strides = [1]} : vector<16xi32> to vector<1xi32>
          %squeeze3A_1128 = vector.extract %slice3A_1127[0] : i32 from vector<1xi32>
          %eq3A_1129 = arith.constant 0 : i32
          %eq3A_1130 = arith.cmpi eq, %squeeze3A_1128, %eq3A_1129 : i32
          %convert_element_type3A_1131 = arith.extui %eq3A_1130 : i1 to i32
          %cond3A_1132 = arith.constant 0 : i32
          %cond3A_1133 = arith.cmpi ne, %convert_element_type3A_1131, %cond3A_1132 : i32
          scf.if %cond3A_1133 {
            %mul3A_1561 = arith.constant 64 : i32
            %mul3A_1562 = arith.muli %scan3A_1027, %mul3A_1561 : i32
            %add3A_1563 = arith.addi %mul3A_2, %mul3A_1562 : i32
            %add3A_1564 = arith.constant 0 : i32
            %add3A_1565 = arith.addi %add3A_1563, %add3A_1564 : i32
            %add3A_1566 = arith.constant 5 : i32
            %add3A_1567 = arith.addi %add3A_1565, %add3A_1566 : i32
            "tpu.region"() ({
              %run_scoped3A = tpu.sem_alloc : memref<!tpu.dma_semaphore, #tpu.memory_space<semaphore_mem>>
              %dma_start3A_1568 = arith.constant 0 : i32
              %dma_start3A_1569 = tpu.memref_slice %arg5[%add3A_1567, %dma_start3A_1568] : memref<262144x128xf32, #tpu.memory_space<hbm>> -> memref<1x128xf32, #tpu.memory_space<hbm>>
              %dma_start3A_1570 = arith.constant 0 : i32
              %dma_start3A_1571 = tpu.memref_slice %arg5[%add3A_1567, %dma_start3A_1570] : memref<262144x128xf32, #tpu.memory_space<hbm>> -> memref<1x128xf32, #tpu.memory_space<hbm>>
              tpu.enqueue_dma source(%arg26 : memref<1x128xf32, #tpu.memory_space<vmem>>) target(%dma_start3A_1571 : memref<1x128xf32, #tpu.memory_space<hbm>>) target_semaphore(%run_scoped3A : memref<!tpu.dma_semaphore, #tpu.memory_space<semaphore_mem>>)
              %dma_wait3A_1572 = arith.constant 0 : i32
              %dma_wait3A_1573 = tpu.memref_slice %arg5[%add3A_1567, %dma_wait3A_1572] : memref<262144x128xf32, #tpu.memory_space<hbm>> -> memref<1x128xf32, #tpu.memory_space<hbm>>
              %dma_wait3A_1574 = arith.constant 0 : i32
              %dma_wait3A_1575 = tpu.memref_slice %arg5[%add3A_1567, %dma_wait3A_1574] : memref<262144x128xf32, #tpu.memory_space<hbm>> -> memref<1x128xf32, #tpu.memory_space<hbm>>
              tpu.wait_dma2 semaphore(%run_scoped3A : memref<!tpu.dma_semaphore, #tpu.memory_space<semaphore_mem>>) src(%arg26 : memref<1x128xf32, #tpu.memory_space<vmem>>) dst(%dma_wait3A_1575 : memref<1x128xf32, #tpu.memory_space<hbm>>)
              tpu.yield
            }) : () -> ()
          } else {
          }
          %slice3A_1134 = vector.extract_strided_slice %get3A_1091 {offsets = [6], sizes = [1], strides = [1]} : vector<16xi32> to vector<1xi32>
          %squeeze3A_1135 = vector.extract %slice3A_1134[0] : i32 from vector<1xi32>
          %eq3A_1136 = arith.constant 0 : i32
          %eq3A_1137 = arith.cmpi eq, %squeeze3A_1135, %eq3A_1136 : i32
          %convert_element_type3A_1138 = arith.extui %eq3A_1137 : i1 to i32
          %cond3A_1139 = arith.constant 0 : i32
          %cond3A_1140 = arith.cmpi ne, %convert_element_type3A_1138, %cond3A_1139 : i32
          scf.if %cond3A_1140 {
            %mul3A_1561 = arith.constant 64 : i32
            %mul3A_1562 = arith.muli %scan3A_1027, %mul3A_1561 : i32
            %add3A_1563 = arith.addi %mul3A_2, %mul3A_1562 : i32
            %add3A_1564 = arith.constant 0 : i32
            %add3A_1565 = arith.addi %add3A_1563, %add3A_1564 : i32
            %add3A_1566 = arith.constant 6 : i32
            %add3A_1567 = arith.addi %add3A_1565, %add3A_1566 : i32
            "tpu.region"() ({
              %run_scoped3A = tpu.sem_alloc : memref<!tpu.dma_semaphore, #tpu.memory_space<semaphore_mem>>
              %dma_start3A_1568 = arith.constant 0 : i32
              %dma_start3A_1569 = tpu.memref_slice %arg5[%add3A_1567, %dma_start3A_1568] : memref<262144x128xf32, #tpu.memory_space<hbm>> -> memref<1x128xf32, #tpu.memory_space<hbm>>
              %dma_start3A_1570 = arith.constant 0 : i32
              %dma_start3A_1571 = tpu.memref_slice %arg5[%add3A_1567, %dma_start3A_1570] : memref<262144x128xf32, #tpu.memory_space<hbm>> -> memref<1x128xf32, #tpu.memory_space<hbm>>
              tpu.enqueue_dma source(%arg26 : memref<1x128xf32, #tpu.memory_space<vmem>>) target(%dma_start3A_1571 : memref<1x128xf32, #tpu.memory_space<hbm>>) target_semaphore(%run_scoped3A : memref<!tpu.dma_semaphore, #tpu.memory_space<semaphore_mem>>)
              %dma_wait3A_1572 = arith.constant 0 : i32
              %dma_wait3A_1573 = tpu.memref_slice %arg5[%add3A_1567, %dma_wait3A_1572] : memref<262144x128xf32, #tpu.memory_space<hbm>> -> memref<1x128xf32, #tpu.memory_space<hbm>>
              %dma_wait3A_1574 = arith.constant 0 : i32
              %dma_wait3A_1575 = tpu.memref_slice %arg5[%add3A_1567, %dma_wait3A_1574] : memref<262144x128xf32, #tpu.memory_space<hbm>> -> memref<1x128xf32, #tpu.memory_space<hbm>>
              tpu.wait_dma2 semaphore(%run_scoped3A : memref<!tpu.dma_semaphore, #tpu.memory_space<semaphore_mem>>) src(%arg26 : memref<1x128xf32, #tpu.memory_space<vmem>>) dst(%dma_wait3A_1575 : memref<1x128xf32, #tpu.memory_space<hbm>>)
              tpu.yield
            }) : () -> ()
          } else {
          }
          %slice3A_1141 = vector.extract_strided_slice %get3A_1091 {offsets = [7], sizes = [1], strides = [1]} : vector<16xi32> to vector<1xi32>
          %squeeze3A_1142 = vector.extract %slice3A_1141[0] : i32 from vector<1xi32>
          %eq3A_1143 = arith.constant 0 : i32
          %eq3A_1144 = arith.cmpi eq, %squeeze3A_1142, %eq3A_1143 : i32
          %convert_element_type3A_1145 = arith.extui %eq3A_1144 : i1 to i32
          %cond3A_1146 = arith.constant 0 : i32
          %cond3A_1147 = arith.cmpi ne, %convert_element_type3A_1145, %cond3A_1146 : i32
          scf.if %cond3A_1147 {
            %mul3A_1561 = arith.constant 64 : i32
            %mul3A_1562 = arith.muli %scan3A_1027, %mul3A_1561 : i32
            %add3A_1563 = arith.addi %mul3A_2, %mul3A_1562 : i32
            %add3A_1564 = arith.constant 0 : i32
            %add3A_1565 = arith.addi %add3A_1563, %add3A_1564 : i32
            %add3A_1566 = arith.constant 7 : i32
            %add3A_1567 = arith.addi %add3A_1565, %add3A_1566 : i32
            "tpu.region"() ({
              %run_scoped3A = tpu.sem_alloc : memref<!tpu.dma_semaphore, #tpu.memory_space<semaphore_mem>>
              %dma_start3A_1568 = arith.constant 0 : i32
              %dma_start3A_1569 = tpu.memref_slice %arg5[%add3A_1567, %dma_start3A_1568] : memref<262144x128xf32, #tpu.memory_space<hbm>> -> memref<1x128xf32, #tpu.memory_space<hbm>>
              %dma_start3A_1570 = arith.constant 0 : i32
              %dma_start3A_1571 = tpu.memref_slice %arg5[%add3A_1567, %dma_start3A_1570] : memref<262144x128xf32, #tpu.memory_space<hbm>> -> memref<1x128xf32, #tpu.memory_space<hbm>>
              tpu.enqueue_dma source(%arg26 : memref<1x128xf32, #tpu.memory_space<vmem>>) target(%dma_start3A_1571 : memref<1x128xf32, #tpu.memory_space<hbm>>) target_semaphore(%run_scoped3A : memref<!tpu.dma_semaphore, #tpu.memory_space<semaphore_mem>>)
              %dma_wait3A_1572 = arith.constant 0 : i32
              %dma_wait3A_1573 = tpu.memref_slice %arg5[%add3A_1567, %dma_wait3A_1572] : memref<262144x128xf32, #tpu.memory_space<hbm>> -> memref<1x128xf32, #tpu.memory_space<hbm>>
              %dma_wait3A_1574 = arith.constant 0 : i32
              %dma_wait3A_1575 = tpu.memref_slice %arg5[%add3A_1567, %dma_wait3A_1574] : memref<262144x128xf32, #tpu.memory_space<hbm>> -> memref<1x128xf32, #tpu.memory_space<hbm>>
              tpu.wait_dma2 semaphore(%run_scoped3A : memref<!tpu.dma_semaphore, #tpu.memory_space<semaphore_mem>>) src(%arg26 : memref<1x128xf32, #tpu.memory_space<vmem>>) dst(%dma_wait3A_1575 : memref<1x128xf32, #tpu.memory_space<hbm>>)
              tpu.yield
            }) : () -> ()
          } else {
          }
          %slice3A_1148 = vector.extract_strided_slice %get3A_1091 {offsets = [8], sizes = [1], strides = [1]} : vector<16xi32> to vector<1xi32>
          %squeeze3A_1149 = vector.extract %slice3A_1148[0] : i32 from vector<1xi32>
          %eq3A_1150 = arith.constant 0 : i32
          %eq3A_1151 = arith.cmpi eq, %squeeze3A_1149, %eq3A_1150 : i32
          %convert_element_type3A_1152 = arith.extui %eq3A_1151 : i1 to i32
          %cond3A_1153 = arith.constant 0 : i32
          %cond3A_1154 = arith.cmpi ne, %convert_element_type3A_1152, %cond3A_1153 : i32
          scf.if %cond3A_1154 {
            %mul3A_1561 = arith.constant 64 : i32
            %mul3A_1562 = arith.muli %scan3A_1027, %mul3A_1561 : i32
            %add3A_1563 = arith.addi %mul3A_2, %mul3A_1562 : i32
            %add3A_1564 = arith.constant 0 : i32
            %add3A_1565 = arith.addi %add3A_1563, %add3A_1564 : i32
            %add3A_1566 = arith.constant 8 : i32
            %add3A_1567 = arith.addi %add3A_1565, %add3A_1566 : i32
            "tpu.region"() ({
              %run_scoped3A = tpu.sem_alloc : memref<!tpu.dma_semaphore, #tpu.memory_space<semaphore_mem>>
              %dma_start3A_1568 = arith.constant 0 : i32
              %dma_start3A_1569 = tpu.memref_slice %arg5[%add3A_1567, %dma_start3A_1568] : memref<262144x128xf32, #tpu.memory_space<hbm>> -> memref<1x128xf32, #tpu.memory_space<hbm>>
              %dma_start3A_1570 = arith.constant 0 : i32
              %dma_start3A_1571 = tpu.memref_slice %arg5[%add3A_1567, %dma_start3A_1570] : memref<262144x128xf32, #tpu.memory_space<hbm>> -> memref<1x128xf32, #tpu.memory_space<hbm>>
              tpu.enqueue_dma source(%arg26 : memref<1x128xf32, #tpu.memory_space<vmem>>) target(%dma_start3A_1571 : memref<1x128xf32, #tpu.memory_space<hbm>>) target_semaphore(%run_scoped3A : memref<!tpu.dma_semaphore, #tpu.memory_space<semaphore_mem>>)
              %dma_wait3A_1572 = arith.constant 0 : i32
              %dma_wait3A_1573 = tpu.memref_slice %arg5[%add3A_1567, %dma_wait3A_1572] : memref<262144x128xf32, #tpu.memory_space<hbm>> -> memref<1x128xf32, #tpu.memory_space<hbm>>
              %dma_wait3A_1574 = arith.constant 0 : i32
              %dma_wait3A_1575 = tpu.memref_slice %arg5[%add3A_1567, %dma_wait3A_1574] : memref<262144x128xf32, #tpu.memory_space<hbm>> -> memref<1x128xf32, #tpu.memory_space<hbm>>
              tpu.wait_dma2 semaphore(%run_scoped3A : memref<!tpu.dma_semaphore, #tpu.memory_space<semaphore_mem>>) src(%arg26 : memref<1x128xf32, #tpu.memory_space<vmem>>) dst(%dma_wait3A_1575 : memref<1x128xf32, #tpu.memory_space<hbm>>)
              tpu.yield
            }) : () -> ()
          } else {
          }
          %slice3A_1155 = vector.extract_strided_slice %get3A_1091 {offsets = [9], sizes = [1], strides = [1]} : vector<16xi32> to vector<1xi32>
          %squeeze3A_1156 = vector.extract %slice3A_1155[0] : i32 from vector<1xi32>
          %eq3A_1157 = arith.constant 0 : i32
          %eq3A_1158 = arith.cmpi eq, %squeeze3A_1156, %eq3A_1157 : i32
          %convert_element_type3A_1159 = arith.extui %eq3A_1158 : i1 to i32
          %cond3A_1160 = arith.constant 0 : i32
          %cond3A_1161 = arith.cmpi ne, %convert_element_type3A_1159, %cond3A_1160 : i32
          scf.if %cond3A_1161 {
            %mul3A_1561 = arith.constant 64 : i32
            %mul3A_1562 = arith.muli %scan3A_1027, %mul3A_1561 : i32
            %add3A_1563 = arith.addi %mul3A_2, %mul3A_1562 : i32
            %add3A_1564 = arith.constant 0 : i32
            %add3A_1565 = arith.addi %add3A_1563, %add3A_1564 : i32
            %add3A_1566 = arith.constant 9 : i32
            %add3A_1567 = arith.addi %add3A_1565, %add3A_1566 : i32
            "tpu.region"() ({
              %run_scoped3A = tpu.sem_alloc : memref<!tpu.dma_semaphore, #tpu.memory_space<semaphore_mem>>
              %dma_start3A_1568 = arith.constant 0 : i32
              %dma_start3A_1569 = tpu.memref_slice %arg5[%add3A_1567, %dma_start3A_1568] : memref<262144x128xf32, #tpu.memory_space<hbm>> -> memref<1x128xf32, #tpu.memory_space<hbm>>
              %dma_start3A_1570 = arith.constant 0 : i32
              %dma_start3A_1571 = tpu.memref_slice %arg5[%add3A_1567, %dma_start3A_1570] : memref<262144x128xf32, #tpu.memory_space<hbm>> -> memref<1x128xf32, #tpu.memory_space<hbm>>
              tpu.enqueue_dma source(%arg26 : memref<1x128xf32, #tpu.memory_space<vmem>>) target(%dma_start3A_1571 : memref<1x128xf32, #tpu.memory_space<hbm>>) target_semaphore(%run_scoped3A : memref<!tpu.dma_semaphore, #tpu.memory_space<semaphore_mem>>)
              %dma_wait3A_1572 = arith.constant 0 : i32
              %dma_wait3A_1573 = tpu.memref_slice %arg5[%add3A_1567, %dma_wait3A_1572] : memref<262144x128xf32, #tpu.memory_space<hbm>> -> memref<1x128xf32, #tpu.memory_space<hbm>>
              %dma_wait3A_1574 = arith.constant 0 : i32
              %dma_wait3A_1575 = tpu.memref_slice %arg5[%add3A_1567, %dma_wait3A_1574] : memref<262144x128xf32, #tpu.memory_space<hbm>> -> memref<1x128xf32, #tpu.memory_space<hbm>>
              tpu.wait_dma2 semaphore(%run_scoped3A : memref<!tpu.dma_semaphore, #tpu.memory_space<semaphore_mem>>) src(%arg26 : memref<1x128xf32, #tpu.memory_space<vmem>>) dst(%dma_wait3A_1575 : memref<1x128xf32, #tpu.memory_space<hbm>>)
              tpu.yield
            }) : () -> ()
          } else {
          }
          %slice3A_1162 = vector.extract_strided_slice %get3A_1091 {offsets = [10], sizes = [1], strides = [1]} : vector<16xi32> to vector<1xi32>
          %squeeze3A_1163 = vector.extract %slice3A_1162[0] : i32 from vector<1xi32>
          %eq3A_1164 = arith.constant 0 : i32
          %eq3A_1165 = arith.cmpi eq, %squeeze3A_1163, %eq3A_1164 : i32
          %convert_element_type3A_1166 = arith.extui %eq3A_1165 : i1 to i32
          %cond3A_1167 = arith.constant 0 : i32
          %cond3A_1168 = arith.cmpi ne, %convert_element_type3A_1166, %cond3A_1167 : i32
          scf.if %cond3A_1168 {
            %mul3A_1561 = arith.constant 64 : i32
            %mul3A_1562 = arith.muli %scan3A_1027, %mul3A_1561 : i32
            %add3A_1563 = arith.addi %mul3A_2, %mul3A_1562 : i32
            %add3A_1564 = arith.constant 0 : i32
            %add3A_1565 = arith.addi %add3A_1563, %add3A_1564 : i32
            %add3A_1566 = arith.constant 10 : i32
            %add3A_1567 = arith.addi %add3A_1565, %add3A_1566 : i32
            "tpu.region"() ({
              %run_scoped3A = tpu.sem_alloc : memref<!tpu.dma_semaphore, #tpu.memory_space<semaphore_mem>>
              %dma_start3A_1568 = arith.constant 0 : i32
              %dma_start3A_1569 = tpu.memref_slice %arg5[%add3A_1567, %dma_start3A_1568] : memref<262144x128xf32, #tpu.memory_space<hbm>> -> memref<1x128xf32, #tpu.memory_space<hbm>>
              %dma_start3A_1570 = arith.constant 0 : i32
              %dma_start3A_1571 = tpu.memref_slice %arg5[%add3A_1567, %dma_start3A_1570] : memref<262144x128xf32, #tpu.memory_space<hbm>> -> memref<1x128xf32, #tpu.memory_space<hbm>>
              tpu.enqueue_dma source(%arg26 : memref<1x128xf32, #tpu.memory_space<vmem>>) target(%dma_start3A_1571 : memref<1x128xf32, #tpu.memory_space<hbm>>) target_semaphore(%run_scoped3A : memref<!tpu.dma_semaphore, #tpu.memory_space<semaphore_mem>>)
              %dma_wait3A_1572 = arith.constant 0 : i32
              %dma_wait3A_1573 = tpu.memref_slice %arg5[%add3A_1567, %dma_wait3A_1572] : memref<262144x128xf32, #tpu.memory_space<hbm>> -> memref<1x128xf32, #tpu.memory_space<hbm>>
              %dma_wait3A_1574 = arith.constant 0 : i32
              %dma_wait3A_1575 = tpu.memref_slice %arg5[%add3A_1567, %dma_wait3A_1574] : memref<262144x128xf32, #tpu.memory_space<hbm>> -> memref<1x128xf32, #tpu.memory_space<hbm>>
              tpu.wait_dma2 semaphore(%run_scoped3A : memref<!tpu.dma_semaphore, #tpu.memory_space<semaphore_mem>>) src(%arg26 : memref<1x128xf32, #tpu.memory_space<vmem>>) dst(%dma_wait3A_1575 : memref<1x128xf32, #tpu.memory_space<hbm>>)
              tpu.yield
            }) : () -> ()
          } else {
          }
          %slice3A_1169 = vector.extract_strided_slice %get3A_1091 {offsets = [11], sizes = [1], strides = [1]} : vector<16xi32> to vector<1xi32>
          %squeeze3A_1170 = vector.extract %slice3A_1169[0] : i32 from vector<1xi32>
          %eq3A_1171 = arith.constant 0 : i32
          %eq3A_1172 = arith.cmpi eq, %squeeze3A_1170, %eq3A_1171 : i32
          %convert_element_type3A_1173 = arith.extui %eq3A_1172 : i1 to i32
          %cond3A_1174 = arith.constant 0 : i32
          %cond3A_1175 = arith.cmpi ne, %convert_element_type3A_1173, %cond3A_1174 : i32
          scf.if %cond3A_1175 {
            %mul3A_1561 = arith.constant 64 : i32
            %mul3A_1562 = arith.muli %scan3A_1027, %mul3A_1561 : i32
            %add3A_1563 = arith.addi %mul3A_2, %mul3A_1562 : i32
            %add3A_1564 = arith.constant 0 : i32
            %add3A_1565 = arith.addi %add3A_1563, %add3A_1564 : i32
            %add3A_1566 = arith.constant 11 : i32
            %add3A_1567 = arith.addi %add3A_1565, %add3A_1566 : i32
            "tpu.region"() ({
              %run_scoped3A = tpu.sem_alloc : memref<!tpu.dma_semaphore, #tpu.memory_space<semaphore_mem>>
              %dma_start3A_1568 = arith.constant 0 : i32
              %dma_start3A_1569 = tpu.memref_slice %arg5[%add3A_1567, %dma_start3A_1568] : memref<262144x128xf32, #tpu.memory_space<hbm>> -> memref<1x128xf32, #tpu.memory_space<hbm>>
              %dma_start3A_1570 = arith.constant 0 : i32
              %dma_start3A_1571 = tpu.memref_slice %arg5[%add3A_1567, %dma_start3A_1570] : memref<262144x128xf32, #tpu.memory_space<hbm>> -> memref<1x128xf32, #tpu.memory_space<hbm>>
              tpu.enqueue_dma source(%arg26 : memref<1x128xf32, #tpu.memory_space<vmem>>) target(%dma_start3A_1571 : memref<1x128xf32, #tpu.memory_space<hbm>>) target_semaphore(%run_scoped3A : memref<!tpu.dma_semaphore, #tpu.memory_space<semaphore_mem>>)
              %dma_wait3A_1572 = arith.constant 0 : i32
              %dma_wait3A_1573 = tpu.memref_slice %arg5[%add3A_1567, %dma_wait3A_1572] : memref<262144x128xf32, #tpu.memory_space<hbm>> -> memref<1x128xf32, #tpu.memory_space<hbm>>
              %dma_wait3A_1574 = arith.constant 0 : i32
              %dma_wait3A_1575 = tpu.memref_slice %arg5[%add3A_1567, %dma_wait3A_1574] : memref<262144x128xf32, #tpu.memory_space<hbm>> -> memref<1x128xf32, #tpu.memory_space<hbm>>
              tpu.wait_dma2 semaphore(%run_scoped3A : memref<!tpu.dma_semaphore, #tpu.memory_space<semaphore_mem>>) src(%arg26 : memref<1x128xf32, #tpu.memory_space<vmem>>) dst(%dma_wait3A_1575 : memref<1x128xf32, #tpu.memory_space<hbm>>)
              tpu.yield
            }) : () -> ()
          } else {
          }
          %slice3A_1176 = vector.extract_strided_slice %get3A_1091 {offsets = [12], sizes = [1], strides = [1]} : vector<16xi32> to vector<1xi32>
          %squeeze3A_1177 = vector.extract %slice3A_1176[0] : i32 from vector<1xi32>
          %eq3A_1178 = arith.constant 0 : i32
          %eq3A_1179 = arith.cmpi eq, %squeeze3A_1177, %eq3A_1178 : i32
          %convert_element_type3A_1180 = arith.extui %eq3A_1179 : i1 to i32
          %cond3A_1181 = arith.constant 0 : i32
          %cond3A_1182 = arith.cmpi ne, %convert_element_type3A_1180, %cond3A_1181 : i32
          scf.if %cond3A_1182 {
            %mul3A_1561 = arith.constant 64 : i32
            %mul3A_1562 = arith.muli %scan3A_1027, %mul3A_1561 : i32
            %add3A_1563 = arith.addi %mul3A_2, %mul3A_1562 : i32
            %add3A_1564 = arith.constant 0 : i32
            %add3A_1565 = arith.addi %add3A_1563, %add3A_1564 : i32
            %add3A_1566 = arith.constant 12 : i32
            %add3A_1567 = arith.addi %add3A_1565, %add3A_1566 : i32
            "tpu.region"() ({
              %run_scoped3A = tpu.sem_alloc : memref<!tpu.dma_semaphore, #tpu.memory_space<semaphore_mem>>
              %dma_start3A_1568 = arith.constant 0 : i32
              %dma_start3A_1569 = tpu.memref_slice %arg5[%add3A_1567, %dma_start3A_1568] : memref<262144x128xf32, #tpu.memory_space<hbm>> -> memref<1x128xf32, #tpu.memory_space<hbm>>
              %dma_start3A_1570 = arith.constant 0 : i32
              %dma_start3A_1571 = tpu.memref_slice %arg5[%add3A_1567, %dma_start3A_1570] : memref<262144x128xf32, #tpu.memory_space<hbm>> -> memref<1x128xf32, #tpu.memory_space<hbm>>
              tpu.enqueue_dma source(%arg26 : memref<1x128xf32, #tpu.memory_space<vmem>>) target(%dma_start3A_1571 : memref<1x128xf32, #tpu.memory_space<hbm>>) target_semaphore(%run_scoped3A : memref<!tpu.dma_semaphore, #tpu.memory_space<semaphore_mem>>)
              %dma_wait3A_1572 = arith.constant 0 : i32
              %dma_wait3A_1573 = tpu.memref_slice %arg5[%add3A_1567, %dma_wait3A_1572] : memref<262144x128xf32, #tpu.memory_space<hbm>> -> memref<1x128xf32, #tpu.memory_space<hbm>>
              %dma_wait3A_1574 = arith.constant 0 : i32
              %dma_wait3A_1575 = tpu.memref_slice %arg5[%add3A_1567, %dma_wait3A_1574] : memref<262144x128xf32, #tpu.memory_space<hbm>> -> memref<1x128xf32, #tpu.memory_space<hbm>>
              tpu.wait_dma2 semaphore(%run_scoped3A : memref<!tpu.dma_semaphore, #tpu.memory_space<semaphore_mem>>) src(%arg26 : memref<1x128xf32, #tpu.memory_space<vmem>>) dst(%dma_wait3A_1575 : memref<1x128xf32, #tpu.memory_space<hbm>>)
              tpu.yield
            }) : () -> ()
          } else {
          }
          %slice3A_1183 = vector.extract_strided_slice %get3A_1091 {offsets = [13], sizes = [1], strides = [1]} : vector<16xi32> to vector<1xi32>
          %squeeze3A_1184 = vector.extract %slice3A_1183[0] : i32 from vector<1xi32>
          %eq3A_1185 = arith.constant 0 : i32
          %eq3A_1186 = arith.cmpi eq, %squeeze3A_1184, %eq3A_1185 : i32
          %convert_element_type3A_1187 = arith.extui %eq3A_1186 : i1 to i32
          %cond3A_1188 = arith.constant 0 : i32
          %cond3A_1189 = arith.cmpi ne, %convert_element_type3A_1187, %cond3A_1188 : i32
          scf.if %cond3A_1189 {
            %mul3A_1561 = arith.constant 64 : i32
            %mul3A_1562 = arith.muli %scan3A_1027, %mul3A_1561 : i32
            %add3A_1563 = arith.addi %mul3A_2, %mul3A_1562 : i32
            %add3A_1564 = arith.constant 0 : i32
            %add3A_1565 = arith.addi %add3A_1563, %add3A_1564 : i32
            %add3A_1566 = arith.constant 13 : i32
            %add3A_1567 = arith.addi %add3A_1565, %add3A_1566 : i32
            "tpu.region"() ({
              %run_scoped3A = tpu.sem_alloc : memref<!tpu.dma_semaphore, #tpu.memory_space<semaphore_mem>>
              %dma_start3A_1568 = arith.constant 0 : i32
              %dma_start3A_1569 = tpu.memref_slice %arg5[%add3A_1567, %dma_start3A_1568] : memref<262144x128xf32, #tpu.memory_space<hbm>> -> memref<1x128xf32, #tpu.memory_space<hbm>>
              %dma_start3A_1570 = arith.constant 0 : i32
              %dma_start3A_1571 = tpu.memref_slice %arg5[%add3A_1567, %dma_start3A_1570] : memref<262144x128xf32, #tpu.memory_space<hbm>> -> memref<1x128xf32, #tpu.memory_space<hbm>>
              tpu.enqueue_dma source(%arg26 : memref<1x128xf32, #tpu.memory_space<vmem>>) target(%dma_start3A_1571 : memref<1x128xf32, #tpu.memory_space<hbm>>) target_semaphore(%run_scoped3A : memref<!tpu.dma_semaphore, #tpu.memory_space<semaphore_mem>>)
              %dma_wait3A_1572 = arith.constant 0 : i32
              %dma_wait3A_1573 = tpu.memref_slice %arg5[%add3A_1567, %dma_wait3A_1572] : memref<262144x128xf32, #tpu.memory_space<hbm>> -> memref<1x128xf32, #tpu.memory_space<hbm>>
              %dma_wait3A_1574 = arith.constant 0 : i32
              %dma_wait3A_1575 = tpu.memref_slice %arg5[%add3A_1567, %dma_wait3A_1574] : memref<262144x128xf32, #tpu.memory_space<hbm>> -> memref<1x128xf32, #tpu.memory_space<hbm>>
              tpu.wait_dma2 semaphore(%run_scoped3A : memref<!tpu.dma_semaphore, #tpu.memory_space<semaphore_mem>>) src(%arg26 : memref<1x128xf32, #tpu.memory_space<vmem>>) dst(%dma_wait3A_1575 : memref<1x128xf32, #tpu.memory_space<hbm>>)
              tpu.yield
            }) : () -> ()
          } else {
          }
          %slice3A_1190 = vector.extract_strided_slice %get3A_1091 {offsets = [14], sizes = [1], strides = [1]} : vector<16xi32> to vector<1xi32>
          %squeeze3A_1191 = vector.extract %slice3A_1190[0] : i32 from vector<1xi32>
          %eq3A_1192 = arith.constant 0 : i32
          %eq3A_1193 = arith.cmpi eq, %squeeze3A_1191, %eq3A_1192 : i32
          %convert_element_type3A_1194 = arith.extui %eq3A_1193 : i1 to i32
          %cond3A_1195 = arith.constant 0 : i32
          %cond3A_1196 = arith.cmpi ne, %convert_element_type3A_1194, %cond3A_1195 : i32
          scf.if %cond3A_1196 {
            %mul3A_1561 = arith.constant 64 : i32
            %mul3A_1562 = arith.muli %scan3A_1027, %mul3A_1561 : i32
            %add3A_1563 = arith.addi %mul3A_2, %mul3A_1562 : i32
            %add3A_1564 = arith.constant 0 : i32
            %add3A_1565 = arith.addi %add3A_1563, %add3A_1564 : i32
            %add3A_1566 = arith.constant 14 : i32
            %add3A_1567 = arith.addi %add3A_1565, %add3A_1566 : i32
            "tpu.region"() ({
              %run_scoped3A = tpu.sem_alloc : memref<!tpu.dma_semaphore, #tpu.memory_space<semaphore_mem>>
              %dma_start3A_1568 = arith.constant 0 : i32
              %dma_start3A_1569 = tpu.memref_slice %arg5[%add3A_1567, %dma_start3A_1568] : memref<262144x128xf32, #tpu.memory_space<hbm>> -> memref<1x128xf32, #tpu.memory_space<hbm>>
              %dma_start3A_1570 = arith.constant 0 : i32
              %dma_start3A_1571 = tpu.memref_slice %arg5[%add3A_1567, %dma_start3A_1570] : memref<262144x128xf32, #tpu.memory_space<hbm>> -> memref<1x128xf32, #tpu.memory_space<hbm>>
              tpu.enqueue_dma source(%arg26 : memref<1x128xf32, #tpu.memory_space<vmem>>) target(%dma_start3A_1571 : memref<1x128xf32, #tpu.memory_space<hbm>>) target_semaphore(%run_scoped3A : memref<!tpu.dma_semaphore, #tpu.memory_space<semaphore_mem>>)
              %dma_wait3A_1572 = arith.constant 0 : i32
              %dma_wait3A_1573 = tpu.memref_slice %arg5[%add3A_1567, %dma_wait3A_1572] : memref<262144x128xf32, #tpu.memory_space<hbm>> -> memref<1x128xf32, #tpu.memory_space<hbm>>
              %dma_wait3A_1574 = arith.constant 0 : i32
              %dma_wait3A_1575 = tpu.memref_slice %arg5[%add3A_1567, %dma_wait3A_1574] : memref<262144x128xf32, #tpu.memory_space<hbm>> -> memref<1x128xf32, #tpu.memory_space<hbm>>
              tpu.wait_dma2 semaphore(%run_scoped3A : memref<!tpu.dma_semaphore, #tpu.memory_space<semaphore_mem>>) src(%arg26 : memref<1x128xf32, #tpu.memory_space<vmem>>) dst(%dma_wait3A_1575 : memref<1x128xf32, #tpu.memory_space<hbm>>)
              tpu.yield
            }) : () -> ()
          } else {
          }
          %slice3A_1197 = vector.extract_strided_slice %get3A_1091 {offsets = [15], sizes = [1], strides = [1]} : vector<16xi32> to vector<1xi32>
          %squeeze3A_1198 = vector.extract %slice3A_1197[0] : i32 from vector<1xi32>
          %eq3A_1199 = arith.constant 0 : i32
          %eq3A_1200 = arith.cmpi eq, %squeeze3A_1198, %eq3A_1199 : i32
          %convert_element_type3A_1201 = arith.extui %eq3A_1200 : i1 to i32
          %cond3A_1202 = arith.constant 0 : i32
          %cond3A_1203 = arith.cmpi ne, %convert_element_type3A_1201, %cond3A_1202 : i32
          scf.if %cond3A_1203 {
            %mul3A_1561 = arith.constant 64 : i32
            %mul3A_1562 = arith.muli %scan3A_1027, %mul3A_1561 : i32
            %add3A_1563 = arith.addi %mul3A_2, %mul3A_1562 : i32
            %add3A_1564 = arith.constant 0 : i32
            %add3A_1565 = arith.addi %add3A_1563, %add3A_1564 : i32
            %add3A_1566 = arith.constant 15 : i32
            %add3A_1567 = arith.addi %add3A_1565, %add3A_1566 : i32
            "tpu.region"() ({
              %run_scoped3A = tpu.sem_alloc : memref<!tpu.dma_semaphore, #tpu.memory_space<semaphore_mem>>
              %dma_start3A_1568 = arith.constant 0 : i32
              %dma_start3A_1569 = tpu.memref_slice %arg5[%add3A_1567, %dma_start3A_1568] : memref<262144x128xf32, #tpu.memory_space<hbm>> -> memref<1x128xf32, #tpu.memory_space<hbm>>
              %dma_start3A_1570 = arith.constant 0 : i32
              %dma_start3A_1571 = tpu.memref_slice %arg5[%add3A_1567, %dma_start3A_1570] : memref<262144x128xf32, #tpu.memory_space<hbm>> -> memref<1x128xf32, #tpu.memory_space<hbm>>
              tpu.enqueue_dma source(%arg26 : memref<1x128xf32, #tpu.memory_space<vmem>>) target(%dma_start3A_1571 : memref<1x128xf32, #tpu.memory_space<hbm>>) target_semaphore(%run_scoped3A : memref<!tpu.dma_semaphore, #tpu.memory_space<semaphore_mem>>)
              %dma_wait3A_1572 = arith.constant 0 : i32
              %dma_wait3A_1573 = tpu.memref_slice %arg5[%add3A_1567, %dma_wait3A_1572] : memref<262144x128xf32, #tpu.memory_space<hbm>> -> memref<1x128xf32, #tpu.memory_space<hbm>>
              %dma_wait3A_1574 = arith.constant 0 : i32
              %dma_wait3A_1575 = tpu.memref_slice %arg5[%add3A_1567, %dma_wait3A_1574] : memref<262144x128xf32, #tpu.memory_space<hbm>> -> memref<1x128xf32, #tpu.memory_space<hbm>>
              tpu.wait_dma2 semaphore(%run_scoped3A : memref<!tpu.dma_semaphore, #tpu.memory_space<semaphore_mem>>) src(%arg26 : memref<1x128xf32, #tpu.memory_space<vmem>>) dst(%dma_wait3A_1575 : memref<1x128xf32, #tpu.memory_space<hbm>>)
              tpu.yield
            }) : () -> ()
          } else {
          }
          %mul3A_1204 = arith.constant 64 : i32
          %mul3A_1205 = arith.muli %scan3A_1027, %mul3A_1204 : i32
          %add3A_1206 = arith.constant 16 : i32
          %add3A_1207 = arith.addi %mul3A_1205, %add3A_1206 : i32
          %get3A_1208 = arith.index_cast %add3A_1207 : i32 to index
          %get3A_1209 = tpu.vector_load %arg7[%get3A_1208] {strides = array<i32>} : memref<8192xi32, #tpu.memory_space<vmem>>, vector<16xi32>,
          %get3A_1210 = vector.shape_cast %get3A_1209 : vector<16xi32> to vector<16xi32>
          %slice3A_1211 = vector.extract_strided_slice %get3A_1210 {offsets = [0], sizes = [1], strides = [1]} : vector<16xi32> to vector<1xi32>
          %squeeze3A_1212 = vector.extract %slice3A_1211[0] : i32 from vector<1xi32>
          %eq3A_1213 = arith.constant 0 : i32
          %eq3A_1214 = arith.cmpi eq, %squeeze3A_1212, %eq3A_1213 : i32
          %convert_element_type3A_1215 = arith.extui %eq3A_1214 : i1 to i32
          %cond3A_1216 = arith.constant 0 : i32
          %cond3A_1217 = arith.cmpi ne, %convert_element_type3A_1215, %cond3A_1216 : i32
          scf.if %cond3A_1217 {
            %mul3A_1561 = arith.constant 64 : i32
            %mul3A_1562 = arith.muli %scan3A_1027, %mul3A_1561 : i32
            %add3A_1563 = arith.addi %mul3A_2, %mul3A_1562 : i32
            %add3A_1564 = arith.constant 16 : i32
            %add3A_1565 = arith.addi %add3A_1563, %add3A_1564 : i32
            %add3A_1566 = arith.constant 0 : i32
            %add3A_1567 = arith.addi %add3A_1565, %add3A_1566 : i32
            "tpu.region"() ({
              %run_scoped3A = tpu.sem_alloc : memref<!tpu.dma_semaphore, #tpu.memory_space<semaphore_mem>>
              %dma_start3A_1568 = arith.constant 0 : i32
              %dma_start3A_1569 = tpu.memref_slice %arg5[%add3A_1567, %dma_start3A_1568] : memref<262144x128xf32, #tpu.memory_space<hbm>> -> memref<1x128xf32, #tpu.memory_space<hbm>>
              %dma_start3A_1570 = arith.constant 0 : i32
              %dma_start3A_1571 = tpu.memref_slice %arg5[%add3A_1567, %dma_start3A_1570] : memref<262144x128xf32, #tpu.memory_space<hbm>> -> memref<1x128xf32, #tpu.memory_space<hbm>>
              tpu.enqueue_dma source(%arg26 : memref<1x128xf32, #tpu.memory_space<vmem>>) target(%dma_start3A_1571 : memref<1x128xf32, #tpu.memory_space<hbm>>) target_semaphore(%run_scoped3A : memref<!tpu.dma_semaphore, #tpu.memory_space<semaphore_mem>>)
              %dma_wait3A_1572 = arith.constant 0 : i32
              %dma_wait3A_1573 = tpu.memref_slice %arg5[%add3A_1567, %dma_wait3A_1572] : memref<262144x128xf32, #tpu.memory_space<hbm>> -> memref<1x128xf32, #tpu.memory_space<hbm>>
              %dma_wait3A_1574 = arith.constant 0 : i32
              %dma_wait3A_1575 = tpu.memref_slice %arg5[%add3A_1567, %dma_wait3A_1574] : memref<262144x128xf32, #tpu.memory_space<hbm>> -> memref<1x128xf32, #tpu.memory_space<hbm>>
              tpu.wait_dma2 semaphore(%run_scoped3A : memref<!tpu.dma_semaphore, #tpu.memory_space<semaphore_mem>>) src(%arg26 : memref<1x128xf32, #tpu.memory_space<vmem>>) dst(%dma_wait3A_1575 : memref<1x128xf32, #tpu.memory_space<hbm>>)
              tpu.yield
            }) : () -> ()
          } else {
          }
          %slice3A_1218 = vector.extract_strided_slice %get3A_1210 {offsets = [1], sizes = [1], strides = [1]} : vector<16xi32> to vector<1xi32>
          %squeeze3A_1219 = vector.extract %slice3A_1218[0] : i32 from vector<1xi32>
          %eq3A_1220 = arith.constant 0 : i32
          %eq3A_1221 = arith.cmpi eq, %squeeze3A_1219, %eq3A_1220 : i32
          %convert_element_type3A_1222 = arith.extui %eq3A_1221 : i1 to i32
          %cond3A_1223 = arith.constant 0 : i32
          %cond3A_1224 = arith.cmpi ne, %convert_element_type3A_1222, %cond3A_1223 : i32
          scf.if %cond3A_1224 {
            %mul3A_1561 = arith.constant 64 : i32
            %mul3A_1562 = arith.muli %scan3A_1027, %mul3A_1561 : i32
            %add3A_1563 = arith.addi %mul3A_2, %mul3A_1562 : i32
            %add3A_1564 = arith.constant 16 : i32
            %add3A_1565 = arith.addi %add3A_1563, %add3A_1564 : i32
            %add3A_1566 = arith.constant 1 : i32
            %add3A_1567 = arith.addi %add3A_1565, %add3A_1566 : i32
            "tpu.region"() ({
              %run_scoped3A = tpu.sem_alloc : memref<!tpu.dma_semaphore, #tpu.memory_space<semaphore_mem>>
              %dma_start3A_1568 = arith.constant 0 : i32
              %dma_start3A_1569 = tpu.memref_slice %arg5[%add3A_1567, %dma_start3A_1568] : memref<262144x128xf32, #tpu.memory_space<hbm>> -> memref<1x128xf32, #tpu.memory_space<hbm>>
              %dma_start3A_1570 = arith.constant 0 : i32
              %dma_start3A_1571 = tpu.memref_slice %arg5[%add3A_1567, %dma_start3A_1570] : memref<262144x128xf32, #tpu.memory_space<hbm>> -> memref<1x128xf32, #tpu.memory_space<hbm>>
              tpu.enqueue_dma source(%arg26 : memref<1x128xf32, #tpu.memory_space<vmem>>) target(%dma_start3A_1571 : memref<1x128xf32, #tpu.memory_space<hbm>>) target_semaphore(%run_scoped3A : memref<!tpu.dma_semaphore, #tpu.memory_space<semaphore_mem>>)
              %dma_wait3A_1572 = arith.constant 0 : i32
              %dma_wait3A_1573 = tpu.memref_slice %arg5[%add3A_1567, %dma_wait3A_1572] : memref<262144x128xf32, #tpu.memory_space<hbm>> -> memref<1x128xf32, #tpu.memory_space<hbm>>
              %dma_wait3A_1574 = arith.constant 0 : i32
              %dma_wait3A_1575 = tpu.memref_slice %arg5[%add3A_1567, %dma_wait3A_1574] : memref<262144x128xf32, #tpu.memory_space<hbm>> -> memref<1x128xf32, #tpu.memory_space<hbm>>
              tpu.wait_dma2 semaphore(%run_scoped3A : memref<!tpu.dma_semaphore, #tpu.memory_space<semaphore_mem>>) src(%arg26 : memref<1x128xf32, #tpu.memory_space<vmem>>) dst(%dma_wait3A_1575 : memref<1x128xf32, #tpu.memory_space<hbm>>)
              tpu.yield
            }) : () -> ()
          } else {
          }
          %slice3A_1225 = vector.extract_strided_slice %get3A_1210 {offsets = [2], sizes = [1], strides = [1]} : vector<16xi32> to vector<1xi32>
          %squeeze3A_1226 = vector.extract %slice3A_1225[0] : i32 from vector<1xi32>
          %eq3A_1227 = arith.constant 0 : i32
          %eq3A_1228 = arith.cmpi eq, %squeeze3A_1226, %eq3A_1227 : i32
          %convert_element_type3A_1229 = arith.extui %eq3A_1228 : i1 to i32
          %cond3A_1230 = arith.constant 0 : i32
          %cond3A_1231 = arith.cmpi ne, %convert_element_type3A_1229, %cond3A_1230 : i32
          scf.if %cond3A_1231 {
            %mul3A_1561 = arith.constant 64 : i32
            %mul3A_1562 = arith.muli %scan3A_1027, %mul3A_1561 : i32
            %add3A_1563 = arith.addi %mul3A_2, %mul3A_1562 : i32
            %add3A_1564 = arith.constant 16 : i32
            %add3A_1565 = arith.addi %add3A_1563, %add3A_1564 : i32
            %add3A_1566 = arith.constant 2 : i32
            %add3A_1567 = arith.addi %add3A_1565, %add3A_1566 : i32
            "tpu.region"() ({
              %run_scoped3A = tpu.sem_alloc : memref<!tpu.dma_semaphore, #tpu.memory_space<semaphore_mem>>
              %dma_start3A_1568 = arith.constant 0 : i32
              %dma_start3A_1569 = tpu.memref_slice %arg5[%add3A_1567, %dma_start3A_1568] : memref<262144x128xf32, #tpu.memory_space<hbm>> -> memref<1x128xf32, #tpu.memory_space<hbm>>
              %dma_start3A_1570 = arith.constant 0 : i32
              %dma_start3A_1571 = tpu.memref_slice %arg5[%add3A_1567, %dma_start3A_1570] : memref<262144x128xf32, #tpu.memory_space<hbm>> -> memref<1x128xf32, #tpu.memory_space<hbm>>
              tpu.enqueue_dma source(%arg26 : memref<1x128xf32, #tpu.memory_space<vmem>>) target(%dma_start3A_1571 : memref<1x128xf32, #tpu.memory_space<hbm>>) target_semaphore(%run_scoped3A : memref<!tpu.dma_semaphore, #tpu.memory_space<semaphore_mem>>)
              %dma_wait3A_1572 = arith.constant 0 : i32
              %dma_wait3A_1573 = tpu.memref_slice %arg5[%add3A_1567, %dma_wait3A_1572] : memref<262144x128xf32, #tpu.memory_space<hbm>> -> memref<1x128xf32, #tpu.memory_space<hbm>>
              %dma_wait3A_1574 = arith.constant 0 : i32
              %dma_wait3A_1575 = tpu.memref_slice %arg5[%add3A_1567, %dma_wait3A_1574] : memref<262144x128xf32, #tpu.memory_space<hbm>> -> memref<1x128xf32, #tpu.memory_space<hbm>>
              tpu.wait_dma2 semaphore(%run_scoped3A : memref<!tpu.dma_semaphore, #tpu.memory_space<semaphore_mem>>) src(%arg26 : memref<1x128xf32, #tpu.memory_space<vmem>>) dst(%dma_wait3A_1575 : memref<1x128xf32, #tpu.memory_space<hbm>>)
              tpu.yield
            }) : () -> ()
          } else {
          }
          %slice3A_1232 = vector.extract_strided_slice %get3A_1210 {offsets = [3], sizes = [1], strides = [1]} : vector<16xi32> to vector<1xi32>
          %squeeze3A_1233 = vector.extract %slice3A_1232[0] : i32 from vector<1xi32>
          %eq3A_1234 = arith.constant 0 : i32
          %eq3A_1235 = arith.cmpi eq, %squeeze3A_1233, %eq3A_1234 : i32
          %convert_element_type3A_1236 = arith.extui %eq3A_1235 : i1 to i32
          %cond3A_1237 = arith.constant 0 : i32
          %cond3A_1238 = arith.cmpi ne, %convert_element_type3A_1236, %cond3A_1237 : i32
          scf.if %cond3A_1238 {
            %mul3A_1561 = arith.constant 64 : i32
            %mul3A_1562 = arith.muli %scan3A_1027, %mul3A_1561 : i32
            %add3A_1563 = arith.addi %mul3A_2, %mul3A_1562 : i32
            %add3A_1564 = arith.constant 16 : i32
            %add3A_1565 = arith.addi %add3A_1563, %add3A_1564 : i32
            %add3A_1566 = arith.constant 3 : i32
            %add3A_1567 = arith.addi %add3A_1565, %add3A_1566 : i32
            "tpu.region"() ({
              %run_scoped3A = tpu.sem_alloc : memref<!tpu.dma_semaphore, #tpu.memory_space<semaphore_mem>>
              %dma_start3A_1568 = arith.constant 0 : i32
              %dma_start3A_1569 = tpu.memref_slice %arg5[%add3A_1567, %dma_start3A_1568] : memref<262144x128xf32, #tpu.memory_space<hbm>> -> memref<1x128xf32, #tpu.memory_space<hbm>>
              %dma_start3A_1570 = arith.constant 0 : i32
              %dma_start3A_1571 = tpu.memref_slice %arg5[%add3A_1567, %dma_start3A_1570] : memref<262144x128xf32, #tpu.memory_space<hbm>> -> memref<1x128xf32, #tpu.memory_space<hbm>>
              tpu.enqueue_dma source(%arg26 : memref<1x128xf32, #tpu.memory_space<vmem>>) target(%dma_start3A_1571 : memref<1x128xf32, #tpu.memory_space<hbm>>) target_semaphore(%run_scoped3A : memref<!tpu.dma_semaphore, #tpu.memory_space<semaphore_mem>>)
              %dma_wait3A_1572 = arith.constant 0 : i32
              %dma_wait3A_1573 = tpu.memref_slice %arg5[%add3A_1567, %dma_wait3A_1572] : memref<262144x128xf32, #tpu.memory_space<hbm>> -> memref<1x128xf32, #tpu.memory_space<hbm>>
              %dma_wait3A_1574 = arith.constant 0 : i32
              %dma_wait3A_1575 = tpu.memref_slice %arg5[%add3A_1567, %dma_wait3A_1574] : memref<262144x128xf32, #tpu.memory_space<hbm>> -> memref<1x128xf32, #tpu.memory_space<hbm>>
              tpu.wait_dma2 semaphore(%run_scoped3A : memref<!tpu.dma_semaphore, #tpu.memory_space<semaphore_mem>>) src(%arg26 : memref<1x128xf32, #tpu.memory_space<vmem>>) dst(%dma_wait3A_1575 : memref<1x128xf32, #tpu.memory_space<hbm>>)
              tpu.yield
            }) : () -> ()
          } else {
          }
          %slice3A_1239 = vector.extract_strided_slice %get3A_1210 {offsets = [4], sizes = [1], strides = [1]} : vector<16xi32> to vector<1xi32>
          %squeeze3A_1240 = vector.extract %slice3A_1239[0] : i32 from vector<1xi32>
          %eq3A_1241 = arith.constant 0 : i32
          %eq3A_1242 = arith.cmpi eq, %squeeze3A_1240, %eq3A_1241 : i32
          %convert_element_type3A_1243 = arith.extui %eq3A_1242 : i1 to i32
          %cond3A_1244 = arith.constant 0 : i32
          %cond3A_1245 = arith.cmpi ne, %convert_element_type3A_1243, %cond3A_1244 : i32
          scf.if %cond3A_1245 {
            %mul3A_1561 = arith.constant 64 : i32
            %mul3A_1562 = arith.muli %scan3A_1027, %mul3A_1561 : i32
            %add3A_1563 = arith.addi %mul3A_2, %mul3A_1562 : i32
            %add3A_1564 = arith.constant 16 : i32
            %add3A_1565 = arith.addi %add3A_1563, %add3A_1564 : i32
            %add3A_1566 = arith.constant 4 : i32
            %add3A_1567 = arith.addi %add3A_1565, %add3A_1566 : i32
            "tpu.region"() ({
              %run_scoped3A = tpu.sem_alloc : memref<!tpu.dma_semaphore, #tpu.memory_space<semaphore_mem>>
              %dma_start3A_1568 = arith.constant 0 : i32
              %dma_start3A_1569 = tpu.memref_slice %arg5[%add3A_1567, %dma_start3A_1568] : memref<262144x128xf32, #tpu.memory_space<hbm>> -> memref<1x128xf32, #tpu.memory_space<hbm>>
              %dma_start3A_1570 = arith.constant 0 : i32
              %dma_start3A_1571 = tpu.memref_slice %arg5[%add3A_1567, %dma_start3A_1570] : memref<262144x128xf32, #tpu.memory_space<hbm>> -> memref<1x128xf32, #tpu.memory_space<hbm>>
              tpu.enqueue_dma source(%arg26 : memref<1x128xf32, #tpu.memory_space<vmem>>) target(%dma_start3A_1571 : memref<1x128xf32, #tpu.memory_space<hbm>>) target_semaphore(%run_scoped3A : memref<!tpu.dma_semaphore, #tpu.memory_space<semaphore_mem>>)
              %dma_wait3A_1572 = arith.constant 0 : i32
              %dma_wait3A_1573 = tpu.memref_slice %arg5[%add3A_1567, %dma_wait3A_1572] : memref<262144x128xf32, #tpu.memory_space<hbm>> -> memref<1x128xf32, #tpu.memory_space<hbm>>
              %dma_wait3A_1574 = arith.constant 0 : i32
              %dma_wait3A_1575 = tpu.memref_slice %arg5[%add3A_1567, %dma_wait3A_1574] : memref<262144x128xf32, #tpu.memory_space<hbm>> -> memref<1x128xf32, #tpu.memory_space<hbm>>
              tpu.wait_dma2 semaphore(%run_scoped3A : memref<!tpu.dma_semaphore, #tpu.memory_space<semaphore_mem>>) src(%arg26 : memref<1x128xf32, #tpu.memory_space<vmem>>) dst(%dma_wait3A_1575 : memref<1x128xf32, #tpu.memory_space<hbm>>)
              tpu.yield
            }) : () -> ()
          } else {
          }
          %slice3A_1246 = vector.extract_strided_slice %get3A_1210 {offsets = [5], sizes = [1], strides = [1]} : vector<16xi32> to vector<1xi32>
          %squeeze3A_1247 = vector.extract %slice3A_1246[0] : i32 from vector<1xi32>
          %eq3A_1248 = arith.constant 0 : i32
          %eq3A_1249 = arith.cmpi eq, %squeeze3A_1247, %eq3A_1248 : i32
          %convert_element_type3A_1250 = arith.extui %eq3A_1249 : i1 to i32
          %cond3A_1251 = arith.constant 0 : i32
          %cond3A_1252 = arith.cmpi ne, %convert_element_type3A_1250, %cond3A_1251 : i32
          scf.if %cond3A_1252 {
            %mul3A_1561 = arith.constant 64 : i32
            %mul3A_1562 = arith.muli %scan3A_1027, %mul3A_1561 : i32
            %add3A_1563 = arith.addi %mul3A_2, %mul3A_1562 : i32
            %add3A_1564 = arith.constant 16 : i32
            %add3A_1565 = arith.addi %add3A_1563, %add3A_1564 : i32
            %add3A_1566 = arith.constant 5 : i32
            %add3A_1567 = arith.addi %add3A_1565, %add3A_1566 : i32
            "tpu.region"() ({
              %run_scoped3A = tpu.sem_alloc : memref<!tpu.dma_semaphore, #tpu.memory_space<semaphore_mem>>
              %dma_start3A_1568 = arith.constant 0 : i32
              %dma_start3A_1569 = tpu.memref_slice %arg5[%add3A_1567, %dma_start3A_1568] : memref<262144x128xf32, #tpu.memory_space<hbm>> -> memref<1x128xf32, #tpu.memory_space<hbm>>
              %dma_start3A_1570 = arith.constant 0 : i32
              %dma_start3A_1571 = tpu.memref_slice %arg5[%add3A_1567, %dma_start3A_1570] : memref<262144x128xf32, #tpu.memory_space<hbm>> -> memref<1x128xf32, #tpu.memory_space<hbm>>
              tpu.enqueue_dma source(%arg26 : memref<1x128xf32, #tpu.memory_space<vmem>>) target(%dma_start3A_1571 : memref<1x128xf32, #tpu.memory_space<hbm>>) target_semaphore(%run_scoped3A : memref<!tpu.dma_semaphore, #tpu.memory_space<semaphore_mem>>)
              %dma_wait3A_1572 = arith.constant 0 : i32
              %dma_wait3A_1573 = tpu.memref_slice %arg5[%add3A_1567, %dma_wait3A_1572] : memref<262144x128xf32, #tpu.memory_space<hbm>> -> memref<1x128xf32, #tpu.memory_space<hbm>>
              %dma_wait3A_1574 = arith.constant 0 : i32
              %dma_wait3A_1575 = tpu.memref_slice %arg5[%add3A_1567, %dma_wait3A_1574] : memref<262144x128xf32, #tpu.memory_space<hbm>> -> memref<1x128xf32, #tpu.memory_space<hbm>>
              tpu.wait_dma2 semaphore(%run_scoped3A : memref<!tpu.dma_semaphore, #tpu.memory_space<semaphore_mem>>) src(%arg26 : memref<1x128xf32, #tpu.memory_space<vmem>>) dst(%dma_wait3A_1575 : memref<1x128xf32, #tpu.memory_space<hbm>>)
              tpu.yield
            }) : () -> ()
          } else {
          }
          %slice3A_1253 = vector.extract_strided_slice %get3A_1210 {offsets = [6], sizes = [1], strides = [1]} : vector<16xi32> to vector<1xi32>
          %squeeze3A_1254 = vector.extract %slice3A_1253[0] : i32 from vector<1xi32>
          %eq3A_1255 = arith.constant 0 : i32
          %eq3A_1256 = arith.cmpi eq, %squeeze3A_1254, %eq3A_1255 : i32
          %convert_element_type3A_1257 = arith.extui %eq3A_1256 : i1 to i32
          %cond3A_1258 = arith.constant 0 : i32
          %cond3A_1259 = arith.cmpi ne, %convert_element_type3A_1257, %cond3A_1258 : i32
          scf.if %cond3A_1259 {
            %mul3A_1561 = arith.constant 64 : i32
            %mul3A_1562 = arith.muli %scan3A_1027, %mul3A_1561 : i32
            %add3A_1563 = arith.addi %mul3A_2, %mul3A_1562 : i32
            %add3A_1564 = arith.constant 16 : i32
            %add3A_1565 = arith.addi %add3A_1563, %add3A_1564 : i32
            %add3A_1566 = arith.constant 6 : i32
            %add3A_1567 = arith.addi %add3A_1565, %add3A_1566 : i32
            "tpu.region"() ({
              %run_scoped3A = tpu.sem_alloc : memref<!tpu.dma_semaphore, #tpu.memory_space<semaphore_mem>>
              %dma_start3A_1568 = arith.constant 0 : i32
              %dma_start3A_1569 = tpu.memref_slice %arg5[%add3A_1567, %dma_start3A_1568] : memref<262144x128xf32, #tpu.memory_space<hbm>> -> memref<1x128xf32, #tpu.memory_space<hbm>>
              %dma_start3A_1570 = arith.constant 0 : i32
              %dma_start3A_1571 = tpu.memref_slice %arg5[%add3A_1567, %dma_start3A_1570] : memref<262144x128xf32, #tpu.memory_space<hbm>> -> memref<1x128xf32, #tpu.memory_space<hbm>>
              tpu.enqueue_dma source(%arg26 : memref<1x128xf32, #tpu.memory_space<vmem>>) target(%dma_start3A_1571 : memref<1x128xf32, #tpu.memory_space<hbm>>) target_semaphore(%run_scoped3A : memref<!tpu.dma_semaphore, #tpu.memory_space<semaphore_mem>>)
              %dma_wait3A_1572 = arith.constant 0 : i32
              %dma_wait3A_1573 = tpu.memref_slice %arg5[%add3A_1567, %dma_wait3A_1572] : memref<262144x128xf32, #tpu.memory_space<hbm>> -> memref<1x128xf32, #tpu.memory_space<hbm>>
              %dma_wait3A_1574 = arith.constant 0 : i32
              %dma_wait3A_1575 = tpu.memref_slice %arg5[%add3A_1567, %dma_wait3A_1574] : memref<262144x128xf32, #tpu.memory_space<hbm>> -> memref<1x128xf32, #tpu.memory_space<hbm>>
              tpu.wait_dma2 semaphore(%run_scoped3A : memref<!tpu.dma_semaphore, #tpu.memory_space<semaphore_mem>>) src(%arg26 : memref<1x128xf32, #tpu.memory_space<vmem>>) dst(%dma_wait3A_1575 : memref<1x128xf32, #tpu.memory_space<hbm>>)
              tpu.yield
            }) : () -> ()
          } else {
          }
          %slice3A_1260 = vector.extract_strided_slice %get3A_1210 {offsets = [7], sizes = [1], strides = [1]} : vector<16xi32> to vector<1xi32>
          %squeeze3A_1261 = vector.extract %slice3A_1260[0] : i32 from vector<1xi32>
          %eq3A_1262 = arith.constant 0 : i32
          %eq3A_1263 = arith.cmpi eq, %squeeze3A_1261, %eq3A_1262 : i32
          %convert_element_type3A_1264 = arith.extui %eq3A_1263 : i1 to i32
          %cond3A_1265 = arith.constant 0 : i32
          %cond3A_1266 = arith.cmpi ne, %convert_element_type3A_1264, %cond3A_1265 : i32
          scf.if %cond3A_1266 {
            %mul3A_1561 = arith.constant 64 : i32
            %mul3A_1562 = arith.muli %scan3A_1027, %mul3A_1561 : i32
            %add3A_1563 = arith.addi %mul3A_2, %mul3A_1562 : i32
            %add3A_1564 = arith.constant 16 : i32
            %add3A_1565 = arith.addi %add3A_1563, %add3A_1564 : i32
            %add3A_1566 = arith.constant 7 : i32
            %add3A_1567 = arith.addi %add3A_1565, %add3A_1566 : i32
            "tpu.region"() ({
              %run_scoped3A = tpu.sem_alloc : memref<!tpu.dma_semaphore, #tpu.memory_space<semaphore_mem>>
              %dma_start3A_1568 = arith.constant 0 : i32
              %dma_start3A_1569 = tpu.memref_slice %arg5[%add3A_1567, %dma_start3A_1568] : memref<262144x128xf32, #tpu.memory_space<hbm>> -> memref<1x128xf32, #tpu.memory_space<hbm>>
              %dma_start3A_1570 = arith.constant 0 : i32
              %dma_start3A_1571 = tpu.memref_slice %arg5[%add3A_1567, %dma_start3A_1570] : memref<262144x128xf32, #tpu.memory_space<hbm>> -> memref<1x128xf32, #tpu.memory_space<hbm>>
              tpu.enqueue_dma source(%arg26 : memref<1x128xf32, #tpu.memory_space<vmem>>) target(%dma_start3A_1571 : memref<1x128xf32, #tpu.memory_space<hbm>>) target_semaphore(%run_scoped3A : memref<!tpu.dma_semaphore, #tpu.memory_space<semaphore_mem>>)
              %dma_wait3A_1572 = arith.constant 0 : i32
              %dma_wait3A_1573 = tpu.memref_slice %arg5[%add3A_1567, %dma_wait3A_1572] : memref<262144x128xf32, #tpu.memory_space<hbm>> -> memref<1x128xf32, #tpu.memory_space<hbm>>
              %dma_wait3A_1574 = arith.constant 0 : i32
              %dma_wait3A_1575 = tpu.memref_slice %arg5[%add3A_1567, %dma_wait3A_1574] : memref<262144x128xf32, #tpu.memory_space<hbm>> -> memref<1x128xf32, #tpu.memory_space<hbm>>
              tpu.wait_dma2 semaphore(%run_scoped3A : memref<!tpu.dma_semaphore, #tpu.memory_space<semaphore_mem>>) src(%arg26 : memref<1x128xf32, #tpu.memory_space<vmem>>) dst(%dma_wait3A_1575 : memref<1x128xf32, #tpu.memory_space<hbm>>)
              tpu.yield
            }) : () -> ()
          } else {
          }
          %slice3A_1267 = vector.extract_strided_slice %get3A_1210 {offsets = [8], sizes = [1], strides = [1]} : vector<16xi32> to vector<1xi32>
          %squeeze3A_1268 = vector.extract %slice3A_1267[0] : i32 from vector<1xi32>
          %eq3A_1269 = arith.constant 0 : i32
          %eq3A_1270 = arith.cmpi eq, %squeeze3A_1268, %eq3A_1269 : i32
          %convert_element_type3A_1271 = arith.extui %eq3A_1270 : i1 to i32
          %cond3A_1272 = arith.constant 0 : i32
          %cond3A_1273 = arith.cmpi ne, %convert_element_type3A_1271, %cond3A_1272 : i32
          scf.if %cond3A_1273 {
            %mul3A_1561 = arith.constant 64 : i32
            %mul3A_1562 = arith.muli %scan3A_1027, %mul3A_1561 : i32
            %add3A_1563 = arith.addi %mul3A_2, %mul3A_1562 : i32
            %add3A_1564 = arith.constant 16 : i32
            %add3A_1565 = arith.addi %add3A_1563, %add3A_1564 : i32
            %add3A_1566 = arith.constant 8 : i32
            %add3A_1567 = arith.addi %add3A_1565, %add3A_1566 : i32
            "tpu.region"() ({
              %run_scoped3A = tpu.sem_alloc : memref<!tpu.dma_semaphore, #tpu.memory_space<semaphore_mem>>
              %dma_start3A_1568 = arith.constant 0 : i32
              %dma_start3A_1569 = tpu.memref_slice %arg5[%add3A_1567, %dma_start3A_1568] : memref<262144x128xf32, #tpu.memory_space<hbm>> -> memref<1x128xf32, #tpu.memory_space<hbm>>
              %dma_start3A_1570 = arith.constant 0 : i32
              %dma_start3A_1571 = tpu.memref_slice %arg5[%add3A_1567, %dma_start3A_1570] : memref<262144x128xf32, #tpu.memory_space<hbm>> -> memref<1x128xf32, #tpu.memory_space<hbm>>
              tpu.enqueue_dma source(%arg26 : memref<1x128xf32, #tpu.memory_space<vmem>>) target(%dma_start3A_1571 : memref<1x128xf32, #tpu.memory_space<hbm>>) target_semaphore(%run_scoped3A : memref<!tpu.dma_semaphore, #tpu.memory_space<semaphore_mem>>)
              %dma_wait3A_1572 = arith.constant 0 : i32
              %dma_wait3A_1573 = tpu.memref_slice %arg5[%add3A_1567, %dma_wait3A_1572] : memref<262144x128xf32, #tpu.memory_space<hbm>> -> memref<1x128xf32, #tpu.memory_space<hbm>>
              %dma_wait3A_1574 = arith.constant 0 : i32
              %dma_wait3A_1575 = tpu.memref_slice %arg5[%add3A_1567, %dma_wait3A_1574] : memref<262144x128xf32, #tpu.memory_space<hbm>> -> memref<1x128xf32, #tpu.memory_space<hbm>>
              tpu.wait_dma2 semaphore(%run_scoped3A : memref<!tpu.dma_semaphore, #tpu.memory_space<semaphore_mem>>) src(%arg26 : memref<1x128xf32, #tpu.memory_space<vmem>>) dst(%dma_wait3A_1575 : memref<1x128xf32, #tpu.memory_space<hbm>>)
              tpu.yield
            }) : () -> ()
          } else {
          }
          %slice3A_1274 = vector.extract_strided_slice %get3A_1210 {offsets = [9], sizes = [1], strides = [1]} : vector<16xi32> to vector<1xi32>
          %squeeze3A_1275 = vector.extract %slice3A_1274[0] : i32 from vector<1xi32>
          %eq3A_1276 = arith.constant 0 : i32
          %eq3A_1277 = arith.cmpi eq, %squeeze3A_1275, %eq3A_1276 : i32
          %convert_element_type3A_1278 = arith.extui %eq3A_1277 : i1 to i32
          %cond3A_1279 = arith.constant 0 : i32
          %cond3A_1280 = arith.cmpi ne, %convert_element_type3A_1278, %cond3A_1279 : i32
          scf.if %cond3A_1280 {
            %mul3A_1561 = arith.constant 64 : i32
            %mul3A_1562 = arith.muli %scan3A_1027, %mul3A_1561 : i32
            %add3A_1563 = arith.addi %mul3A_2, %mul3A_1562 : i32
            %add3A_1564 = arith.constant 16 : i32
            %add3A_1565 = arith.addi %add3A_1563, %add3A_1564 : i32
            %add3A_1566 = arith.constant 9 : i32
            %add3A_1567 = arith.addi %add3A_1565, %add3A_1566 : i32
            "tpu.region"() ({
              %run_scoped3A = tpu.sem_alloc : memref<!tpu.dma_semaphore, #tpu.memory_space<semaphore_mem>>
              %dma_start3A_1568 = arith.constant 0 : i32
              %dma_start3A_1569 = tpu.memref_slice %arg5[%add3A_1567, %dma_start3A_1568] : memref<262144x128xf32, #tpu.memory_space<hbm>> -> memref<1x128xf32, #tpu.memory_space<hbm>>
              %dma_start3A_1570 = arith.constant 0 : i32
              %dma_start3A_1571 = tpu.memref_slice %arg5[%add3A_1567, %dma_start3A_1570] : memref<262144x128xf32, #tpu.memory_space<hbm>> -> memref<1x128xf32, #tpu.memory_space<hbm>>
              tpu.enqueue_dma source(%arg26 : memref<1x128xf32, #tpu.memory_space<vmem>>) target(%dma_start3A_1571 : memref<1x128xf32, #tpu.memory_space<hbm>>) target_semaphore(%run_scoped3A : memref<!tpu.dma_semaphore, #tpu.memory_space<semaphore_mem>>)
              %dma_wait3A_1572 = arith.constant 0 : i32
              %dma_wait3A_1573 = tpu.memref_slice %arg5[%add3A_1567, %dma_wait3A_1572] : memref<262144x128xf32, #tpu.memory_space<hbm>> -> memref<1x128xf32, #tpu.memory_space<hbm>>
              %dma_wait3A_1574 = arith.constant 0 : i32
              %dma_wait3A_1575 = tpu.memref_slice %arg5[%add3A_1567, %dma_wait3A_1574] : memref<262144x128xf32, #tpu.memory_space<hbm>> -> memref<1x128xf32, #tpu.memory_space<hbm>>
              tpu.wait_dma2 semaphore(%run_scoped3A : memref<!tpu.dma_semaphore, #tpu.memory_space<semaphore_mem>>) src(%arg26 : memref<1x128xf32, #tpu.memory_space<vmem>>) dst(%dma_wait3A_1575 : memref<1x128xf32, #tpu.memory_space<hbm>>)
              tpu.yield
            }) : () -> ()
          } else {
          }
          %slice3A_1281 = vector.extract_strided_slice %get3A_1210 {offsets = [10], sizes = [1], strides = [1]} : vector<16xi32> to vector<1xi32>
          %squeeze3A_1282 = vector.extract %slice3A_1281[0] : i32 from vector<1xi32>
          %eq3A_1283 = arith.constant 0 : i32
          %eq3A_1284 = arith.cmpi eq, %squeeze3A_1282, %eq3A_1283 : i32
          %convert_element_type3A_1285 = arith.extui %eq3A_1284 : i1 to i32
          %cond3A_1286 = arith.constant 0 : i32
          %cond3A_1287 = arith.cmpi ne, %convert_element_type3A_1285, %cond3A_1286 : i32
          scf.if %cond3A_1287 {
            %mul3A_1561 = arith.constant 64 : i32
            %mul3A_1562 = arith.muli %scan3A_1027, %mul3A_1561 : i32
            %add3A_1563 = arith.addi %mul3A_2, %mul3A_1562 : i32
            %add3A_1564 = arith.constant 16 : i32
            %add3A_1565 = arith.addi %add3A_1563, %add3A_1564 : i32
            %add3A_1566 = arith.constant 10 : i32
            %add3A_1567 = arith.addi %add3A_1565, %add3A_1566 : i32
            "tpu.region"() ({
              %run_scoped3A = tpu.sem_alloc : memref<!tpu.dma_semaphore, #tpu.memory_space<semaphore_mem>>
              %dma_start3A_1568 = arith.constant 0 : i32
              %dma_start3A_1569 = tpu.memref_slice %arg5[%add3A_1567, %dma_start3A_1568] : memref<262144x128xf32, #tpu.memory_space<hbm>> -> memref<1x128xf32, #tpu.memory_space<hbm>>
              %dma_start3A_1570 = arith.constant 0 : i32
              %dma_start3A_1571 = tpu.memref_slice %arg5[%add3A_1567, %dma_start3A_1570] : memref<262144x128xf32, #tpu.memory_space<hbm>> -> memref<1x128xf32, #tpu.memory_space<hbm>>
              tpu.enqueue_dma source(%arg26 : memref<1x128xf32, #tpu.memory_space<vmem>>) target(%dma_start3A_1571 : memref<1x128xf32, #tpu.memory_space<hbm>>) target_semaphore(%run_scoped3A : memref<!tpu.dma_semaphore, #tpu.memory_space<semaphore_mem>>)
              %dma_wait3A_1572 = arith.constant 0 : i32
              %dma_wait3A_1573 = tpu.memref_slice %arg5[%add3A_1567, %dma_wait3A_1572] : memref<262144x128xf32, #tpu.memory_space<hbm>> -> memref<1x128xf32, #tpu.memory_space<hbm>>
              %dma_wait3A_1574 = arith.constant 0 : i32
              %dma_wait3A_1575 = tpu.memref_slice %arg5[%add3A_1567, %dma_wait3A_1574] : memref<262144x128xf32, #tpu.memory_space<hbm>> -> memref<1x128xf32, #tpu.memory_space<hbm>>
              tpu.wait_dma2 semaphore(%run_scoped3A : memref<!tpu.dma_semaphore, #tpu.memory_space<semaphore_mem>>) src(%arg26 : memref<1x128xf32, #tpu.memory_space<vmem>>) dst(%dma_wait3A_1575 : memref<1x128xf32, #tpu.memory_space<hbm>>)
              tpu.yield
            }) : () -> ()
          } else {
          }
          %slice3A_1288 = vector.extract_strided_slice %get3A_1210 {offsets = [11], sizes = [1], strides = [1]} : vector<16xi32> to vector<1xi32>
          %squeeze3A_1289 = vector.extract %slice3A_1288[0] : i32 from vector<1xi32>
          %eq3A_1290 = arith.constant 0 : i32
          %eq3A_1291 = arith.cmpi eq, %squeeze3A_1289, %eq3A_1290 : i32
          %convert_element_type3A_1292 = arith.extui %eq3A_1291 : i1 to i32
          %cond3A_1293 = arith.constant 0 : i32
          %cond3A_1294 = arith.cmpi ne, %convert_element_type3A_1292, %cond3A_1293 : i32
          scf.if %cond3A_1294 {
            %mul3A_1561 = arith.constant 64 : i32
            %mul3A_1562 = arith.muli %scan3A_1027, %mul3A_1561 : i32
            %add3A_1563 = arith.addi %mul3A_2, %mul3A_1562 : i32
            %add3A_1564 = arith.constant 16 : i32
            %add3A_1565 = arith.addi %add3A_1563, %add3A_1564 : i32
            %add3A_1566 = arith.constant 11 : i32
            %add3A_1567 = arith.addi %add3A_1565, %add3A_1566 : i32
            "tpu.region"() ({
              %run_scoped3A = tpu.sem_alloc : memref<!tpu.dma_semaphore, #tpu.memory_space<semaphore_mem>>
              %dma_start3A_1568 = arith.constant 0 : i32
              %dma_start3A_1569 = tpu.memref_slice %arg5[%add3A_1567, %dma_start3A_1568] : memref<262144x128xf32, #tpu.memory_space<hbm>> -> memref<1x128xf32, #tpu.memory_space<hbm>>
              %dma_start3A_1570 = arith.constant 0 : i32
              %dma_start3A_1571 = tpu.memref_slice %arg5[%add3A_1567, %dma_start3A_1570] : memref<262144x128xf32, #tpu.memory_space<hbm>> -> memref<1x128xf32, #tpu.memory_space<hbm>>
              tpu.enqueue_dma source(%arg26 : memref<1x128xf32, #tpu.memory_space<vmem>>) target(%dma_start3A_1571 : memref<1x128xf32, #tpu.memory_space<hbm>>) target_semaphore(%run_scoped3A : memref<!tpu.dma_semaphore, #tpu.memory_space<semaphore_mem>>)
              %dma_wait3A_1572 = arith.constant 0 : i32
              %dma_wait3A_1573 = tpu.memref_slice %arg5[%add3A_1567, %dma_wait3A_1572] : memref<262144x128xf32, #tpu.memory_space<hbm>> -> memref<1x128xf32, #tpu.memory_space<hbm>>
              %dma_wait3A_1574 = arith.constant 0 : i32
              %dma_wait3A_1575 = tpu.memref_slice %arg5[%add3A_1567, %dma_wait3A_1574] : memref<262144x128xf32, #tpu.memory_space<hbm>> -> memref<1x128xf32, #tpu.memory_space<hbm>>
              tpu.wait_dma2 semaphore(%run_scoped3A : memref<!tpu.dma_semaphore, #tpu.memory_space<semaphore_mem>>) src(%arg26 : memref<1x128xf32, #tpu.memory_space<vmem>>) dst(%dma_wait3A_1575 : memref<1x128xf32, #tpu.memory_space<hbm>>)
              tpu.yield
            }) : () -> ()
          } else {
          }
          %slice3A_1295 = vector.extract_strided_slice %get3A_1210 {offsets = [12], sizes = [1], strides = [1]} : vector<16xi32> to vector<1xi32>
          %squeeze3A_1296 = vector.extract %slice3A_1295[0] : i32 from vector<1xi32>
          %eq3A_1297 = arith.constant 0 : i32
          %eq3A_1298 = arith.cmpi eq, %squeeze3A_1296, %eq3A_1297 : i32
          %convert_element_type3A_1299 = arith.extui %eq3A_1298 : i1 to i32
          %cond3A_1300 = arith.constant 0 : i32
          %cond3A_1301 = arith.cmpi ne, %convert_element_type3A_1299, %cond3A_1300 : i32
          scf.if %cond3A_1301 {
            %mul3A_1561 = arith.constant 64 : i32
            %mul3A_1562 = arith.muli %scan3A_1027, %mul3A_1561 : i32
            %add3A_1563 = arith.addi %mul3A_2, %mul3A_1562 : i32
            %add3A_1564 = arith.constant 16 : i32
            %add3A_1565 = arith.addi %add3A_1563, %add3A_1564 : i32
            %add3A_1566 = arith.constant 12 : i32
            %add3A_1567 = arith.addi %add3A_1565, %add3A_1566 : i32
            "tpu.region"() ({
              %run_scoped3A = tpu.sem_alloc : memref<!tpu.dma_semaphore, #tpu.memory_space<semaphore_mem>>
              %dma_start3A_1568 = arith.constant 0 : i32
              %dma_start3A_1569 = tpu.memref_slice %arg5[%add3A_1567, %dma_start3A_1568] : memref<262144x128xf32, #tpu.memory_space<hbm>> -> memref<1x128xf32, #tpu.memory_space<hbm>>
              %dma_start3A_1570 = arith.constant 0 : i32
              %dma_start3A_1571 = tpu.memref_slice %arg5[%add3A_1567, %dma_start3A_1570] : memref<262144x128xf32, #tpu.memory_space<hbm>> -> memref<1x128xf32, #tpu.memory_space<hbm>>
              tpu.enqueue_dma source(%arg26 : memref<1x128xf32, #tpu.memory_space<vmem>>) target(%dma_start3A_1571 : memref<1x128xf32, #tpu.memory_space<hbm>>) target_semaphore(%run_scoped3A : memref<!tpu.dma_semaphore, #tpu.memory_space<semaphore_mem>>)
              %dma_wait3A_1572 = arith.constant 0 : i32
              %dma_wait3A_1573 = tpu.memref_slice %arg5[%add3A_1567, %dma_wait3A_1572] : memref<262144x128xf32, #tpu.memory_space<hbm>> -> memref<1x128xf32, #tpu.memory_space<hbm>>
              %dma_wait3A_1574 = arith.constant 0 : i32
              %dma_wait3A_1575 = tpu.memref_slice %arg5[%add3A_1567, %dma_wait3A_1574] : memref<262144x128xf32, #tpu.memory_space<hbm>> -> memref<1x128xf32, #tpu.memory_space<hbm>>
              tpu.wait_dma2 semaphore(%run_scoped3A : memref<!tpu.dma_semaphore, #tpu.memory_space<semaphore_mem>>) src(%arg26 : memref<1x128xf32, #tpu.memory_space<vmem>>) dst(%dma_wait3A_1575 : memref<1x128xf32, #tpu.memory_space<hbm>>)
              tpu.yield
            }) : () -> ()
          } else {
          }
          %slice3A_1302 = vector.extract_strided_slice %get3A_1210 {offsets = [13], sizes = [1], strides = [1]} : vector<16xi32> to vector<1xi32>
          %squeeze3A_1303 = vector.extract %slice3A_1302[0] : i32 from vector<1xi32>
          %eq3A_1304 = arith.constant 0 : i32
          %eq3A_1305 = arith.cmpi eq, %squeeze3A_1303, %eq3A_1304 : i32
          %convert_element_type3A_1306 = arith.extui %eq3A_1305 : i1 to i32
          %cond3A_1307 = arith.constant 0 : i32
          %cond3A_1308 = arith.cmpi ne, %convert_element_type3A_1306, %cond3A_1307 : i32
          scf.if %cond3A_1308 {
            %mul3A_1561 = arith.constant 64 : i32
            %mul3A_1562 = arith.muli %scan3A_1027, %mul3A_1561 : i32
            %add3A_1563 = arith.addi %mul3A_2, %mul3A_1562 : i32
            %add3A_1564 = arith.constant 16 : i32
            %add3A_1565 = arith.addi %add3A_1563, %add3A_1564 : i32
            %add3A_1566 = arith.constant 13 : i32
            %add3A_1567 = arith.addi %add3A_1565, %add3A_1566 : i32
            "tpu.region"() ({
              %run_scoped3A = tpu.sem_alloc : memref<!tpu.dma_semaphore, #tpu.memory_space<semaphore_mem>>
              %dma_start3A_1568 = arith.constant 0 : i32
              %dma_start3A_1569 = tpu.memref_slice %arg5[%add3A_1567, %dma_start3A_1568] : memref<262144x128xf32, #tpu.memory_space<hbm>> -> memref<1x128xf32, #tpu.memory_space<hbm>>
              %dma_start3A_1570 = arith.constant 0 : i32
              %dma_start3A_1571 = tpu.memref_slice %arg5[%add3A_1567, %dma_start3A_1570] : memref<262144x128xf32, #tpu.memory_space<hbm>> -> memref<1x128xf32, #tpu.memory_space<hbm>>
              tpu.enqueue_dma source(%arg26 : memref<1x128xf32, #tpu.memory_space<vmem>>) target(%dma_start3A_1571 : memref<1x128xf32, #tpu.memory_space<hbm>>) target_semaphore(%run_scoped3A : memref<!tpu.dma_semaphore, #tpu.memory_space<semaphore_mem>>)
              %dma_wait3A_1572 = arith.constant 0 : i32
              %dma_wait3A_1573 = tpu.memref_slice %arg5[%add3A_1567, %dma_wait3A_1572] : memref<262144x128xf32, #tpu.memory_space<hbm>> -> memref<1x128xf32, #tpu.memory_space<hbm>>
              %dma_wait3A_1574 = arith.constant 0 : i32
              %dma_wait3A_1575 = tpu.memref_slice %arg5[%add3A_1567, %dma_wait3A_1574] : memref<262144x128xf32, #tpu.memory_space<hbm>> -> memref<1x128xf32, #tpu.memory_space<hbm>>
              tpu.wait_dma2 semaphore(%run_scoped3A : memref<!tpu.dma_semaphore, #tpu.memory_space<semaphore_mem>>) src(%arg26 : memref<1x128xf32, #tpu.memory_space<vmem>>) dst(%dma_wait3A_1575 : memref<1x128xf32, #tpu.memory_space<hbm>>)
              tpu.yield
            }) : () -> ()
          } else {
          }
          %slice3A_1309 = vector.extract_strided_slice %get3A_1210 {offsets = [14], sizes = [1], strides = [1]} : vector<16xi32> to vector<1xi32>
          %squeeze3A_1310 = vector.extract %slice3A_1309[0] : i32 from vector<1xi32>
          %eq3A_1311 = arith.constant 0 : i32
          %eq3A_1312 = arith.cmpi eq, %squeeze3A_1310, %eq3A_1311 : i32
          %convert_element_type3A_1313 = arith.extui %eq3A_1312 : i1 to i32
          %cond3A_1314 = arith.constant 0 : i32
          %cond3A_1315 = arith.cmpi ne, %convert_element_type3A_1313, %cond3A_1314 : i32
          scf.if %cond3A_1315 {
            %mul3A_1561 = arith.constant 64 : i32
            %mul3A_1562 = arith.muli %scan3A_1027, %mul3A_1561 : i32
            %add3A_1563 = arith.addi %mul3A_2, %mul3A_1562 : i32
            %add3A_1564 = arith.constant 16 : i32
            %add3A_1565 = arith.addi %add3A_1563, %add3A_1564 : i32
            %add3A_1566 = arith.constant 14 : i32
            %add3A_1567 = arith.addi %add3A_1565, %add3A_1566 : i32
            "tpu.region"() ({
              %run_scoped3A = tpu.sem_alloc : memref<!tpu.dma_semaphore, #tpu.memory_space<semaphore_mem>>
              %dma_start3A_1568 = arith.constant 0 : i32
              %dma_start3A_1569 = tpu.memref_slice %arg5[%add3A_1567, %dma_start3A_1568] : memref<262144x128xf32, #tpu.memory_space<hbm>> -> memref<1x128xf32, #tpu.memory_space<hbm>>
              %dma_start3A_1570 = arith.constant 0 : i32
              %dma_start3A_1571 = tpu.memref_slice %arg5[%add3A_1567, %dma_start3A_1570] : memref<262144x128xf32, #tpu.memory_space<hbm>> -> memref<1x128xf32, #tpu.memory_space<hbm>>
              tpu.enqueue_dma source(%arg26 : memref<1x128xf32, #tpu.memory_space<vmem>>) target(%dma_start3A_1571 : memref<1x128xf32, #tpu.memory_space<hbm>>) target_semaphore(%run_scoped3A : memref<!tpu.dma_semaphore, #tpu.memory_space<semaphore_mem>>)
              %dma_wait3A_1572 = arith.constant 0 : i32
              %dma_wait3A_1573 = tpu.memref_slice %arg5[%add3A_1567, %dma_wait3A_1572] : memref<262144x128xf32, #tpu.memory_space<hbm>> -> memref<1x128xf32, #tpu.memory_space<hbm>>
              %dma_wait3A_1574 = arith.constant 0 : i32
              %dma_wait3A_1575 = tpu.memref_slice %arg5[%add3A_1567, %dma_wait3A_1574] : memref<262144x128xf32, #tpu.memory_space<hbm>> -> memref<1x128xf32, #tpu.memory_space<hbm>>
              tpu.wait_dma2 semaphore(%run_scoped3A : memref<!tpu.dma_semaphore, #tpu.memory_space<semaphore_mem>>) src(%arg26 : memref<1x128xf32, #tpu.memory_space<vmem>>) dst(%dma_wait3A_1575 : memref<1x128xf32, #tpu.memory_space<hbm>>)
              tpu.yield
            }) : () -> ()
          } else {
          }
          %slice3A_1316 = vector.extract_strided_slice %get3A_1210 {offsets = [15], sizes = [1], strides = [1]} : vector<16xi32> to vector<1xi32>
          %squeeze3A_1317 = vector.extract %slice3A_1316[0] : i32 from vector<1xi32>
          %eq3A_1318 = arith.constant 0 : i32
          %eq3A_1319 = arith.cmpi eq, %squeeze3A_1317, %eq3A_1318 : i32
          %convert_element_type3A_1320 = arith.extui %eq3A_1319 : i1 to i32
          %cond3A_1321 = arith.constant 0 : i32
          %cond3A_1322 = arith.cmpi ne, %convert_element_type3A_1320, %cond3A_1321 : i32
          scf.if %cond3A_1322 {
            %mul3A_1561 = arith.constant 64 : i32
            %mul3A_1562 = arith.muli %scan3A_1027, %mul3A_1561 : i32
            %add3A_1563 = arith.addi %mul3A_2, %mul3A_1562 : i32
            %add3A_1564 = arith.constant 16 : i32
            %add3A_1565 = arith.addi %add3A_1563, %add3A_1564 : i32
            %add3A_1566 = arith.constant 15 : i32
            %add3A_1567 = arith.addi %add3A_1565, %add3A_1566 : i32
            "tpu.region"() ({
              %run_scoped3A = tpu.sem_alloc : memref<!tpu.dma_semaphore, #tpu.memory_space<semaphore_mem>>
              %dma_start3A_1568 = arith.constant 0 : i32
              %dma_start3A_1569 = tpu.memref_slice %arg5[%add3A_1567, %dma_start3A_1568] : memref<262144x128xf32, #tpu.memory_space<hbm>> -> memref<1x128xf32, #tpu.memory_space<hbm>>
              %dma_start3A_1570 = arith.constant 0 : i32
              %dma_start3A_1571 = tpu.memref_slice %arg5[%add3A_1567, %dma_start3A_1570] : memref<262144x128xf32, #tpu.memory_space<hbm>> -> memref<1x128xf32, #tpu.memory_space<hbm>>
              tpu.enqueue_dma source(%arg26 : memref<1x128xf32, #tpu.memory_space<vmem>>) target(%dma_start3A_1571 : memref<1x128xf32, #tpu.memory_space<hbm>>) target_semaphore(%run_scoped3A : memref<!tpu.dma_semaphore, #tpu.memory_space<semaphore_mem>>)
              %dma_wait3A_1572 = arith.constant 0 : i32
              %dma_wait3A_1573 = tpu.memref_slice %arg5[%add3A_1567, %dma_wait3A_1572] : memref<262144x128xf32, #tpu.memory_space<hbm>> -> memref<1x128xf32, #tpu.memory_space<hbm>>
              %dma_wait3A_1574 = arith.constant 0 : i32
              %dma_wait3A_1575 = tpu.memref_slice %arg5[%add3A_1567, %dma_wait3A_1574] : memref<262144x128xf32, #tpu.memory_space<hbm>> -> memref<1x128xf32, #tpu.memory_space<hbm>>
              tpu.wait_dma2 semaphore(%run_scoped3A : memref<!tpu.dma_semaphore, #tpu.memory_space<semaphore_mem>>) src(%arg26 : memref<1x128xf32, #tpu.memory_space<vmem>>) dst(%dma_wait3A_1575 : memref<1x128xf32, #tpu.memory_space<hbm>>)
              tpu.yield
            }) : () -> ()
          } else {
          }
          %mul3A_1323 = arith.constant 64 : i32
          %mul3A_1324 = arith.muli %scan3A_1027, %mul3A_1323 : i32
          %add3A_1325 = arith.constant 32 : i32
          %add3A_1326 = arith.addi %mul3A_1324, %add3A_1325 : i32
          %get3A_1327 = arith.index_cast %add3A_1326 : i32 to index
          %get3A_1328 = tpu.vector_load %arg7[%get3A_1327] {strides = array<i32>} : memref<8192xi32, #tpu.memory_space<vmem>>, vector<16xi32>,
          %get3A_1329 = vector.shape_cast %get3A_1328 : vector<16xi32> to vector<16xi32>
          %slice3A_1330 = vector.extract_strided_slice %get3A_1329 {offsets = [0], sizes = [1], strides = [1]} : vector<16xi32> to vector<1xi32>
          %squeeze3A_1331 = vector.extract %slice3A_1330[0] : i32 from vector<1xi32>
          %eq3A_1332 = arith.constant 0 : i32
          %eq3A_1333 = arith.cmpi eq, %squeeze3A_1331, %eq3A_1332 : i32
          %convert_element_type3A_1334 = arith.extui %eq3A_1333 : i1 to i32
          %cond3A_1335 = arith.constant 0 : i32
          %cond3A_1336 = arith.cmpi ne, %convert_element_type3A_1334, %cond3A_1335 : i32
          scf.if %cond3A_1336 {
            %mul3A_1561 = arith.constant 64 : i32
            %mul3A_1562 = arith.muli %scan3A_1027, %mul3A_1561 : i32
            %add3A_1563 = arith.addi %mul3A_2, %mul3A_1562 : i32
            %add3A_1564 = arith.constant 32 : i32
            %add3A_1565 = arith.addi %add3A_1563, %add3A_1564 : i32
            %add3A_1566 = arith.constant 0 : i32
            %add3A_1567 = arith.addi %add3A_1565, %add3A_1566 : i32
            "tpu.region"() ({
              %run_scoped3A = tpu.sem_alloc : memref<!tpu.dma_semaphore, #tpu.memory_space<semaphore_mem>>
              %dma_start3A_1568 = arith.constant 0 : i32
              %dma_start3A_1569 = tpu.memref_slice %arg5[%add3A_1567, %dma_start3A_1568] : memref<262144x128xf32, #tpu.memory_space<hbm>> -> memref<1x128xf32, #tpu.memory_space<hbm>>
              %dma_start3A_1570 = arith.constant 0 : i32
              %dma_start3A_1571 = tpu.memref_slice %arg5[%add3A_1567, %dma_start3A_1570] : memref<262144x128xf32, #tpu.memory_space<hbm>> -> memref<1x128xf32, #tpu.memory_space<hbm>>
              tpu.enqueue_dma source(%arg26 : memref<1x128xf32, #tpu.memory_space<vmem>>) target(%dma_start3A_1571 : memref<1x128xf32, #tpu.memory_space<hbm>>) target_semaphore(%run_scoped3A : memref<!tpu.dma_semaphore, #tpu.memory_space<semaphore_mem>>)
              %dma_wait3A_1572 = arith.constant 0 : i32
              %dma_wait3A_1573 = tpu.memref_slice %arg5[%add3A_1567, %dma_wait3A_1572] : memref<262144x128xf32, #tpu.memory_space<hbm>> -> memref<1x128xf32, #tpu.memory_space<hbm>>
              %dma_wait3A_1574 = arith.constant 0 : i32
              %dma_wait3A_1575 = tpu.memref_slice %arg5[%add3A_1567, %dma_wait3A_1574] : memref<262144x128xf32, #tpu.memory_space<hbm>> -> memref<1x128xf32, #tpu.memory_space<hbm>>
              tpu.wait_dma2 semaphore(%run_scoped3A : memref<!tpu.dma_semaphore, #tpu.memory_space<semaphore_mem>>) src(%arg26 : memref<1x128xf32, #tpu.memory_space<vmem>>) dst(%dma_wait3A_1575 : memref<1x128xf32, #tpu.memory_space<hbm>>)
              tpu.yield
            }) : () -> ()
          } else {
          }
          %slice3A_1337 = vector.extract_strided_slice %get3A_1329 {offsets = [1], sizes = [1], strides = [1]} : vector<16xi32> to vector<1xi32>
          %squeeze3A_1338 = vector.extract %slice3A_1337[0] : i32 from vector<1xi32>
          %eq3A_1339 = arith.constant 0 : i32
          %eq3A_1340 = arith.cmpi eq, %squeeze3A_1338, %eq3A_1339 : i32
          %convert_element_type3A_1341 = arith.extui %eq3A_1340 : i1 to i32
          %cond3A_1342 = arith.constant 0 : i32
          %cond3A_1343 = arith.cmpi ne, %convert_element_type3A_1341, %cond3A_1342 : i32
          scf.if %cond3A_1343 {
            %mul3A_1561 = arith.constant 64 : i32
            %mul3A_1562 = arith.muli %scan3A_1027, %mul3A_1561 : i32
            %add3A_1563 = arith.addi %mul3A_2, %mul3A_1562 : i32
            %add3A_1564 = arith.constant 32 : i32
            %add3A_1565 = arith.addi %add3A_1563, %add3A_1564 : i32
            %add3A_1566 = arith.constant 1 : i32
            %add3A_1567 = arith.addi %add3A_1565, %add3A_1566 : i32
            "tpu.region"() ({
              %run_scoped3A = tpu.sem_alloc : memref<!tpu.dma_semaphore, #tpu.memory_space<semaphore_mem>>
              %dma_start3A_1568 = arith.constant 0 : i32
              %dma_start3A_1569 = tpu.memref_slice %arg5[%add3A_1567, %dma_start3A_1568] : memref<262144x128xf32, #tpu.memory_space<hbm>> -> memref<1x128xf32, #tpu.memory_space<hbm>>
              %dma_start3A_1570 = arith.constant 0 : i32
              %dma_start3A_1571 = tpu.memref_slice %arg5[%add3A_1567, %dma_start3A_1570] : memref<262144x128xf32, #tpu.memory_space<hbm>> -> memref<1x128xf32, #tpu.memory_space<hbm>>
              tpu.enqueue_dma source(%arg26 : memref<1x128xf32, #tpu.memory_space<vmem>>) target(%dma_start3A_1571 : memref<1x128xf32, #tpu.memory_space<hbm>>) target_semaphore(%run_scoped3A : memref<!tpu.dma_semaphore, #tpu.memory_space<semaphore_mem>>)
              %dma_wait3A_1572 = arith.constant 0 : i32
              %dma_wait3A_1573 = tpu.memref_slice %arg5[%add3A_1567, %dma_wait3A_1572] : memref<262144x128xf32, #tpu.memory_space<hbm>> -> memref<1x128xf32, #tpu.memory_space<hbm>>
              %dma_wait3A_1574 = arith.constant 0 : i32
              %dma_wait3A_1575 = tpu.memref_slice %arg5[%add3A_1567, %dma_wait3A_1574] : memref<262144x128xf32, #tpu.memory_space<hbm>> -> memref<1x128xf32, #tpu.memory_space<hbm>>
              tpu.wait_dma2 semaphore(%run_scoped3A : memref<!tpu.dma_semaphore, #tpu.memory_space<semaphore_mem>>) src(%arg26 : memref<1x128xf32, #tpu.memory_space<vmem>>) dst(%dma_wait3A_1575 : memref<1x128xf32, #tpu.memory_space<hbm>>)
              tpu.yield
            }) : () -> ()
          } else {
          }
          %slice3A_1344 = vector.extract_strided_slice %get3A_1329 {offsets = [2], sizes = [1], strides = [1]} : vector<16xi32> to vector<1xi32>
          %squeeze3A_1345 = vector.extract %slice3A_1344[0] : i32 from vector<1xi32>
          %eq3A_1346 = arith.constant 0 : i32
          %eq3A_1347 = arith.cmpi eq, %squeeze3A_1345, %eq3A_1346 : i32
          %convert_element_type3A_1348 = arith.extui %eq3A_1347 : i1 to i32
          %cond3A_1349 = arith.constant 0 : i32
          %cond3A_1350 = arith.cmpi ne, %convert_element_type3A_1348, %cond3A_1349 : i32
          scf.if %cond3A_1350 {
            %mul3A_1561 = arith.constant 64 : i32
            %mul3A_1562 = arith.muli %scan3A_1027, %mul3A_1561 : i32
            %add3A_1563 = arith.addi %mul3A_2, %mul3A_1562 : i32
            %add3A_1564 = arith.constant 32 : i32
            %add3A_1565 = arith.addi %add3A_1563, %add3A_1564 : i32
            %add3A_1566 = arith.constant 2 : i32
            %add3A_1567 = arith.addi %add3A_1565, %add3A_1566 : i32
            "tpu.region"() ({
              %run_scoped3A = tpu.sem_alloc : memref<!tpu.dma_semaphore, #tpu.memory_space<semaphore_mem>>
              %dma_start3A_1568 = arith.constant 0 : i32
              %dma_start3A_1569 = tpu.memref_slice %arg5[%add3A_1567, %dma_start3A_1568] : memref<262144x128xf32, #tpu.memory_space<hbm>> -> memref<1x128xf32, #tpu.memory_space<hbm>>
              %dma_start3A_1570 = arith.constant 0 : i32
              %dma_start3A_1571 = tpu.memref_slice %arg5[%add3A_1567, %dma_start3A_1570] : memref<262144x128xf32, #tpu.memory_space<hbm>> -> memref<1x128xf32, #tpu.memory_space<hbm>>
              tpu.enqueue_dma source(%arg26 : memref<1x128xf32, #tpu.memory_space<vmem>>) target(%dma_start3A_1571 : memref<1x128xf32, #tpu.memory_space<hbm>>) target_semaphore(%run_scoped3A : memref<!tpu.dma_semaphore, #tpu.memory_space<semaphore_mem>>)
              %dma_wait3A_1572 = arith.constant 0 : i32
              %dma_wait3A_1573 = tpu.memref_slice %arg5[%add3A_1567, %dma_wait3A_1572] : memref<262144x128xf32, #tpu.memory_space<hbm>> -> memref<1x128xf32, #tpu.memory_space<hbm>>
              %dma_wait3A_1574 = arith.constant 0 : i32
              %dma_wait3A_1575 = tpu.memref_slice %arg5[%add3A_1567, %dma_wait3A_1574] : memref<262144x128xf32, #tpu.memory_space<hbm>> -> memref<1x128xf32, #tpu.memory_space<hbm>>
              tpu.wait_dma2 semaphore(%run_scoped3A : memref<!tpu.dma_semaphore, #tpu.memory_space<semaphore_mem>>) src(%arg26 : memref<1x128xf32, #tpu.memory_space<vmem>>) dst(%dma_wait3A_1575 : memref<1x128xf32, #tpu.memory_space<hbm>>)
              tpu.yield
            }) : () -> ()
          } else {
          }
          %slice3A_1351 = vector.extract_strided_slice %get3A_1329 {offsets = [3], sizes = [1], strides = [1]} : vector<16xi32> to vector<1xi32>
          %squeeze3A_1352 = vector.extract %slice3A_1351[0] : i32 from vector<1xi32>
          %eq3A_1353 = arith.constant 0 : i32
          %eq3A_1354 = arith.cmpi eq, %squeeze3A_1352, %eq3A_1353 : i32
          %convert_element_type3A_1355 = arith.extui %eq3A_1354 : i1 to i32
          %cond3A_1356 = arith.constant 0 : i32
          %cond3A_1357 = arith.cmpi ne, %convert_element_type3A_1355, %cond3A_1356 : i32
          scf.if %cond3A_1357 {
            %mul3A_1561 = arith.constant 64 : i32
            %mul3A_1562 = arith.muli %scan3A_1027, %mul3A_1561 : i32
            %add3A_1563 = arith.addi %mul3A_2, %mul3A_1562 : i32
            %add3A_1564 = arith.constant 32 : i32
            %add3A_1565 = arith.addi %add3A_1563, %add3A_1564 : i32
            %add3A_1566 = arith.constant 3 : i32
            %add3A_1567 = arith.addi %add3A_1565, %add3A_1566 : i32
            "tpu.region"() ({
              %run_scoped3A = tpu.sem_alloc : memref<!tpu.dma_semaphore, #tpu.memory_space<semaphore_mem>>
              %dma_start3A_1568 = arith.constant 0 : i32
              %dma_start3A_1569 = tpu.memref_slice %arg5[%add3A_1567, %dma_start3A_1568] : memref<262144x128xf32, #tpu.memory_space<hbm>> -> memref<1x128xf32, #tpu.memory_space<hbm>>
              %dma_start3A_1570 = arith.constant 0 : i32
              %dma_start3A_1571 = tpu.memref_slice %arg5[%add3A_1567, %dma_start3A_1570] : memref<262144x128xf32, #tpu.memory_space<hbm>> -> memref<1x128xf32, #tpu.memory_space<hbm>>
              tpu.enqueue_dma source(%arg26 : memref<1x128xf32, #tpu.memory_space<vmem>>) target(%dma_start3A_1571 : memref<1x128xf32, #tpu.memory_space<hbm>>) target_semaphore(%run_scoped3A : memref<!tpu.dma_semaphore, #tpu.memory_space<semaphore_mem>>)
              %dma_wait3A_1572 = arith.constant 0 : i32
              %dma_wait3A_1573 = tpu.memref_slice %arg5[%add3A_1567, %dma_wait3A_1572] : memref<262144x128xf32, #tpu.memory_space<hbm>> -> memref<1x128xf32, #tpu.memory_space<hbm>>
              %dma_wait3A_1574 = arith.constant 0 : i32
              %dma_wait3A_1575 = tpu.memref_slice %arg5[%add3A_1567, %dma_wait3A_1574] : memref<262144x128xf32, #tpu.memory_space<hbm>> -> memref<1x128xf32, #tpu.memory_space<hbm>>
              tpu.wait_dma2 semaphore(%run_scoped3A : memref<!tpu.dma_semaphore, #tpu.memory_space<semaphore_mem>>) src(%arg26 : memref<1x128xf32, #tpu.memory_space<vmem>>) dst(%dma_wait3A_1575 : memref<1x128xf32, #tpu.memory_space<hbm>>)
              tpu.yield
            }) : () -> ()
          } else {
          }
          %slice3A_1358 = vector.extract_strided_slice %get3A_1329 {offsets = [4], sizes = [1], strides = [1]} : vector<16xi32> to vector<1xi32>
          %squeeze3A_1359 = vector.extract %slice3A_1358[0] : i32 from vector<1xi32>
          %eq3A_1360 = arith.constant 0 : i32
          %eq3A_1361 = arith.cmpi eq, %squeeze3A_1359, %eq3A_1360 : i32
          %convert_element_type3A_1362 = arith.extui %eq3A_1361 : i1 to i32
          %cond3A_1363 = arith.constant 0 : i32
          %cond3A_1364 = arith.cmpi ne, %convert_element_type3A_1362, %cond3A_1363 : i32
          scf.if %cond3A_1364 {
            %mul3A_1561 = arith.constant 64 : i32
            %mul3A_1562 = arith.muli %scan3A_1027, %mul3A_1561 : i32
            %add3A_1563 = arith.addi %mul3A_2, %mul3A_1562 : i32
            %add3A_1564 = arith.constant 32 : i32
            %add3A_1565 = arith.addi %add3A_1563, %add3A_1564 : i32
            %add3A_1566 = arith.constant 4 : i32
            %add3A_1567 = arith.addi %add3A_1565, %add3A_1566 : i32
            "tpu.region"() ({
              %run_scoped3A = tpu.sem_alloc : memref<!tpu.dma_semaphore, #tpu.memory_space<semaphore_mem>>
              %dma_start3A_1568 = arith.constant 0 : i32
              %dma_start3A_1569 = tpu.memref_slice %arg5[%add3A_1567, %dma_start3A_1568] : memref<262144x128xf32, #tpu.memory_space<hbm>> -> memref<1x128xf32, #tpu.memory_space<hbm>>
              %dma_start3A_1570 = arith.constant 0 : i32
              %dma_start3A_1571 = tpu.memref_slice %arg5[%add3A_1567, %dma_start3A_1570] : memref<262144x128xf32, #tpu.memory_space<hbm>> -> memref<1x128xf32, #tpu.memory_space<hbm>>
              tpu.enqueue_dma source(%arg26 : memref<1x128xf32, #tpu.memory_space<vmem>>) target(%dma_start3A_1571 : memref<1x128xf32, #tpu.memory_space<hbm>>) target_semaphore(%run_scoped3A : memref<!tpu.dma_semaphore, #tpu.memory_space<semaphore_mem>>)
              %dma_wait3A_1572 = arith.constant 0 : i32
              %dma_wait3A_1573 = tpu.memref_slice %arg5[%add3A_1567, %dma_wait3A_1572] : memref<262144x128xf32, #tpu.memory_space<hbm>> -> memref<1x128xf32, #tpu.memory_space<hbm>>
              %dma_wait3A_1574 = arith.constant 0 : i32
              %dma_wait3A_1575 = tpu.memref_slice %arg5[%add3A_1567, %dma_wait3A_1574] : memref<262144x128xf32, #tpu.memory_space<hbm>> -> memref<1x128xf32, #tpu.memory_space<hbm>>
              tpu.wait_dma2 semaphore(%run_scoped3A : memref<!tpu.dma_semaphore, #tpu.memory_space<semaphore_mem>>) src(%arg26 : memref<1x128xf32, #tpu.memory_space<vmem>>) dst(%dma_wait3A_1575 : memref<1x128xf32, #tpu.memory_space<hbm>>)
              tpu.yield
            }) : () -> ()
          } else {
          }
          %slice3A_1365 = vector.extract_strided_slice %get3A_1329 {offsets = [5], sizes = [1], strides = [1]} : vector<16xi32> to vector<1xi32>
          %squeeze3A_1366 = vector.extract %slice3A_1365[0] : i32 from vector<1xi32>
          %eq3A_1367 = arith.constant 0 : i32
          %eq3A_1368 = arith.cmpi eq, %squeeze3A_1366, %eq3A_1367 : i32
          %convert_element_type3A_1369 = arith.extui %eq3A_1368 : i1 to i32
          %cond3A_1370 = arith.constant 0 : i32
          %cond3A_1371 = arith.cmpi ne, %convert_element_type3A_1369, %cond3A_1370 : i32
          scf.if %cond3A_1371 {
            %mul3A_1561 = arith.constant 64 : i32
            %mul3A_1562 = arith.muli %scan3A_1027, %mul3A_1561 : i32
            %add3A_1563 = arith.addi %mul3A_2, %mul3A_1562 : i32
            %add3A_1564 = arith.constant 32 : i32
            %add3A_1565 = arith.addi %add3A_1563, %add3A_1564 : i32
            %add3A_1566 = arith.constant 5 : i32
            %add3A_1567 = arith.addi %add3A_1565, %add3A_1566 : i32
            "tpu.region"() ({
              %run_scoped3A = tpu.sem_alloc : memref<!tpu.dma_semaphore, #tpu.memory_space<semaphore_mem>>
              %dma_start3A_1568 = arith.constant 0 : i32
              %dma_start3A_1569 = tpu.memref_slice %arg5[%add3A_1567, %dma_start3A_1568] : memref<262144x128xf32, #tpu.memory_space<hbm>> -> memref<1x128xf32, #tpu.memory_space<hbm>>
              %dma_start3A_1570 = arith.constant 0 : i32
              %dma_start3A_1571 = tpu.memref_slice %arg5[%add3A_1567, %dma_start3A_1570] : memref<262144x128xf32, #tpu.memory_space<hbm>> -> memref<1x128xf32, #tpu.memory_space<hbm>>
              tpu.enqueue_dma source(%arg26 : memref<1x128xf32, #tpu.memory_space<vmem>>) target(%dma_start3A_1571 : memref<1x128xf32, #tpu.memory_space<hbm>>) target_semaphore(%run_scoped3A : memref<!tpu.dma_semaphore, #tpu.memory_space<semaphore_mem>>)
              %dma_wait3A_1572 = arith.constant 0 : i32
              %dma_wait3A_1573 = tpu.memref_slice %arg5[%add3A_1567, %dma_wait3A_1572] : memref<262144x128xf32, #tpu.memory_space<hbm>> -> memref<1x128xf32, #tpu.memory_space<hbm>>
              %dma_wait3A_1574 = arith.constant 0 : i32
              %dma_wait3A_1575 = tpu.memref_slice %arg5[%add3A_1567, %dma_wait3A_1574] : memref<262144x128xf32, #tpu.memory_space<hbm>> -> memref<1x128xf32, #tpu.memory_space<hbm>>
              tpu.wait_dma2 semaphore(%run_scoped3A : memref<!tpu.dma_semaphore, #tpu.memory_space<semaphore_mem>>) src(%arg26 : memref<1x128xf32, #tpu.memory_space<vmem>>) dst(%dma_wait3A_1575 : memref<1x128xf32, #tpu.memory_space<hbm>>)
              tpu.yield
            }) : () -> ()
          } else {
          }
          %slice3A_1372 = vector.extract_strided_slice %get3A_1329 {offsets = [6], sizes = [1], strides = [1]} : vector<16xi32> to vector<1xi32>
          %squeeze3A_1373 = vector.extract %slice3A_1372[0] : i32 from vector<1xi32>
          %eq3A_1374 = arith.constant 0 : i32
          %eq3A_1375 = arith.cmpi eq, %squeeze3A_1373, %eq3A_1374 : i32
          %convert_element_type3A_1376 = arith.extui %eq3A_1375 : i1 to i32
          %cond3A_1377 = arith.constant 0 : i32
          %cond3A_1378 = arith.cmpi ne, %convert_element_type3A_1376, %cond3A_1377 : i32
          scf.if %cond3A_1378 {
            %mul3A_1561 = arith.constant 64 : i32
            %mul3A_1562 = arith.muli %scan3A_1027, %mul3A_1561 : i32
            %add3A_1563 = arith.addi %mul3A_2, %mul3A_1562 : i32
            %add3A_1564 = arith.constant 32 : i32
            %add3A_1565 = arith.addi %add3A_1563, %add3A_1564 : i32
            %add3A_1566 = arith.constant 6 : i32
            %add3A_1567 = arith.addi %add3A_1565, %add3A_1566 : i32
            "tpu.region"() ({
              %run_scoped3A = tpu.sem_alloc : memref<!tpu.dma_semaphore, #tpu.memory_space<semaphore_mem>>
              %dma_start3A_1568 = arith.constant 0 : i32
              %dma_start3A_1569 = tpu.memref_slice %arg5[%add3A_1567, %dma_start3A_1568] : memref<262144x128xf32, #tpu.memory_space<hbm>> -> memref<1x128xf32, #tpu.memory_space<hbm>>
              %dma_start3A_1570 = arith.constant 0 : i32
              %dma_start3A_1571 = tpu.memref_slice %arg5[%add3A_1567, %dma_start3A_1570] : memref<262144x128xf32, #tpu.memory_space<hbm>> -> memref<1x128xf32, #tpu.memory_space<hbm>>
              tpu.enqueue_dma source(%arg26 : memref<1x128xf32, #tpu.memory_space<vmem>>) target(%dma_start3A_1571 : memref<1x128xf32, #tpu.memory_space<hbm>>) target_semaphore(%run_scoped3A : memref<!tpu.dma_semaphore, #tpu.memory_space<semaphore_mem>>)
              %dma_wait3A_1572 = arith.constant 0 : i32
              %dma_wait3A_1573 = tpu.memref_slice %arg5[%add3A_1567, %dma_wait3A_1572] : memref<262144x128xf32, #tpu.memory_space<hbm>> -> memref<1x128xf32, #tpu.memory_space<hbm>>
              %dma_wait3A_1574 = arith.constant 0 : i32
              %dma_wait3A_1575 = tpu.memref_slice %arg5[%add3A_1567, %dma_wait3A_1574] : memref<262144x128xf32, #tpu.memory_space<hbm>> -> memref<1x128xf32, #tpu.memory_space<hbm>>
              tpu.wait_dma2 semaphore(%run_scoped3A : memref<!tpu.dma_semaphore, #tpu.memory_space<semaphore_mem>>) src(%arg26 : memref<1x128xf32, #tpu.memory_space<vmem>>) dst(%dma_wait3A_1575 : memref<1x128xf32, #tpu.memory_space<hbm>>)
              tpu.yield
            }) : () -> ()
          } else {
          }
          %slice3A_1379 = vector.extract_strided_slice %get3A_1329 {offsets = [7], sizes = [1], strides = [1]} : vector<16xi32> to vector<1xi32>
          %squeeze3A_1380 = vector.extract %slice3A_1379[0] : i32 from vector<1xi32>
          %eq3A_1381 = arith.constant 0 : i32
          %eq3A_1382 = arith.cmpi eq, %squeeze3A_1380, %eq3A_1381 : i32
          %convert_element_type3A_1383 = arith.extui %eq3A_1382 : i1 to i32
          %cond3A_1384 = arith.constant 0 : i32
          %cond3A_1385 = arith.cmpi ne, %convert_element_type3A_1383, %cond3A_1384 : i32
          scf.if %cond3A_1385 {
            %mul3A_1561 = arith.constant 64 : i32
            %mul3A_1562 = arith.muli %scan3A_1027, %mul3A_1561 : i32
            %add3A_1563 = arith.addi %mul3A_2, %mul3A_1562 : i32
            %add3A_1564 = arith.constant 32 : i32
            %add3A_1565 = arith.addi %add3A_1563, %add3A_1564 : i32
            %add3A_1566 = arith.constant 7 : i32
            %add3A_1567 = arith.addi %add3A_1565, %add3A_1566 : i32
            "tpu.region"() ({
              %run_scoped3A = tpu.sem_alloc : memref<!tpu.dma_semaphore, #tpu.memory_space<semaphore_mem>>
              %dma_start3A_1568 = arith.constant 0 : i32
              %dma_start3A_1569 = tpu.memref_slice %arg5[%add3A_1567, %dma_start3A_1568] : memref<262144x128xf32, #tpu.memory_space<hbm>> -> memref<1x128xf32, #tpu.memory_space<hbm>>
              %dma_start3A_1570 = arith.constant 0 : i32
              %dma_start3A_1571 = tpu.memref_slice %arg5[%add3A_1567, %dma_start3A_1570] : memref<262144x128xf32, #tpu.memory_space<hbm>> -> memref<1x128xf32, #tpu.memory_space<hbm>>
              tpu.enqueue_dma source(%arg26 : memref<1x128xf32, #tpu.memory_space<vmem>>) target(%dma_start3A_1571 : memref<1x128xf32, #tpu.memory_space<hbm>>) target_semaphore(%run_scoped3A : memref<!tpu.dma_semaphore, #tpu.memory_space<semaphore_mem>>)
              %dma_wait3A_1572 = arith.constant 0 : i32
              %dma_wait3A_1573 = tpu.memref_slice %arg5[%add3A_1567, %dma_wait3A_1572] : memref<262144x128xf32, #tpu.memory_space<hbm>> -> memref<1x128xf32, #tpu.memory_space<hbm>>
              %dma_wait3A_1574 = arith.constant 0 : i32
              %dma_wait3A_1575 = tpu.memref_slice %arg5[%add3A_1567, %dma_wait3A_1574] : memref<262144x128xf32, #tpu.memory_space<hbm>> -> memref<1x128xf32, #tpu.memory_space<hbm>>
              tpu.wait_dma2 semaphore(%run_scoped3A : memref<!tpu.dma_semaphore, #tpu.memory_space<semaphore_mem>>) src(%arg26 : memref<1x128xf32, #tpu.memory_space<vmem>>) dst(%dma_wait3A_1575 : memref<1x128xf32, #tpu.memory_space<hbm>>)
              tpu.yield
            }) : () -> ()
          } else {
          }
          %slice3A_1386 = vector.extract_strided_slice %get3A_1329 {offsets = [8], sizes = [1], strides = [1]} : vector<16xi32> to vector<1xi32>
          %squeeze3A_1387 = vector.extract %slice3A_1386[0] : i32 from vector<1xi32>
          %eq3A_1388 = arith.constant 0 : i32
          %eq3A_1389 = arith.cmpi eq, %squeeze3A_1387, %eq3A_1388 : i32
          %convert_element_type3A_1390 = arith.extui %eq3A_1389 : i1 to i32
          %cond3A_1391 = arith.constant 0 : i32
          %cond3A_1392 = arith.cmpi ne, %convert_element_type3A_1390, %cond3A_1391 : i32
          scf.if %cond3A_1392 {
            %mul3A_1561 = arith.constant 64 : i32
            %mul3A_1562 = arith.muli %scan3A_1027, %mul3A_1561 : i32
            %add3A_1563 = arith.addi %mul3A_2, %mul3A_1562 : i32
            %add3A_1564 = arith.constant 32 : i32
            %add3A_1565 = arith.addi %add3A_1563, %add3A_1564 : i32
            %add3A_1566 = arith.constant 8 : i32
            %add3A_1567 = arith.addi %add3A_1565, %add3A_1566 : i32
            "tpu.region"() ({
              %run_scoped3A = tpu.sem_alloc : memref<!tpu.dma_semaphore, #tpu.memory_space<semaphore_mem>>
              %dma_start3A_1568 = arith.constant 0 : i32
              %dma_start3A_1569 = tpu.memref_slice %arg5[%add3A_1567, %dma_start3A_1568] : memref<262144x128xf32, #tpu.memory_space<hbm>> -> memref<1x128xf32, #tpu.memory_space<hbm>>
              %dma_start3A_1570 = arith.constant 0 : i32
              %dma_start3A_1571 = tpu.memref_slice %arg5[%add3A_1567, %dma_start3A_1570] : memref<262144x128xf32, #tpu.memory_space<hbm>> -> memref<1x128xf32, #tpu.memory_space<hbm>>
              tpu.enqueue_dma source(%arg26 : memref<1x128xf32, #tpu.memory_space<vmem>>) target(%dma_start3A_1571 : memref<1x128xf32, #tpu.memory_space<hbm>>) target_semaphore(%run_scoped3A : memref<!tpu.dma_semaphore, #tpu.memory_space<semaphore_mem>>)
              %dma_wait3A_1572 = arith.constant 0 : i32
              %dma_wait3A_1573 = tpu.memref_slice %arg5[%add3A_1567, %dma_wait3A_1572] : memref<262144x128xf32, #tpu.memory_space<hbm>> -> memref<1x128xf32, #tpu.memory_space<hbm>>
              %dma_wait3A_1574 = arith.constant 0 : i32
              %dma_wait3A_1575 = tpu.memref_slice %arg5[%add3A_1567, %dma_wait3A_1574] : memref<262144x128xf32, #tpu.memory_space<hbm>> -> memref<1x128xf32, #tpu.memory_space<hbm>>
              tpu.wait_dma2 semaphore(%run_scoped3A : memref<!tpu.dma_semaphore, #tpu.memory_space<semaphore_mem>>) src(%arg26 : memref<1x128xf32, #tpu.memory_space<vmem>>) dst(%dma_wait3A_1575 : memref<1x128xf32, #tpu.memory_space<hbm>>)
              tpu.yield
            }) : () -> ()
          } else {
          }
          %slice3A_1393 = vector.extract_strided_slice %get3A_1329 {offsets = [9], sizes = [1], strides = [1]} : vector<16xi32> to vector<1xi32>
          %squeeze3A_1394 = vector.extract %slice3A_1393[0] : i32 from vector<1xi32>
          %eq3A_1395 = arith.constant 0 : i32
          %eq3A_1396 = arith.cmpi eq, %squeeze3A_1394, %eq3A_1395 : i32
          %convert_element_type3A_1397 = arith.extui %eq3A_1396 : i1 to i32
          %cond3A_1398 = arith.constant 0 : i32
          %cond3A_1399 = arith.cmpi ne, %convert_element_type3A_1397, %cond3A_1398 : i32
          scf.if %cond3A_1399 {
            %mul3A_1561 = arith.constant 64 : i32
            %mul3A_1562 = arith.muli %scan3A_1027, %mul3A_1561 : i32
            %add3A_1563 = arith.addi %mul3A_2, %mul3A_1562 : i32
            %add3A_1564 = arith.constant 32 : i32
            %add3A_1565 = arith.addi %add3A_1563, %add3A_1564 : i32
            %add3A_1566 = arith.constant 9 : i32
            %add3A_1567 = arith.addi %add3A_1565, %add3A_1566 : i32
            "tpu.region"() ({
              %run_scoped3A = tpu.sem_alloc : memref<!tpu.dma_semaphore, #tpu.memory_space<semaphore_mem>>
              %dma_start3A_1568 = arith.constant 0 : i32
              %dma_start3A_1569 = tpu.memref_slice %arg5[%add3A_1567, %dma_start3A_1568] : memref<262144x128xf32, #tpu.memory_space<hbm>> -> memref<1x128xf32, #tpu.memory_space<hbm>>
              %dma_start3A_1570 = arith.constant 0 : i32
              %dma_start3A_1571 = tpu.memref_slice %arg5[%add3A_1567, %dma_start3A_1570] : memref<262144x128xf32, #tpu.memory_space<hbm>> -> memref<1x128xf32, #tpu.memory_space<hbm>>
              tpu.enqueue_dma source(%arg26 : memref<1x128xf32, #tpu.memory_space<vmem>>) target(%dma_start3A_1571 : memref<1x128xf32, #tpu.memory_space<hbm>>) target_semaphore(%run_scoped3A : memref<!tpu.dma_semaphore, #tpu.memory_space<semaphore_mem>>)
              %dma_wait3A_1572 = arith.constant 0 : i32
              %dma_wait3A_1573 = tpu.memref_slice %arg5[%add3A_1567, %dma_wait3A_1572] : memref<262144x128xf32, #tpu.memory_space<hbm>> -> memref<1x128xf32, #tpu.memory_space<hbm>>
              %dma_wait3A_1574 = arith.constant 0 : i32
              %dma_wait3A_1575 = tpu.memref_slice %arg5[%add3A_1567, %dma_wait3A_1574] : memref<262144x128xf32, #tpu.memory_space<hbm>> -> memref<1x128xf32, #tpu.memory_space<hbm>>
              tpu.wait_dma2 semaphore(%run_scoped3A : memref<!tpu.dma_semaphore, #tpu.memory_space<semaphore_mem>>) src(%arg26 : memref<1x128xf32, #tpu.memory_space<vmem>>) dst(%dma_wait3A_1575 : memref<1x128xf32, #tpu.memory_space<hbm>>)
              tpu.yield
            }) : () -> ()
          } else {
          }
          %slice3A_1400 = vector.extract_strided_slice %get3A_1329 {offsets = [10], sizes = [1], strides = [1]} : vector<16xi32> to vector<1xi32>
          %squeeze3A_1401 = vector.extract %slice3A_1400[0] : i32 from vector<1xi32>
          %eq3A_1402 = arith.constant 0 : i32
          %eq3A_1403 = arith.cmpi eq, %squeeze3A_1401, %eq3A_1402 : i32
          %convert_element_type3A_1404 = arith.extui %eq3A_1403 : i1 to i32
          %cond3A_1405 = arith.constant 0 : i32
          %cond3A_1406 = arith.cmpi ne, %convert_element_type3A_1404, %cond3A_1405 : i32
          scf.if %cond3A_1406 {
            %mul3A_1561 = arith.constant 64 : i32
            %mul3A_1562 = arith.muli %scan3A_1027, %mul3A_1561 : i32
            %add3A_1563 = arith.addi %mul3A_2, %mul3A_1562 : i32
            %add3A_1564 = arith.constant 32 : i32
            %add3A_1565 = arith.addi %add3A_1563, %add3A_1564 : i32
            %add3A_1566 = arith.constant 10 : i32
            %add3A_1567 = arith.addi %add3A_1565, %add3A_1566 : i32
            "tpu.region"() ({
              %run_scoped3A = tpu.sem_alloc : memref<!tpu.dma_semaphore, #tpu.memory_space<semaphore_mem>>
              %dma_start3A_1568 = arith.constant 0 : i32
              %dma_start3A_1569 = tpu.memref_slice %arg5[%add3A_1567, %dma_start3A_1568] : memref<262144x128xf32, #tpu.memory_space<hbm>> -> memref<1x128xf32, #tpu.memory_space<hbm>>
              %dma_start3A_1570 = arith.constant 0 : i32
              %dma_start3A_1571 = tpu.memref_slice %arg5[%add3A_1567, %dma_start3A_1570] : memref<262144x128xf32, #tpu.memory_space<hbm>> -> memref<1x128xf32, #tpu.memory_space<hbm>>
              tpu.enqueue_dma source(%arg26 : memref<1x128xf32, #tpu.memory_space<vmem>>) target(%dma_start3A_1571 : memref<1x128xf32, #tpu.memory_space<hbm>>) target_semaphore(%run_scoped3A : memref<!tpu.dma_semaphore, #tpu.memory_space<semaphore_mem>>)
              %dma_wait3A_1572 = arith.constant 0 : i32
              %dma_wait3A_1573 = tpu.memref_slice %arg5[%add3A_1567, %dma_wait3A_1572] : memref<262144x128xf32, #tpu.memory_space<hbm>> -> memref<1x128xf32, #tpu.memory_space<hbm>>
              %dma_wait3A_1574 = arith.constant 0 : i32
              %dma_wait3A_1575 = tpu.memref_slice %arg5[%add3A_1567, %dma_wait3A_1574] : memref<262144x128xf32, #tpu.memory_space<hbm>> -> memref<1x128xf32, #tpu.memory_space<hbm>>
              tpu.wait_dma2 semaphore(%run_scoped3A : memref<!tpu.dma_semaphore, #tpu.memory_space<semaphore_mem>>) src(%arg26 : memref<1x128xf32, #tpu.memory_space<vmem>>) dst(%dma_wait3A_1575 : memref<1x128xf32, #tpu.memory_space<hbm>>)
              tpu.yield
            }) : () -> ()
          } else {
          }
          %slice3A_1407 = vector.extract_strided_slice %get3A_1329 {offsets = [11], sizes = [1], strides = [1]} : vector<16xi32> to vector<1xi32>
          %squeeze3A_1408 = vector.extract %slice3A_1407[0] : i32 from vector<1xi32>
          %eq3A_1409 = arith.constant 0 : i32
          %eq3A_1410 = arith.cmpi eq, %squeeze3A_1408, %eq3A_1409 : i32
          %convert_element_type3A_1411 = arith.extui %eq3A_1410 : i1 to i32
          %cond3A_1412 = arith.constant 0 : i32
          %cond3A_1413 = arith.cmpi ne, %convert_element_type3A_1411, %cond3A_1412 : i32
          scf.if %cond3A_1413 {
            %mul3A_1561 = arith.constant 64 : i32
            %mul3A_1562 = arith.muli %scan3A_1027, %mul3A_1561 : i32
            %add3A_1563 = arith.addi %mul3A_2, %mul3A_1562 : i32
            %add3A_1564 = arith.constant 32 : i32
            %add3A_1565 = arith.addi %add3A_1563, %add3A_1564 : i32
            %add3A_1566 = arith.constant 11 : i32
            %add3A_1567 = arith.addi %add3A_1565, %add3A_1566 : i32
            "tpu.region"() ({
              %run_scoped3A = tpu.sem_alloc : memref<!tpu.dma_semaphore, #tpu.memory_space<semaphore_mem>>
              %dma_start3A_1568 = arith.constant 0 : i32
              %dma_start3A_1569 = tpu.memref_slice %arg5[%add3A_1567, %dma_start3A_1568] : memref<262144x128xf32, #tpu.memory_space<hbm>> -> memref<1x128xf32, #tpu.memory_space<hbm>>
              %dma_start3A_1570 = arith.constant 0 : i32
              %dma_start3A_1571 = tpu.memref_slice %arg5[%add3A_1567, %dma_start3A_1570] : memref<262144x128xf32, #tpu.memory_space<hbm>> -> memref<1x128xf32, #tpu.memory_space<hbm>>
              tpu.enqueue_dma source(%arg26 : memref<1x128xf32, #tpu.memory_space<vmem>>) target(%dma_start3A_1571 : memref<1x128xf32, #tpu.memory_space<hbm>>) target_semaphore(%run_scoped3A : memref<!tpu.dma_semaphore, #tpu.memory_space<semaphore_mem>>)
              %dma_wait3A_1572 = arith.constant 0 : i32
              %dma_wait3A_1573 = tpu.memref_slice %arg5[%add3A_1567, %dma_wait3A_1572] : memref<262144x128xf32, #tpu.memory_space<hbm>> -> memref<1x128xf32, #tpu.memory_space<hbm>>
              %dma_wait3A_1574 = arith.constant 0 : i32
              %dma_wait3A_1575 = tpu.memref_slice %arg5[%add3A_1567, %dma_wait3A_1574] : memref<262144x128xf32, #tpu.memory_space<hbm>> -> memref<1x128xf32, #tpu.memory_space<hbm>>
              tpu.wait_dma2 semaphore(%run_scoped3A : memref<!tpu.dma_semaphore, #tpu.memory_space<semaphore_mem>>) src(%arg26 : memref<1x128xf32, #tpu.memory_space<vmem>>) dst(%dma_wait3A_1575 : memref<1x128xf32, #tpu.memory_space<hbm>>)
              tpu.yield
            }) : () -> ()
          } else {
          }
          %slice3A_1414 = vector.extract_strided_slice %get3A_1329 {offsets = [12], sizes = [1], strides = [1]} : vector<16xi32> to vector<1xi32>
          %squeeze3A_1415 = vector.extract %slice3A_1414[0] : i32 from vector<1xi32>
          %eq3A_1416 = arith.constant 0 : i32
          %eq3A_1417 = arith.cmpi eq, %squeeze3A_1415, %eq3A_1416 : i32
          %convert_element_type3A_1418 = arith.extui %eq3A_1417 : i1 to i32
          %cond3A_1419 = arith.constant 0 : i32
          %cond3A_1420 = arith.cmpi ne, %convert_element_type3A_1418, %cond3A_1419 : i32
          scf.if %cond3A_1420 {
            %mul3A_1561 = arith.constant 64 : i32
            %mul3A_1562 = arith.muli %scan3A_1027, %mul3A_1561 : i32
            %add3A_1563 = arith.addi %mul3A_2, %mul3A_1562 : i32
            %add3A_1564 = arith.constant 32 : i32
            %add3A_1565 = arith.addi %add3A_1563, %add3A_1564 : i32
            %add3A_1566 = arith.constant 12 : i32
            %add3A_1567 = arith.addi %add3A_1565, %add3A_1566 : i32
            "tpu.region"() ({
              %run_scoped3A = tpu.sem_alloc : memref<!tpu.dma_semaphore, #tpu.memory_space<semaphore_mem>>
              %dma_start3A_1568 = arith.constant 0 : i32
              %dma_start3A_1569 = tpu.memref_slice %arg5[%add3A_1567, %dma_start3A_1568] : memref<262144x128xf32, #tpu.memory_space<hbm>> -> memref<1x128xf32, #tpu.memory_space<hbm>>
              %dma_start3A_1570 = arith.constant 0 : i32
              %dma_start3A_1571 = tpu.memref_slice %arg5[%add3A_1567, %dma_start3A_1570] : memref<262144x128xf32, #tpu.memory_space<hbm>> -> memref<1x128xf32, #tpu.memory_space<hbm>>
              tpu.enqueue_dma source(%arg26 : memref<1x128xf32, #tpu.memory_space<vmem>>) target(%dma_start3A_1571 : memref<1x128xf32, #tpu.memory_space<hbm>>) target_semaphore(%run_scoped3A : memref<!tpu.dma_semaphore, #tpu.memory_space<semaphore_mem>>)
              %dma_wait3A_1572 = arith.constant 0 : i32
              %dma_wait3A_1573 = tpu.memref_slice %arg5[%add3A_1567, %dma_wait3A_1572] : memref<262144x128xf32, #tpu.memory_space<hbm>> -> memref<1x128xf32, #tpu.memory_space<hbm>>
              %dma_wait3A_1574 = arith.constant 0 : i32
              %dma_wait3A_1575 = tpu.memref_slice %arg5[%add3A_1567, %dma_wait3A_1574] : memref<262144x128xf32, #tpu.memory_space<hbm>> -> memref<1x128xf32, #tpu.memory_space<hbm>>
              tpu.wait_dma2 semaphore(%run_scoped3A : memref<!tpu.dma_semaphore, #tpu.memory_space<semaphore_mem>>) src(%arg26 : memref<1x128xf32, #tpu.memory_space<vmem>>) dst(%dma_wait3A_1575 : memref<1x128xf32, #tpu.memory_space<hbm>>)
              tpu.yield
            }) : () -> ()
          } else {
          }
          %slice3A_1421 = vector.extract_strided_slice %get3A_1329 {offsets = [13], sizes = [1], strides = [1]} : vector<16xi32> to vector<1xi32>
          %squeeze3A_1422 = vector.extract %slice3A_1421[0] : i32 from vector<1xi32>
          %eq3A_1423 = arith.constant 0 : i32
          %eq3A_1424 = arith.cmpi eq, %squeeze3A_1422, %eq3A_1423 : i32
          %convert_element_type3A_1425 = arith.extui %eq3A_1424 : i1 to i32
          %cond3A_1426 = arith.constant 0 : i32
          %cond3A_1427 = arith.cmpi ne, %convert_element_type3A_1425, %cond3A_1426 : i32
          scf.if %cond3A_1427 {
            %mul3A_1561 = arith.constant 64 : i32
            %mul3A_1562 = arith.muli %scan3A_1027, %mul3A_1561 : i32
            %add3A_1563 = arith.addi %mul3A_2, %mul3A_1562 : i32
            %add3A_1564 = arith.constant 32 : i32
            %add3A_1565 = arith.addi %add3A_1563, %add3A_1564 : i32
            %add3A_1566 = arith.constant 13 : i32
            %add3A_1567 = arith.addi %add3A_1565, %add3A_1566 : i32
            "tpu.region"() ({
              %run_scoped3A = tpu.sem_alloc : memref<!tpu.dma_semaphore, #tpu.memory_space<semaphore_mem>>
              %dma_start3A_1568 = arith.constant 0 : i32
              %dma_start3A_1569 = tpu.memref_slice %arg5[%add3A_1567, %dma_start3A_1568] : memref<262144x128xf32, #tpu.memory_space<hbm>> -> memref<1x128xf32, #tpu.memory_space<hbm>>
              %dma_start3A_1570 = arith.constant 0 : i32
              %dma_start3A_1571 = tpu.memref_slice %arg5[%add3A_1567, %dma_start3A_1570] : memref<262144x128xf32, #tpu.memory_space<hbm>> -> memref<1x128xf32, #tpu.memory_space<hbm>>
              tpu.enqueue_dma source(%arg26 : memref<1x128xf32, #tpu.memory_space<vmem>>) target(%dma_start3A_1571 : memref<1x128xf32, #tpu.memory_space<hbm>>) target_semaphore(%run_scoped3A : memref<!tpu.dma_semaphore, #tpu.memory_space<semaphore_mem>>)
              %dma_wait3A_1572 = arith.constant 0 : i32
              %dma_wait3A_1573 = tpu.memref_slice %arg5[%add3A_1567, %dma_wait3A_1572] : memref<262144x128xf32, #tpu.memory_space<hbm>> -> memref<1x128xf32, #tpu.memory_space<hbm>>
              %dma_wait3A_1574 = arith.constant 0 : i32
              %dma_wait3A_1575 = tpu.memref_slice %arg5[%add3A_1567, %dma_wait3A_1574] : memref<262144x128xf32, #tpu.memory_space<hbm>> -> memref<1x128xf32, #tpu.memory_space<hbm>>
              tpu.wait_dma2 semaphore(%run_scoped3A : memref<!tpu.dma_semaphore, #tpu.memory_space<semaphore_mem>>) src(%arg26 : memref<1x128xf32, #tpu.memory_space<vmem>>) dst(%dma_wait3A_1575 : memref<1x128xf32, #tpu.memory_space<hbm>>)
              tpu.yield
            }) : () -> ()
          } else {
          }
          %slice3A_1428 = vector.extract_strided_slice %get3A_1329 {offsets = [14], sizes = [1], strides = [1]} : vector<16xi32> to vector<1xi32>
          %squeeze3A_1429 = vector.extract %slice3A_1428[0] : i32 from vector<1xi32>
          %eq3A_1430 = arith.constant 0 : i32
          %eq3A_1431 = arith.cmpi eq, %squeeze3A_1429, %eq3A_1430 : i32
          %convert_element_type3A_1432 = arith.extui %eq3A_1431 : i1 to i32
          %cond3A_1433 = arith.constant 0 : i32
          %cond3A_1434 = arith.cmpi ne, %convert_element_type3A_1432, %cond3A_1433 : i32
          scf.if %cond3A_1434 {
            %mul3A_1561 = arith.constant 64 : i32
            %mul3A_1562 = arith.muli %scan3A_1027, %mul3A_1561 : i32
            %add3A_1563 = arith.addi %mul3A_2, %mul3A_1562 : i32
            %add3A_1564 = arith.constant 32 : i32
            %add3A_1565 = arith.addi %add3A_1563, %add3A_1564 : i32
            %add3A_1566 = arith.constant 14 : i32
            %add3A_1567 = arith.addi %add3A_1565, %add3A_1566 : i32
            "tpu.region"() ({
              %run_scoped3A = tpu.sem_alloc : memref<!tpu.dma_semaphore, #tpu.memory_space<semaphore_mem>>
              %dma_start3A_1568 = arith.constant 0 : i32
              %dma_start3A_1569 = tpu.memref_slice %arg5[%add3A_1567, %dma_start3A_1568] : memref<262144x128xf32, #tpu.memory_space<hbm>> -> memref<1x128xf32, #tpu.memory_space<hbm>>
              %dma_start3A_1570 = arith.constant 0 : i32
              %dma_start3A_1571 = tpu.memref_slice %arg5[%add3A_1567, %dma_start3A_1570] : memref<262144x128xf32, #tpu.memory_space<hbm>> -> memref<1x128xf32, #tpu.memory_space<hbm>>
              tpu.enqueue_dma source(%arg26 : memref<1x128xf32, #tpu.memory_space<vmem>>) target(%dma_start3A_1571 : memref<1x128xf32, #tpu.memory_space<hbm>>) target_semaphore(%run_scoped3A : memref<!tpu.dma_semaphore, #tpu.memory_space<semaphore_mem>>)
              %dma_wait3A_1572 = arith.constant 0 : i32
              %dma_wait3A_1573 = tpu.memref_slice %arg5[%add3A_1567, %dma_wait3A_1572] : memref<262144x128xf32, #tpu.memory_space<hbm>> -> memref<1x128xf32, #tpu.memory_space<hbm>>
              %dma_wait3A_1574 = arith.constant 0 : i32
              %dma_wait3A_1575 = tpu.memref_slice %arg5[%add3A_1567, %dma_wait3A_1574] : memref<262144x128xf32, #tpu.memory_space<hbm>> -> memref<1x128xf32, #tpu.memory_space<hbm>>
              tpu.wait_dma2 semaphore(%run_scoped3A : memref<!tpu.dma_semaphore, #tpu.memory_space<semaphore_mem>>) src(%arg26 : memref<1x128xf32, #tpu.memory_space<vmem>>) dst(%dma_wait3A_1575 : memref<1x128xf32, #tpu.memory_space<hbm>>)
              tpu.yield
            }) : () -> ()
          } else {
          }
          %slice3A_1435 = vector.extract_strided_slice %get3A_1329 {offsets = [15], sizes = [1], strides = [1]} : vector<16xi32> to vector<1xi32>
          %squeeze3A_1436 = vector.extract %slice3A_1435[0] : i32 from vector<1xi32>
          %eq3A_1437 = arith.constant 0 : i32
          %eq3A_1438 = arith.cmpi eq, %squeeze3A_1436, %eq3A_1437 : i32
          %convert_element_type3A_1439 = arith.extui %eq3A_1438 : i1 to i32
          %cond3A_1440 = arith.constant 0 : i32
          %cond3A_1441 = arith.cmpi ne, %convert_element_type3A_1439, %cond3A_1440 : i32
          scf.if %cond3A_1441 {
            %mul3A_1561 = arith.constant 64 : i32
            %mul3A_1562 = arith.muli %scan3A_1027, %mul3A_1561 : i32
            %add3A_1563 = arith.addi %mul3A_2, %mul3A_1562 : i32
            %add3A_1564 = arith.constant 32 : i32
            %add3A_1565 = arith.addi %add3A_1563, %add3A_1564 : i32
            %add3A_1566 = arith.constant 15 : i32
            %add3A_1567 = arith.addi %add3A_1565, %add3A_1566 : i32
            "tpu.region"() ({
              %run_scoped3A = tpu.sem_alloc : memref<!tpu.dma_semaphore, #tpu.memory_space<semaphore_mem>>
              %dma_start3A_1568 = arith.constant 0 : i32
              %dma_start3A_1569 = tpu.memref_slice %arg5[%add3A_1567, %dma_start3A_1568] : memref<262144x128xf32, #tpu.memory_space<hbm>> -> memref<1x128xf32, #tpu.memory_space<hbm>>
              %dma_start3A_1570 = arith.constant 0 : i32
              %dma_start3A_1571 = tpu.memref_slice %arg5[%add3A_1567, %dma_start3A_1570] : memref<262144x128xf32, #tpu.memory_space<hbm>> -> memref<1x128xf32, #tpu.memory_space<hbm>>
              tpu.enqueue_dma source(%arg26 : memref<1x128xf32, #tpu.memory_space<vmem>>) target(%dma_start3A_1571 : memref<1x128xf32, #tpu.memory_space<hbm>>) target_semaphore(%run_scoped3A : memref<!tpu.dma_semaphore, #tpu.memory_space<semaphore_mem>>)
              %dma_wait3A_1572 = arith.constant 0 : i32
              %dma_wait3A_1573 = tpu.memref_slice %arg5[%add3A_1567, %dma_wait3A_1572] : memref<262144x128xf32, #tpu.memory_space<hbm>> -> memref<1x128xf32, #tpu.memory_space<hbm>>
              %dma_wait3A_1574 = arith.constant 0 : i32
              %dma_wait3A_1575 = tpu.memref_slice %arg5[%add3A_1567, %dma_wait3A_1574] : memref<262144x128xf32, #tpu.memory_space<hbm>> -> memref<1x128xf32, #tpu.memory_space<hbm>>
              tpu.wait_dma2 semaphore(%run_scoped3A : memref<!tpu.dma_semaphore, #tpu.memory_space<semaphore_mem>>) src(%arg26 : memref<1x128xf32, #tpu.memory_space<vmem>>) dst(%dma_wait3A_1575 : memref<1x128xf32, #tpu.memory_space<hbm>>)
              tpu.yield
            }) : () -> ()
          } else {
          }
          %mul3A_1442 = arith.constant 64 : i32
          %mul3A_1443 = arith.muli %scan3A_1027, %mul3A_1442 : i32
          %add3A_1444 = arith.constant 48 : i32
          %add3A_1445 = arith.addi %mul3A_1443, %add3A_1444 : i32
          %get3A_1446 = arith.index_cast %add3A_1445 : i32 to index
          %get3A_1447 = tpu.vector_load %arg7[%get3A_1446] {strides = array<i32>} : memref<8192xi32, #tpu.memory_space<vmem>>, vector<16xi32>,
          %get3A_1448 = vector.shape_cast %get3A_1447 : vector<16xi32> to vector<16xi32>
          %slice3A_1449 = vector.extract_strided_slice %get3A_1448 {offsets = [0], sizes = [1], strides = [1]} : vector<16xi32> to vector<1xi32>
          %squeeze3A_1450 = vector.extract %slice3A_1449[0] : i32 from vector<1xi32>
          %eq3A_1451 = arith.constant 0 : i32
          %eq3A_1452 = arith.cmpi eq, %squeeze3A_1450, %eq3A_1451 : i32
          %convert_element_type3A_1453 = arith.extui %eq3A_1452 : i1 to i32
          %cond3A_1454 = arith.constant 0 : i32
          %cond3A_1455 = arith.cmpi ne, %convert_element_type3A_1453, %cond3A_1454 : i32
          scf.if %cond3A_1455 {
            %mul3A_1561 = arith.constant 64 : i32
            %mul3A_1562 = arith.muli %scan3A_1027, %mul3A_1561 : i32
            %add3A_1563 = arith.addi %mul3A_2, %mul3A_1562 : i32
            %add3A_1564 = arith.constant 48 : i32
            %add3A_1565 = arith.addi %add3A_1563, %add3A_1564 : i32
            %add3A_1566 = arith.constant 0 : i32
            %add3A_1567 = arith.addi %add3A_1565, %add3A_1566 : i32
            "tpu.region"() ({
              %run_scoped3A = tpu.sem_alloc : memref<!tpu.dma_semaphore, #tpu.memory_space<semaphore_mem>>
              %dma_start3A_1568 = arith.constant 0 : i32
              %dma_start3A_1569 = tpu.memref_slice %arg5[%add3A_1567, %dma_start3A_1568] : memref<262144x128xf32, #tpu.memory_space<hbm>> -> memref<1x128xf32, #tpu.memory_space<hbm>>
              %dma_start3A_1570 = arith.constant 0 : i32
              %dma_start3A_1571 = tpu.memref_slice %arg5[%add3A_1567, %dma_start3A_1570] : memref<262144x128xf32, #tpu.memory_space<hbm>> -> memref<1x128xf32, #tpu.memory_space<hbm>>
              tpu.enqueue_dma source(%arg26 : memref<1x128xf32, #tpu.memory_space<vmem>>) target(%dma_start3A_1571 : memref<1x128xf32, #tpu.memory_space<hbm>>) target_semaphore(%run_scoped3A : memref<!tpu.dma_semaphore, #tpu.memory_space<semaphore_mem>>)
              %dma_wait3A_1572 = arith.constant 0 : i32
              %dma_wait3A_1573 = tpu.memref_slice %arg5[%add3A_1567, %dma_wait3A_1572] : memref<262144x128xf32, #tpu.memory_space<hbm>> -> memref<1x128xf32, #tpu.memory_space<hbm>>
              %dma_wait3A_1574 = arith.constant 0 : i32
              %dma_wait3A_1575 = tpu.memref_slice %arg5[%add3A_1567, %dma_wait3A_1574] : memref<262144x128xf32, #tpu.memory_space<hbm>> -> memref<1x128xf32, #tpu.memory_space<hbm>>
              tpu.wait_dma2 semaphore(%run_scoped3A : memref<!tpu.dma_semaphore, #tpu.memory_space<semaphore_mem>>) src(%arg26 : memref<1x128xf32, #tpu.memory_space<vmem>>) dst(%dma_wait3A_1575 : memref<1x128xf32, #tpu.memory_space<hbm>>)
              tpu.yield
            }) : () -> ()
          } else {
          }
          %slice3A_1456 = vector.extract_strided_slice %get3A_1448 {offsets = [1], sizes = [1], strides = [1]} : vector<16xi32> to vector<1xi32>
          %squeeze3A_1457 = vector.extract %slice3A_1456[0] : i32 from vector<1xi32>
          %eq3A_1458 = arith.constant 0 : i32
          %eq3A_1459 = arith.cmpi eq, %squeeze3A_1457, %eq3A_1458 : i32
          %convert_element_type3A_1460 = arith.extui %eq3A_1459 : i1 to i32
          %cond3A_1461 = arith.constant 0 : i32
          %cond3A_1462 = arith.cmpi ne, %convert_element_type3A_1460, %cond3A_1461 : i32
          scf.if %cond3A_1462 {
            %mul3A_1561 = arith.constant 64 : i32
            %mul3A_1562 = arith.muli %scan3A_1027, %mul3A_1561 : i32
            %add3A_1563 = arith.addi %mul3A_2, %mul3A_1562 : i32
            %add3A_1564 = arith.constant 48 : i32
            %add3A_1565 = arith.addi %add3A_1563, %add3A_1564 : i32
            %add3A_1566 = arith.constant 1 : i32
            %add3A_1567 = arith.addi %add3A_1565, %add3A_1566 : i32
            "tpu.region"() ({
              %run_scoped3A = tpu.sem_alloc : memref<!tpu.dma_semaphore, #tpu.memory_space<semaphore_mem>>
              %dma_start3A_1568 = arith.constant 0 : i32
              %dma_start3A_1569 = tpu.memref_slice %arg5[%add3A_1567, %dma_start3A_1568] : memref<262144x128xf32, #tpu.memory_space<hbm>> -> memref<1x128xf32, #tpu.memory_space<hbm>>
              %dma_start3A_1570 = arith.constant 0 : i32
              %dma_start3A_1571 = tpu.memref_slice %arg5[%add3A_1567, %dma_start3A_1570] : memref<262144x128xf32, #tpu.memory_space<hbm>> -> memref<1x128xf32, #tpu.memory_space<hbm>>
              tpu.enqueue_dma source(%arg26 : memref<1x128xf32, #tpu.memory_space<vmem>>) target(%dma_start3A_1571 : memref<1x128xf32, #tpu.memory_space<hbm>>) target_semaphore(%run_scoped3A : memref<!tpu.dma_semaphore, #tpu.memory_space<semaphore_mem>>)
              %dma_wait3A_1572 = arith.constant 0 : i32
              %dma_wait3A_1573 = tpu.memref_slice %arg5[%add3A_1567, %dma_wait3A_1572] : memref<262144x128xf32, #tpu.memory_space<hbm>> -> memref<1x128xf32, #tpu.memory_space<hbm>>
              %dma_wait3A_1574 = arith.constant 0 : i32
              %dma_wait3A_1575 = tpu.memref_slice %arg5[%add3A_1567, %dma_wait3A_1574] : memref<262144x128xf32, #tpu.memory_space<hbm>> -> memref<1x128xf32, #tpu.memory_space<hbm>>
              tpu.wait_dma2 semaphore(%run_scoped3A : memref<!tpu.dma_semaphore, #tpu.memory_space<semaphore_mem>>) src(%arg26 : memref<1x128xf32, #tpu.memory_space<vmem>>) dst(%dma_wait3A_1575 : memref<1x128xf32, #tpu.memory_space<hbm>>)
              tpu.yield
            }) : () -> ()
          } else {
          }
          %slice3A_1463 = vector.extract_strided_slice %get3A_1448 {offsets = [2], sizes = [1], strides = [1]} : vector<16xi32> to vector<1xi32>
          %squeeze3A_1464 = vector.extract %slice3A_1463[0] : i32 from vector<1xi32>
          %eq3A_1465 = arith.constant 0 : i32
          %eq3A_1466 = arith.cmpi eq, %squeeze3A_1464, %eq3A_1465 : i32
          %convert_element_type3A_1467 = arith.extui %eq3A_1466 : i1 to i32
          %cond3A_1468 = arith.constant 0 : i32
          %cond3A_1469 = arith.cmpi ne, %convert_element_type3A_1467, %cond3A_1468 : i32
          scf.if %cond3A_1469 {
            %mul3A_1561 = arith.constant 64 : i32
            %mul3A_1562 = arith.muli %scan3A_1027, %mul3A_1561 : i32
            %add3A_1563 = arith.addi %mul3A_2, %mul3A_1562 : i32
            %add3A_1564 = arith.constant 48 : i32
            %add3A_1565 = arith.addi %add3A_1563, %add3A_1564 : i32
            %add3A_1566 = arith.constant 2 : i32
            %add3A_1567 = arith.addi %add3A_1565, %add3A_1566 : i32
            "tpu.region"() ({
              %run_scoped3A = tpu.sem_alloc : memref<!tpu.dma_semaphore, #tpu.memory_space<semaphore_mem>>
              %dma_start3A_1568 = arith.constant 0 : i32
              %dma_start3A_1569 = tpu.memref_slice %arg5[%add3A_1567, %dma_start3A_1568] : memref<262144x128xf32, #tpu.memory_space<hbm>> -> memref<1x128xf32, #tpu.memory_space<hbm>>
              %dma_start3A_1570 = arith.constant 0 : i32
              %dma_start3A_1571 = tpu.memref_slice %arg5[%add3A_1567, %dma_start3A_1570] : memref<262144x128xf32, #tpu.memory_space<hbm>> -> memref<1x128xf32, #tpu.memory_space<hbm>>
              tpu.enqueue_dma source(%arg26 : memref<1x128xf32, #tpu.memory_space<vmem>>) target(%dma_start3A_1571 : memref<1x128xf32, #tpu.memory_space<hbm>>) target_semaphore(%run_scoped3A : memref<!tpu.dma_semaphore, #tpu.memory_space<semaphore_mem>>)
              %dma_wait3A_1572 = arith.constant 0 : i32
              %dma_wait3A_1573 = tpu.memref_slice %arg5[%add3A_1567, %dma_wait3A_1572] : memref<262144x128xf32, #tpu.memory_space<hbm>> -> memref<1x128xf32, #tpu.memory_space<hbm>>
              %dma_wait3A_1574 = arith.constant 0 : i32
              %dma_wait3A_1575 = tpu.memref_slice %arg5[%add3A_1567, %dma_wait3A_1574] : memref<262144x128xf32, #tpu.memory_space<hbm>> -> memref<1x128xf32, #tpu.memory_space<hbm>>
              tpu.wait_dma2 semaphore(%run_scoped3A : memref<!tpu.dma_semaphore, #tpu.memory_space<semaphore_mem>>) src(%arg26 : memref<1x128xf32, #tpu.memory_space<vmem>>) dst(%dma_wait3A_1575 : memref<1x128xf32, #tpu.memory_space<hbm>>)
              tpu.yield
            }) : () -> ()
          } else {
          }
          %slice3A_1470 = vector.extract_strided_slice %get3A_1448 {offsets = [3], sizes = [1], strides = [1]} : vector<16xi32> to vector<1xi32>
          %squeeze3A_1471 = vector.extract %slice3A_1470[0] : i32 from vector<1xi32>
          %eq3A_1472 = arith.constant 0 : i32
          %eq3A_1473 = arith.cmpi eq, %squeeze3A_1471, %eq3A_1472 : i32
          %convert_element_type3A_1474 = arith.extui %eq3A_1473 : i1 to i32
          %cond3A_1475 = arith.constant 0 : i32
          %cond3A_1476 = arith.cmpi ne, %convert_element_type3A_1474, %cond3A_1475 : i32
          scf.if %cond3A_1476 {
            %mul3A_1561 = arith.constant 64 : i32
            %mul3A_1562 = arith.muli %scan3A_1027, %mul3A_1561 : i32
            %add3A_1563 = arith.addi %mul3A_2, %mul3A_1562 : i32
            %add3A_1564 = arith.constant 48 : i32
            %add3A_1565 = arith.addi %add3A_1563, %add3A_1564 : i32
            %add3A_1566 = arith.constant 3 : i32
            %add3A_1567 = arith.addi %add3A_1565, %add3A_1566 : i32
            "tpu.region"() ({
              %run_scoped3A = tpu.sem_alloc : memref<!tpu.dma_semaphore, #tpu.memory_space<semaphore_mem>>
              %dma_start3A_1568 = arith.constant 0 : i32
              %dma_start3A_1569 = tpu.memref_slice %arg5[%add3A_1567, %dma_start3A_1568] : memref<262144x128xf32, #tpu.memory_space<hbm>> -> memref<1x128xf32, #tpu.memory_space<hbm>>
              %dma_start3A_1570 = arith.constant 0 : i32
              %dma_start3A_1571 = tpu.memref_slice %arg5[%add3A_1567, %dma_start3A_1570] : memref<262144x128xf32, #tpu.memory_space<hbm>> -> memref<1x128xf32, #tpu.memory_space<hbm>>
              tpu.enqueue_dma source(%arg26 : memref<1x128xf32, #tpu.memory_space<vmem>>) target(%dma_start3A_1571 : memref<1x128xf32, #tpu.memory_space<hbm>>) target_semaphore(%run_scoped3A : memref<!tpu.dma_semaphore, #tpu.memory_space<semaphore_mem>>)
              %dma_wait3A_1572 = arith.constant 0 : i32
              %dma_wait3A_1573 = tpu.memref_slice %arg5[%add3A_1567, %dma_wait3A_1572] : memref<262144x128xf32, #tpu.memory_space<hbm>> -> memref<1x128xf32, #tpu.memory_space<hbm>>
              %dma_wait3A_1574 = arith.constant 0 : i32
              %dma_wait3A_1575 = tpu.memref_slice %arg5[%add3A_1567, %dma_wait3A_1574] : memref<262144x128xf32, #tpu.memory_space<hbm>> -> memref<1x128xf32, #tpu.memory_space<hbm>>
              tpu.wait_dma2 semaphore(%run_scoped3A : memref<!tpu.dma_semaphore, #tpu.memory_space<semaphore_mem>>) src(%arg26 : memref<1x128xf32, #tpu.memory_space<vmem>>) dst(%dma_wait3A_1575 : memref<1x128xf32, #tpu.memory_space<hbm>>)
              tpu.yield
            }) : () -> ()
          } else {
          }
          %slice3A_1477 = vector.extract_strided_slice %get3A_1448 {offsets = [4], sizes = [1], strides = [1]} : vector<16xi32> to vector<1xi32>
          %squeeze3A_1478 = vector.extract %slice3A_1477[0] : i32 from vector<1xi32>
          %eq3A_1479 = arith.constant 0 : i32
          %eq3A_1480 = arith.cmpi eq, %squeeze3A_1478, %eq3A_1479 : i32
          %convert_element_type3A_1481 = arith.extui %eq3A_1480 : i1 to i32
          %cond3A_1482 = arith.constant 0 : i32
          %cond3A_1483 = arith.cmpi ne, %convert_element_type3A_1481, %cond3A_1482 : i32
          scf.if %cond3A_1483 {
            %mul3A_1561 = arith.constant 64 : i32
            %mul3A_1562 = arith.muli %scan3A_1027, %mul3A_1561 : i32
            %add3A_1563 = arith.addi %mul3A_2, %mul3A_1562 : i32
            %add3A_1564 = arith.constant 48 : i32
            %add3A_1565 = arith.addi %add3A_1563, %add3A_1564 : i32
            %add3A_1566 = arith.constant 4 : i32
            %add3A_1567 = arith.addi %add3A_1565, %add3A_1566 : i32
            "tpu.region"() ({
              %run_scoped3A = tpu.sem_alloc : memref<!tpu.dma_semaphore, #tpu.memory_space<semaphore_mem>>
              %dma_start3A_1568 = arith.constant 0 : i32
              %dma_start3A_1569 = tpu.memref_slice %arg5[%add3A_1567, %dma_start3A_1568] : memref<262144x128xf32, #tpu.memory_space<hbm>> -> memref<1x128xf32, #tpu.memory_space<hbm>>
              %dma_start3A_1570 = arith.constant 0 : i32
              %dma_start3A_1571 = tpu.memref_slice %arg5[%add3A_1567, %dma_start3A_1570] : memref<262144x128xf32, #tpu.memory_space<hbm>> -> memref<1x128xf32, #tpu.memory_space<hbm>>
              tpu.enqueue_dma source(%arg26 : memref<1x128xf32, #tpu.memory_space<vmem>>) target(%dma_start3A_1571 : memref<1x128xf32, #tpu.memory_space<hbm>>) target_semaphore(%run_scoped3A : memref<!tpu.dma_semaphore, #tpu.memory_space<semaphore_mem>>)
              %dma_wait3A_1572 = arith.constant 0 : i32
              %dma_wait3A_1573 = tpu.memref_slice %arg5[%add3A_1567, %dma_wait3A_1572] : memref<262144x128xf32, #tpu.memory_space<hbm>> -> memref<1x128xf32, #tpu.memory_space<hbm>>
              %dma_wait3A_1574 = arith.constant 0 : i32
              %dma_wait3A_1575 = tpu.memref_slice %arg5[%add3A_1567, %dma_wait3A_1574] : memref<262144x128xf32, #tpu.memory_space<hbm>> -> memref<1x128xf32, #tpu.memory_space<hbm>>
              tpu.wait_dma2 semaphore(%run_scoped3A : memref<!tpu.dma_semaphore, #tpu.memory_space<semaphore_mem>>) src(%arg26 : memref<1x128xf32, #tpu.memory_space<vmem>>) dst(%dma_wait3A_1575 : memref<1x128xf32, #tpu.memory_space<hbm>>)
              tpu.yield
            }) : () -> ()
          } else {
          }
          %slice3A_1484 = vector.extract_strided_slice %get3A_1448 {offsets = [5], sizes = [1], strides = [1]} : vector<16xi32> to vector<1xi32>
          %squeeze3A_1485 = vector.extract %slice3A_1484[0] : i32 from vector<1xi32>
          %eq3A_1486 = arith.constant 0 : i32
          %eq3A_1487 = arith.cmpi eq, %squeeze3A_1485, %eq3A_1486 : i32
          %convert_element_type3A_1488 = arith.extui %eq3A_1487 : i1 to i32
          %cond3A_1489 = arith.constant 0 : i32
          %cond3A_1490 = arith.cmpi ne, %convert_element_type3A_1488, %cond3A_1489 : i32
          scf.if %cond3A_1490 {
            %mul3A_1561 = arith.constant 64 : i32
            %mul3A_1562 = arith.muli %scan3A_1027, %mul3A_1561 : i32
            %add3A_1563 = arith.addi %mul3A_2, %mul3A_1562 : i32
            %add3A_1564 = arith.constant 48 : i32
            %add3A_1565 = arith.addi %add3A_1563, %add3A_1564 : i32
            %add3A_1566 = arith.constant 5 : i32
            %add3A_1567 = arith.addi %add3A_1565, %add3A_1566 : i32
            "tpu.region"() ({
              %run_scoped3A = tpu.sem_alloc : memref<!tpu.dma_semaphore, #tpu.memory_space<semaphore_mem>>
              %dma_start3A_1568 = arith.constant 0 : i32
              %dma_start3A_1569 = tpu.memref_slice %arg5[%add3A_1567, %dma_start3A_1568] : memref<262144x128xf32, #tpu.memory_space<hbm>> -> memref<1x128xf32, #tpu.memory_space<hbm>>
              %dma_start3A_1570 = arith.constant 0 : i32
              %dma_start3A_1571 = tpu.memref_slice %arg5[%add3A_1567, %dma_start3A_1570] : memref<262144x128xf32, #tpu.memory_space<hbm>> -> memref<1x128xf32, #tpu.memory_space<hbm>>
              tpu.enqueue_dma source(%arg26 : memref<1x128xf32, #tpu.memory_space<vmem>>) target(%dma_start3A_1571 : memref<1x128xf32, #tpu.memory_space<hbm>>) target_semaphore(%run_scoped3A : memref<!tpu.dma_semaphore, #tpu.memory_space<semaphore_mem>>)
              %dma_wait3A_1572 = arith.constant 0 : i32
              %dma_wait3A_1573 = tpu.memref_slice %arg5[%add3A_1567, %dma_wait3A_1572] : memref<262144x128xf32, #tpu.memory_space<hbm>> -> memref<1x128xf32, #tpu.memory_space<hbm>>
              %dma_wait3A_1574 = arith.constant 0 : i32
              %dma_wait3A_1575 = tpu.memref_slice %arg5[%add3A_1567, %dma_wait3A_1574] : memref<262144x128xf32, #tpu.memory_space<hbm>> -> memref<1x128xf32, #tpu.memory_space<hbm>>
              tpu.wait_dma2 semaphore(%run_scoped3A : memref<!tpu.dma_semaphore, #tpu.memory_space<semaphore_mem>>) src(%arg26 : memref<1x128xf32, #tpu.memory_space<vmem>>) dst(%dma_wait3A_1575 : memref<1x128xf32, #tpu.memory_space<hbm>>)
              tpu.yield
            }) : () -> ()
          } else {
          }
          %slice3A_1491 = vector.extract_strided_slice %get3A_1448 {offsets = [6], sizes = [1], strides = [1]} : vector<16xi32> to vector<1xi32>
          %squeeze3A_1492 = vector.extract %slice3A_1491[0] : i32 from vector<1xi32>
          %eq3A_1493 = arith.constant 0 : i32
          %eq3A_1494 = arith.cmpi eq, %squeeze3A_1492, %eq3A_1493 : i32
          %convert_element_type3A_1495 = arith.extui %eq3A_1494 : i1 to i32
          %cond3A_1496 = arith.constant 0 : i32
          %cond3A_1497 = arith.cmpi ne, %convert_element_type3A_1495, %cond3A_1496 : i32
          scf.if %cond3A_1497 {
            %mul3A_1561 = arith.constant 64 : i32
            %mul3A_1562 = arith.muli %scan3A_1027, %mul3A_1561 : i32
            %add3A_1563 = arith.addi %mul3A_2, %mul3A_1562 : i32
            %add3A_1564 = arith.constant 48 : i32
            %add3A_1565 = arith.addi %add3A_1563, %add3A_1564 : i32
            %add3A_1566 = arith.constant 6 : i32
            %add3A_1567 = arith.addi %add3A_1565, %add3A_1566 : i32
            "tpu.region"() ({
              %run_scoped3A = tpu.sem_alloc : memref<!tpu.dma_semaphore, #tpu.memory_space<semaphore_mem>>
              %dma_start3A_1568 = arith.constant 0 : i32
              %dma_start3A_1569 = tpu.memref_slice %arg5[%add3A_1567, %dma_start3A_1568] : memref<262144x128xf32, #tpu.memory_space<hbm>> -> memref<1x128xf32, #tpu.memory_space<hbm>>
              %dma_start3A_1570 = arith.constant 0 : i32
              %dma_start3A_1571 = tpu.memref_slice %arg5[%add3A_1567, %dma_start3A_1570] : memref<262144x128xf32, #tpu.memory_space<hbm>> -> memref<1x128xf32, #tpu.memory_space<hbm>>
              tpu.enqueue_dma source(%arg26 : memref<1x128xf32, #tpu.memory_space<vmem>>) target(%dma_start3A_1571 : memref<1x128xf32, #tpu.memory_space<hbm>>) target_semaphore(%run_scoped3A : memref<!tpu.dma_semaphore, #tpu.memory_space<semaphore_mem>>)
              %dma_wait3A_1572 = arith.constant 0 : i32
              %dma_wait3A_1573 = tpu.memref_slice %arg5[%add3A_1567, %dma_wait3A_1572] : memref<262144x128xf32, #tpu.memory_space<hbm>> -> memref<1x128xf32, #tpu.memory_space<hbm>>
              %dma_wait3A_1574 = arith.constant 0 : i32
              %dma_wait3A_1575 = tpu.memref_slice %arg5[%add3A_1567, %dma_wait3A_1574] : memref<262144x128xf32, #tpu.memory_space<hbm>> -> memref<1x128xf32, #tpu.memory_space<hbm>>
              tpu.wait_dma2 semaphore(%run_scoped3A : memref<!tpu.dma_semaphore, #tpu.memory_space<semaphore_mem>>) src(%arg26 : memref<1x128xf32, #tpu.memory_space<vmem>>) dst(%dma_wait3A_1575 : memref<1x128xf32, #tpu.memory_space<hbm>>)
              tpu.yield
            }) : () -> ()
          } else {
          }
          %slice3A_1498 = vector.extract_strided_slice %get3A_1448 {offsets = [7], sizes = [1], strides = [1]} : vector<16xi32> to vector<1xi32>
          %squeeze3A_1499 = vector.extract %slice3A_1498[0] : i32 from vector<1xi32>
          %eq3A_1500 = arith.constant 0 : i32
          %eq3A_1501 = arith.cmpi eq, %squeeze3A_1499, %eq3A_1500 : i32
          %convert_element_type3A_1502 = arith.extui %eq3A_1501 : i1 to i32
          %cond3A_1503 = arith.constant 0 : i32
          %cond3A_1504 = arith.cmpi ne, %convert_element_type3A_1502, %cond3A_1503 : i32
          scf.if %cond3A_1504 {
            %mul3A_1561 = arith.constant 64 : i32
            %mul3A_1562 = arith.muli %scan3A_1027, %mul3A_1561 : i32
            %add3A_1563 = arith.addi %mul3A_2, %mul3A_1562 : i32
            %add3A_1564 = arith.constant 48 : i32
            %add3A_1565 = arith.addi %add3A_1563, %add3A_1564 : i32
            %add3A_1566 = arith.constant 7 : i32
            %add3A_1567 = arith.addi %add3A_1565, %add3A_1566 : i32
            "tpu.region"() ({
              %run_scoped3A = tpu.sem_alloc : memref<!tpu.dma_semaphore, #tpu.memory_space<semaphore_mem>>
              %dma_start3A_1568 = arith.constant 0 : i32
              %dma_start3A_1569 = tpu.memref_slice %arg5[%add3A_1567, %dma_start3A_1568] : memref<262144x128xf32, #tpu.memory_space<hbm>> -> memref<1x128xf32, #tpu.memory_space<hbm>>
              %dma_start3A_1570 = arith.constant 0 : i32
              %dma_start3A_1571 = tpu.memref_slice %arg5[%add3A_1567, %dma_start3A_1570] : memref<262144x128xf32, #tpu.memory_space<hbm>> -> memref<1x128xf32, #tpu.memory_space<hbm>>
              tpu.enqueue_dma source(%arg26 : memref<1x128xf32, #tpu.memory_space<vmem>>) target(%dma_start3A_1571 : memref<1x128xf32, #tpu.memory_space<hbm>>) target_semaphore(%run_scoped3A : memref<!tpu.dma_semaphore, #tpu.memory_space<semaphore_mem>>)
              %dma_wait3A_1572 = arith.constant 0 : i32
              %dma_wait3A_1573 = tpu.memref_slice %arg5[%add3A_1567, %dma_wait3A_1572] : memref<262144x128xf32, #tpu.memory_space<hbm>> -> memref<1x128xf32, #tpu.memory_space<hbm>>
              %dma_wait3A_1574 = arith.constant 0 : i32
              %dma_wait3A_1575 = tpu.memref_slice %arg5[%add3A_1567, %dma_wait3A_1574] : memref<262144x128xf32, #tpu.memory_space<hbm>> -> memref<1x128xf32, #tpu.memory_space<hbm>>
              tpu.wait_dma2 semaphore(%run_scoped3A : memref<!tpu.dma_semaphore, #tpu.memory_space<semaphore_mem>>) src(%arg26 : memref<1x128xf32, #tpu.memory_space<vmem>>) dst(%dma_wait3A_1575 : memref<1x128xf32, #tpu.memory_space<hbm>>)
              tpu.yield
            }) : () -> ()
          } else {
          }
          %slice3A_1505 = vector.extract_strided_slice %get3A_1448 {offsets = [8], sizes = [1], strides = [1]} : vector<16xi32> to vector<1xi32>
          %squeeze3A_1506 = vector.extract %slice3A_1505[0] : i32 from vector<1xi32>
          %eq3A_1507 = arith.constant 0 : i32
          %eq3A_1508 = arith.cmpi eq, %squeeze3A_1506, %eq3A_1507 : i32
          %convert_element_type3A_1509 = arith.extui %eq3A_1508 : i1 to i32
          %cond3A_1510 = arith.constant 0 : i32
          %cond3A_1511 = arith.cmpi ne, %convert_element_type3A_1509, %cond3A_1510 : i32
          scf.if %cond3A_1511 {
            %mul3A_1561 = arith.constant 64 : i32
            %mul3A_1562 = arith.muli %scan3A_1027, %mul3A_1561 : i32
            %add3A_1563 = arith.addi %mul3A_2, %mul3A_1562 : i32
            %add3A_1564 = arith.constant 48 : i32
            %add3A_1565 = arith.addi %add3A_1563, %add3A_1564 : i32
            %add3A_1566 = arith.constant 8 : i32
            %add3A_1567 = arith.addi %add3A_1565, %add3A_1566 : i32
            "tpu.region"() ({
              %run_scoped3A = tpu.sem_alloc : memref<!tpu.dma_semaphore, #tpu.memory_space<semaphore_mem>>
              %dma_start3A_1568 = arith.constant 0 : i32
              %dma_start3A_1569 = tpu.memref_slice %arg5[%add3A_1567, %dma_start3A_1568] : memref<262144x128xf32, #tpu.memory_space<hbm>> -> memref<1x128xf32, #tpu.memory_space<hbm>>
              %dma_start3A_1570 = arith.constant 0 : i32
              %dma_start3A_1571 = tpu.memref_slice %arg5[%add3A_1567, %dma_start3A_1570] : memref<262144x128xf32, #tpu.memory_space<hbm>> -> memref<1x128xf32, #tpu.memory_space<hbm>>
              tpu.enqueue_dma source(%arg26 : memref<1x128xf32, #tpu.memory_space<vmem>>) target(%dma_start3A_1571 : memref<1x128xf32, #tpu.memory_space<hbm>>) target_semaphore(%run_scoped3A : memref<!tpu.dma_semaphore, #tpu.memory_space<semaphore_mem>>)
              %dma_wait3A_1572 = arith.constant 0 : i32
              %dma_wait3A_1573 = tpu.memref_slice %arg5[%add3A_1567, %dma_wait3A_1572] : memref<262144x128xf32, #tpu.memory_space<hbm>> -> memref<1x128xf32, #tpu.memory_space<hbm>>
              %dma_wait3A_1574 = arith.constant 0 : i32
              %dma_wait3A_1575 = tpu.memref_slice %arg5[%add3A_1567, %dma_wait3A_1574] : memref<262144x128xf32, #tpu.memory_space<hbm>> -> memref<1x128xf32, #tpu.memory_space<hbm>>
              tpu.wait_dma2 semaphore(%run_scoped3A : memref<!tpu.dma_semaphore, #tpu.memory_space<semaphore_mem>>) src(%arg26 : memref<1x128xf32, #tpu.memory_space<vmem>>) dst(%dma_wait3A_1575 : memref<1x128xf32, #tpu.memory_space<hbm>>)
              tpu.yield
            }) : () -> ()
          } else {
          }
          %slice3A_1512 = vector.extract_strided_slice %get3A_1448 {offsets = [9], sizes = [1], strides = [1]} : vector<16xi32> to vector<1xi32>
          %squeeze3A_1513 = vector.extract %slice3A_1512[0] : i32 from vector<1xi32>
          %eq3A_1514 = arith.constant 0 : i32
          %eq3A_1515 = arith.cmpi eq, %squeeze3A_1513, %eq3A_1514 : i32
          %convert_element_type3A_1516 = arith.extui %eq3A_1515 : i1 to i32
          %cond3A_1517 = arith.constant 0 : i32
          %cond3A_1518 = arith.cmpi ne, %convert_element_type3A_1516, %cond3A_1517 : i32
          scf.if %cond3A_1518 {
            %mul3A_1561 = arith.constant 64 : i32
            %mul3A_1562 = arith.muli %scan3A_1027, %mul3A_1561 : i32
            %add3A_1563 = arith.addi %mul3A_2, %mul3A_1562 : i32
            %add3A_1564 = arith.constant 48 : i32
            %add3A_1565 = arith.addi %add3A_1563, %add3A_1564 : i32
            %add3A_1566 = arith.constant 9 : i32
            %add3A_1567 = arith.addi %add3A_1565, %add3A_1566 : i32
            "tpu.region"() ({
              %run_scoped3A = tpu.sem_alloc : memref<!tpu.dma_semaphore, #tpu.memory_space<semaphore_mem>>
              %dma_start3A_1568 = arith.constant 0 : i32
              %dma_start3A_1569 = tpu.memref_slice %arg5[%add3A_1567, %dma_start3A_1568] : memref<262144x128xf32, #tpu.memory_space<hbm>> -> memref<1x128xf32, #tpu.memory_space<hbm>>
              %dma_start3A_1570 = arith.constant 0 : i32
              %dma_start3A_1571 = tpu.memref_slice %arg5[%add3A_1567, %dma_start3A_1570] : memref<262144x128xf32, #tpu.memory_space<hbm>> -> memref<1x128xf32, #tpu.memory_space<hbm>>
              tpu.enqueue_dma source(%arg26 : memref<1x128xf32, #tpu.memory_space<vmem>>) target(%dma_start3A_1571 : memref<1x128xf32, #tpu.memory_space<hbm>>) target_semaphore(%run_scoped3A : memref<!tpu.dma_semaphore, #tpu.memory_space<semaphore_mem>>)
              %dma_wait3A_1572 = arith.constant 0 : i32
              %dma_wait3A_1573 = tpu.memref_slice %arg5[%add3A_1567, %dma_wait3A_1572] : memref<262144x128xf32, #tpu.memory_space<hbm>> -> memref<1x128xf32, #tpu.memory_space<hbm>>
              %dma_wait3A_1574 = arith.constant 0 : i32
              %dma_wait3A_1575 = tpu.memref_slice %arg5[%add3A_1567, %dma_wait3A_1574] : memref<262144x128xf32, #tpu.memory_space<hbm>> -> memref<1x128xf32, #tpu.memory_space<hbm>>
              tpu.wait_dma2 semaphore(%run_scoped3A : memref<!tpu.dma_semaphore, #tpu.memory_space<semaphore_mem>>) src(%arg26 : memref<1x128xf32, #tpu.memory_space<vmem>>) dst(%dma_wait3A_1575 : memref<1x128xf32, #tpu.memory_space<hbm>>)
              tpu.yield
            }) : () -> ()
          } else {
          }
          %slice3A_1519 = vector.extract_strided_slice %get3A_1448 {offsets = [10], sizes = [1], strides = [1]} : vector<16xi32> to vector<1xi32>
          %squeeze3A_1520 = vector.extract %slice3A_1519[0] : i32 from vector<1xi32>
          %eq3A_1521 = arith.constant 0 : i32
          %eq3A_1522 = arith.cmpi eq, %squeeze3A_1520, %eq3A_1521 : i32
          %convert_element_type3A_1523 = arith.extui %eq3A_1522 : i1 to i32
          %cond3A_1524 = arith.constant 0 : i32
          %cond3A_1525 = arith.cmpi ne, %convert_element_type3A_1523, %cond3A_1524 : i32
          scf.if %cond3A_1525 {
            %mul3A_1561 = arith.constant 64 : i32
            %mul3A_1562 = arith.muli %scan3A_1027, %mul3A_1561 : i32
            %add3A_1563 = arith.addi %mul3A_2, %mul3A_1562 : i32
            %add3A_1564 = arith.constant 48 : i32
            %add3A_1565 = arith.addi %add3A_1563, %add3A_1564 : i32
            %add3A_1566 = arith.constant 10 : i32
            %add3A_1567 = arith.addi %add3A_1565, %add3A_1566 : i32
            "tpu.region"() ({
              %run_scoped3A = tpu.sem_alloc : memref<!tpu.dma_semaphore, #tpu.memory_space<semaphore_mem>>
              %dma_start3A_1568 = arith.constant 0 : i32
              %dma_start3A_1569 = tpu.memref_slice %arg5[%add3A_1567, %dma_start3A_1568] : memref<262144x128xf32, #tpu.memory_space<hbm>> -> memref<1x128xf32, #tpu.memory_space<hbm>>
              %dma_start3A_1570 = arith.constant 0 : i32
              %dma_start3A_1571 = tpu.memref_slice %arg5[%add3A_1567, %dma_start3A_1570] : memref<262144x128xf32, #tpu.memory_space<hbm>> -> memref<1x128xf32, #tpu.memory_space<hbm>>
              tpu.enqueue_dma source(%arg26 : memref<1x128xf32, #tpu.memory_space<vmem>>) target(%dma_start3A_1571 : memref<1x128xf32, #tpu.memory_space<hbm>>) target_semaphore(%run_scoped3A : memref<!tpu.dma_semaphore, #tpu.memory_space<semaphore_mem>>)
              %dma_wait3A_1572 = arith.constant 0 : i32
              %dma_wait3A_1573 = tpu.memref_slice %arg5[%add3A_1567, %dma_wait3A_1572] : memref<262144x128xf32, #tpu.memory_space<hbm>> -> memref<1x128xf32, #tpu.memory_space<hbm>>
              %dma_wait3A_1574 = arith.constant 0 : i32
              %dma_wait3A_1575 = tpu.memref_slice %arg5[%add3A_1567, %dma_wait3A_1574] : memref<262144x128xf32, #tpu.memory_space<hbm>> -> memref<1x128xf32, #tpu.memory_space<hbm>>
              tpu.wait_dma2 semaphore(%run_scoped3A : memref<!tpu.dma_semaphore, #tpu.memory_space<semaphore_mem>>) src(%arg26 : memref<1x128xf32, #tpu.memory_space<vmem>>) dst(%dma_wait3A_1575 : memref<1x128xf32, #tpu.memory_space<hbm>>)
              tpu.yield
            }) : () -> ()
          } else {
          }
          %slice3A_1526 = vector.extract_strided_slice %get3A_1448 {offsets = [11], sizes = [1], strides = [1]} : vector<16xi32> to vector<1xi32>
          %squeeze3A_1527 = vector.extract %slice3A_1526[0] : i32 from vector<1xi32>
          %eq3A_1528 = arith.constant 0 : i32
          %eq3A_1529 = arith.cmpi eq, %squeeze3A_1527, %eq3A_1528 : i32
          %convert_element_type3A_1530 = arith.extui %eq3A_1529 : i1 to i32
          %cond3A_1531 = arith.constant 0 : i32
          %cond3A_1532 = arith.cmpi ne, %convert_element_type3A_1530, %cond3A_1531 : i32
          scf.if %cond3A_1532 {
            %mul3A_1561 = arith.constant 64 : i32
            %mul3A_1562 = arith.muli %scan3A_1027, %mul3A_1561 : i32
            %add3A_1563 = arith.addi %mul3A_2, %mul3A_1562 : i32
            %add3A_1564 = arith.constant 48 : i32
            %add3A_1565 = arith.addi %add3A_1563, %add3A_1564 : i32
            %add3A_1566 = arith.constant 11 : i32
            %add3A_1567 = arith.addi %add3A_1565, %add3A_1566 : i32
            "tpu.region"() ({
              %run_scoped3A = tpu.sem_alloc : memref<!tpu.dma_semaphore, #tpu.memory_space<semaphore_mem>>
              %dma_start3A_1568 = arith.constant 0 : i32
              %dma_start3A_1569 = tpu.memref_slice %arg5[%add3A_1567, %dma_start3A_1568] : memref<262144x128xf32, #tpu.memory_space<hbm>> -> memref<1x128xf32, #tpu.memory_space<hbm>>
              %dma_start3A_1570 = arith.constant 0 : i32
              %dma_start3A_1571 = tpu.memref_slice %arg5[%add3A_1567, %dma_start3A_1570] : memref<262144x128xf32, #tpu.memory_space<hbm>> -> memref<1x128xf32, #tpu.memory_space<hbm>>
              tpu.enqueue_dma source(%arg26 : memref<1x128xf32, #tpu.memory_space<vmem>>) target(%dma_start3A_1571 : memref<1x128xf32, #tpu.memory_space<hbm>>) target_semaphore(%run_scoped3A : memref<!tpu.dma_semaphore, #tpu.memory_space<semaphore_mem>>)
              %dma_wait3A_1572 = arith.constant 0 : i32
              %dma_wait3A_1573 = tpu.memref_slice %arg5[%add3A_1567, %dma_wait3A_1572] : memref<262144x128xf32, #tpu.memory_space<hbm>> -> memref<1x128xf32, #tpu.memory_space<hbm>>
              %dma_wait3A_1574 = arith.constant 0 : i32
              %dma_wait3A_1575 = tpu.memref_slice %arg5[%add3A_1567, %dma_wait3A_1574] : memref<262144x128xf32, #tpu.memory_space<hbm>> -> memref<1x128xf32, #tpu.memory_space<hbm>>
              tpu.wait_dma2 semaphore(%run_scoped3A : memref<!tpu.dma_semaphore, #tpu.memory_space<semaphore_mem>>) src(%arg26 : memref<1x128xf32, #tpu.memory_space<vmem>>) dst(%dma_wait3A_1575 : memref<1x128xf32, #tpu.memory_space<hbm>>)
              tpu.yield
            }) : () -> ()
          } else {
          }
          %slice3A_1533 = vector.extract_strided_slice %get3A_1448 {offsets = [12], sizes = [1], strides = [1]} : vector<16xi32> to vector<1xi32>
          %squeeze3A_1534 = vector.extract %slice3A_1533[0] : i32 from vector<1xi32>
          %eq3A_1535 = arith.constant 0 : i32
          %eq3A_1536 = arith.cmpi eq, %squeeze3A_1534, %eq3A_1535 : i32
          %convert_element_type3A_1537 = arith.extui %eq3A_1536 : i1 to i32
          %cond3A_1538 = arith.constant 0 : i32
          %cond3A_1539 = arith.cmpi ne, %convert_element_type3A_1537, %cond3A_1538 : i32
          scf.if %cond3A_1539 {
            %mul3A_1561 = arith.constant 64 : i32
            %mul3A_1562 = arith.muli %scan3A_1027, %mul3A_1561 : i32
            %add3A_1563 = arith.addi %mul3A_2, %mul3A_1562 : i32
            %add3A_1564 = arith.constant 48 : i32
            %add3A_1565 = arith.addi %add3A_1563, %add3A_1564 : i32
            %add3A_1566 = arith.constant 12 : i32
            %add3A_1567 = arith.addi %add3A_1565, %add3A_1566 : i32
            "tpu.region"() ({
              %run_scoped3A = tpu.sem_alloc : memref<!tpu.dma_semaphore, #tpu.memory_space<semaphore_mem>>
              %dma_start3A_1568 = arith.constant 0 : i32
              %dma_start3A_1569 = tpu.memref_slice %arg5[%add3A_1567, %dma_start3A_1568] : memref<262144x128xf32, #tpu.memory_space<hbm>> -> memref<1x128xf32, #tpu.memory_space<hbm>>
              %dma_start3A_1570 = arith.constant 0 : i32
              %dma_start3A_1571 = tpu.memref_slice %arg5[%add3A_1567, %dma_start3A_1570] : memref<262144x128xf32, #tpu.memory_space<hbm>> -> memref<1x128xf32, #tpu.memory_space<hbm>>
              tpu.enqueue_dma source(%arg26 : memref<1x128xf32, #tpu.memory_space<vmem>>) target(%dma_start3A_1571 : memref<1x128xf32, #tpu.memory_space<hbm>>) target_semaphore(%run_scoped3A : memref<!tpu.dma_semaphore, #tpu.memory_space<semaphore_mem>>)
              %dma_wait3A_1572 = arith.constant 0 : i32
              %dma_wait3A_1573 = tpu.memref_slice %arg5[%add3A_1567, %dma_wait3A_1572] : memref<262144x128xf32, #tpu.memory_space<hbm>> -> memref<1x128xf32, #tpu.memory_space<hbm>>
              %dma_wait3A_1574 = arith.constant 0 : i32
              %dma_wait3A_1575 = tpu.memref_slice %arg5[%add3A_1567, %dma_wait3A_1574] : memref<262144x128xf32, #tpu.memory_space<hbm>> -> memref<1x128xf32, #tpu.memory_space<hbm>>
              tpu.wait_dma2 semaphore(%run_scoped3A : memref<!tpu.dma_semaphore, #tpu.memory_space<semaphore_mem>>) src(%arg26 : memref<1x128xf32, #tpu.memory_space<vmem>>) dst(%dma_wait3A_1575 : memref<1x128xf32, #tpu.memory_space<hbm>>)
              tpu.yield
            }) : () -> ()
          } else {
          }
          %slice3A_1540 = vector.extract_strided_slice %get3A_1448 {offsets = [13], sizes = [1], strides = [1]} : vector<16xi32> to vector<1xi32>
          %squeeze3A_1541 = vector.extract %slice3A_1540[0] : i32 from vector<1xi32>
          %eq3A_1542 = arith.constant 0 : i32
          %eq3A_1543 = arith.cmpi eq, %squeeze3A_1541, %eq3A_1542 : i32
          %convert_element_type3A_1544 = arith.extui %eq3A_1543 : i1 to i32
          %cond3A_1545 = arith.constant 0 : i32
          %cond3A_1546 = arith.cmpi ne, %convert_element_type3A_1544, %cond3A_1545 : i32
          scf.if %cond3A_1546 {
            %mul3A_1561 = arith.constant 64 : i32
            %mul3A_1562 = arith.muli %scan3A_1027, %mul3A_1561 : i32
            %add3A_1563 = arith.addi %mul3A_2, %mul3A_1562 : i32
            %add3A_1564 = arith.constant 48 : i32
            %add3A_1565 = arith.addi %add3A_1563, %add3A_1564 : i32
            %add3A_1566 = arith.constant 13 : i32
            %add3A_1567 = arith.addi %add3A_1565, %add3A_1566 : i32
            "tpu.region"() ({
              %run_scoped3A = tpu.sem_alloc : memref<!tpu.dma_semaphore, #tpu.memory_space<semaphore_mem>>
              %dma_start3A_1568 = arith.constant 0 : i32
              %dma_start3A_1569 = tpu.memref_slice %arg5[%add3A_1567, %dma_start3A_1568] : memref<262144x128xf32, #tpu.memory_space<hbm>> -> memref<1x128xf32, #tpu.memory_space<hbm>>
              %dma_start3A_1570 = arith.constant 0 : i32
              %dma_start3A_1571 = tpu.memref_slice %arg5[%add3A_1567, %dma_start3A_1570] : memref<262144x128xf32, #tpu.memory_space<hbm>> -> memref<1x128xf32, #tpu.memory_space<hbm>>
              tpu.enqueue_dma source(%arg26 : memref<1x128xf32, #tpu.memory_space<vmem>>) target(%dma_start3A_1571 : memref<1x128xf32, #tpu.memory_space<hbm>>) target_semaphore(%run_scoped3A : memref<!tpu.dma_semaphore, #tpu.memory_space<semaphore_mem>>)
              %dma_wait3A_1572 = arith.constant 0 : i32
              %dma_wait3A_1573 = tpu.memref_slice %arg5[%add3A_1567, %dma_wait3A_1572] : memref<262144x128xf32, #tpu.memory_space<hbm>> -> memref<1x128xf32, #tpu.memory_space<hbm>>
              %dma_wait3A_1574 = arith.constant 0 : i32
              %dma_wait3A_1575 = tpu.memref_slice %arg5[%add3A_1567, %dma_wait3A_1574] : memref<262144x128xf32, #tpu.memory_space<hbm>> -> memref<1x128xf32, #tpu.memory_space<hbm>>
              tpu.wait_dma2 semaphore(%run_scoped3A : memref<!tpu.dma_semaphore, #tpu.memory_space<semaphore_mem>>) src(%arg26 : memref<1x128xf32, #tpu.memory_space<vmem>>) dst(%dma_wait3A_1575 : memref<1x128xf32, #tpu.memory_space<hbm>>)
              tpu.yield
            }) : () -> ()
          } else {
          }
          %slice3A_1547 = vector.extract_strided_slice %get3A_1448 {offsets = [14], sizes = [1], strides = [1]} : vector<16xi32> to vector<1xi32>
          %squeeze3A_1548 = vector.extract %slice3A_1547[0] : i32 from vector<1xi32>
          %eq3A_1549 = arith.constant 0 : i32
          %eq3A_1550 = arith.cmpi eq, %squeeze3A_1548, %eq3A_1549 : i32
          %convert_element_type3A_1551 = arith.extui %eq3A_1550 : i1 to i32
          %cond3A_1552 = arith.constant 0 : i32
          %cond3A_1553 = arith.cmpi ne, %convert_element_type3A_1551, %cond3A_1552 : i32
          scf.if %cond3A_1553 {
            %mul3A_1561 = arith.constant 64 : i32
            %mul3A_1562 = arith.muli %scan3A_1027, %mul3A_1561 : i32
            %add3A_1563 = arith.addi %mul3A_2, %mul3A_1562 : i32
            %add3A_1564 = arith.constant 48 : i32
            %add3A_1565 = arith.addi %add3A_1563, %add3A_1564 : i32
            %add3A_1566 = arith.constant 14 : i32
            %add3A_1567 = arith.addi %add3A_1565, %add3A_1566 : i32
            "tpu.region"() ({
              %run_scoped3A = tpu.sem_alloc : memref<!tpu.dma_semaphore, #tpu.memory_space<semaphore_mem>>
              %dma_start3A_1568 = arith.constant 0 : i32
              %dma_start3A_1569 = tpu.memref_slice %arg5[%add3A_1567, %dma_start3A_1568] : memref<262144x128xf32, #tpu.memory_space<hbm>> -> memref<1x128xf32, #tpu.memory_space<hbm>>
              %dma_start3A_1570 = arith.constant 0 : i32
              %dma_start3A_1571 = tpu.memref_slice %arg5[%add3A_1567, %dma_start3A_1570] : memref<262144x128xf32, #tpu.memory_space<hbm>> -> memref<1x128xf32, #tpu.memory_space<hbm>>
              tpu.enqueue_dma source(%arg26 : memref<1x128xf32, #tpu.memory_space<vmem>>) target(%dma_start3A_1571 : memref<1x128xf32, #tpu.memory_space<hbm>>) target_semaphore(%run_scoped3A : memref<!tpu.dma_semaphore, #tpu.memory_space<semaphore_mem>>)
              %dma_wait3A_1572 = arith.constant 0 : i32
              %dma_wait3A_1573 = tpu.memref_slice %arg5[%add3A_1567, %dma_wait3A_1572] : memref<262144x128xf32, #tpu.memory_space<hbm>> -> memref<1x128xf32, #tpu.memory_space<hbm>>
              %dma_wait3A_1574 = arith.constant 0 : i32
              %dma_wait3A_1575 = tpu.memref_slice %arg5[%add3A_1567, %dma_wait3A_1574] : memref<262144x128xf32, #tpu.memory_space<hbm>> -> memref<1x128xf32, #tpu.memory_space<hbm>>
              tpu.wait_dma2 semaphore(%run_scoped3A : memref<!tpu.dma_semaphore, #tpu.memory_space<semaphore_mem>>) src(%arg26 : memref<1x128xf32, #tpu.memory_space<vmem>>) dst(%dma_wait3A_1575 : memref<1x128xf32, #tpu.memory_space<hbm>>)
              tpu.yield
            }) : () -> ()
          } else {
          }
          %slice3A_1554 = vector.extract_strided_slice %get3A_1448 {offsets = [15], sizes = [1], strides = [1]} : vector<16xi32> to vector<1xi32>
          %squeeze3A_1555 = vector.extract %slice3A_1554[0] : i32 from vector<1xi32>
          %eq3A_1556 = arith.constant 0 : i32
          %eq3A_1557 = arith.cmpi eq, %squeeze3A_1555, %eq3A_1556 : i32
          %convert_element_type3A_1558 = arith.extui %eq3A_1557 : i1 to i32
          %cond3A_1559 = arith.constant 0 : i32
          %cond3A_1560 = arith.cmpi ne, %convert_element_type3A_1558, %cond3A_1559 : i32
          scf.if %cond3A_1560 {
            %mul3A_1561 = arith.constant 64 : i32
            %mul3A_1562 = arith.muli %scan3A_1027, %mul3A_1561 : i32
            %add3A_1563 = arith.addi %mul3A_2, %mul3A_1562 : i32
            %add3A_1564 = arith.constant 48 : i32
            %add3A_1565 = arith.addi %add3A_1563, %add3A_1564 : i32
            %add3A_1566 = arith.constant 15 : i32
            %add3A_1567 = arith.addi %add3A_1565, %add3A_1566 : i32
            "tpu.region"() ({
              %run_scoped3A = tpu.sem_alloc : memref<!tpu.dma_semaphore, #tpu.memory_space<semaphore_mem>>
              %dma_start3A_1568 = arith.constant 0 : i32
              %dma_start3A_1569 = tpu.memref_slice %arg5[%add3A_1567, %dma_start3A_1568] : memref<262144x128xf32, #tpu.memory_space<hbm>> -> memref<1x128xf32, #tpu.memory_space<hbm>>
              %dma_start3A_1570 = arith.constant 0 : i32
              %dma_start3A_1571 = tpu.memref_slice %arg5[%add3A_1567, %dma_start3A_1570] : memref<262144x128xf32, #tpu.memory_space<hbm>> -> memref<1x128xf32, #tpu.memory_space<hbm>>
              tpu.enqueue_dma source(%arg26 : memref<1x128xf32, #tpu.memory_space<vmem>>) target(%dma_start3A_1571 : memref<1x128xf32, #tpu.memory_space<hbm>>) target_semaphore(%run_scoped3A : memref<!tpu.dma_semaphore, #tpu.memory_space<semaphore_mem>>)
              %dma_wait3A_1572 = arith.constant 0 : i32
              %dma_wait3A_1573 = tpu.memref_slice %arg5[%add3A_1567, %dma_wait3A_1572] : memref<262144x128xf32, #tpu.memory_space<hbm>> -> memref<1x128xf32, #tpu.memory_space<hbm>>
              %dma_wait3A_1574 = arith.constant 0 : i32
              %dma_wait3A_1575 = tpu.memref_slice %arg5[%add3A_1567, %dma_wait3A_1574] : memref<262144x128xf32, #tpu.memory_space<hbm>> -> memref<1x128xf32, #tpu.memory_space<hbm>>
              tpu.wait_dma2 semaphore(%run_scoped3A : memref<!tpu.dma_semaphore, #tpu.memory_space<semaphore_mem>>) src(%arg26 : memref<1x128xf32, #tpu.memory_space<vmem>>) dst(%dma_wait3A_1575 : memref<1x128xf32, #tpu.memory_space<hbm>>)
              tpu.yield
            }) : () -> ()
          } else {
          }
        } else {
        }
      }
      %scan3A_1026 = arith.constant 128 : i32
    } else {
    }
    return
  }
}

</mosaic_0001>

<sc_bundles>
// kernel: kernel.3.cloned.1.call-start
scs
__scs_entry_jumppad:
0x0: {  	(pc) =	sbr.rel $0x88, $3  }
0x1: {  	(tag) =	ssettag $0x0;
	lr =	simm.s32 $0x1  }
0x2: {  	[smem:$0x3F9E] =	sst lr;
	_ =	strace $0xD0000000  }
0x3: {  	_ = 	snop  }
0x4: {  	_ = 	snop  }
0x5: {  	_ = 	snop  }
0x6: {  	_ = 	snop  }
0x7: {  	_ = 	snop  }
__scs_overlays_trampoline_lowered:
0x8: {  	[smem:$0x3FAD] =	sst s0  }
0x9: {  	[smem:$0x3FAE] =	sst s1  }
0xa: {  	[smem:$0x3FAF] =	sst s2  }
0xb: {  	[smem:$0x3FB0] =	sst s3  }
0xc: {  	[smem:$0x3FB1] =	sst s4  }
0xd: {  	[smem:$0x3FB2] =	sst s5  }
0xe: {  	[smem:$0x3FB3] =	sst s6  }
0xf: {  	[smem:$0x3FB4] =	sst s7  }
0x10: {  	[smem:$0x3FB5] =	sst s8  }
0x11: {  	[smem:$0x3FB6] =	sst s9;
	s0 =	simm.s32 @!p0 $0x0  }
0x12: {  	s1 =	sld [smem:$0x3F9C];
	s0 =	simm.s32 @p0 $0x1  }
0x13: {  	[smem:$0x3FB7] =	sst s0;
	s0 =	simm.s32 @!p1 $0x0  }
0x14: {  	s2 =	sld [smem:$0x3F9B];
	s0 =	simm.s32 @p1 $0x1  }
0x15: {  	[smem:$0x3FB8] =	sst s0;
	s0 =	simm.s32 @!p2 $0x0  }
0x16: {  	s3 =	sld [smem:$0x3FDB];
	s0 =	simm.s32 @p2 $0x1  }
0x17: {  	s4 =	simm.s32 $0x1BF5;
	[smem:$0x3FBA] =	sst s0  }
0x18: {  	s0 =	sld [smem:$0x3F9D];
	_ =	swait.ge [sflag:s4], $0x0  }
0x19: {  	s7 =	sld [smem:$0x3F9E]  }
0x1a: {  	s8 =	sadd.s32 $0xFFFFE003, lr  }
0x1b: {  	s9 =	sadd.s32 $0xFFFFFEF7, lr;
	s5 =	simm.s32 $0xFFFFFFFF;
	p2 =	slt.u32 s8, $0xFFFFF086  }
0x1c: {  	p1 =	slt.u32 s9, $0xF7A;
	s5 =	simm.s32 @!p2 $0x0  }
0x1d: {  	s5 =	simm.s32 @p1 $0x1;
	p0 =	seq.s32 s7, s2  }
0x1e: {  	s7 =	smul.u32 @!p0 $0xF7A, s2;
	p2 =	seq.s32 @!p0 s5, $0x0  }
0x1f: {  	s9 =	smul.u32 $0xF7A, s1;
	s8 =	simm.s32 @!p0 $0x1BF5;
	p2 =	por !p2, p0  }
0x20: {  	[sflag:s8] =	ssyncset.s32 @!p0 $0xFFFFF086;
	s6 =	sadd.s32 @!p0 s3, s7;
	s7 =	simm.s32 @!p0 $0x108  }
0x21: {  	s3 =	sadd.s32 s3, s9;
	s6 =	sadd.s32 @!p0 $0x88, s6;
	s7 =	simm.s32 @p2 $0x1082  }
0x22: {  	[simem:s7], [sflag:s8] =	dma.local @!p0 [hbm:s6], $0xF7A  }
0x23: {  	s9 =	sor.u32 $0xD0000000, s2;
	s6 =	simm.s32 $0x108;
	_ =	swait.ge @!p0 [sflag:s8], $0x0  }
0x24: {  	s3 =	sadd.s32 $0x88, s3;
	s6 =	simm.s32 @!p1 $0x1082;
	[sflag:s4] =	ssyncset.s32 $0xFFFFF086  }
0x25: {  	[simem:s6], [sflag:s4] =	dma.local [hbm:s3], $0xF7A  }
0x26: {  	[smem:$0x3F9E] =	sst s1;
	(tag) =	ssettag s2;
	_ =	strace s9  }
0x27: {  	s1 =	sld [smem:$0x3FAE]  }
0x28: {  	s2 =	sld [smem:$0x3FAF]  }
0x29: {  	s4 =	sld [smem:$0x3FB1]  }
0x2a: {  	p0 =	seq.s32 s5, $0x0;
	s5 =	sld [smem:$0x3FB2]  }
0x2b: {  	s6 =	sld [smem:$0x3FB3]  }
0x2c: {  	s7 =	sld [smem:$0x3FB4]  }
0x2d: {  	s3 =	simm.s32 $0x108;
	s8 =	sld [smem:$0x3FB5]  }
0x2e: {  	s3 =	simm.s32 @!p0 $0x1082;
	s9 =	sld [smem:$0x3FB6]  }
0x2f: {  	lr =	sadd.s32 s0, s3;
	s0 =	sld [smem:$0x3FAD]  }
0x30: {  	s3 =	sld [smem:$0x3FB0]  }
0x31: {  	[smem:$0x3FB9] =	sst s10  }
0x32: {  	s10 =	sld [smem:$0x3FB7];
	_ =	sdelay $0x3  }
0x33: {  	p0 =	seq.s32 s10, $0x1;
	s10 =	sld [smem:$0x3FB9];
	_ =	sdelay $0x3  }
0x34: {  	[smem:$0x3FB9] =	sst s10  }
0x35: {  	s10 =	sld [smem:$0x3FB8];
	_ =	sdelay $0x3  }
0x36: {  	p1 =	seq.s32 s10, $0x1;
	s10 =	sld [smem:$0x3FB9];
	_ =	sdelay $0x3  }
0x37: {  	[smem:$0x3FB9] =	sst s10  }
0x38: {  	s10 =	sld [smem:$0x3FBA]  }
0x39: {  	_ = 	snop;
	(pc) =	sbr.ind lr, $3  }
0x3a: {  	_ = 	snop  }
0x3b: {  	_ = 	snop  }
0x3c: {  	p2 =	seq.s32 s10, $0x1;
	s10 =	sld [smem:$0x3FB9]  }
0x3d: {  	_ =	shalt  }
0x3e: {  	_ =	shalt  }
0x3f: {  	_ =	shalt  }
0x40: {  	_ =	shalt  }
0x41: {  	_ =	shalt  }
0x42: {  	_ =	shalt  }
0x43: {  	_ =	shalt  }
0x44: {  	_ =	shalt  }
0x45: {  	_ =	shalt  }
0x46: {  	_ =	shalt  }
0x47: {  	_ =	shalt  }
0x48: {  	_ =	shalt  }
0x49: {  	_ =	shalt  }
0x4a: {  	_ =	shalt  }
0x4b: {  	_ =	shalt  }
0x4c: {  	_ =	shalt  }
0x4d: {  	_ =	shalt  }
0x4e: {  	_ =	shalt  }
0x4f: {  	_ =	shalt  }
0x50: {  	_ =	shalt  }
0x51: {  	_ =	shalt  }
0x52: {  	_ =	shalt  }
0x53: {  	_ =	shalt  }
0x54: {  	_ =	shalt  }
0x55: {  	_ =	shalt  }
0x56: {  	_ =	shalt  }
0x57: {  	_ =	shalt  }
0x58: {  	_ =	shalt  }
0x59: {  	_ =	shalt  }
0x5a: {  	_ =	shalt  }
0x5b: {  	_ =	shalt  }
0x5c: {  	_ =	shalt  }
0x5d: {  	_ =	shalt  }
0x5e: {  	_ =	shalt  }
0x5f: {  	_ =	shalt  }
0x60: {  	_ =	shalt  }
0x61: {  	_ =	shalt  }
0x62: {  	_ =	shalt  }
0x63: {  	_ =	shalt  }
0x64: {  	_ =	shalt  }
0x65: {  	_ =	shalt  }
0x66: {  	_ =	shalt  }
0x67: {  	_ =	shalt  }
0x68: {  	_ =	shalt  }
0x69: {  	_ =	shalt  }
0x6a: {  	_ =	shalt  }
0x6b: {  	_ =	shalt  }
0x6c: {  	_ =	shalt  }
0x6d: {  	_ =	shalt  }
0x6e: {  	_ =	shalt  }
0x6f: {  	_ =	shalt  }
0x70: {  	_ =	shalt  }
0x71: {  	_ =	shalt  }
0x72: {  	_ =	shalt  }
0x73: {  	_ =	shalt  }
0x74: {  	_ =	shalt  }
0x75: {  	_ =	shalt  }
0x76: {  	_ =	shalt  }
0x77: {  	_ =	shalt  }
0x78: {  	_ =	shalt  }
0x79: {  	_ =	shalt  }
0x7a: {  	_ =	shalt  }
0x7b: {  	_ =	shalt  }
0x7c: {  	_ =	shalt  }
0x7d: {  	_ =	shalt  }
0x7e: {  	_ =	shalt  }
0x7f: {  	_ =	shalt  }
0x80: {  	_ =	shalt  }
0x81: {  	_ =	shalt  }
0x82: {  	_ =	shalt  }
0x83: {  	_ =	shalt  }
0x84: {  	_ =	shalt  }
0x85: {  	_ =	shalt  }
0x86: {  	_ =	shalt  }
0x87: {  	_ =	shalt  }
.Lfunc_end0:
.L_simem_size_0:
called_computation_lowered:
.L_overlay_start_0:
0x88: {  	s2 =	sld [smem:$0x3FD9]  }
0x89: {  	s3 =	sld [smem:$0x3FFE];
	_ =	sdelay $0x1  }
0x8a: {  	s1 =	srdreg.scid  }
0x8b: {  	s0 =	sand.u32 $0x1, s1  }
0x8c: {  	s14 =	sshll.u32 s0, $0xA;
	s2 =	sadd.s32 s3, s2  }
0x8d: {  	s2 =	sadd.s32 s2, s14  }
0x8e: {  	[smem:$0x3FC5] =	sst s2  }
0x8f: {  	_ = 	snop  }
0x90: {  	s2 =	sld [smem:$0x3FD0];
	_ =	sdelay $0x2  }
0x91: {  	s4 =	simm.s32 $0xA;
	s5 =	simm.s32 $0x10;
	s15 =	sld [smem:$0x3FC8]  }
0x92: {  	[smem:s5], [sflag:s4] =	dma.local [hbm:s2], $0x1  }
0x93: {  	_ =	swait.eq [sflag:s4], $0x1  }
0x94: {  	[sflag:s4] =	ssyncset.done $0x0  }
0x95: {  	s16 =	sld [smem:$0x10];
	[sflag:s4] =	ssyncadd.s32 $0xFFFFFFFF  }
0x96: {  	s17 =	sld [smem:$0x11];
	(tm) =	ssettm $0x1  }
0x97: {  	s18 =	sld [smem:$0x3FFB];
	_ =	sdelay $0x3  }
0x98: {  	_ =	strace s18  }
0x99: {  	s5 =	sld [smem:$0x3FFC];
	_ =	sdelay $0x3  }
0x9a: {  	_ =	strace s5  }
0x9b: {  	s5 =	sld [smem:$0x3FFD];
	_ =	sdelay $0x3  }
0x9c: {  	_ =	strace s5  }
0x9d: {  	_ =	strace $0x8FFFFFFF  }
0x9e: {  	s19 =	sld [smem:$0x3FDB];
	_ =	sdelay $0x1  }
0x9f: {  	s6 =	simm.s32 $_scs_section_size  }
0xa0: {  	s7 =	simm.s32 $_size__tile_overlayer_lowered;
	s8 =	simm.s32 $_tile_overlayer_lowered  }
0xa1: {  	s22 =	simm.s32 $0x1BFF;
	s21 =	sshll.u32 s8, $0x1;
	s5 =	sadd.s32 s6, s19  }
0xa2: {  	s9 =	simm.s32 $0x0;
	s20 =	sshll.u32 s7, $0x1;
	s7 =	sadd.s32 s21, s5  }
0xa3: {  	[timem:s9], [sflag:s22] =	dma.local [hbm:s7], s20  }
0xa4: {  	_ =	swait.ge [sflag:s22], s20  }
0xa5: {  	s6 =	ssub.s32 $0x0, s20;
	[sflag:s22] =	ssyncset.done $0x0  }
0xa6: {  	[sflag:s22] =	ssyncadd.s32 s6;
	_ =	sdelay $0x1  }
0xa7: {  	s23 =	simm.s32 $0x1B8B  }
0xa8: {  	_ =	swait.ge [sflag:s23], $0x1  }
0xa9: {  	[sflag:s23] =	ssyncset.done $0x0  }
0xaa: {  	s25 =	simm.s32 $0x1B8E;
	s24 =	sld [smem:$0x3FFE];
	[sflag:s23] =	ssyncadd.s32 $0xFFFFFFFF  }
0xab: {  	s26 =	simm.s32 $execute0_lowered;
	[smem:$0x3FD2] =	sst s25  }
0xac: {  	s7 =	sshll.u32 s26, $0x1;
	_ =	strace $0x80000046;
	[dreg:$0x1] =	wrdreg $0xFFFFFFFF  }
0xad: {  	s28 =	simm.s32 $_size_execute0_lowered;
	s5 =	sadd.s32 s5, s7;
	[dreg:$0x0] =	wrdreg $0x0  }
0xae: {  	s7 =	sshll.u32 s28, $0x1;
	[dreg:$0x2] =	wrdreg s5  }
0xaf: {  	[dreg:$0x3] =	wrdreg s7  }
0xb0: {  	[dreg:$0x4] =	wrdreg $0xC0  }
0xb1: {  	_ =	task [dreg:s9], $0x5FFFF  }
0xb2: {  	[dreg:$0x1] =	wrdreg $0xFFFFFFFF  }
0xb3: {  	[dreg:$0x0] =	wrdreg $0x60  }
0xb4: {  	[dreg:$0x2] =	wrdreg s17  }
0xb5: {  	[dreg:$0x3] =	wrdreg s15  }
0xb6: {  	[dreg:$0x4] =	wrdreg s24  }
0xb7: {  	[dreg:$0x5] =	wrdreg s16  }
0xb8: {  	[dreg:$0x6] =	wrdreg $0x9  }
0xb9: {  	_ =	task.clear_ibuf [dreg:s9], $0x7FFFF;
	_ =	strace $0x90000046  }
0xba: {  	s29 =	simm.s32 $0x9;
	_ =	strace $0x80000048  }
0xbb: {  	_ =	swait.ge [sflag:s29], $0x1  }
0xbc: {  	[sflag:s29] =	ssyncadd.s32 $0xFFFFFFFF  }
0xbd: {  	_ =	strace $0x90000048  }
0xbe: {  	_ =	sfence  }
0xbf: {  	s30 =	sld [smem:$0x0];
	_ =	sdelay $0x2  }
0xc0: {  	s31 =	sshll.u32 s1, $0xD;
	s1 =	sshrl.u32 s1, $0x2  }
0xc1: {  	s3 =	sand.u32 $0x4000, s31;
	s1 =	sadd.s32 s1, s30  }
0xc2: {  	s0 =	sor.u32 s3, s0;
	s1 =	sshll.u32 s1, $0x11  }
0xc3: {  	s0 =	sor.u32 s1, s0  }
0xc4: {  	s0 =	sadd.s32 $0x8F2B, s0  }
0xc5: {  	[sflag:s0] =	ssyncadd.remote.s32 $0x1  }
0xc6: {  	_ =	sfence.sel $0xFFFF  }
0xc7: {  	[dreg:$0x0] =	wrdreg $0xFFFFFFFF;
	(pc) =	sbr.abs _section_cstart, $3  }
0xc8: {  	[dreg:$0x1] =	wrdreg $0xFFFFFFFF  }
0xc9: {  	_ =	task.clear_ibuf [dreg:s9], $0x2FFFF;
	_ =	strace $0x9FFFFFFF  }
0xca: {  	(tm) =	ssettm $0x7FFFFFFF  }
0xcb: {  	_ =	shalt  }
tec
execute0_lowered:
.L_overlay_start_1:
0x0: {  	(tag) =	ssettag $0x1  }
0x1: {  	s2 =	rddreg [dreg:$0x0]  }
0x2: {  	s1 =	rddreg [dreg:$0x1]  }
0x3: {  	s5 =	rddreg [dreg:$0x2]  }
0x4: {  	s6 =	rddreg [dreg:$0x3];
	s3 =	simm.s32 $0x0;
	s0 =	srdreg.scid  }
0x5: {  	s13 =	stileid.u32;
	s28 =	simm.s32 $0x40;
	s30 =	simm.s32 $0x9  }
0x6: {  	s31 =	simm.s32 $0x4;
	s29 =	simm.s32 $0x3;
	s7 =	sand.u32 $0x1, s0  }
0x7: {  	[smem:$0x7FF] =	sst s3;
	s4 =	sshll.u32 s13, $0xE;
	s0 =	ssub.s32 $0x2, s7  }
0x8: {  	s8 =	sshll.u32 s7, $0xD;
	_ =	strace $0x80000047;
	s9 =	sshrl.u32 s0, $0x1  }
0x9: {  	s7 =	sshll.u32 s7, $0x11;
	s4 =	sor.u32 s8, s4;
	s0 =	ssub.s32 s0, s9  }
0xa: {  	s8 =	sshll.u32 s4, $0x4;
	s9 =	sor.u32 $0x40, s4;
	s10 =	sor.u32 $0x80, s4  }
0xb: {  	s11 =	sor.u32 $0x1EC0, s4;
	s14 =	sor.u32 $0x1F00, s4;
	s15 =	sor.u32 $0x1F40, s4  }
0xc: {  	s16 =	sor.u32 $0x1F80, s4;
	s12 =	sor.u32 $0x280, s4;
	s26 =	sor.u32 $0x240, s4  }
0xd: {  	s17 =	sor.u32 $0xC0, s4;
	s8 =	sadd.s32 s6, s8;
	s19 =	sshll.u32 s9, $0x4  }
0xe: {  	s20 =	sshll.u32 s10, $0x4;
	s21 =	sshll.u32 s11, $0x4;
	s22 =	sshll.u32 s14, $0x4  }
0xf: {  	s23 =	sshll.u32 s15, $0x4;
	s24 =	sshll.u32 s16, $0x4;
	s25 =	sshrl.u32 s12, $0x3  }
0x10: {  	s12 =	sshrl.u32 s26, $0x3;
	s18 =	sshrl.u32 s17, $0x3;
	[dreg:$0xd] =	wrdreg s8  }
0x11: {  	s17 =	sor.u32 $0x1FC0, s4;
	s0 =	smax.u32 s0, $0x1;
	[dreg:$0x5] =	wrdreg s25  }
0x12: {  	s8 =	sadd.s32 s6, s19;
	[dreg:$0x6] =	wrdreg s12;
	s19 =	sor.u32 $0x200, s4  }
0x13: {  	[dreg:$0x7] =	wrdreg s18;
	s25 =	sor.u32 $0x140, s4;
	s18 =	sshrl.u32 s9, $0x3  }
0x14: {  	[dreg:$0x1f] =	wrdreg s0;
	s9 =	simm.s32 $0x12180;
	s0 =	simm.s32 $0x0  }
0x15: {  	[dreg:$0xe] =	wrdreg s8;
	s8 =	sadd.s32 s6, s20;
	s20 =	sshrl.u32 s19, $0x3  }
0x16: {  	s26 =	sshrl.u32 s25, $0x3;
	s19 =	sshrl.u32 s10, $0x3;
	[dreg:$0xf] =	wrdreg s8  }
0x17: {  	s25 =	sshrl.u32 s17, $0x3;
	s10 =	simm.s32 $0x4000;
	[dreg:$0x8] =	wrdreg s20  }
0x18: {  	s8 =	sadd.s32 s6, s21;
	s21 =	sshll.u32 s17, $0x4;
	[dreg:$0xb] =	wrdreg s26  }
0x19: {  	s20 =	sshrl.u32 s11, $0x3;
	s11 =	simm.s32 $0x12080;
	s17 =	simm.s32 $0x12100  }
0x1a: {  	[dreg:$0x10] =	wrdreg s8;
	s8 =	sadd.s32 s6, s22;
	s22 =	sor.u32 $0x1C0, s4  }
0x1b: {  	s12 =	sadd.s32 s6, s21;
	s21 =	sshrl.u32 s14, $0x3;
	[dreg:$0x11] =	wrdreg s8  }
0x1c: {  	s14 =	simm.s32 $0x1;
	s8 =	sadd.s32 s6, s23;
	[dreg:$0x14] =	wrdreg s12  }
0x1d: {  	s23 =	sshll.u32 s13, $0x12;
	s13 =	sadd.s32 $0x400, s5;
	[dreg:$0x12] =	wrdreg s8  }
0x1e: {  	s8 =	sadd.s32 s6, s24;
	s6 =	sadd.s32 s23, s6;
	s24 =	sor.u32 $0x180, s4  }
0x1f: {  	s23 =	sshrl.u32 s15, $0x3;
	s15 =	simm.s32 $0x12380;
	[dreg:$0x13] =	wrdreg s8  }
0x20: {  	s8 =	sshrl.u32 s22, $0x3;
	s12 =	sadd.s32 s7, s6;
	s7 =	sshrl.u32 s4, $0x3  }
0x21: {  	s4 =	sor.u32 $0x100, s4;
	[dreg:$0x9] =	wrdreg s8;
	s8 =	sshrl.u32 s24, $0x3  }
0x22: {  	s6 =	simm.s32 $0x6000;
	s2 =	sadd.s32 s2, s7;
	[dreg:$0xa] =	wrdreg s8  }
0x23: {  	s24 =	sshrl.u32 s16, $0x3;
	s4 =	sshrl.u32 s4, $0x3;
	[dreg:$0x16] =	wrdreg s2  }
0x24: {  	s26 =	sadd.s32 $0x1400, s12;
	s16 =	simm.s32 $0x2;
	[dreg:$0xc] =	wrdreg s4  }
0x25: {  	s8 =	sadd.s32 $0x3600, s5;
	[smem:$0x7FD] =	sst s26;
	s26 =	simm.s32 $0x3  }
0x26: {  	s4 =	simm.s32 $0x5;
	s5 =	sadd.s32 s8, s7;
	[dreg:$0x15] =	wrdreg s8  }
0x27: {  	s2 =	sadd.s32 s8, s18;
	s22 =	sadd.s32 s8, s21;
	[dreg:$0x17] =	wrdreg s5  }
0x28: {  	s18 =	simm.s32 $0x8000;
	s21 =	simm.s32 $0xC000;
	[dreg:$0x18] =	wrdreg s2  }
0x29: {  	s2 =	sadd.s32 s8, s19;
	[dreg:$0x1b] =	wrdreg s22;
	s19 =	simm.s32 $0xA000  }
0x2a: {  	s22 =	simm.s32 $0x12280;
	s5 =	simm.s32 $0xB;
	[dreg:$0x19] =	wrdreg s2  }
.Ltmp0:
0x2b: {  	s2 =	sadd.s32 s8, s20;
	s20 =	simm.s32 $0x12200;
	(pc) =	sbr.rel .LBB2_1-.Ltmp0, $4  }
0x2c: {  	[dreg:$0x1a] =	wrdreg s2;
	s2 =	sadd.s32 s8, s23;
	s23 =	simm.s32 $0xE000  }
0x2d: {  	[dreg:$0x1c] =	wrdreg s2;
	s2 =	sadd.s32 s8, s24;
	s24 =	simm.s32 $0x12300  }
0x2e: {  	[dreg:$0x1d] =	wrdreg s2;
	s2 =	sadd.s32 s8, s25;
	s8 =	simm.s32 $0x2000  }
0x2f: {  	v0 =	vimm.s32 $0x0;
	v1 =	vimm.f32 $0.0e+00;
	s25 =	simm.s32 $0x10000;
	[dreg:$0x1e] =	wrdreg s2;
	s2 =	simm.s32 $0x12000  }
.LBB2_8:
0x30: {  	s0 =	sadd.s32 $0x1, s0;
	s7 =	rddreg [dreg:$0x1f]  }
0x31: {  	p0 =	sne.s32 s0, s7  }
.Ltmp1:
0x32: {  	_ = 	snop;
	(pc) =	sbr.rel @!p0 .LBB2_9-.Ltmp1, $3  }
0x33: {  	_ =	sdelay $0x1  }
0x34: {  	s8 =	simm.s32 $0x2000;
	s2 =	simm.s32 $0x12000;
	s10 =	simm.s32 $0x4000  }
0x35: {  	s11 =	simm.s32 $0x12080;
	s6 =	simm.s32 $0x6000;
	s15 =	simm.s32 $0x12380  }
.LBB2_1:
0x36: {  	[smem:$0x7FC] =	sst s0  }
0x37: {  	s7 =	rddreg [dreg:$0x16];
	s0 =	simm.s32 $0x11  }
0x38: {  	[tilespmem:s3], [sflag:$0x11] =	stream.linear.gather [hbm4b:s7+s3], $0x2000, $0x38;
	[tilespmem:$0x12D00] =	vst v63  }
0x39: {  	_ =	swait.ge [sflag:s0], $0x2000  }
0x3a: {  	[sflag:s0] =	ssyncset.done $0x0  }
0x3b: {  	[sflag:s0] =	ssyncadd.s32 $0xFFFFE000  }
0x3c: {  	[tilespmem:$0x12C00] =	vst v0  }
0x3d: {  	[tilespmem:$0x12C80] =	vst v1  }
0x3e: {  	[tilespmem:$0x12C90] =	vst v1  }
0x3f: {  	[tilespmem:$0x12CA0] =	vst v1  }
0x40: {  	[tilespmem:$0x12CB0] =	vst v1  }
0x41: {  	[tilespmem:$0x12CC0] =	vst v1  }
0x42: {  	[tilespmem:$0x12CD0] =	vst v1  }
0x43: {  	[tilespmem:$0x12CE0] =	vst v1  }
0x44: {  	[tilespmem:$0x12CF0] =	vst v1  }
0x45: {  	[tilespmem:s8], [sflag:$0x1] =	stream.indirect.gather [hbm4b:s1+s28], $0x80, s3, s28, $0xb8;
	[tilespmem:$0x12D00] =	vst v63  }
0x46: {  	_ = 	snop  }
0x47: {  	[tilespmem:s2], [sflag:$0x1] =	stream.indirect.gather [hbm4b:s13+s28], $0x1, s3, s28, $0xb8;
	[tilespmem:$0x12D00] =	vst v63  }
0x48: {  	_ = 	snop  }
0x49: {  	[tilespmem:s10], [sflag:$0x2] =	stream.indirect.gather [hbm4b:s1+s28], $0x80, s28, s28, $0xb8;
	[tilespmem:$0x12D00] =	vst v63  }
0x4a: {  	_ = 	snop  }
0x4b: {  	[tilespmem:s11], [sflag:$0x2] =	stream.indirect.gather [hbm4b:s13+s28], $0x1, s28, s28, $0xb8;
	[tilespmem:$0x12D00] =	vst v63  }
0x4c: {  	s0 =	simm.s32 $0x80  }
0x4d: {  	[tilespmem:s6], [sflag:$0x3] =	stream.indirect.gather [hbm4b:s1+s28], $0x80, s0, s28, $0xb8;
	[tilespmem:$0x12D00] =	vst v63  }
0x4e: {  	_ = 	snop  }
0x4f: {  	[tilespmem:s17], [sflag:$0x3] =	stream.indirect.gather [hbm4b:s13+s28], $0x1, s0, s28, $0xb8;
	[tilespmem:$0x12D00] =	vst v63  }
0x50: {  	s0 =	simm.s32 $0xC0  }
0x51: {  	[tilespmem:s18], [sflag:$0x4] =	stream.indirect.gather [hbm4b:s1+s28], $0x80, s0, s28, $0xb8;
	[tilespmem:$0x12D00] =	vst v63  }
0x52: {  	_ = 	snop  }
0x53: {  	[tilespmem:s9], [sflag:$0x4] =	stream.indirect.gather [hbm4b:s13+s28], $0x1, s0, s28, $0xb8;
	[tilespmem:$0x12D00] =	vst v63  }
0x54: {  	s9 =	simm.s32 $0x100  }
0x55: {  	[tilespmem:s19], [sflag:$0x5] =	stream.indirect.gather [hbm4b:s1+s28], $0x80, s9, s28, $0xb8;
	[tilespmem:$0x12D00] =	vst v63  }
0x56: {  	_ = 	snop  }
0x57: {  	[tilespmem:s20], [sflag:$0x5] =	stream.indirect.gather [hbm4b:s13+s28], $0x1, s9, s28, $0xb8;
	[tilespmem:$0x12D00] =	vst v63  }
0x58: {  	s18 =	simm.s32 $0x140  }
0x59: {  	[tilespmem:s21], [sflag:$0x6] =	stream.indirect.gather [hbm4b:s1+s28], $0x80, s18, s28, $0xb8;
	[tilespmem:$0x12D00] =	vst v63  }
0x5a: {  	_ = 	snop  }
0x5b: {  	[tilespmem:s22], [sflag:$0x6] =	stream.indirect.gather [hbm4b:s13+s28], $0x1, s18, s28, $0xb8;
	[tilespmem:$0x12D00] =	vst v63  }
0x5c: {  	s19 =	simm.s32 $0x180  }
0x5d: {  	[tilespmem:s23], [sflag:$0x7] =	stream.indirect.gather [hbm4b:s1+s28], $0x80, s19, s28, $0xb8;
	[tilespmem:$0x12D00] =	vst v63  }
0x5e: {  	_ = 	snop  }
0x5f: {  	[tilespmem:s24], [sflag:$0x7] =	stream.indirect.gather [hbm4b:s13+s28], $0x1, s19, s28, $0xb8;
	[tilespmem:$0x12D00] =	vst v63  }
0x60: {  	s20 =	simm.s32 $0x1C0  }
0x61: {  	[tilespmem:s25], [sflag:$0x8] =	stream.indirect.gather [hbm4b:s1+s28], $0x80, s20, s28, $0xb8;
	[tilespmem:$0x12D00] =	vst v63  }
0x62: {  	_ = 	snop  }
0x63: {  	[tilespmem:s15], [sflag:$0x8] =	stream.indirect.gather [hbm4b:s13+s28], $0x1, s20, s28, $0xb8;
	[tilespmem:$0x12D00] =	vst v63  }
0x64: {  	_ =	swait.ge [sflag:s14], $0x2000  }
0x65: {  	[sflag:s14] =	ssyncset.done $0x0  }
0x66: {  	[sflag:s14] =	ssyncadd.s32 $0xFFFFE000  }
0x67: {  	_ =	swait.ge [sflag:s14], $0x40  }
0x68: {  	[sflag:s14] =	ssyncset.done $0x0  }
0x69: {  	[sflag:s14] =	ssyncadd.s32 $0xFFFFFFC0  }
0x6a: {  	v2 =	vld [tilespmem:$0x0]  }
0x6b: {  	v3 =	vld [tilespmem:$0x12000]  }
0x6c: {  	v4 =	vld [tilespmem:$0x10]  }
0x6d: {  	v6 =	vld [tilespmem:$0x20]  }
0x6e: {  	v8 =	vld [tilespmem:$0x30]  }
0x6f: {  	v5 =	vld [tilespmem:$0x12010]  }
0x70: {  	v7 =	vld [tilespmem:$0x12020]  }
0x71: {  	v9 =	vld [tilespmem:$0x12030]  }
0x72: {  	vm0 =	veq.s32 v2, $0x0;
	vm1 =	veq.s32 v4, $0x0  }
0x73: {  	v10 =	vld [tilespmem:$0x12C00];
	vm6 =	veq.s32 v6, $0x0;
	vm7 =	veq.s32 v8, $0x0;
	v2 =	vsel vm0, $0x0, v3  }
0x74: {  	v3 =	vsel vm0, $0x1, v0;
	v4 =	vsel vm1, $0x1, v0;
	[tilespmem:$0x12000] =	vst v2;
	v2 =	vsel vm1, $0x0, v5  }
0x75: {  	v44 =	vsel vm6, $0x1, v0;
	v3 =	vadd.s32 v3, v4;
	[tilespmem:$0x12010] =	vst v2;
	v2 =	vsel vm6, $0x0, v7  }
0x76: {  	v45 =	vsel vm7, $0x1, v0;
	[tilespmem:$0x12020] =	vst v2;
	v2 =	vadd.s32 v44, v3;
	v3 =	vsel vm7, $0x0, v9  }
0x77: {  	[tilespmem:$0x12030] =	vst v3;
	v2 =	vadd.s32 v45, v2  }
0x78: {  	[tilespmem:$0x12400] =	vst v2;
	v2 =	vadd.s32 v2, v10  }
0x79: {  	s21 =	rddreg [dreg:$0xd];
	[tilespmem:$0x12C00] =	vst v2  }
0x7a: {  	[hbm4b:s21+s3] =	stream.linear.scatter [tilespmem:s8], [sflag:$0x9], $0x2000, $0x38;
	[tilespmem:$0x12D00] =	vst v63  }
0x7b: {  	s22 =	rddreg [dreg:$0x17]  }
0x7c: {  	[hbm4b:s22+s3] =	stream.linear.scatter [tilespmem:s2], [sflag:$0x9], $0x40, $0x38;
	[tilespmem:$0x12D00] =	vst v63  }
0x7d: {  	_ =	swait.ge [sflag:s16], $0x2000  }
0x7e: {  	[sflag:s16] =	ssyncset.done $0x0  }
0x7f: {  	[sflag:s16] =	ssyncadd.s32 $0xFFFFE000  }
0x80: {  	_ =	swait.ge [sflag:s16], $0x40  }
0x81: {  	[sflag:s16] =	ssyncset.done $0x0  }
0x82: {  	[sflag:s16] =	ssyncadd.s32 $0xFFFFFFC0  }
0x83: {  	v2 =	vld [tilespmem:$0x40]  }
0x84: {  	v3 =	vld [tilespmem:$0x12080]  }
0x85: {  	v46 =	vld [tilespmem:$0x50]  }
0x86: {  	v48 =	vld [tilespmem:$0x60]  }
0x87: {  	v50 =	vld [tilespmem:$0x70]  }
0x88: {  	v47 =	vld [tilespmem:$0x12090]  }
0x89: {  	v49 =	vld [tilespmem:$0x120A0]  }
0x8a: {  	v51 =	vld [tilespmem:$0x120B0]  }
0x8b: {  	vm8 =	veq.s32 v2, $0x0;
	vm9 =	veq.s32 v46, $0x0  }
0x8c: {  	v52 =	vld [tilespmem:$0x12C00];
	vm10 =	veq.s32 v48, $0x0;
	vm11 =	veq.s32 v50, $0x0;
	v2 =	vsel vm8, $0x0, v3  }
0x8d: {  	v3 =	vsel vm8, $0x1, v0;
	v4 =	vsel vm9, $0x1, v0;
	[tilespmem:$0x12080] =	vst v2;
	v2 =	vsel vm9, $0x0, v47  }
0x8e: {  	v53 =	vsel vm10, $0x1, v0;
	v3 =	vadd.s32 v3, v4;
	[tilespmem:$0x12090] =	vst v2;
	v2 =	vsel vm10, $0x0, v49  }
0x8f: {  	v54 =	vsel vm11, $0x1, v0;
	[tilespmem:$0x120A0] =	vst v2;
	v2 =	vadd.s32 v53, v3;
	v3 =	vsel vm11, $0x0, v51  }
0x90: {  	[tilespmem:$0x120B0] =	vst v3;
	v2 =	vadd.s32 v54, v2  }
0x91: {  	[tilespmem:$0x12410] =	vst v2;
	v2 =	vadd.s32 v2, v52  }
0x92: {  	s23 =	rddreg [dreg:$0xe];
	[tilespmem:$0x12C00] =	vst v2  }
0x93: {  	[hbm4b:s23+s3] =	stream.linear.scatter [tilespmem:s10], [sflag:$0xA], $0x2000, $0x38;
	[tilespmem:$0x12D00] =	vst v63  }
0x94: {  	s24 =	rddreg [dreg:$0x18]  }
0x95: {  	[hbm4b:s24+s3] =	stream.linear.scatter [tilespmem:s11], [sflag:$0xA], $0x40, $0x38;
	[tilespmem:$0x12D00] =	vst v63  }
0x96: {  	_ =	swait.ge [sflag:s26], $0x2000  }
0x97: {  	[sflag:s26] =	ssyncset.done $0x0  }
0x98: {  	[sflag:s26] =	ssyncadd.s32 $0xFFFFE000  }
0x99: {  	_ =	swait.ge [sflag:s26], $0x40  }
0x9a: {  	[sflag:s26] =	ssyncset.done $0x0  }
0x9b: {  	[sflag:s26] =	ssyncadd.s32 $0xFFFFFFC0  }
0x9c: {  	v2 =	vld [tilespmem:$0x80]  }
0x9d: {  	v3 =	vld [tilespmem:$0x12100]  }
0x9e: {  	v55 =	vld [tilespmem:$0x90]  }
0x9f: {  	v56 =	vld [tilespmem:$0x12110]  }
0xa0: {  	v57 =	vld [tilespmem:$0xA0]  }
0xa1: {  	v58 =	vld [tilespmem:$0x12120]  }
0xa2: {  	v59 =	vld [tilespmem:$0xB0]  }
0xa3: {  	v60 =	vld [tilespmem:$0x12130]  }
0xa4: {  	vm12 =	veq.s32 v2, $0x0;
	vm13 =	veq.s32 v55, $0x0  }
0xa5: {  	v61 =	vld [tilespmem:$0x12C00];
	v2 =	vsel vm12, $0x0, v3;
	v3 =	vsel vm12, $0x1, v0;
	v4 =	vsel vm13, $0x1, v0  }
0xa6: {  	vm14 =	veq.s32 v57, $0x0;
	[tilespmem:$0x12100] =	vst v2;
	v2 =	vadd.s32 v3, v4;
	v3 =	vsel vm13, $0x0, v56  }
0xa7: {  	vm15 =	veq.s32 v59, $0x0;
	v62 =	vsel vm14, $0x1, v0;
	[tilespmem:$0x12110] =	vst v3;
	v3 =	vsel vm14, $0x0, v58  }
0xa8: {  	v63 =	vsel vm15, $0x1, v0;
	v2 =	vadd.s32 v62, v2;
	[tilespmem:$0x12120] =	vst v3;
	v3 =	vsel vm15, $0x0, v60  }
0xa9: {  	s7 =	simm.s32 $0x0;
	s0 =	simm.s32 $0xA;
	v2 =	vadd.s32 v63, v2;
	[tilespmem:$0x12130] =	vst v3  }
0xaa: {  	s14 =	simm.s32 $0x1;
	s2 =	smov.u32 s13;
	s25 =	rddreg [dreg:$0xf];
	[tilespmem:$0x12420] =	vst v2;
	v2 =	vadd.s32 v2, v61  }
0xab: {  	s13 =	simm.s32 $0x0;
	s23 =	simm.s32 $0x7;
	s8 =	sld [smem:$0x7FD];
	[tilespmem:$0x12C00] =	vst v2  }
0xac: {  	[hbm4b:s25+s3] =	stream.linear.scatter [tilespmem:s6], [sflag:$0xB], $0x2000, $0x38;
	[tilespmem:$0x12D00] =	vst v63  }
0xad: {  	s11 =	simm.s32 $0x0;
	s24 =	simm.s32 $0x6;
	s26 =	rddreg [dreg:$0x19]  }
0xae: {  	[hbm4b:s26+s3] =	stream.linear.scatter [tilespmem:s17], [sflag:$0xB], $0x40, $0x38;
	[tilespmem:$0x12D00] =	vst v63  }
0xaf: {  	s10 =	rddreg [dreg:$0x15];
	s25 =	simm.s32 $0xC;
	s26 =	simm.s32 $0x2  }
.LBB2_2:
0xb0: {  	_ =	swait.ge [sflag:s30], $0x2000  }
0xb1: {  	[sflag:s30] =	ssyncset.done $0x0  }
0xb2: {  	[sflag:s30] =	ssyncadd.s32 $0xFFFFE000  }
0xb3: {  	_ =	swait.ge [sflag:s30], $0x40  }
0xb4: {  	s15 =	sshra.s32 s11, $0x2;
	[sflag:s30] =	ssyncset.done $0x0  }
0xb5: {  	s3 =	simm.s32 $0x2000;
	s16 =	sadd.s32 $0x200, s15;
	[sflag:s30] =	ssyncadd.s32 $0xFFFFFFC0  }
0xb6: {  	[tilespmem:s3], [sflag:$0x1] =	stream.indirect.gather [hbm4b:s1+s28], $0x80, s16, s28, $0xb8;
	[tilespmem:$0x12D00] =	vst v63  }
0xb7: {  	s19 =	simm.s32 $0x12000  }
0xb8: {  	[tilespmem:s19], [sflag:$0x1] =	stream.indirect.gather [hbm4b:s2+s28], $0x1, s16, s28, $0xb8;
	[tilespmem:$0x12D00] =	vst v63  }
0xb9: {  	_ =	swait.ge [sflag:s31], $0x2000  }
0xba: {  	[sflag:s31] =	ssyncset.done $0x0  }
0xbb: {  	[sflag:s31] =	ssyncadd.s32 $0xFFFFE000  }
0xbc: {  	_ =	swait.ge [sflag:s31], $0x40  }
0xbd: {  	[sflag:s31] =	ssyncset.done $0x0  }
0xbe: {  	[sflag:s31] =	ssyncadd.s32 $0xFFFFFFC0  }
0xbf: {  	v2 =	vld [tilespmem:s15+$0xC0]  }
0xc0: {  	v3 =	vld [tilespmem:$0x12180];
	_ =	sdelay $0x3  }
0xc1: {  	vm0 =	veq.s32 v2, $0x0  }
0xc2: {  	v2 =	vsel vm0, $0x0, v3  }
0xc3: {  	[tilespmem:$0x12180] =	vst v2  }
0xc4: {  	v2 =	vld [tilespmem:s15+$0xD0]  }
0xc5: {  	v3 =	vld [tilespmem:$0x12190];
	_ =	sdelay $0x3  }
0xc6: {  	vm1 =	veq.s32 v2, $0x0  }
0xc7: {  	v2 =	vsel vm1, $0x0, v3  }
0xc8: {  	[tilespmem:$0x12190] =	vst v2  }
0xc9: {  	v2 =	vld [tilespmem:s15+$0xE0]  }
0xca: {  	v3 =	vld [tilespmem:$0x121A0];
	_ =	sdelay $0x3  }
0xcb: {  	vm2 =	veq.s32 v2, $0x0  }
0xcc: {  	v2 =	vsel vm2, $0x0, v3  }
0xcd: {  	[tilespmem:$0x121A0] =	vst v2  }
0xce: {  	v2 =	vld [tilespmem:s15+$0xF0]  }
0xcf: {  	v3 =	vld [tilespmem:$0x121B0];
	_ =	sdelay $0x2  }
0xd0: {  	v4 =	vsel vm0, $0x1, v0;
	v5 =	vsel vm1, $0x1, v0  }
0xd1: {  	v4 =	vadd.s32 v4, v5;
	v34 =	vsel vm2, $0x1, v0;
	vm11 =	veq.s32 v2, $0x0  }
0xd2: {  	v2 =	vadd.s32 v34, v4;
	v3 =	vsel vm11, $0x0, v3;
	v35 =	vsel vm11, $0x1, v0  }
0xd3: {  	s16 =	sshra.s32 s7, $0x2;
	[tilespmem:$0x121B0] =	vst v3;
	v2 =	vadd.s32 v35, v2  }
0xd4: {  	[tilespmem:s16+$0x12430] =	vst v2  }
0xd5: {  	v3 =	vld [tilespmem:$0x12C00];
	_ =	sdelay $0x4  }
0xd6: {  	v2 =	vadd.s32 v2, v3  }
0xd7: {  	s18 =	sadd.s32 $0xFFFFF800, s8;
	s19 =	simm.s32 $0x8000;
	s17 =	rddreg [dreg:$0x7];
	[tilespmem:$0x12C00] =	vst v2  }
0xd8: {  	[hbm4b:s18+s13] =	stream.linear.scatter [tilespmem:s19], [sflag:$0xC], $0x2000, $0x38;
	[tilespmem:$0x12D00] =	vst v63  }
0xd9: {  	s3 =	simm.s32 $0x12180;
	s17 =	sadd.s32 s10, s17  }
0xda: {  	[hbm4b:s17+s13] =	stream.linear.scatter [tilespmem:s3], [sflag:$0xC], $0x40, $0x38;
	[tilespmem:$0x12D00] =	vst v63  }
0xdb: {  	_ =	swait.ge [sflag:s0], $0x2000  }
0xdc: {  	[sflag:s0] =	ssyncset.done $0x0  }
0xdd: {  	[sflag:s0] =	ssyncadd.s32 $0xFFFFE000  }
0xde: {  	_ =	swait.ge [sflag:s0], $0x40  }
0xdf: {  	[sflag:s0] =	ssyncset.done $0x0  }
0xe0: {  	s6 =	simm.s32 $0x4000;
	s20 =	sadd.s32 $0x240, s15;
	[sflag:s0] =	ssyncadd.s32 $0xFFFFFFC0  }
0xe1: {  	[tilespmem:s6], [sflag:$0x2] =	stream.indirect.gather [hbm4b:s1+s28], $0x80, s20, s28, $0xb8;
	[tilespmem:$0x12D00] =	vst v63  }
0xe2: {  	s21 =	simm.s32 $0x12080  }
0xe3: {  	[tilespmem:s21], [sflag:$0x2] =	stream.indirect.gather [hbm4b:s2+s28], $0x1, s20, s28, $0xb8;
	[tilespmem:$0x12D00] =	vst v63  }
0xe4: {  	_ =	swait.ge [sflag:s4], $0x2000  }
0xe5: {  	[sflag:s4] =	ssyncset.done $0x0  }
0xe6: {  	[sflag:s4] =	ssyncadd.s32 $0xFFFFE000  }
0xe7: {  	_ =	swait.ge [sflag:s4], $0x40  }
0xe8: {  	[sflag:s4] =	ssyncset.done $0x0  }
0xe9: {  	[sflag:s4] =	ssyncadd.s32 $0xFFFFFFC0  }
0xea: {  	v2 =	vld [tilespmem:s15+$0x100]  }
0xeb: {  	v3 =	vld [tilespmem:$0x12200];
	_ =	sdelay $0x3  }
0xec: {  	vm12 =	veq.s32 v2, $0x0  }
0xed: {  	v2 =	vsel vm12, $0x0, v3  }
0xee: {  	[tilespmem:$0x12200] =	vst v2  }
0xef: {  	v2 =	vld [tilespmem:s15+$0x110]  }
0xf0: {  	v3 =	vld [tilespmem:$0x12210];
	_ =	sdelay $0x3  }
0xf1: {  	vm13 =	veq.s32 v2, $0x0  }
0xf2: {  	v2 =	vsel vm13, $0x0, v3  }
0xf3: {  	[tilespmem:$0x12210] =	vst v2  }
0xf4: {  	v2 =	vld [tilespmem:s15+$0x120]  }
0xf5: {  	v3 =	vld [tilespmem:$0x12220];
	_ =	sdelay $0x3  }
0xf6: {  	vm14 =	veq.s32 v2, $0x0  }
0xf7: {  	v2 =	vsel vm14, $0x0, v3  }
0xf8: {  	[tilespmem:$0x12220] =	vst v2  }
0xf9: {  	v2 =	vld [tilespmem:s15+$0x130]  }
0xfa: {  	v3 =	vld [tilespmem:$0x12230];
	_ =	sdelay $0x2  }
0xfb: {  	v36 =	vsel vm12, $0x1, v0;
	v37 =	vsel vm13, $0x1, v0  }
0xfc: {  	v4 =	vadd.s32 v36, v37;
	v38 =	vsel vm14, $0x1, v0;
	vm15 =	veq.s32 v2, $0x0  }
0xfd: {  	v2 =	vadd.s32 v38, v4;
	v3 =	vsel vm15, $0x0, v3;
	v39 =	vsel vm15, $0x1, v0  }
0xfe: {  	[tilespmem:$0x12230] =	vst v3;
	v2 =	vadd.s32 v39, v2  }
0xff: {  	[tilespmem:s16+$0x12440] =	vst v2  }
0x100: {  	v3 =	vld [tilespmem:$0x12C00];
	_ =	sdelay $0x4  }
0x101: {  	v2 =	vadd.s32 v2, v3  }
0x102: {  	s9 =	sadd.s32 $0xFFFFFC00, s8;
	s6 =	simm.s32 $0xA000;
	s22 =	rddreg [dreg:$0xc];
	[tilespmem:$0x12C00] =	vst v2  }
0x103: {  	[hbm4b:s9+s13] =	stream.linear.scatter [tilespmem:s6], [sflag:$0xD], $0x2000, $0x38;
	[tilespmem:$0x12D00] =	vst v63  }
0x104: {  	s21 =	simm.s32 $0x12200;
	s17 =	sadd.s32 s10, s22  }
0x105: {  	[hbm4b:s17+s13] =	stream.linear.scatter [tilespmem:s21], [sflag:$0xD], $0x40, $0x38;
	[tilespmem:$0x12D00] =	vst v63  }
0x106: {  	_ =	swait.ge [sflag:s5], $0x2000  }
0x107: {  	[sflag:s5] =	ssyncset.done $0x0  }
0x108: {  	[sflag:s5] =	ssyncadd.s32 $0xFFFFE000  }
0x109: {  	_ =	swait.ge [sflag:s5], $0x40  }
0x10a: {  	[sflag:s5] =	ssyncset.done $0x0  }
0x10b: {  	s18 =	sadd.s32 $0x280, s15;
	s9 =	simm.s32 $0x6000;
	[sflag:s5] =	ssyncadd.s32 $0xFFFFFFC0  }
0x10c: {  	[tilespmem:s9], [sflag:$0x3] =	stream.indirect.gather [hbm4b:s1+s28], $0x80, s18, s28, $0xb8;
	[tilespmem:$0x12D00] =	vst v63  }
0x10d: {  	s20 =	simm.s32 $0x12100  }
0x10e: {  	[tilespmem:s20], [sflag:$0x3] =	stream.indirect.gather [hbm4b:s2+s28], $0x1, s18, s28, $0xb8;
	[tilespmem:$0x12D00] =	vst v63  }
0x10f: {  	_ =	swait.ge [sflag:s24], $0x2000  }
0x110: {  	[sflag:s24] =	ssyncset.done $0x0  }
0x111: {  	[sflag:s24] =	ssyncadd.s32 $0xFFFFE000  }
0x112: {  	_ =	swait.ge [sflag:s24], $0x40  }
0x113: {  	[sflag:s24] =	ssyncset.done $0x0  }
0x114: {  	[sflag:s24] =	ssyncadd.s32 $0xFFFFFFC0  }
0x115: {  	v2 =	vld [tilespmem:s15+$0x140]  }
0x116: {  	v3 =	vld [tilespmem:$0x12280];
	_ =	sdelay $0x3  }
0x117: {  	vm4 =	veq.s32 v2, $0x0  }
0x118: {  	v2 =	vsel vm4, $0x0, v3  }
0x119: {  	[tilespmem:$0x12280] =	vst v2  }
0x11a: {  	v2 =	vld [tilespmem:s15+$0x150]  }
0x11b: {  	v3 =	vld [tilespmem:$0x12290];
	_ =	sdelay $0x3  }
0x11c: {  	vm5 =	veq.s32 v2, $0x0  }
0x11d: {  	v2 =	vsel vm5, $0x0, v3  }
0x11e: {  	[tilespmem:$0x12290] =	vst v2  }
0x11f: {  	v2 =	vld [tilespmem:s15+$0x160]  }
0x120: {  	v3 =	vld [tilespmem:$0x122A0];
	_ =	sdelay $0x3  }
0x121: {  	vm6 =	veq.s32 v2, $0x0  }
0x122: {  	v2 =	vsel vm6, $0x0, v3  }
0x123: {  	[tilespmem:$0x122A0] =	vst v2  }
0x124: {  	v2 =	vld [tilespmem:s15+$0x170]  }
0x125: {  	v3 =	vld [tilespmem:$0x122B0];
	_ =	sdelay $0x2  }
0x126: {  	v40 =	vsel vm4, $0x1, v0;
	v41 =	vsel vm5, $0x1, v0  }
0x127: {  	v4 =	vadd.s32 v40, v41;
	v42 =	vsel vm6, $0x1, v0;
	vm7 =	veq.s32 v2, $0x0  }
0x128: {  	v2 =	vadd.s32 v42, v4;
	v3 =	vsel vm7, $0x0, v3;
	v43 =	vsel vm7, $0x1, v0  }
0x129: {  	[tilespmem:$0x122B0] =	vst v3;
	v2 =	vadd.s32 v43, v2  }
0x12a: {  	[tilespmem:s16+$0x12450] =	vst v2  }
0x12b: {  	v3 =	vld [tilespmem:$0x12C00];
	_ =	sdelay $0x4  }
0x12c: {  	v2 =	vadd.s32 v2, v3  }
0x12d: {  	s9 =	simm.s32 $0xC000;
	s22 =	rddreg [dreg:$0xb];
	[tilespmem:$0x12C00] =	vst v2  }
0x12e: {  	[hbm4b:s8+s13] =	stream.linear.scatter [tilespmem:s9], [sflag:$0xE], $0x2000, $0x38;
	[tilespmem:$0x12D00] =	vst v63  }
0x12f: {  	s17 =	sadd.s32 s10, s22;
	s22 =	simm.s32 $0x12280  }
0x130: {  	[hbm4b:s17+s13] =	stream.linear.scatter [tilespmem:s22], [sflag:$0xE], $0x40, $0x38;
	[tilespmem:$0x12D00] =	vst v63  }
0x131: {  	_ =	swait.ge [sflag:s25], $0x2000  }
0x132: {  	[sflag:s25] =	ssyncset.done $0x0  }
0x133: {  	[sflag:s25] =	ssyncadd.s32 $0xFFFFE000  }
0x134: {  	_ =	swait.ge [sflag:s25], $0x40  }
0x135: {  	[sflag:s25] =	ssyncset.done $0x0  }
0x136: {  	s18 =	sadd.s32 $0x2C0, s15;
	[sflag:s25] =	ssyncadd.s32 $0xFFFFFFC0  }
0x137: {  	[tilespmem:s19], [sflag:$0x4] =	stream.indirect.gather [hbm4b:s1+s28], $0x80, s18, s28, $0xb8;
	[tilespmem:$0x12D00] =	vst v63  }
0x138: {  	_ = 	snop  }
0x139: {  	[tilespmem:s3], [sflag:$0x4] =	stream.indirect.gather [hbm4b:s2+s28], $0x1, s18, s28, $0xb8;
	[tilespmem:$0x12D00] =	vst v63  }
0x13a: {  	_ =	swait.ge [sflag:s23], $0x2000  }
0x13b: {  	[sflag:s23] =	ssyncset.done $0x0  }
0x13c: {  	[sflag:s23] =	ssyncadd.s32 $0xFFFFE000  }
0x13d: {  	_ =	swait.ge [sflag:s23], $0x40  }
0x13e: {  	[sflag:s23] =	ssyncset.done $0x0  }
0x13f: {  	[sflag:s23] =	ssyncadd.s32 $0xFFFFFFC0  }
0x140: {  	v2 =	vld [tilespmem:s15+$0x180]  }
0x141: {  	v3 =	vld [tilespmem:$0x12300];
	_ =	sdelay $0x3  }
0x142: {  	vm8 =	veq.s32 v2, $0x0  }
0x143: {  	v2 =	vsel vm8, $0x0, v3  }
0x144: {  	[tilespmem:$0x12300] =	vst v2  }
0x145: {  	v2 =	vld [tilespmem:s15+$0x190]  }
0x146: {  	v3 =	vld [tilespmem:$0x12310];
	_ =	sdelay $0x3  }
0x147: {  	vm9 =	veq.s32 v2, $0x0  }
0x148: {  	v2 =	vsel vm9, $0x0, v3  }
0x149: {  	[tilespmem:$0x12310] =	vst v2  }
0x14a: {  	v2 =	vld [tilespmem:s15+$0x1A0]  }
0x14b: {  	v3 =	vld [tilespmem:$0x12320];
	_ =	sdelay $0x3  }
0x14c: {  	vm10 =	veq.s32 v2, $0x0  }
0x14d: {  	v2 =	vsel vm10, $0x0, v3  }
0x14e: {  	[tilespmem:$0x12320] =	vst v2  }
0x14f: {  	v2 =	vld [tilespmem:s15+$0x1B0]  }
0x150: {  	v3 =	vld [tilespmem:$0x12330];
	_ =	sdelay $0x2  }
0x151: {  	v44 =	vsel vm8, $0x1, v0;
	v45 =	vsel vm9, $0x1, v0  }
0x152: {  	v4 =	vadd.s32 v44, v45;
	v46 =	vsel vm10, $0x1, v0;
	vm11 =	veq.s32 v2, $0x0  }
0x153: {  	v2 =	vadd.s32 v46, v4;
	v3 =	vsel vm11, $0x0, v3;
	v47 =	vsel vm11, $0x1, v0  }
0x154: {  	[tilespmem:$0x12330] =	vst v3;
	v2 =	vadd.s32 v47, v2  }
0x155: {  	[tilespmem:s16+$0x12460] =	vst v2  }
0x156: {  	v3 =	vld [tilespmem:$0x12C00];
	_ =	sdelay $0x4  }
0x157: {  	v2 =	vadd.s32 v2, v3  }
0x158: {  	s3 =	sadd.s32 $0x400, s8;
	s28 =	simm.s32 $0xE000;
	s20 =	rddreg [dreg:$0xa];
	[tilespmem:$0x12C00] =	vst v2  }
0x159: {  	[hbm4b:s3+s13] =	stream.linear.scatter [tilespmem:s28], [sflag:$0xF], $0x2000, $0x38;
	[tilespmem:$0x12D00] =	vst v63  }
0x15a: {  	s17 =	sadd.s32 s10, s20;
	s20 =	simm.s32 $0x12300  }
0x15b: {  	[hbm4b:s17+s13] =	stream.linear.scatter [tilespmem:s20], [sflag:$0xF], $0x40, $0x38;
	[tilespmem:$0x12D00] =	vst v63  }
0x15c: {  	s17 =	simm.s32 $0xD  }
0x15d: {  	_ =	swait.ge [sflag:s17], $0x2000  }
0x15e: {  	[sflag:s17] =	ssyncset.done $0x0  }
0x15f: {  	[sflag:s17] =	ssyncadd.s32 $0xFFFFE000  }
0x160: {  	_ =	swait.ge [sflag:s17], $0x40  }
0x161: {  	[sflag:s17] =	ssyncset.done $0x0  }
0x162: {  	s19 =	simm.s32 $0x40;
	s18 =	sadd.s32 $0x300, s15;
	[sflag:s17] =	ssyncadd.s32 $0xFFFFFFC0  }
0x163: {  	[tilespmem:s6], [sflag:$0x5] =	stream.indirect.gather [hbm4b:s1+s19], $0x80, s18, s19, $0xb8;
	[tilespmem:$0x12D00] =	vst v63  }
0x164: {  	_ = 	snop  }
0x165: {  	[tilespmem:s21], [sflag:$0x5] =	stream.indirect.gather [hbm4b:s2+s19], $0x1, s18, s19, $0xb8;
	[tilespmem:$0x12D00] =	vst v63  }
0x166: {  	s21 =	simm.s32 $0x8  }
0x167: {  	_ =	swait.ge [sflag:s21], $0x2000  }
0x168: {  	[sflag:s21] =	ssyncset.done $0x0  }
0x169: {  	[sflag:s21] =	ssyncadd.s32 $0xFFFFE000  }
0x16a: {  	_ =	swait.ge [sflag:s21], $0x40  }
0x16b: {  	[sflag:s21] =	ssyncset.done $0x0  }
0x16c: {  	[sflag:s21] =	ssyncadd.s32 $0xFFFFFFC0  }
0x16d: {  	v2 =	vld [tilespmem:s15+$0x1C0]  }
0x16e: {  	v3 =	vld [tilespmem:$0x12380];
	_ =	sdelay $0x3  }
0x16f: {  	vm12 =	veq.s32 v2, $0x0  }
0x170: {  	v2 =	vsel vm12, $0x0, v3  }
0x171: {  	[tilespmem:$0x12380] =	vst v2  }
0x172: {  	v2 =	vld [tilespmem:s15+$0x1D0]  }
0x173: {  	v3 =	vld [tilespmem:$0x12390];
	_ =	sdelay $0x3  }
0x174: {  	vm13 =	veq.s32 v2, $0x0  }
0x175: {  	v2 =	vsel vm13, $0x0, v3  }
0x176: {  	[tilespmem:$0x12390] =	vst v2  }
0x177: {  	v2 =	vld [tilespmem:s15+$0x1E0]  }
0x178: {  	v3 =	vld [tilespmem:$0x123A0];
	_ =	sdelay $0x3  }
0x179: {  	vm14 =	veq.s32 v2, $0x0  }
0x17a: {  	v2 =	vsel vm14, $0x0, v3  }
0x17b: {  	[tilespmem:$0x123A0] =	vst v2  }
0x17c: {  	v2 =	vld [tilespmem:s15+$0x1F0]  }
0x17d: {  	v3 =	vld [tilespmem:$0x123B0];
	_ =	sdelay $0x2  }
0x17e: {  	v48 =	vsel vm12, $0x1, v0;
	v49 =	vsel vm13, $0x1, v0  }
0x17f: {  	v4 =	vadd.s32 v48, v49;
	v50 =	vsel vm14, $0x1, v0;
	vm15 =	veq.s32 v2, $0x0  }
0x180: {  	v2 =	vadd.s32 v50, v4;
	v3 =	vsel vm15, $0x0, v3;
	v51 =	vsel vm15, $0x1, v0  }
0x181: {  	[tilespmem:$0x123B0] =	vst v3;
	v2 =	vadd.s32 v51, v2  }
0x182: {  	[tilespmem:s16+$0x12470] =	vst v2  }
0x183: {  	v3 =	vld [tilespmem:$0x12C00];
	_ =	sdelay $0x4  }
0x184: {  	v2 =	vadd.s32 v2, v3  }
0x185: {  	s6 =	sadd.s32 $0x800, s8;
	s3 =	rddreg [dreg:$0x9];
	s21 =	simm.s32 $0x10000;
	[tilespmem:$0x12C00] =	vst v2  }
0x186: {  	[hbm4b:s6+s13] =	stream.linear.scatter [tilespmem:s21], [sflag:$0x10], $0x2000, $0x38;
	[tilespmem:$0x12D00] =	vst v63  }
0x187: {  	s18 =	simm.s32 $0xE;
	s17 =	sadd.s32 s10, s3;
	s6 =	simm.s32 $0x12380  }
0x188: {  	[hbm4b:s17+s13] =	stream.linear.scatter [tilespmem:s6], [sflag:$0x10], $0x40, $0x38;
	[tilespmem:$0x12D00] =	vst v63  }
0x189: {  	_ =	swait.ge [sflag:s18], $0x2000  }
0x18a: {  	[sflag:s18] =	ssyncset.done $0x0  }
0x18b: {  	[sflag:s18] =	ssyncadd.s32 $0xFFFFE000  }
0x18c: {  	_ =	swait.ge [sflag:s18], $0x40  }
0x18d: {  	[sflag:s18] =	ssyncset.done $0x0  }
0x18e: {  	s3 =	sadd.s32 $0x340, s15;
	[sflag:s18] =	ssyncadd.s32 $0xFFFFFFC0  }
0x18f: {  	[tilespmem:s9], [sflag:$0x6] =	stream.indirect.gather [hbm4b:s1+s19], $0x80, s3, s19, $0xb8;
	[tilespmem:$0x12D00] =	vst v63  }
0x190: {  	_ = 	snop  }
0x191: {  	[tilespmem:s22], [sflag:$0x6] =	stream.indirect.gather [hbm4b:s2+s19], $0x1, s3, s19, $0xb8;
	[tilespmem:$0x12D00] =	vst v63  }
0x192: {  	_ =	swait.ge [sflag:s14], $0x2000  }
0x193: {  	[sflag:s14] =	ssyncset.done $0x0  }
0x194: {  	[sflag:s14] =	ssyncadd.s32 $0xFFFFE000  }
0x195: {  	_ =	swait.ge [sflag:s14], $0x40  }
0x196: {  	[sflag:s14] =	ssyncset.done $0x0  }
0x197: {  	[sflag:s14] =	ssyncadd.s32 $0xFFFFFFC0  }
0x198: {  	v2 =	vld [tilespmem:s15+$0x200]  }
0x199: {  	v3 =	vld [tilespmem:$0x12000];
	_ =	sdelay $0x3  }
0x19a: {  	vm4 =	veq.s32 v2, $0x0  }
0x19b: {  	v2 =	vsel vm4, $0x0, v3  }
0x19c: {  	[tilespmem:$0x12000] =	vst v2  }
0x19d: {  	v2 =	vld [tilespmem:s15+$0x210]  }
0x19e: {  	v3 =	vld [tilespmem:$0x12010];
	_ =	sdelay $0x3  }
0x19f: {  	vm5 =	veq.s32 v2, $0x0  }
0x1a0: {  	v2 =	vsel vm5, $0x0, v3  }
0x1a1: {  	[tilespmem:$0x12010] =	vst v2  }
0x1a2: {  	v2 =	vld [tilespmem:s15+$0x220]  }
0x1a3: {  	v3 =	vld [tilespmem:$0x12020];
	_ =	sdelay $0x3  }
0x1a4: {  	vm6 =	veq.s32 v2, $0x0  }
0x1a5: {  	v2 =	vsel vm6, $0x0, v3  }
0x1a6: {  	[tilespmem:$0x12020] =	vst v2  }
0x1a7: {  	v2 =	vld [tilespmem:s15+$0x230]  }
0x1a8: {  	v3 =	vld [tilespmem:$0x12030];
	_ =	sdelay $0x2  }
0x1a9: {  	v52 =	vsel vm4, $0x1, v0;
	v53 =	vsel vm5, $0x1, v0  }
0x1aa: {  	v4 =	vadd.s32 v52, v53;
	v54 =	vsel vm6, $0x1, v0;
	vm7 =	veq.s32 v2, $0x0  }
0x1ab: {  	v2 =	vadd.s32 v54, v4;
	v3 =	vsel vm7, $0x0, v3;
	v55 =	vsel vm7, $0x1, v0  }
0x1ac: {  	[tilespmem:$0x12030] =	vst v3;
	v2 =	vadd.s32 v55, v2  }
0x1ad: {  	[tilespmem:s16+$0x12480] =	vst v2  }
0x1ae: {  	v3 =	vld [tilespmem:$0x12C00];
	_ =	sdelay $0x4  }
0x1af: {  	v2 =	vadd.s32 v2, v3  }
0x1b0: {  	s9 =	sadd.s32 $0xC00, s8;
	s22 =	simm.s32 $0x2000;
	s17 =	rddreg [dreg:$0x8];
	[tilespmem:$0x12C00] =	vst v2  }
0x1b1: {  	[hbm4b:s9+s13] =	stream.linear.scatter [tilespmem:s22], [sflag:$0x9], $0x2000, $0x38;
	[tilespmem:$0x12D00] =	vst v63  }
0x1b2: {  	s18 =	simm.s32 $0xF;
	s17 =	sadd.s32 s10, s17;
	s9 =	simm.s32 $0x12000  }
0x1b3: {  	[hbm4b:s17+s13] =	stream.linear.scatter [tilespmem:s9], [sflag:$0x9], $0x40, $0x38;
	[tilespmem:$0x12D00] =	vst v63  }
0x1b4: {  	_ =	swait.ge [sflag:s18], $0x2000  }
0x1b5: {  	[sflag:s18] =	ssyncset.done $0x0  }
0x1b6: {  	[sflag:s18] =	ssyncadd.s32 $0xFFFFE000  }
0x1b7: {  	_ =	swait.ge [sflag:s18], $0x40  }
0x1b8: {  	[sflag:s18] =	ssyncset.done $0x0  }
0x1b9: {  	s22 =	sadd.s32 $0x380, s15;
	[sflag:s18] =	ssyncadd.s32 $0xFFFFFFC0  }
0x1ba: {  	[tilespmem:s28], [sflag:$0x7] =	stream.indirect.gather [hbm4b:s1+s19], $0x80, s22, s19, $0xb8;
	[tilespmem:$0x12D00] =	vst v63  }
0x1bb: {  	s28 =	simm.s32 $0x40  }
0x1bc: {  	[tilespmem:s20], [sflag:$0x7] =	stream.indirect.gather [hbm4b:s2+s28], $0x1, s22, s28, $0xb8;
	[tilespmem:$0x12D00] =	vst v63  }
0x1bd: {  	_ =	swait.ge [sflag:s26], $0x2000  }
0x1be: {  	[sflag:s26] =	ssyncset.done $0x0  }
0x1bf: {  	[sflag:s26] =	ssyncadd.s32 $0xFFFFE000  }
0x1c0: {  	_ =	swait.ge [sflag:s26], $0x40  }
0x1c1: {  	[sflag:s26] =	ssyncset.done $0x0  }
0x1c2: {  	[sflag:s26] =	ssyncadd.s32 $0xFFFFFFC0  }
0x1c3: {  	v2 =	vld [tilespmem:s15+$0x240]  }
0x1c4: {  	v3 =	vld [tilespmem:$0x12080];
	_ =	sdelay $0x3  }
0x1c5: {  	vm8 =	veq.s32 v2, $0x0  }
0x1c6: {  	s9 =	sadd.s32 $0x240, s7;
	v2 =	vsel vm8, $0x0, v3  }
0x1c7: {  	s19 =	sor.u32 $0x50, s9;
	[tilespmem:$0x12080] =	vst v2  }
0x1c8: {  	v2 =	vld [tilespmem:s19+$0x0]  }
0x1c9: {  	v3 =	vld [tilespmem:$0x12090];
	_ =	sdelay $0x3  }
0x1ca: {  	vm9 =	veq.s32 v2, $0x0  }
0x1cb: {  	v2 =	vsel vm9, $0x0, v3  }
0x1cc: {  	s20 =	sor.u32 $0x60, s9;
	[tilespmem:$0x12090] =	vst v2  }
0x1cd: {  	v2 =	vld [tilespmem:s20+$0x0]  }
0x1ce: {  	v3 =	vld [tilespmem:$0x120A0];
	_ =	sdelay $0x3  }
0x1cf: {  	vm10 =	veq.s32 v2, $0x0  }
0x1d0: {  	v2 =	vsel vm10, $0x0, v3  }
0x1d1: {  	s17 =	sor.u32 $0x70, s9;
	[tilespmem:$0x120A0] =	vst v2  }
0x1d2: {  	v2 =	vld [tilespmem:s17+$0x0]  }
0x1d3: {  	v3 =	vld [tilespmem:$0x120B0];
	_ =	sdelay $0x2  }
0x1d4: {  	v56 =	vsel vm8, $0x1, v0;
	v57 =	vsel vm9, $0x1, v0  }
0x1d5: {  	v4 =	vadd.s32 v56, v57;
	v58 =	vsel vm10, $0x1, v0;
	vm11 =	veq.s32 v2, $0x0  }
0x1d6: {  	v2 =	vadd.s32 v58, v4;
	v3 =	vsel vm11, $0x0, v3;
	v59 =	vsel vm11, $0x1, v0  }
0x1d7: {  	[tilespmem:$0x120B0] =	vst v3;
	v2 =	vadd.s32 v59, v2  }
0x1d8: {  	[tilespmem:s16+$0x12490] =	vst v2  }
0x1d9: {  	v3 =	vld [tilespmem:$0x12C00];
	_ =	sdelay $0x4  }
0x1da: {  	v2 =	vadd.s32 v2, v3  }
0x1db: {  	s9 =	sadd.s32 $0x1000, s8;
	s22 =	rddreg [dreg:$0x6];
	s19 =	simm.s32 $0x4000;
	[tilespmem:$0x12C00] =	vst v2  }
0x1dc: {  	[hbm4b:s9+s13] =	stream.linear.scatter [tilespmem:s19], [sflag:$0xA], $0x2000, $0x38;
	[tilespmem:$0x12D00] =	vst v63  }
0x1dd: {  	s20 =	simm.s32 $0x12080;
	s17 =	sadd.s32 s10, s22;
	s22 =	simm.s32 $0x10  }
0x1de: {  	[hbm4b:s17+s13] =	stream.linear.scatter [tilespmem:s20], [sflag:$0xA], $0x40, $0x38;
	[tilespmem:$0x12D00] =	vst v63  }
0x1df: {  	_ =	swait.ge [sflag:s22], $0x2000  }
0x1e0: {  	[sflag:s22] =	ssyncset.done $0x0  }
0x1e1: {  	[sflag:s22] =	ssyncadd.s32 $0xFFFFE000  }
0x1e2: {  	_ =	swait.ge [sflag:s22], $0x40  }
0x1e3: {  	[sflag:s22] =	ssyncset.done $0x0  }
0x1e4: {  	s9 =	sadd.s32 $0x3C0, s15;
	[sflag:s22] =	ssyncadd.s32 $0xFFFFFFC0  }
0x1e5: {  	[tilespmem:s21], [sflag:$0x8] =	stream.indirect.gather [hbm4b:s1+s28], $0x80, s9, s28, $0xb8;
	[tilespmem:$0x12D00] =	vst v63  }
0x1e6: {  	_ = 	snop  }
0x1e7: {  	[tilespmem:s6], [sflag:$0x8] =	stream.indirect.gather [hbm4b:s2+s28], $0x1, s9, s28, $0xb8;
	[tilespmem:$0x12D00] =	vst v63  }
0x1e8: {  	_ =	swait.ge [sflag:s29], $0x2000  }
0x1e9: {  	[sflag:s29] =	ssyncset.done $0x0  }
0x1ea: {  	[sflag:s29] =	ssyncadd.s32 $0xFFFFE000  }
0x1eb: {  	_ =	swait.ge [sflag:s29], $0x40  }
0x1ec: {  	[sflag:s29] =	ssyncset.done $0x0  }
0x1ed: {  	[sflag:s29] =	ssyncadd.s32 $0xFFFFFFC0  }
0x1ee: {  	v2 =	vld [tilespmem:s15+$0x280]  }
0x1ef: {  	v3 =	vld [tilespmem:$0x12100];
	_ =	sdelay $0x3  }
0x1f0: {  	vm12 =	veq.s32 v2, $0x0  }
0x1f1: {  	v2 =	vsel vm12, $0x0, v3  }
0x1f2: {  	[tilespmem:$0x12100] =	vst v2  }
0x1f3: {  	v2 =	vld [tilespmem:s15+$0x290]  }
0x1f4: {  	v3 =	vld [tilespmem:$0x12110];
	_ =	sdelay $0x3  }
0x1f5: {  	vm13 =	veq.s32 v2, $0x0  }
0x1f6: {  	v2 =	vsel vm13, $0x0, v3  }
0x1f7: {  	[tilespmem:$0x12110] =	vst v2  }
0x1f8: {  	v2 =	vld [tilespmem:s15+$0x2A0]  }
0x1f9: {  	v3 =	vld [tilespmem:$0x12120];
	_ =	sdelay $0x3  }
0x1fa: {  	vm14 =	veq.s32 v2, $0x0  }
0x1fb: {  	v2 =	vsel vm14, $0x0, v3  }
0x1fc: {  	[tilespmem:$0x12120] =	vst v2  }
0x1fd: {  	v2 =	vld [tilespmem:s15+$0x2B0]  }
0x1fe: {  	v3 =	vld [tilespmem:$0x12130];
	_ =	sdelay $0x2  }
0x1ff: {  	v60 =	vsel vm12, $0x1, v0;
	v61 =	vsel vm13, $0x1, v0  }
0x200: {  	v4 =	vadd.s32 v60, v61;
	v62 =	vsel vm14, $0x1, v0;
	vm15 =	veq.s32 v2, $0x0  }
0x201: {  	v2 =	vadd.s32 v62, v4;
	v3 =	vsel vm15, $0x0, v3;
	v63 =	vsel vm15, $0x1, v0  }
0x202: {  	[tilespmem:$0x12130] =	vst v3;
	v2 =	vadd.s32 v63, v2  }
0x203: {  	[tilespmem:s16+$0x124A0] =	vst v2  }
0x204: {  	v3 =	vld [tilespmem:$0x12C00];
	_ =	sdelay $0x2  }
0x205: {  	p0 =	sne.s32 s11, $0x7000;
	s11 =	sadd.s32 $0x800, s11  }
0x206: {  	s3 =	simm.s32 $0x12300;
	s7 =	sadd.s32 $0x200, s7;
	s18 =	simm.s32 $0x10000  }
.Ltmp2:
0x207: {  	s19 =	sadd.s32 $0x1400, s8;
	s8 =	sadd.s32 $0x2000, s8;
	v2 =	vadd.s32 v2, v3;
	(pc) =	sbr.rel @p0 .LBB2_2-.Ltmp2, $4  }
0x208: {  	s20 =	simm.s32 $0x6000;
	s22 =	simm.s32 $0x12100;
	s17 =	rddreg [dreg:$0x5];
	[tilespmem:$0x12C00] =	vst v2  }
0x209: {  	[hbm4b:s19+s13] =	stream.linear.scatter [tilespmem:s20], [sflag:$0xB], $0x2000, $0x38;
	[tilespmem:$0x12D00] =	vst v63  }
0x20a: {  	s21 =	simm.s32 $0x12380;
	s15 =	sadd.s32 s10, s17;
	s10 =	sadd.s32 $0x40, s10  }
0x20b: {  	[hbm4b:s15+s13] =	stream.linear.scatter [tilespmem:s22], [sflag:$0xB], $0x40, $0x38;
	[tilespmem:$0x12D00] =	vst v63  }
0x20c: {  	_ =	swait.ge [sflag:s30], $0x2000  }
0x20d: {  	[sflag:s30] =	ssyncset.done $0x0  }
0x20e: {  	[sflag:s30] =	ssyncadd.s32 $0xFFFFE000  }
0x20f: {  	_ =	swait.ge [sflag:s30], $0x40  }
0x210: {  	[sflag:s30] =	ssyncset.done $0x0  }
0x211: {  	[sflag:s30] =	ssyncadd.s32 $0xFFFFFFC0  }
0x212: {  	_ =	swait.ge [sflag:s31], $0x2000  }
0x213: {  	[sflag:s31] =	ssyncset.done $0x0  }
0x214: {  	[sflag:s31] =	ssyncadd.s32 $0xFFFFE000  }
0x215: {  	_ =	swait.ge [sflag:s31], $0x40  }
0x216: {  	[sflag:s31] =	ssyncset.done $0x0  }
0x217: {  	[sflag:s31] =	ssyncadd.s32 $0xFFFFFFC0  }
0x218: {  	v2 =	vld [tilespmem:$0x1EC0]  }
0x219: {  	v3 =	vld [tilespmem:$0x12180]  }
0x21a: {  	v4 =	vld [tilespmem:$0x1ED0]  }
0x21b: {  	v6 =	vld [tilespmem:$0x1EE0]  }
0x21c: {  	v8 =	vld [tilespmem:$0x1EF0]  }
0x21d: {  	v5 =	vld [tilespmem:$0x12190]  }
0x21e: {  	v7 =	vld [tilespmem:$0x121A0]  }
0x21f: {  	v9 =	vld [tilespmem:$0x121B0]  }
0x220: {  	vm0 =	veq.s32 v2, $0x0;
	vm1 =	veq.s32 v4, $0x0  }
0x221: {  	v10 =	vld [tilespmem:$0x12C00];
	vm10 =	veq.s32 v6, $0x0;
	vm11 =	veq.s32 v8, $0x0;
	v2 =	vsel vm0, $0x0, v3  }
0x222: {  	v3 =	vsel vm0, $0x1, v0;
	v4 =	vsel vm1, $0x1, v0;
	[tilespmem:$0x12180] =	vst v2;
	v2 =	vsel vm1, $0x0, v5  }
0x223: {  	v26 =	vsel vm10, $0x1, v0;
	v3 =	vadd.s32 v3, v4;
	[tilespmem:$0x12190] =	vst v2;
	v2 =	vsel vm10, $0x0, v7  }
0x224: {  	v27 =	vsel vm11, $0x1, v0;
	[tilespmem:$0x121A0] =	vst v2;
	v2 =	vadd.s32 v26, v3;
	v3 =	vsel vm11, $0x0, v9  }
0x225: {  	[tilespmem:$0x121B0] =	vst v3;
	v2 =	vadd.s32 v27, v2  }
0x226: {  	[tilespmem:$0x12BB0] =	vst v2;
	v2 =	vadd.s32 v2, v10  }
0x227: {  	s7 =	simm.s32 $0x0;
	s6 =	simm.s32 $0x8000;
	s8 =	rddreg [dreg:$0x10];
	[tilespmem:$0x12C00] =	vst v2  }
0x228: {  	[hbm4b:s8+s7] =	stream.linear.scatter [tilespmem:s6], [sflag:$0xC], $0x2000, $0x38;
	[tilespmem:$0x12D00] =	vst v63  }
0x229: {  	s10 =	simm.s32 $0x12180;
	s9 =	rddreg [dreg:$0x1a]  }
0x22a: {  	[hbm4b:s9+s7] =	stream.linear.scatter [tilespmem:s10], [sflag:$0xC], $0x40, $0x38;
	[tilespmem:$0x12D00] =	vst v63  }
0x22b: {  	_ =	swait.ge [sflag:s0], $0x2000  }
0x22c: {  	[sflag:s0] =	ssyncset.done $0x0  }
0x22d: {  	[sflag:s0] =	ssyncadd.s32 $0xFFFFE000  }
0x22e: {  	_ =	swait.ge [sflag:s0], $0x40  }
0x22f: {  	[sflag:s0] =	ssyncset.done $0x0  }
0x230: {  	[sflag:s0] =	ssyncadd.s32 $0xFFFFFFC0  }
0x231: {  	_ =	swait.ge [sflag:s4], $0x2000  }
0x232: {  	[sflag:s4] =	ssyncset.done $0x0  }
0x233: {  	[sflag:s4] =	ssyncadd.s32 $0xFFFFE000  }
0x234: {  	_ =	swait.ge [sflag:s4], $0x40  }
0x235: {  	[sflag:s4] =	ssyncset.done $0x0  }
0x236: {  	[sflag:s4] =	ssyncadd.s32 $0xFFFFFFC0  }
0x237: {  	v2 =	vld [tilespmem:$0x1F00]  }
0x238: {  	v3 =	vld [tilespmem:$0x12200]  }
0x239: {  	v28 =	vld [tilespmem:$0x1F10]  }
0x23a: {  	v30 =	vld [tilespmem:$0x1F20]  }
0x23b: {  	v32 =	vld [tilespmem:$0x1F30]  }
0x23c: {  	v29 =	vld [tilespmem:$0x12210]  }
0x23d: {  	v31 =	vld [tilespmem:$0x12220]  }
0x23e: {  	v33 =	vld [tilespmem:$0x12230]  }
0x23f: {  	vm12 =	veq.s32 v2, $0x0;
	vm13 =	veq.s32 v28, $0x0  }
0x240: {  	v34 =	vld [tilespmem:$0x12C00];
	vm14 =	veq.s32 v30, $0x0;
	vm15 =	veq.s32 v32, $0x0;
	v2 =	vsel vm12, $0x0, v3  }
0x241: {  	v3 =	vsel vm12, $0x1, v0;
	v4 =	vsel vm13, $0x1, v0;
	[tilespmem:$0x12200] =	vst v2;
	v2 =	vsel vm13, $0x0, v29  }
0x242: {  	v35 =	vsel vm14, $0x1, v0;
	v3 =	vadd.s32 v3, v4;
	[tilespmem:$0x12210] =	vst v2;
	v2 =	vsel vm14, $0x0, v31  }
0x243: {  	v36 =	vsel vm15, $0x1, v0;
	[tilespmem:$0x12220] =	vst v2;
	v2 =	vadd.s32 v35, v3;
	v3 =	vsel vm15, $0x0, v33  }
0x244: {  	[tilespmem:$0x12230] =	vst v3;
	v2 =	vadd.s32 v36, v2  }
0x245: {  	[tilespmem:$0x12BC0] =	vst v2;
	v2 =	vadd.s32 v2, v34  }
0x246: {  	s13 =	simm.s32 $0xA000;
	s11 =	rddreg [dreg:$0x11];
	[tilespmem:$0x12C00] =	vst v2  }
0x247: {  	[hbm4b:s11+s7] =	stream.linear.scatter [tilespmem:s13], [sflag:$0xD], $0x2000, $0x38;
	[tilespmem:$0x12D00] =	vst v63  }
0x248: {  	s15 =	simm.s32 $0x12200;
	s14 =	rddreg [dreg:$0x1b]  }
0x249: {  	[hbm4b:s14+s7] =	stream.linear.scatter [tilespmem:s15], [sflag:$0xD], $0x40, $0x38;
	[tilespmem:$0x12D00] =	vst v63  }
0x24a: {  	_ =	swait.ge [sflag:s5], $0x2000  }
0x24b: {  	[sflag:s5] =	ssyncset.done $0x0  }
0x24c: {  	[sflag:s5] =	ssyncadd.s32 $0xFFFFE000  }
0x24d: {  	_ =	swait.ge [sflag:s5], $0x40  }
0x24e: {  	[sflag:s5] =	ssyncset.done $0x0  }
0x24f: {  	[sflag:s5] =	ssyncadd.s32 $0xFFFFFFC0  }
0x250: {  	_ =	swait.ge [sflag:s24], $0x2000  }
0x251: {  	[sflag:s24] =	ssyncset.done $0x0  }
0x252: {  	[sflag:s24] =	ssyncadd.s32 $0xFFFFE000  }
0x253: {  	_ =	swait.ge [sflag:s24], $0x40  }
0x254: {  	[sflag:s24] =	ssyncset.done $0x0  }
0x255: {  	[sflag:s24] =	ssyncadd.s32 $0xFFFFFFC0  }
0x256: {  	v2 =	vld [tilespmem:$0x1F40]  }
0x257: {  	v3 =	vld [tilespmem:$0x12280]  }
0x258: {  	v37 =	vld [tilespmem:$0x1F50]  }
0x259: {  	v39 =	vld [tilespmem:$0x1F60]  }
0x25a: {  	v41 =	vld [tilespmem:$0x1F70]  }
0x25b: {  	v38 =	vld [tilespmem:$0x12290]  }
0x25c: {  	v40 =	vld [tilespmem:$0x122A0]  }
0x25d: {  	v42 =	vld [tilespmem:$0x122B0]  }
0x25e: {  	vm4 =	veq.s32 v2, $0x0;
	vm5 =	veq.s32 v37, $0x0  }
0x25f: {  	v43 =	vld [tilespmem:$0x12C00];
	vm6 =	veq.s32 v39, $0x0;
	vm7 =	veq.s32 v41, $0x0;
	v2 =	vsel vm4, $0x0, v3  }
0x260: {  	v3 =	vsel vm4, $0x1, v0;
	v4 =	vsel vm5, $0x1, v0;
	[tilespmem:$0x12280] =	vst v2;
	v2 =	vsel vm5, $0x0, v38  }
0x261: {  	v44 =	vsel vm6, $0x1, v0;
	v3 =	vadd.s32 v3, v4;
	[tilespmem:$0x12290] =	vst v2;
	v2 =	vsel vm6, $0x0, v40  }
0x262: {  	v45 =	vsel vm7, $0x1, v0;
	[tilespmem:$0x122A0] =	vst v2;
	v2 =	vadd.s32 v44, v3;
	v3 =	vsel vm7, $0x0, v42  }
0x263: {  	[tilespmem:$0x122B0] =	vst v3;
	v2 =	vadd.s32 v45, v2  }
0x264: {  	[tilespmem:$0x12BD0] =	vst v2;
	v2 =	vadd.s32 v2, v43  }
0x265: {  	s17 =	simm.s32 $0xC000;
	s16 =	rddreg [dreg:$0x12];
	[tilespmem:$0x12C00] =	vst v2  }
0x266: {  	[hbm4b:s16+s7] =	stream.linear.scatter [tilespmem:s17], [sflag:$0xE], $0x2000, $0x38;
	[tilespmem:$0x12D00] =	vst v63  }
0x267: {  	s20 =	simm.s32 $0x12280;
	s19 =	rddreg [dreg:$0x1c]  }
0x268: {  	[hbm4b:s19+s7] =	stream.linear.scatter [tilespmem:s20], [sflag:$0xE], $0x40, $0x38;
	[tilespmem:$0x12D00] =	vst v63  }
0x269: {  	_ =	swait.ge [sflag:s25], $0x2000  }
0x26a: {  	[sflag:s25] =	ssyncset.done $0x0  }
0x26b: {  	[sflag:s25] =	ssyncadd.s32 $0xFFFFE000  }
0x26c: {  	_ =	swait.ge [sflag:s25], $0x40  }
0x26d: {  	[sflag:s25] =	ssyncset.done $0x0  }
0x26e: {  	[sflag:s25] =	ssyncadd.s32 $0xFFFFFFC0  }
0x26f: {  	_ =	swait.ge [sflag:s23], $0x2000  }
0x270: {  	[sflag:s23] =	ssyncset.done $0x0  }
0x271: {  	[sflag:s23] =	ssyncadd.s32 $0xFFFFE000  }
0x272: {  	_ =	swait.ge [sflag:s23], $0x40  }
0x273: {  	[sflag:s23] =	ssyncset.done $0x0  }
0x274: {  	[sflag:s23] =	ssyncadd.s32 $0xFFFFFFC0  }
0x275: {  	v2 =	vld [tilespmem:$0x1F80]  }
0x276: {  	v3 =	vld [tilespmem:$0x12300]  }
0x277: {  	v46 =	vld [tilespmem:$0x1F90]  }
0x278: {  	v48 =	vld [tilespmem:$0x1FA0]  }
0x279: {  	v50 =	vld [tilespmem:$0x1FB0]  }
0x27a: {  	v47 =	vld [tilespmem:$0x12310]  }
0x27b: {  	v49 =	vld [tilespmem:$0x12320]  }
0x27c: {  	v51 =	vld [tilespmem:$0x12330]  }
0x27d: {  	vm8 =	veq.s32 v2, $0x0;
	vm9 =	veq.s32 v46, $0x0  }
0x27e: {  	v52 =	vld [tilespmem:$0x12C00];
	vm10 =	veq.s32 v48, $0x0;
	vm11 =	veq.s32 v50, $0x0;
	v2 =	vsel vm8, $0x0, v3  }
0x27f: {  	v3 =	vsel vm8, $0x1, v0;
	v4 =	vsel vm9, $0x1, v0;
	[tilespmem:$0x12300] =	vst v2;
	v2 =	vsel vm9, $0x0, v47  }
0x280: {  	v53 =	vsel vm10, $0x1, v0;
	v3 =	vadd.s32 v3, v4;
	[tilespmem:$0x12310] =	vst v2;
	v2 =	vsel vm10, $0x0, v49  }
0x281: {  	v54 =	vsel vm11, $0x1, v0;
	[tilespmem:$0x12320] =	vst v2;
	v2 =	vadd.s32 v53, v3;
	v3 =	vsel vm11, $0x0, v51  }
0x282: {  	[tilespmem:$0x12330] =	vst v3;
	v2 =	vadd.s32 v54, v2  }
0x283: {  	[tilespmem:$0x12BE0] =	vst v2;
	v2 =	vadd.s32 v2, v52  }
0x284: {  	s22 =	rddreg [dreg:$0x13];
	s23 =	simm.s32 $0xE000;
	[tilespmem:$0x12C00] =	vst v2  }
0x285: {  	[hbm4b:s22+s7] =	stream.linear.scatter [tilespmem:s23], [sflag:$0xF], $0x2000, $0x38;
	[tilespmem:$0x12D00] =	vst v63  }
0x286: {  	s25 =	simm.s32 $0xD;
	s24 =	rddreg [dreg:$0x1d]  }
0x287: {  	[hbm4b:s24+s7] =	stream.linear.scatter [tilespmem:s3], [sflag:$0xF], $0x40, $0x38;
	[tilespmem:$0x12D00] =	vst v63  }
0x288: {  	_ =	swait.ge [sflag:s25], $0x2000  }
0x289: {  	[sflag:s25] =	ssyncset.done $0x0  }
0x28a: {  	[sflag:s25] =	ssyncadd.s32 $0xFFFFE000  }
0x28b: {  	_ =	swait.ge [sflag:s25], $0x40  }
0x28c: {  	[sflag:s25] =	ssyncset.done $0x0  }
0x28d: {  	s26 =	simm.s32 $0x8;
	[sflag:s25] =	ssyncadd.s32 $0xFFFFFFC0  }
0x28e: {  	_ =	swait.ge [sflag:s26], $0x2000  }
0x28f: {  	[sflag:s26] =	ssyncset.done $0x0  }
0x290: {  	[sflag:s26] =	ssyncadd.s32 $0xFFFFE000  }
0x291: {  	_ =	swait.ge [sflag:s26], $0x40  }
0x292: {  	[sflag:s26] =	ssyncset.done $0x0  }
0x293: {  	[sflag:s26] =	ssyncadd.s32 $0xFFFFFFC0  }
0x294: {  	v2 =	vld [tilespmem:$0x1FC0]  }
0x295: {  	v3 =	vld [tilespmem:$0x12380]  }
0x296: {  	v55 =	vld [tilespmem:$0x1FD0]  }
0x297: {  	v56 =	vld [tilespmem:$0x12390]  }
0x298: {  	v57 =	vld [tilespmem:$0x1FE0]  }
0x299: {  	v58 =	vld [tilespmem:$0x123A0]  }
0x29a: {  	v59 =	vld [tilespmem:$0x1FF0]  }
0x29b: {  	v60 =	vld [tilespmem:$0x123B0]  }
0x29c: {  	vm12 =	veq.s32 v2, $0x0;
	vm13 =	veq.s32 v55, $0x0  }
0x29d: {  	v61 =	vld [tilespmem:$0x12C00];
	v2 =	vsel vm12, $0x0, v3;
	v3 =	vsel vm12, $0x1, v0;
	v4 =	vsel vm13, $0x1, v0  }
0x29e: {  	vm14 =	veq.s32 v57, $0x0;
	[tilespmem:$0x12380] =	vst v2;
	v2 =	vadd.s32 v3, v4;
	v3 =	vsel vm13, $0x0, v56  }
0x29f: {  	vm15 =	veq.s32 v59, $0x0;
	v62 =	vsel vm14, $0x1, v0;
	[tilespmem:$0x12390] =	vst v3;
	v3 =	vsel vm14, $0x0, v58  }
0x2a0: {  	v63 =	vsel vm15, $0x1, v0;
	v2 =	vadd.s32 v62, v2;
	[tilespmem:$0x123A0] =	vst v3;
	v3 =	vsel vm15, $0x0, v60  }
0x2a1: {  	v2 =	vadd.s32 v63, v2;
	[tilespmem:$0x123B0] =	vst v3  }
0x2a2: {  	[tilespmem:$0x12BF0] =	vst v2;
	v2 =	vadd.s32 v2, v61  }
0x2a3: {  	s3 =	rddreg [dreg:$0x14];
	[tilespmem:$0x12C00] =	vst v2  }
0x2a4: {  	[hbm4b:s3+s7] =	stream.linear.scatter [tilespmem:s18], [sflag:$0x10], $0x2000, $0x38;
	[tilespmem:$0x12D00] =	vst v63  }
0x2a5: {  	s8 =	simm.s32 $0xE;
	s6 =	rddreg [dreg:$0x1e]  }
0x2a6: {  	[hbm4b:s6+s7] =	stream.linear.scatter [tilespmem:s21], [sflag:$0x10], $0x40, $0x38;
	[tilespmem:$0x12D00] =	vst v63  }
0x2a7: {  	_ =	swait.ge [sflag:s8], $0x2000  }
0x2a8: {  	[sflag:s8] =	ssyncset.done $0x0  }
0x2a9: {  	[sflag:s8] =	ssyncadd.s32 $0xFFFFE000  }
0x2aa: {  	_ =	swait.ge [sflag:s8], $0x40  }
0x2ab: {  	[sflag:s8] =	ssyncset.done $0x0  }
0x2ac: {  	s9 =	simm.s32 $0xF;
	[sflag:s8] =	ssyncadd.s32 $0xFFFFFFC0  }
0x2ad: {  	_ =	swait.ge [sflag:s9], $0x2000  }
0x2ae: {  	[sflag:s9] =	ssyncset.done $0x0  }
0x2af: {  	[sflag:s9] =	ssyncadd.s32 $0xFFFFE000  }
0x2b0: {  	_ =	swait.ge [sflag:s9], $0x40  }
0x2b1: {  	[sflag:s9] =	ssyncset.done $0x0  }
0x2b2: {  	s10 =	simm.s32 $0x10;
	[sflag:s9] =	ssyncadd.s32 $0xFFFFFFC0  }
0x2b3: {  	_ =	swait.ge [sflag:s10], $0x2000  }
0x2b4: {  	[sflag:s10] =	ssyncset.done $0x0  }
0x2b5: {  	[sflag:s10] =	ssyncadd.s32 $0xFFFFE000  }
0x2b6: {  	_ =	swait.ge [sflag:s10], $0x40  }
0x2b7: {  	[sflag:s10] =	ssyncset.done $0x0  }
0x2b8: {  	[sflag:s10] =	ssyncadd.s32 $0xFFFFFFC0  }
0x2b9: {  	v2 =	vld [tilespmem:$0x12C00];
	_ =	sdelay $0x4  }
0x2ba: {  	(v2sf) =	vpush v2, $0x0  }
0x2bb: {  	(v2sf) =	vpush v2, $0x1  }
0x2bc: {  	(v2sf) =	vpush v2, $0x2  }
0x2bd: {  	(v2sf) =	vpush v2, $0x3  }
0x2be: {  	(v2sf) =	vpush v2, $0x4  }
0x2bf: {  	(v2sf) =	vpush v2, $0x5  }
0x2c0: {  	(v2sf) =	vpush v2, $0x6  }
0x2c1: {  	(v2sf) =	vpush v2, $0x7  }
0x2c2: {  	(v2sf) =	vpush v2, $0x8  }
0x2c3: {  	(v2sf) =	vpush v2, $0x9  }
0x2c4: {  	(v2sf) =	vpush v2, $0xA  }
0x2c5: {  	(v2sf) =	vpush v2, $0xB  }
0x2c6: {  	(v2sf) =	vpush v2, $0xC  }
0x2c7: {  	(v2sf) =	vpush v2, $0xD  }
0x2c8: {  	(v2sf) =	vpush v2, $0xE  }
0x2c9: {  	s11 =	spop (v2sf);
	(v2sf) =	vpush v2, $0xF  }
0x2ca: {  	s10 =	spop (v2sf)  }
0x2cb: {  	s8 =	sadd.s32 s10, s11;
	s13 =	spop (v2sf)  }
0x2cc: {  	s8 =	sadd.s32 s13, s8;
	s14 =	spop (v2sf)  }
0x2cd: {  	s8 =	sadd.s32 s14, s8;
	s15 =	spop (v2sf)  }
0x2ce: {  	s8 =	sadd.s32 s15, s8;
	s16 =	spop (v2sf)  }
0x2cf: {  	s8 =	sadd.s32 s16, s8;
	s17 =	spop (v2sf)  }
0x2d0: {  	s8 =	sadd.s32 s17, s8;
	s18 =	spop (v2sf)  }
0x2d1: {  	s8 =	sadd.s32 s18, s8;
	s19 =	spop (v2sf)  }
0x2d2: {  	s8 =	sadd.s32 s19, s8;
	s20 =	spop (v2sf)  }
0x2d3: {  	s8 =	sadd.s32 s20, s8;
	s21 =	spop (v2sf)  }
0x2d4: {  	s8 =	sadd.s32 s21, s8;
	s22 =	spop (v2sf)  }
0x2d5: {  	s8 =	sadd.s32 s22, s8;
	s23 =	spop (v2sf)  }
0x2d6: {  	s8 =	sadd.s32 s23, s8;
	s24 =	spop (v2sf)  }
0x2d7: {  	s8 =	sadd.s32 s24, s8;
	s25 =	spop (v2sf)  }
0x2d8: {  	s8 =	sadd.s32 s25, s8;
	s26 =	spop (v2sf)  }
0x2d9: {  	s8 =	sadd.s32 s26, s8  }
0x2da: {  	s3 =	simm.s32 $0x0;
	s9 =	simm.s32 $0x12180;
	p0 =	slt.s32 s8, $0x1  }
.Ltmp3:
0x2db: {  	s0 =	sld [smem:$0x7FC];
	s13 =	smov.u32 s2;
	(pc) =	sbr.rel @p0 .LBB2_8-.Ltmp3, $4  }
0x2dc: {  	s14 =	simm.s32 $0x1;
	s16 =	simm.s32 $0x2;
	s17 =	simm.s32 $0x12100  }
0x2dd: {  	s18 =	simm.s32 $0x8000;
	s19 =	simm.s32 $0xA000;
	s20 =	simm.s32 $0x12200  }
0x2de: {  	s21 =	simm.s32 $0xC000;
	s22 =	simm.s32 $0x12280;
	s23 =	simm.s32 $0xE000  }
0x2df: {  	s24 =	simm.s32 $0x12300;
	s25 =	simm.s32 $0x10000;
	s26 =	simm.s32 $0x3  }
.Ltmp4:
0x2e0: {  	(pc) =	sbr.rel .LBB2_5-.Ltmp4, $2  }
0x2e1: {  	_ =	sdelay $0x2  }
0x2e2: {  	s8 =	simm.s32 $0x12400;
	s10 =	simm.s32 $0x20  }
.LBB2_7:
0x2e3: {  	s7 =	sadd.s32 $0x400, s7  }
0x2e4: {  	p0 =	sne.s32 s7, $0x20000  }
.Ltmp5:
0x2e5: {  	_ = 	snop;
	(pc) =	sbr.rel @!p0 .LBB2_8-.Ltmp5, $2  }
0x2e6: {  	_ =	sdelay $0x2  }
0x2e7: {  	s8 =	sadd.s32 $0x10, s8;
	s10 =	sadd.s32 $0x40, s10  }
.LBB2_5:
0x2e8: {  	v2 =	vld [tilespmem:s8+$0x0];
	_ =	sdelay $0x4  }
0x2e9: {  	(v2sf) =	vpush v2, $0x0  }
0x2ea: {  	(v2sf) =	vpush v2, $0x1  }
0x2eb: {  	(v2sf) =	vpush v2, $0x2  }
0x2ec: {  	(v2sf) =	vpush v2, $0x3  }
0x2ed: {  	(v2sf) =	vpush v2, $0x4  }
0x2ee: {  	(v2sf) =	vpush v2, $0x5  }
0x2ef: {  	(v2sf) =	vpush v2, $0x6  }
0x2f0: {  	(v2sf) =	vpush v2, $0x7  }
0x2f1: {  	(v2sf) =	vpush v2, $0x8  }
0x2f2: {  	(v2sf) =	vpush v2, $0x9  }
0x2f3: {  	(v2sf) =	vpush v2, $0xA  }
0x2f4: {  	(v2sf) =	vpush v2, $0xB  }
0x2f5: {  	(v2sf) =	vpush v2, $0xC  }
0x2f6: {  	(v2sf) =	vpush v2, $0xD  }
0x2f7: {  	(v2sf) =	vpush v2, $0xE  }
0x2f8: {  	s11 =	spop (v2sf);
	(v2sf) =	vpush v2, $0xF  }
0x2f9: {  	s15 =	spop (v2sf)  }
0x2fa: {  	s11 =	sadd.s32 s15, s11;
	s2 =	spop (v2sf)  }
0x2fb: {  	s11 =	sadd.s32 s2, s11;
	s6 =	spop (v2sf)  }
0x2fc: {  	s11 =	sadd.s32 s6, s11;
	s2 =	spop (v2sf)  }
0x2fd: {  	s11 =	sadd.s32 s2, s11;
	s6 =	spop (v2sf)  }
0x2fe: {  	s11 =	sadd.s32 s6, s11;
	s2 =	spop (v2sf)  }
0x2ff: {  	s11 =	sadd.s32 s2, s11;
	s6 =	spop (v2sf)  }
0x300: {  	s11 =	sadd.s32 s6, s11;
	s2 =	spop (v2sf)  }
0x301: {  	s11 =	sadd.s32 s2, s11;
	s6 =	spop (v2sf)  }
0x302: {  	s11 =	sadd.s32 s6, s11;
	s2 =	spop (v2sf)  }
0x303: {  	s11 =	sadd.s32 s2, s11;
	s6 =	spop (v2sf)  }
0x304: {  	s11 =	sadd.s32 s6, s11;
	s2 =	spop (v2sf)  }
0x305: {  	s11 =	sadd.s32 s2, s11;
	s6 =	spop (v2sf)  }
0x306: {  	s11 =	sadd.s32 s6, s11;
	s2 =	spop (v2sf)  }
0x307: {  	s11 =	sadd.s32 s2, s11;
	s6 =	spop (v2sf)  }
0x308: {  	s11 =	sadd.s32 s6, s11  }
0x309: {  	p0 =	slt.s32 s11, $0x1  }
.Ltmp6:
0x30a: {  	_ = 	snop;
	(pc) =	sbr.rel @p0 .LBB2_7-.Ltmp6, $1  }
0x30b: {  	_ =	sdelay $0x3  }
0x30c: {  	v2 =	vld [tilespmem:s10+$0xFFFFFFE0];
	_ =	sdelay $0x4  }
0x30d: {  	(v2sf) =	vpush v2, $0x0;
	_ =	sdelay $0xe  }
0x30e: {  	s11 =	spop (v2sf)  }
0x30f: {  	p0 =	sne.s32 s11, $0x0  }
0x310: {  	s11 =	sadd.s32 @!p0 s7, s12;
	s15 =	simm.s32 @!p0 $0x0;
	s16 =	simm.s32 @!p0 $0x12C80  }
0x311: {  	[hbm4b:s11+s15] =	stream.linear.scatter @!p0 [tilespmem:s16], [sflag:$0x12], $0x80, $0x38;
	[tilespmem:$0x12D00] =	vst v63  }
0x312: {  	s11 =	simm.s32 @!p0 $0x12  }
0x313: {  	_ =	swait.ge @!p0 [sflag:s11], $0x80  }
0x314: {  	(v2sf) =	vpush v2, $0x1;
	_ =	sdelay $0xe  }
0x315: {  	s6 =	spop (v2sf)  }
0x316: {  	[sflag:s11] =	ssyncset.done @!p0 $0x0;
	p1 =	sne.s32 s6, $0x0  }
0x317: {  	[sflag:s11] =	ssyncadd.s32 @!p0 $0xFFFFFF80;
	s11 =	sadd.s32 @!p1 s7, s12  }
0x318: {  	s15 =	simm.s32 @!p1 $0x0;
	s16 =	simm.s32 @!p1 $0x12C80;
	s11 =	sadd.s32 @!p1 $0x10, s11  }
0x319: {  	[hbm4b:s11+s15] =	stream.linear.scatter @!p1 [tilespmem:s16], [sflag:$0x12], $0x80, $0x38;
	[tilespmem:$0x12D00] =	vst v63  }
0x31a: {  	s11 =	simm.s32 @!p1 $0x12  }
0x31b: {  	_ =	swait.ge @!p1 [sflag:s11], $0x80  }
0x31c: {  	(v2sf) =	vpush v2, $0x2;
	_ =	sdelay $0xe  }
0x31d: {  	s14 =	spop (v2sf)  }
0x31e: {  	[sflag:s11] =	ssyncset.done @!p1 $0x0;
	p0 =	sne.s32 s14, $0x0  }
0x31f: {  	[sflag:s11] =	ssyncadd.s32 @!p1 $0xFFFFFF80;
	s11 =	sadd.s32 @!p0 s7, s12  }
0x320: {  	s15 =	simm.s32 @!p0 $0x0;
	s16 =	simm.s32 @!p0 $0x12C80;
	s11 =	sadd.s32 @!p0 $0x20, s11  }
0x321: {  	[hbm4b:s11+s15] =	stream.linear.scatter @!p0 [tilespmem:s16], [sflag:$0x12], $0x80, $0x38;
	[tilespmem:$0x12D00] =	vst v63  }
0x322: {  	s11 =	simm.s32 @!p0 $0x12  }
0x323: {  	_ =	swait.ge @!p0 [sflag:s11], $0x80  }
0x324: {  	(v2sf) =	vpush v2, $0x3;
	_ =	sdelay $0xe  }
0x325: {  	s16 =	spop (v2sf)  }
0x326: {  	[sflag:s11] =	ssyncset.done @!p0 $0x0;
	p1 =	sne.s32 s16, $0x0  }
0x327: {  	[sflag:s11] =	ssyncadd.s32 @!p0 $0xFFFFFF80;
	s11 =	sadd.s32 @!p1 s7, s12  }
0x328: {  	s15 =	simm.s32 @!p1 $0x0;
	s16 =	simm.s32 @!p1 $0x12C80;
	s11 =	sadd.s32 @!p1 $0x30, s11  }
0x329: {  	[hbm4b:s11+s15] =	stream.linear.scatter @!p1 [tilespmem:s16], [sflag:$0x12], $0x80, $0x38;
	[tilespmem:$0x12D00] =	vst v63  }
0x32a: {  	s11 =	simm.s32 @!p1 $0x12  }
0x32b: {  	_ =	swait.ge @!p1 [sflag:s11], $0x80  }
0x32c: {  	(v2sf) =	vpush v2, $0x4;
	_ =	sdelay $0xe  }
0x32d: {  	s2 =	spop (v2sf)  }
0x32e: {  	[sflag:s11] =	ssyncset.done @!p1 $0x0;
	p0 =	sne.s32 s2, $0x0  }
0x32f: {  	[sflag:s11] =	ssyncadd.s32 @!p1 $0xFFFFFF80;
	s11 =	sadd.s32 @!p0 s7, s12  }
0x330: {  	s15 =	simm.s32 @!p0 $0x0;
	s16 =	simm.s32 @!p0 $0x12C80;
	s11 =	sadd.s32 @!p0 $0x40, s11  }
0x331: {  	[hbm4b:s11+s15] =	stream.linear.scatter @!p0 [tilespmem:s16], [sflag:$0x12], $0x80, $0x38;
	[tilespmem:$0x12D00] =	vst v63  }
0x332: {  	s11 =	simm.s32 @!p0 $0x12  }
0x333: {  	_ =	swait.ge @!p0 [sflag:s11], $0x80  }
0x334: {  	(v2sf) =	vpush v2, $0x5;
	_ =	sdelay $0xe  }
0x335: {  	s6 =	spop (v2sf)  }
0x336: {  	[sflag:s11] =	ssyncset.done @!p0 $0x0;
	p1 =	sne.s32 s6, $0x0  }
0x337: {  	[sflag:s11] =	ssyncadd.s32 @!p0 $0xFFFFFF80;
	s11 =	sadd.s32 @!p1 s7, s12  }
0x338: {  	s15 =	simm.s32 @!p1 $0x0;
	s16 =	simm.s32 @!p1 $0x12C80;
	s11 =	sadd.s32 @!p1 $0x50, s11  }
0x339: {  	[hbm4b:s11+s15] =	stream.linear.scatter @!p1 [tilespmem:s16], [sflag:$0x12], $0x80, $0x38;
	[tilespmem:$0x12D00] =	vst v63  }
0x33a: {  	s11 =	simm.s32 @!p1 $0x12  }
0x33b: {  	_ =	swait.ge @!p1 [sflag:s11], $0x80  }
0x33c: {  	(v2sf) =	vpush v2, $0x6;
	_ =	sdelay $0xe  }
0x33d: {  	s14 =	spop (v2sf)  }
0x33e: {  	[sflag:s11] =	ssyncset.done @!p1 $0x0;
	p0 =	sne.s32 s14, $0x0  }
0x33f: {  	[sflag:s11] =	ssyncadd.s32 @!p1 $0xFFFFFF80;
	s11 =	sadd.s32 @!p0 s7, s12  }
0x340: {  	s15 =	simm.s32 @!p0 $0x0;
	s16 =	simm.s32 @!p0 $0x12C80;
	s11 =	sadd.s32 @!p0 $0x60, s11  }
0x341: {  	[hbm4b:s11+s15] =	stream.linear.scatter @!p0 [tilespmem:s16], [sflag:$0x12], $0x80, $0x38;
	[tilespmem:$0x12D00] =	vst v63  }
0x342: {  	s11 =	simm.s32 @!p0 $0x12  }
0x343: {  	_ =	swait.ge @!p0 [sflag:s11], $0x80  }
0x344: {  	(v2sf) =	vpush v2, $0x7;
	_ =	sdelay $0xe  }
0x345: {  	s16 =	spop (v2sf)  }
0x346: {  	[sflag:s11] =	ssyncset.done @!p0 $0x0;
	p1 =	sne.s32 s16, $0x0  }
0x347: {  	[sflag:s11] =	ssyncadd.s32 @!p0 $0xFFFFFF80;
	s11 =	sadd.s32 @!p1 s7, s12  }
0x348: {  	s15 =	simm.s32 @!p1 $0x0;
	s16 =	simm.s32 @!p1 $0x12C80;
	s11 =	sadd.s32 @!p1 $0x70, s11  }
0x349: {  	[hbm4b:s11+s15] =	stream.linear.scatter @!p1 [tilespmem:s16], [sflag:$0x12], $0x80, $0x38;
	[tilespmem:$0x12D00] =	vst v63  }
0x34a: {  	s11 =	simm.s32 @!p1 $0x12  }
0x34b: {  	_ =	swait.ge @!p1 [sflag:s11], $0x80  }
0x34c: {  	(v2sf) =	vpush v2, $0x8;
	_ =	sdelay $0xe  }
0x34d: {  	s2 =	spop (v2sf)  }
0x34e: {  	[sflag:s11] =	ssyncset.done @!p1 $0x0;
	p0 =	sne.s32 s2, $0x0  }
0x34f: {  	[sflag:s11] =	ssyncadd.s32 @!p1 $0xFFFFFF80;
	s11 =	sadd.s32 @!p0 s7, s12  }
0x350: {  	s15 =	simm.s32 @!p0 $0x0;
	s16 =	simm.s32 @!p0 $0x12C80;
	s11 =	sadd.s32 @!p0 $0x80, s11  }
0x351: {  	[hbm4b:s11+s15] =	stream.linear.scatter @!p0 [tilespmem:s16], [sflag:$0x12], $0x80, $0x38;
	[tilespmem:$0x12D00] =	vst v63  }
0x352: {  	s11 =	simm.s32 @!p0 $0x12  }
0x353: {  	_ =	swait.ge @!p0 [sflag:s11], $0x80  }
0x354: {  	(v2sf) =	vpush v2, $0x9;
	_ =	sdelay $0xe  }
0x355: {  	s6 =	spop (v2sf)  }
0x356: {  	[sflag:s11] =	ssyncset.done @!p0 $0x0;
	p1 =	sne.s32 s6, $0x0  }
0x357: {  	[sflag:s11] =	ssyncadd.s32 @!p0 $0xFFFFFF80;
	s11 =	sadd.s32 @!p1 s7, s12  }
0x358: {  	s15 =	simm.s32 @!p1 $0x0;
	s16 =	simm.s32 @!p1 $0x12C80;
	s11 =	sadd.s32 @!p1 $0x90, s11  }
0x359: {  	[hbm4b:s11+s15] =	stream.linear.scatter @!p1 [tilespmem:s16], [sflag:$0x12], $0x80, $0x38;
	[tilespmem:$0x12D00] =	vst v63  }
0x35a: {  	s11 =	simm.s32 @!p1 $0x12  }
0x35b: {  	_ =	swait.ge @!p1 [sflag:s11], $0x80  }
0x35c: {  	(v2sf) =	vpush v2, $0xA;
	_ =	sdelay $0xe  }
0x35d: {  	s14 =	spop (v2sf)  }
0x35e: {  	[sflag:s11] =	ssyncset.done @!p1 $0x0;
	p0 =	sne.s32 s14, $0x0  }
0x35f: {  	[sflag:s11] =	ssyncadd.s32 @!p1 $0xFFFFFF80;
	s11 =	sadd.s32 @!p0 s7, s12  }
0x360: {  	s15 =	simm.s32 @!p0 $0x0;
	s16 =	simm.s32 @!p0 $0x12C80;
	s11 =	sadd.s32 @!p0 $0xA0, s11  }
0x361: {  	[hbm4b:s11+s15] =	stream.linear.scatter @!p0 [tilespmem:s16], [sflag:$0x12], $0x80, $0x38;
	[tilespmem:$0x12D00] =	vst v63  }
0x362: {  	s11 =	simm.s32 @!p0 $0x12  }
0x363: {  	_ =	swait.ge @!p0 [sflag:s11], $0x80  }
0x364: {  	(v2sf) =	vpush v2, $0xB;
	_ =	sdelay $0xe  }
0x365: {  	s16 =	spop (v2sf)  }
0x366: {  	[sflag:s11] =	ssyncset.done @!p0 $0x0;
	p1 =	sne.s32 s16, $0x0  }
0x367: {  	[sflag:s11] =	ssyncadd.s32 @!p0 $0xFFFFFF80;
	s11 =	sadd.s32 @!p1 s7, s12  }
0x368: {  	s15 =	simm.s32 @!p1 $0x0;
	s16 =	simm.s32 @!p1 $0x12C80;
	s11 =	sadd.s32 @!p1 $0xB0, s11  }
0x369: {  	[hbm4b:s11+s15] =	stream.linear.scatter @!p1 [tilespmem:s16], [sflag:$0x12], $0x80, $0x38;
	[tilespmem:$0x12D00] =	vst v63  }
0x36a: {  	s11 =	simm.s32 @!p1 $0x12  }
0x36b: {  	_ =	swait.ge @!p1 [sflag:s11], $0x80  }
0x36c: {  	(v2sf) =	vpush v2, $0xC;
	_ =	sdelay $0xe  }
0x36d: {  	s2 =	spop (v2sf)  }
0x36e: {  	[sflag:s11] =	ssyncset.done @!p1 $0x0;
	p0 =	sne.s32 s2, $0x0  }
0x36f: {  	[sflag:s11] =	ssyncadd.s32 @!p1 $0xFFFFFF80;
	s11 =	sadd.s32 @!p0 s7, s12  }
0x370: {  	s15 =	simm.s32 @!p0 $0x0;
	s16 =	simm.s32 @!p0 $0x12C80;
	s11 =	sadd.s32 @!p0 $0xC0, s11  }
0x371: {  	[hbm4b:s11+s15] =	stream.linear.scatter @!p0 [tilespmem:s16], [sflag:$0x12], $0x80, $0x38;
	[tilespmem:$0x12D00] =	vst v63  }
0x372: {  	s11 =	simm.s32 @!p0 $0x12  }
0x373: {  	_ =	swait.ge @!p0 [sflag:s11], $0x80  }
0x374: {  	(v2sf) =	vpush v2, $0xD;
	_ =	sdelay $0xe  }
0x375: {  	s6 =	spop (v2sf)  }
0x376: {  	[sflag:s11] =	ssyncset.done @!p0 $0x0;
	p1 =	sne.s32 s6, $0x0  }
0x377: {  	[sflag:s11] =	ssyncadd.s32 @!p0 $0xFFFFFF80;
	s11 =	sadd.s32 @!p1 s7, s12  }
0x378: {  	s15 =	simm.s32 @!p1 $0x0;
	s16 =	simm.s32 @!p1 $0x12C80;
	s11 =	sadd.s32 @!p1 $0xD0, s11  }
0x379: {  	[hbm4b:s11+s15] =	stream.linear.scatter @!p1 [tilespmem:s16], [sflag:$0x12], $0x80, $0x38;
	[tilespmem:$0x12D00] =	vst v63  }
0x37a: {  	s11 =	simm.s32 @!p1 $0x12  }
0x37b: {  	_ =	swait.ge @!p1 [sflag:s11], $0x80  }
0x37c: {  	(v2sf) =	vpush v2, $0xE;
	_ =	sdelay $0xe  }
0x37d: {  	s14 =	spop (v2sf)  }
0x37e: {  	[sflag:s11] =	ssyncset.done @!p1 $0x0;
	p0 =	sne.s32 s14, $0x0  }
0x37f: {  	[sflag:s11] =	ssyncadd.s32 @!p1 $0xFFFFFF80;
	s11 =	sadd.s32 @!p0 s7, s12  }
0x380: {  	s15 =	simm.s32 @!p0 $0x0;
	s16 =	simm.s32 @!p0 $0x12C80;
	s11 =	sadd.s32 @!p0 $0xE0, s11  }
0x381: {  	[hbm4b:s11+s15] =	stream.linear.scatter @!p0 [tilespmem:s16], [sflag:$0x12], $0x80, $0x38;
	[tilespmem:$0x12D00] =	vst v63  }
0x382: {  	s11 =	simm.s32 @!p0 $0x12  }
0x383: {  	_ =	swait.ge @!p0 [sflag:s11], $0x80  }
0x384: {  	(v2sf) =	vpush v2, $0xF;
	_ =	sdelay $0xe  }
0x385: {  	s16 =	spop (v2sf)  }
0x386: {  	[sflag:s11] =	ssyncset.done @!p0 $0x0;
	p1 =	sne.s32 s16, $0x0  }
0x387: {  	[sflag:s11] =	ssyncadd.s32 @!p0 $0xFFFFFF80;
	s11 =	sadd.s32 @!p1 s7, s12  }
0x388: {  	s15 =	simm.s32 @!p1 $0x0;
	s16 =	simm.s32 @!p1 $0x12C80;
	s11 =	sadd.s32 @!p1 $0xF0, s11  }
0x389: {  	[hbm4b:s11+s15] =	stream.linear.scatter @!p1 [tilespmem:s16], [sflag:$0x12], $0x80, $0x38;
	[tilespmem:$0x12D00] =	vst v63  }
0x38a: {  	s11 =	simm.s32 @!p1 $0x12  }
0x38b: {  	_ =	swait.ge @!p1 [sflag:s11], $0x80  }
0x38c: {  	[sflag:s11] =	ssyncset.done @!p1 $0x0  }
0x38d: {  	[sflag:s11] =	ssyncadd.s32 @!p1 $0xFFFFFF80  }
0x38e: {  	v2 =	vld [tilespmem:s10+$0xFFFFFFF0];
	_ =	sdelay $0x4  }
0x38f: {  	(v2sf) =	vpush v2, $0x0;
	_ =	sdelay $0xe  }
0x390: {  	s2 =	spop (v2sf)  }
0x391: {  	p0 =	sne.s32 s2, $0x0  }
0x392: {  	s11 =	sadd.s32 @!p0 s7, s12  }
0x393: {  	s15 =	simm.s32 @!p0 $0x0;
	s16 =	simm.s32 @!p0 $0x12C80;
	s11 =	sadd.s32 @!p0 $0x100, s11  }
0x394: {  	[hbm4b:s11+s15] =	stream.linear.scatter @!p0 [tilespmem:s16], [sflag:$0x12], $0x80, $0x38;
	[tilespmem:$0x12D00] =	vst v63  }
0x395: {  	s11 =	simm.s32 @!p0 $0x12  }
0x396: {  	_ =	swait.ge @!p0 [sflag:s11], $0x80  }
0x397: {  	(v2sf) =	vpush v2, $0x1;
	_ =	sdelay $0xe  }
0x398: {  	s6 =	spop (v2sf)  }
0x399: {  	[sflag:s11] =	ssyncset.done @!p0 $0x0;
	p1 =	sne.s32 s6, $0x0  }
0x39a: {  	[sflag:s11] =	ssyncadd.s32 @!p0 $0xFFFFFF80;
	s11 =	sadd.s32 @!p1 s7, s12  }
0x39b: {  	s15 =	simm.s32 @!p1 $0x0;
	s16 =	simm.s32 @!p1 $0x12C80;
	s11 =	sadd.s32 @!p1 $0x110, s11  }
0x39c: {  	[hbm4b:s11+s15] =	stream.linear.scatter @!p1 [tilespmem:s16], [sflag:$0x12], $0x80, $0x38;
	[tilespmem:$0x12D00] =	vst v63  }
0x39d: {  	s11 =	simm.s32 @!p1 $0x12  }
0x39e: {  	_ =	swait.ge @!p1 [sflag:s11], $0x80  }
0x39f: {  	(v2sf) =	vpush v2, $0x2;
	_ =	sdelay $0xe  }
0x3a0: {  	s14 =	spop (v2sf)  }
0x3a1: {  	[sflag:s11] =	ssyncset.done @!p1 $0x0;
	p0 =	sne.s32 s14, $0x0  }
0x3a2: {  	[sflag:s11] =	ssyncadd.s32 @!p1 $0xFFFFFF80;
	s11 =	sadd.s32 @!p0 s7, s12  }
0x3a3: {  	s15 =	simm.s32 @!p0 $0x0;
	s16 =	simm.s32 @!p0 $0x12C80;
	s11 =	sadd.s32 @!p0 $0x120, s11  }
0x3a4: {  	[hbm4b:s11+s15] =	stream.linear.scatter @!p0 [tilespmem:s16], [sflag:$0x12], $0x80, $0x38;
	[tilespmem:$0x12D00] =	vst v63  }
0x3a5: {  	s11 =	simm.s32 @!p0 $0x12  }
0x3a6: {  	_ =	swait.ge @!p0 [sflag:s11], $0x80  }
0x3a7: {  	(v2sf) =	vpush v2, $0x3;
	_ =	sdelay $0xe  }
0x3a8: {  	s16 =	spop (v2sf)  }
0x3a9: {  	[sflag:s11] =	ssyncset.done @!p0 $0x0;
	p1 =	sne.s32 s16, $0x0  }
0x3aa: {  	[sflag:s11] =	ssyncadd.s32 @!p0 $0xFFFFFF80;
	s11 =	sadd.s32 @!p1 s7, s12  }
0x3ab: {  	s15 =	simm.s32 @!p1 $0x0;
	s16 =	simm.s32 @!p1 $0x12C80;
	s11 =	sadd.s32 @!p1 $0x130, s11  }
0x3ac: {  	[hbm4b:s11+s15] =	stream.linear.scatter @!p1 [tilespmem:s16], [sflag:$0x12], $0x80, $0x38;
	[tilespmem:$0x12D00] =	vst v63  }
0x3ad: {  	s11 =	simm.s32 @!p1 $0x12  }
0x3ae: {  	_ =	swait.ge @!p1 [sflag:s11], $0x80  }
0x3af: {  	(v2sf) =	vpush v2, $0x4;
	_ =	sdelay $0xe  }
0x3b0: {  	s2 =	spop (v2sf)  }
0x3b1: {  	[sflag:s11] =	ssyncset.done @!p1 $0x0;
	p0 =	sne.s32 s2, $0x0  }
0x3b2: {  	[sflag:s11] =	ssyncadd.s32 @!p1 $0xFFFFFF80;
	s11 =	sadd.s32 @!p0 s7, s12  }
0x3b3: {  	s15 =	simm.s32 @!p0 $0x0;
	s16 =	simm.s32 @!p0 $0x12C80;
	s11 =	sadd.s32 @!p0 $0x140, s11  }
0x3b4: {  	[hbm4b:s11+s15] =	stream.linear.scatter @!p0 [tilespmem:s16], [sflag:$0x12], $0x80, $0x38;
	[tilespmem:$0x12D00] =	vst v63  }
0x3b5: {  	s11 =	simm.s32 @!p0 $0x12  }
0x3b6: {  	_ =	swait.ge @!p0 [sflag:s11], $0x80  }
0x3b7: {  	(v2sf) =	vpush v2, $0x5;
	_ =	sdelay $0xe  }
0x3b8: {  	s6 =	spop (v2sf)  }
0x3b9: {  	[sflag:s11] =	ssyncset.done @!p0 $0x0;
	p1 =	sne.s32 s6, $0x0  }
0x3ba: {  	[sflag:s11] =	ssyncadd.s32 @!p0 $0xFFFFFF80;
	s11 =	sadd.s32 @!p1 s7, s12  }
0x3bb: {  	s15 =	simm.s32 @!p1 $0x0;
	s16 =	simm.s32 @!p1 $0x12C80;
	s11 =	sadd.s32 @!p1 $0x150, s11  }
0x3bc: {  	[hbm4b:s11+s15] =	stream.linear.scatter @!p1 [tilespmem:s16], [sflag:$0x12], $0x80, $0x38;
	[tilespmem:$0x12D00] =	vst v63  }
0x3bd: {  	s11 =	simm.s32 @!p1 $0x12  }
0x3be: {  	_ =	swait.ge @!p1 [sflag:s11], $0x80  }
0x3bf: {  	(v2sf) =	vpush v2, $0x6;
	_ =	sdelay $0xe  }
0x3c0: {  	s14 =	spop (v2sf)  }
0x3c1: {  	[sflag:s11] =	ssyncset.done @!p1 $0x0;
	p0 =	sne.s32 s14, $0x0  }
0x3c2: {  	[sflag:s11] =	ssyncadd.s32 @!p1 $0xFFFFFF80;
	s11 =	sadd.s32 @!p0 s7, s12  }
0x3c3: {  	s15 =	simm.s32 @!p0 $0x0;
	s16 =	simm.s32 @!p0 $0x12C80;
	s11 =	sadd.s32 @!p0 $0x160, s11  }
0x3c4: {  	[hbm4b:s11+s15] =	stream.linear.scatter @!p0 [tilespmem:s16], [sflag:$0x12], $0x80, $0x38;
	[tilespmem:$0x12D00] =	vst v63  }
0x3c5: {  	s11 =	simm.s32 @!p0 $0x12  }
0x3c6: {  	_ =	swait.ge @!p0 [sflag:s11], $0x80  }
0x3c7: {  	(v2sf) =	vpush v2, $0x7;
	_ =	sdelay $0xe  }
0x3c8: {  	s16 =	spop (v2sf)  }
0x3c9: {  	[sflag:s11] =	ssyncset.done @!p0 $0x0;
	p1 =	sne.s32 s16, $0x0  }
0x3ca: {  	[sflag:s11] =	ssyncadd.s32 @!p0 $0xFFFFFF80;
	s11 =	sadd.s32 @!p1 s7, s12  }
0x3cb: {  	s15 =	simm.s32 @!p1 $0x0;
	s16 =	simm.s32 @!p1 $0x12C80;
	s11 =	sadd.s32 @!p1 $0x170, s11  }
0x3cc: {  	[hbm4b:s11+s15] =	stream.linear.scatter @!p1 [tilespmem:s16], [sflag:$0x12], $0x80, $0x38;
	[tilespmem:$0x12D00] =	vst v63  }
0x3cd: {  	s11 =	simm.s32 @!p1 $0x12  }
0x3ce: {  	_ =	swait.ge @!p1 [sflag:s11], $0x80  }
0x3cf: {  	(v2sf) =	vpush v2, $0x8;
	_ =	sdelay $0xe  }
0x3d0: {  	s2 =	spop (v2sf)  }
0x3d1: {  	[sflag:s11] =	ssyncset.done @!p1 $0x0;
	p0 =	sne.s32 s2, $0x0  }
0x3d2: {  	[sflag:s11] =	ssyncadd.s32 @!p1 $0xFFFFFF80;
	s11 =	sadd.s32 @!p0 s7, s12  }
0x3d3: {  	s15 =	simm.s32 @!p0 $0x0;
	s16 =	simm.s32 @!p0 $0x12C80;
	s11 =	sadd.s32 @!p0 $0x180, s11  }
0x3d4: {  	[hbm4b:s11+s15] =	stream.linear.scatter @!p0 [tilespmem:s16], [sflag:$0x12], $0x80, $0x38;
	[tilespmem:$0x12D00] =	vst v63  }
0x3d5: {  	s11 =	simm.s32 @!p0 $0x12  }
0x3d6: {  	_ =	swait.ge @!p0 [sflag:s11], $0x80  }
0x3d7: {  	(v2sf) =	vpush v2, $0x9;
	_ =	sdelay $0xe  }
0x3d8: {  	s6 =	spop (v2sf)  }
0x3d9: {  	[sflag:s11] =	ssyncset.done @!p0 $0x0;
	p1 =	sne.s32 s6, $0x0  }
0x3da: {  	[sflag:s11] =	ssyncadd.s32 @!p0 $0xFFFFFF80;
	s11 =	sadd.s32 @!p1 s7, s12  }
0x3db: {  	s15 =	simm.s32 @!p1 $0x0;
	s16 =	simm.s32 @!p1 $0x12C80;
	s11 =	sadd.s32 @!p1 $0x190, s11  }
0x3dc: {  	[hbm4b:s11+s15] =	stream.linear.scatter @!p1 [tilespmem:s16], [sflag:$0x12], $0x80, $0x38;
	[tilespmem:$0x12D00] =	vst v63  }
0x3dd: {  	s11 =	simm.s32 @!p1 $0x12  }
0x3de: {  	_ =	swait.ge @!p1 [sflag:s11], $0x80  }
0x3df: {  	(v2sf) =	vpush v2, $0xA;
	_ =	sdelay $0xe  }
0x3e0: {  	s14 =	spop (v2sf)  }
0x3e1: {  	[sflag:s11] =	ssyncset.done @!p1 $0x0;
	p0 =	sne.s32 s14, $0x0  }
0x3e2: {  	[sflag:s11] =	ssyncadd.s32 @!p1 $0xFFFFFF80;
	s11 =	sadd.s32 @!p0 s7, s12  }
0x3e3: {  	s15 =	simm.s32 @!p0 $0x0;
	s16 =	simm.s32 @!p0 $0x12C80;
	s11 =	sadd.s32 @!p0 $0x1A0, s11  }
0x3e4: {  	[hbm4b:s11+s15] =	stream.linear.scatter @!p0 [tilespmem:s16], [sflag:$0x12], $0x80, $0x38;
	[tilespmem:$0x12D00] =	vst v63  }
0x3e5: {  	s11 =	simm.s32 @!p0 $0x12  }
0x3e6: {  	_ =	swait.ge @!p0 [sflag:s11], $0x80  }
0x3e7: {  	(v2sf) =	vpush v2, $0xB;
	_ =	sdelay $0xe  }
0x3e8: {  	s16 =	spop (v2sf)  }
0x3e9: {  	[sflag:s11] =	ssyncset.done @!p0 $0x0;
	p1 =	sne.s32 s16, $0x0  }
0x3ea: {  	[sflag:s11] =	ssyncadd.s32 @!p0 $0xFFFFFF80;
	s11 =	sadd.s32 @!p1 s7, s12  }
0x3eb: {  	s15 =	simm.s32 @!p1 $0x0;
	s16 =	simm.s32 @!p1 $0x12C80;
	s11 =	sadd.s32 @!p1 $0x1B0, s11  }
0x3ec: {  	[hbm4b:s11+s15] =	stream.linear.scatter @!p1 [tilespmem:s16], [sflag:$0x12], $0x80, $0x38;
	[tilespmem:$0x12D00] =	vst v63  }
0x3ed: {  	s11 =	simm.s32 @!p1 $0x12  }
0x3ee: {  	_ =	swait.ge @!p1 [sflag:s11], $0x80  }
0x3ef: {  	(v2sf) =	vpush v2, $0xC;
	_ =	sdelay $0xe  }
0x3f0: {  	s2 =	spop (v2sf)  }
0x3f1: {  	[sflag:s11] =	ssyncset.done @!p1 $0x0;
	p0 =	sne.s32 s2, $0x0  }
0x3f2: {  	[sflag:s11] =	ssyncadd.s32 @!p1 $0xFFFFFF80;
	s11 =	sadd.s32 @!p0 s7, s12  }
0x3f3: {  	s15 =	simm.s32 @!p0 $0x0;
	s16 =	simm.s32 @!p0 $0x12C80;
	s11 =	sadd.s32 @!p0 $0x1C0, s11  }
0x3f4: {  	[hbm4b:s11+s15] =	stream.linear.scatter @!p0 [tilespmem:s16], [sflag:$0x12], $0x80, $0x38;
	[tilespmem:$0x12D00] =	vst v63  }
0x3f5: {  	s11 =	simm.s32 @!p0 $0x12  }
0x3f6: {  	_ =	swait.ge @!p0 [sflag:s11], $0x80  }
0x3f7: {  	(v2sf) =	vpush v2, $0xD;
	_ =	sdelay $0xe  }
0x3f8: {  	s6 =	spop (v2sf)  }
0x3f9: {  	[sflag:s11] =	ssyncset.done @!p0 $0x0;
	p1 =	sne.s32 s6, $0x0  }
0x3fa: {  	[sflag:s11] =	ssyncadd.s32 @!p0 $0xFFFFFF80;
	s11 =	sadd.s32 @!p1 s7, s12  }
0x3fb: {  	s15 =	simm.s32 @!p1 $0x0;
	s16 =	simm.s32 @!p1 $0x12C80;
	s11 =	sadd.s32 @!p1 $0x1D0, s11  }
0x3fc: {  	[hbm4b:s11+s15] =	stream.linear.scatter @!p1 [tilespmem:s16], [sflag:$0x12], $0x80, $0x38;
	[tilespmem:$0x12D00] =	vst v63  }
0x3fd: {  	s11 =	simm.s32 @!p1 $0x12  }
0x3fe: {  	_ =	swait.ge @!p1 [sflag:s11], $0x80  }
0x3ff: {  	(v2sf) =	vpush v2, $0xE;
	_ =	sdelay $0xe  }
0x400: {  	s14 =	spop (v2sf)  }
0x401: {  	[sflag:s11] =	ssyncset.done @!p1 $0x0;
	p0 =	sne.s32 s14, $0x0  }
0x402: {  	[sflag:s11] =	ssyncadd.s32 @!p1 $0xFFFFFF80;
	s11 =	sadd.s32 @!p0 s7, s12  }
0x403: {  	s15 =	simm.s32 @!p0 $0x0;
	s16 =	simm.s32 @!p0 $0x12C80;
	s11 =	sadd.s32 @!p0 $0x1E0, s11  }
0x404: {  	[hbm4b:s11+s15] =	stream.linear.scatter @!p0 [tilespmem:s16], [sflag:$0x12], $0x80, $0x38;
	[tilespmem:$0x12D00] =	vst v63  }
0x405: {  	s11 =	simm.s32 @!p0 $0x12  }
0x406: {  	_ =	swait.ge @!p0 [sflag:s11], $0x80  }
0x407: {  	(v2sf) =	vpush v2, $0xF;
	_ =	sdelay $0xe  }
0x408: {  	s16 =	spop (v2sf)  }
0x409: {  	[sflag:s11] =	ssyncset.done @!p0 $0x0;
	p1 =	sne.s32 s16, $0x0  }
0x40a: {  	[sflag:s11] =	ssyncadd.s32 @!p0 $0xFFFFFF80;
	s11 =	sadd.s32 @!p1 s7, s12  }
0x40b: {  	s15 =	simm.s32 @!p1 $0x0;
	s16 =	simm.s32 @!p1 $0x12C80;
	s11 =	sadd.s32 @!p1 $0x1F0, s11  }
0x40c: {  	[hbm4b:s11+s15] =	stream.linear.scatter @!p1 [tilespmem:s16], [sflag:$0x12], $0x80, $0x38;
	[tilespmem:$0x12D00] =	vst v63  }
0x40d: {  	s11 =	simm.s32 @!p1 $0x12  }
0x40e: {  	_ =	swait.ge @!p1 [sflag:s11], $0x80  }
0x40f: {  	[sflag:s11] =	ssyncset.done @!p1 $0x0  }
0x410: {  	[sflag:s11] =	ssyncadd.s32 @!p1 $0xFFFFFF80  }
0x411: {  	v2 =	vld [tilespmem:s10+$0x0];
	_ =	sdelay $0x4  }
0x412: {  	(v2sf) =	vpush v2, $0x0;
	_ =	sdelay $0xe  }
0x413: {  	s2 =	spop (v2sf)  }
0x414: {  	p0 =	sne.s32 s2, $0x0  }
0x415: {  	s11 =	sadd.s32 @!p0 s7, s12  }
0x416: {  	s15 =	simm.s32 @!p0 $0x0;
	s16 =	simm.s32 @!p0 $0x12C80;
	s11 =	sadd.s32 @!p0 $0x200, s11  }
0x417: {  	[hbm4b:s11+s15] =	stream.linear.scatter @!p0 [tilespmem:s16], [sflag:$0x12], $0x80, $0x38;
	[tilespmem:$0x12D00] =	vst v63  }
0x418: {  	s11 =	simm.s32 @!p0 $0x12  }
0x419: {  	_ =	swait.ge @!p0 [sflag:s11], $0x80  }
0x41a: {  	(v2sf) =	vpush v2, $0x1;
	_ =	sdelay $0xe  }
0x41b: {  	s6 =	spop (v2sf)  }
0x41c: {  	[sflag:s11] =	ssyncset.done @!p0 $0x0;
	p1 =	sne.s32 s6, $0x0  }
0x41d: {  	[sflag:s11] =	ssyncadd.s32 @!p0 $0xFFFFFF80;
	s11 =	sadd.s32 @!p1 s7, s12  }
0x41e: {  	s15 =	simm.s32 @!p1 $0x0;
	s16 =	simm.s32 @!p1 $0x12C80;
	s11 =	sadd.s32 @!p1 $0x210, s11  }
0x41f: {  	[hbm4b:s11+s15] =	stream.linear.scatter @!p1 [tilespmem:s16], [sflag:$0x12], $0x80, $0x38;
	[tilespmem:$0x12D00] =	vst v63  }
0x420: {  	s11 =	simm.s32 @!p1 $0x12  }
0x421: {  	_ =	swait.ge @!p1 [sflag:s11], $0x80  }
0x422: {  	(v2sf) =	vpush v2, $0x2;
	_ =	sdelay $0xe  }
0x423: {  	s14 =	spop (v2sf)  }
0x424: {  	[sflag:s11] =	ssyncset.done @!p1 $0x0;
	p0 =	sne.s32 s14, $0x0  }
0x425: {  	[sflag:s11] =	ssyncadd.s32 @!p1 $0xFFFFFF80;
	s11 =	sadd.s32 @!p0 s7, s12  }
0x426: {  	s15 =	simm.s32 @!p0 $0x0;
	s16 =	simm.s32 @!p0 $0x12C80;
	s11 =	sadd.s32 @!p0 $0x220, s11  }
0x427: {  	[hbm4b:s11+s15] =	stream.linear.scatter @!p0 [tilespmem:s16], [sflag:$0x12], $0x80, $0x38;
	[tilespmem:$0x12D00] =	vst v63  }
0x428: {  	s11 =	simm.s32 @!p0 $0x12  }
0x429: {  	_ =	swait.ge @!p0 [sflag:s11], $0x80  }
0x42a: {  	(v2sf) =	vpush v2, $0x3;
	_ =	sdelay $0xe  }
0x42b: {  	s16 =	spop (v2sf)  }
0x42c: {  	[sflag:s11] =	ssyncset.done @!p0 $0x0;
	p1 =	sne.s32 s16, $0x0  }
0x42d: {  	[sflag:s11] =	ssyncadd.s32 @!p0 $0xFFFFFF80;
	s11 =	sadd.s32 @!p1 s7, s12  }
0x42e: {  	s15 =	simm.s32 @!p1 $0x0;
	s16 =	simm.s32 @!p1 $0x12C80;
	s11 =	sadd.s32 @!p1 $0x230, s11  }
0x42f: {  	[hbm4b:s11+s15] =	stream.linear.scatter @!p1 [tilespmem:s16], [sflag:$0x12], $0x80, $0x38;
	[tilespmem:$0x12D00] =	vst v63  }
0x430: {  	s11 =	simm.s32 @!p1 $0x12  }
0x431: {  	_ =	swait.ge @!p1 [sflag:s11], $0x80  }
0x432: {  	(v2sf) =	vpush v2, $0x4;
	_ =	sdelay $0xe  }
0x433: {  	s2 =	spop (v2sf)  }
0x434: {  	[sflag:s11] =	ssyncset.done @!p1 $0x0;
	p0 =	sne.s32 s2, $0x0  }
0x435: {  	[sflag:s11] =	ssyncadd.s32 @!p1 $0xFFFFFF80;
	s11 =	sadd.s32 @!p0 s7, s12  }
0x436: {  	s15 =	simm.s32 @!p0 $0x0;
	s16 =	simm.s32 @!p0 $0x12C80;
	s11 =	sadd.s32 @!p0 $0x240, s11  }
0x437: {  	[hbm4b:s11+s15] =	stream.linear.scatter @!p0 [tilespmem:s16], [sflag:$0x12], $0x80, $0x38;
	[tilespmem:$0x12D00] =	vst v63  }
0x438: {  	s11 =	simm.s32 @!p0 $0x12  }
0x439: {  	_ =	swait.ge @!p0 [sflag:s11], $0x80  }
0x43a: {  	(v2sf) =	vpush v2, $0x5;
	_ =	sdelay $0xe  }
0x43b: {  	s6 =	spop (v2sf)  }
0x43c: {  	[sflag:s11] =	ssyncset.done @!p0 $0x0;
	p1 =	sne.s32 s6, $0x0  }
0x43d: {  	[sflag:s11] =	ssyncadd.s32 @!p0 $0xFFFFFF80;
	s11 =	sadd.s32 @!p1 s7, s12  }
0x43e: {  	s15 =	simm.s32 @!p1 $0x0;
	s16 =	simm.s32 @!p1 $0x12C80;
	s11 =	sadd.s32 @!p1 $0x250, s11  }
0x43f: {  	[hbm4b:s11+s15] =	stream.linear.scatter @!p1 [tilespmem:s16], [sflag:$0x12], $0x80, $0x38;
	[tilespmem:$0x12D00] =	vst v63  }
0x440: {  	s11 =	simm.s32 @!p1 $0x12  }
0x441: {  	_ =	swait.ge @!p1 [sflag:s11], $0x80  }
0x442: {  	(v2sf) =	vpush v2, $0x6;
	_ =	sdelay $0xe  }
0x443: {  	s14 =	spop (v2sf)  }
0x444: {  	[sflag:s11] =	ssyncset.done @!p1 $0x0;
	p0 =	sne.s32 s14, $0x0  }
0x445: {  	[sflag:s11] =	ssyncadd.s32 @!p1 $0xFFFFFF80;
	s11 =	sadd.s32 @!p0 s7, s12  }
0x446: {  	s15 =	simm.s32 @!p0 $0x0;
	s16 =	simm.s32 @!p0 $0x12C80;
	s11 =	sadd.s32 @!p0 $0x260, s11  }
0x447: {  	[hbm4b:s11+s15] =	stream.linear.scatter @!p0 [tilespmem:s16], [sflag:$0x12], $0x80, $0x38;
	[tilespmem:$0x12D00] =	vst v63  }
0x448: {  	s11 =	simm.s32 @!p0 $0x12  }
0x449: {  	_ =	swait.ge @!p0 [sflag:s11], $0x80  }
0x44a: {  	(v2sf) =	vpush v2, $0x7;
	_ =	sdelay $0xe  }
0x44b: {  	s16 =	spop (v2sf)  }
0x44c: {  	[sflag:s11] =	ssyncset.done @!p0 $0x0;
	p1 =	sne.s32 s16, $0x0  }
0x44d: {  	[sflag:s11] =	ssyncadd.s32 @!p0 $0xFFFFFF80;
	s11 =	sadd.s32 @!p1 s7, s12  }
0x44e: {  	s15 =	simm.s32 @!p1 $0x0;
	s16 =	simm.s32 @!p1 $0x12C80;
	s11 =	sadd.s32 @!p1 $0x270, s11  }
0x44f: {  	[hbm4b:s11+s15] =	stream.linear.scatter @!p1 [tilespmem:s16], [sflag:$0x12], $0x80, $0x38;
	[tilespmem:$0x12D00] =	vst v63  }
0x450: {  	s11 =	simm.s32 @!p1 $0x12  }
0x451: {  	_ =	swait.ge @!p1 [sflag:s11], $0x80  }
0x452: {  	(v2sf) =	vpush v2, $0x8;
	_ =	sdelay $0xe  }
0x453: {  	s2 =	spop (v2sf)  }
0x454: {  	[sflag:s11] =	ssyncset.done @!p1 $0x0;
	p0 =	sne.s32 s2, $0x0  }
0x455: {  	[sflag:s11] =	ssyncadd.s32 @!p1 $0xFFFFFF80;
	s11 =	sadd.s32 @!p0 s7, s12  }
0x456: {  	s15 =	simm.s32 @!p0 $0x0;
	s16 =	simm.s32 @!p0 $0x12C80;
	s11 =	sadd.s32 @!p0 $0x280, s11  }
0x457: {  	[hbm4b:s11+s15] =	stream.linear.scatter @!p0 [tilespmem:s16], [sflag:$0x12], $0x80, $0x38;
	[tilespmem:$0x12D00] =	vst v63  }
0x458: {  	s11 =	simm.s32 @!p0 $0x12  }
0x459: {  	_ =	swait.ge @!p0 [sflag:s11], $0x80  }
0x45a: {  	(v2sf) =	vpush v2, $0x9;
	_ =	sdelay $0xe  }
0x45b: {  	s6 =	spop (v2sf)  }
0x45c: {  	[sflag:s11] =	ssyncset.done @!p0 $0x0;
	p1 =	sne.s32 s6, $0x0  }
0x45d: {  	[sflag:s11] =	ssyncadd.s32 @!p0 $0xFFFFFF80;
	s11 =	sadd.s32 @!p1 s7, s12  }
0x45e: {  	s15 =	simm.s32 @!p1 $0x0;
	s16 =	simm.s32 @!p1 $0x12C80;
	s11 =	sadd.s32 @!p1 $0x290, s11  }
0x45f: {  	[hbm4b:s11+s15] =	stream.linear.scatter @!p1 [tilespmem:s16], [sflag:$0x12], $0x80, $0x38;
	[tilespmem:$0x12D00] =	vst v63  }
0x460: {  	s11 =	simm.s32 @!p1 $0x12  }
0x461: {  	_ =	swait.ge @!p1 [sflag:s11], $0x80  }
0x462: {  	(v2sf) =	vpush v2, $0xA;
	_ =	sdelay $0xe  }
0x463: {  	s14 =	spop (v2sf)  }
0x464: {  	[sflag:s11] =	ssyncset.done @!p1 $0x0;
	p0 =	sne.s32 s14, $0x0  }
0x465: {  	[sflag:s11] =	ssyncadd.s32 @!p1 $0xFFFFFF80;
	s11 =	sadd.s32 @!p0 s7, s12  }
0x466: {  	s15 =	simm.s32 @!p0 $0x0;
	s16 =	simm.s32 @!p0 $0x12C80;
	s11 =	sadd.s32 @!p0 $0x2A0, s11  }
0x467: {  	[hbm4b:s11+s15] =	stream.linear.scatter @!p0 [tilespmem:s16], [sflag:$0x12], $0x80, $0x38;
	[tilespmem:$0x12D00] =	vst v63  }
0x468: {  	s11 =	simm.s32 @!p0 $0x12  }
0x469: {  	_ =	swait.ge @!p0 [sflag:s11], $0x80  }
0x46a: {  	(v2sf) =	vpush v2, $0xB;
	_ =	sdelay $0xe  }
0x46b: {  	s16 =	spop (v2sf)  }
0x46c: {  	[sflag:s11] =	ssyncset.done @!p0 $0x0;
	p1 =	sne.s32 s16, $0x0  }
0x46d: {  	[sflag:s11] =	ssyncadd.s32 @!p0 $0xFFFFFF80;
	s11 =	sadd.s32 @!p1 s7, s12  }
0x46e: {  	s15 =	simm.s32 @!p1 $0x0;
	s16 =	simm.s32 @!p1 $0x12C80;
	s11 =	sadd.s32 @!p1 $0x2B0, s11  }
0x46f: {  	[hbm4b:s11+s15] =	stream.linear.scatter @!p1 [tilespmem:s16], [sflag:$0x12], $0x80, $0x38;
	[tilespmem:$0x12D00] =	vst v63  }
0x470: {  	s11 =	simm.s32 @!p1 $0x12  }
0x471: {  	_ =	swait.ge @!p1 [sflag:s11], $0x80  }
0x472: {  	(v2sf) =	vpush v2, $0xC;
	_ =	sdelay $0xe  }
0x473: {  	s2 =	spop (v2sf)  }
0x474: {  	[sflag:s11] =	ssyncset.done @!p1 $0x0;
	p0 =	sne.s32 s2, $0x0  }
0x475: {  	[sflag:s11] =	ssyncadd.s32 @!p1 $0xFFFFFF80;
	s11 =	sadd.s32 @!p0 s7, s12  }
0x476: {  	s15 =	simm.s32 @!p0 $0x0;
	s16 =	simm.s32 @!p0 $0x12C80;
	s11 =	sadd.s32 @!p0 $0x2C0, s11  }
0x477: {  	[hbm4b:s11+s15] =	stream.linear.scatter @!p0 [tilespmem:s16], [sflag:$0x12], $0x80, $0x38;
	[tilespmem:$0x12D00] =	vst v63  }
0x478: {  	s11 =	simm.s32 @!p0 $0x12  }
0x479: {  	_ =	swait.ge @!p0 [sflag:s11], $0x80  }
0x47a: {  	(v2sf) =	vpush v2, $0xD;
	_ =	sdelay $0xe  }
0x47b: {  	s6 =	spop (v2sf)  }
0x47c: {  	[sflag:s11] =	ssyncset.done @!p0 $0x0;
	p1 =	sne.s32 s6, $0x0  }
0x47d: {  	[sflag:s11] =	ssyncadd.s32 @!p0 $0xFFFFFF80;
	s11 =	sadd.s32 @!p1 s7, s12  }
0x47e: {  	s15 =	simm.s32 @!p1 $0x0;
	s16 =	simm.s32 @!p1 $0x12C80;
	s11 =	sadd.s32 @!p1 $0x2D0, s11  }
0x47f: {  	[hbm4b:s11+s15] =	stream.linear.scatter @!p1 [tilespmem:s16], [sflag:$0x12], $0x80, $0x38;
	[tilespmem:$0x12D00] =	vst v63  }
0x480: {  	s11 =	simm.s32 @!p1 $0x12  }
0x481: {  	_ =	swait.ge @!p1 [sflag:s11], $0x80  }
0x482: {  	(v2sf) =	vpush v2, $0xE;
	_ =	sdelay $0xe  }
0x483: {  	s14 =	spop (v2sf)  }
0x484: {  	[sflag:s11] =	ssyncset.done @!p1 $0x0;
	p0 =	sne.s32 s14, $0x0  }
0x485: {  	[sflag:s11] =	ssyncadd.s32 @!p1 $0xFFFFFF80;
	s11 =	sadd.s32 @!p0 s7, s12  }
0x486: {  	s15 =	simm.s32 @!p0 $0x0;
	s16 =	simm.s32 @!p0 $0x12C80;
	s11 =	sadd.s32 @!p0 $0x2E0, s11  }
0x487: {  	[hbm4b:s11+s15] =	stream.linear.scatter @!p0 [tilespmem:s16], [sflag:$0x12], $0x80, $0x38;
	[tilespmem:$0x12D00] =	vst v63  }
0x488: {  	s11 =	simm.s32 @!p0 $0x12  }
0x489: {  	_ =	swait.ge @!p0 [sflag:s11], $0x80  }
0x48a: {  	(v2sf) =	vpush v2, $0xF;
	_ =	sdelay $0xe  }
0x48b: {  	s16 =	spop (v2sf)  }
0x48c: {  	[sflag:s11] =	ssyncset.done @!p0 $0x0;
	p1 =	sne.s32 s16, $0x0  }
0x48d: {  	[sflag:s11] =	ssyncadd.s32 @!p0 $0xFFFFFF80;
	s11 =	sadd.s32 @!p1 s7, s12  }
0x48e: {  	s15 =	simm.s32 @!p1 $0x0;
	s16 =	simm.s32 @!p1 $0x12C80;
	s11 =	sadd.s32 @!p1 $0x2F0, s11  }
0x48f: {  	[hbm4b:s11+s15] =	stream.linear.scatter @!p1 [tilespmem:s16], [sflag:$0x12], $0x80, $0x38;
	[tilespmem:$0x12D00] =	vst v63  }
0x490: {  	s11 =	simm.s32 @!p1 $0x12  }
0x491: {  	_ =	swait.ge @!p1 [sflag:s11], $0x80  }
0x492: {  	[sflag:s11] =	ssyncset.done @!p1 $0x0  }
0x493: {  	[sflag:s11] =	ssyncadd.s32 @!p1 $0xFFFFFF80  }
0x494: {  	v2 =	vld [tilespmem:s10+$0x10];
	_ =	sdelay $0x4  }
0x495: {  	(v2sf) =	vpush v2, $0x0;
	_ =	sdelay $0xe  }
0x496: {  	s2 =	spop (v2sf)  }
0x497: {  	p0 =	sne.s32 s2, $0x0  }
0x498: {  	s11 =	sadd.s32 @!p0 s7, s12  }
0x499: {  	s15 =	simm.s32 @!p0 $0x0;
	s16 =	simm.s32 @!p0 $0x12C80;
	s11 =	sadd.s32 @!p0 $0x300, s11  }
0x49a: {  	[hbm4b:s11+s15] =	stream.linear.scatter @!p0 [tilespmem:s16], [sflag:$0x12], $0x80, $0x38;
	[tilespmem:$0x12D00] =	vst v63  }
0x49b: {  	s11 =	simm.s32 @!p0 $0x12  }
0x49c: {  	_ =	swait.ge @!p0 [sflag:s11], $0x80  }
0x49d: {  	(v2sf) =	vpush v2, $0x1;
	_ =	sdelay $0xe  }
0x49e: {  	s6 =	spop (v2sf)  }
0x49f: {  	[sflag:s11] =	ssyncset.done @!p0 $0x0;
	p1 =	sne.s32 s6, $0x0  }
0x4a0: {  	[sflag:s11] =	ssyncadd.s32 @!p0 $0xFFFFFF80;
	s11 =	sadd.s32 @!p1 s7, s12  }
0x4a1: {  	s15 =	simm.s32 @!p1 $0x0;
	s16 =	simm.s32 @!p1 $0x12C80;
	s11 =	sadd.s32 @!p1 $0x310, s11  }
0x4a2: {  	[hbm4b:s11+s15] =	stream.linear.scatter @!p1 [tilespmem:s16], [sflag:$0x12], $0x80, $0x38;
	[tilespmem:$0x12D00] =	vst v63  }
0x4a3: {  	s11 =	simm.s32 @!p1 $0x12  }
0x4a4: {  	_ =	swait.ge @!p1 [sflag:s11], $0x80  }
0x4a5: {  	(v2sf) =	vpush v2, $0x2;
	_ =	sdelay $0xe  }
0x4a6: {  	s14 =	spop (v2sf)  }
0x4a7: {  	[sflag:s11] =	ssyncset.done @!p1 $0x0;
	p0 =	sne.s32 s14, $0x0  }
0x4a8: {  	[sflag:s11] =	ssyncadd.s32 @!p1 $0xFFFFFF80;
	s11 =	sadd.s32 @!p0 s7, s12  }
0x4a9: {  	s15 =	simm.s32 @!p0 $0x0;
	s16 =	simm.s32 @!p0 $0x12C80;
	s11 =	sadd.s32 @!p0 $0x320, s11  }
0x4aa: {  	[hbm4b:s11+s15] =	stream.linear.scatter @!p0 [tilespmem:s16], [sflag:$0x12], $0x80, $0x38;
	[tilespmem:$0x12D00] =	vst v63  }
0x4ab: {  	s11 =	simm.s32 @!p0 $0x12  }
0x4ac: {  	_ =	swait.ge @!p0 [sflag:s11], $0x80  }
0x4ad: {  	(v2sf) =	vpush v2, $0x3;
	_ =	sdelay $0xe  }
0x4ae: {  	s16 =	spop (v2sf)  }
0x4af: {  	[sflag:s11] =	ssyncset.done @!p0 $0x0;
	p1 =	sne.s32 s16, $0x0  }
0x4b0: {  	[sflag:s11] =	ssyncadd.s32 @!p0 $0xFFFFFF80;
	s11 =	sadd.s32 @!p1 s7, s12  }
0x4b1: {  	s15 =	simm.s32 @!p1 $0x0;
	s16 =	simm.s32 @!p1 $0x12C80;
	s11 =	sadd.s32 @!p1 $0x330, s11  }
0x4b2: {  	[hbm4b:s11+s15] =	stream.linear.scatter @!p1 [tilespmem:s16], [sflag:$0x12], $0x80, $0x38;
	[tilespmem:$0x12D00] =	vst v63  }
0x4b3: {  	s11 =	simm.s32 @!p1 $0x12  }
0x4b4: {  	_ =	swait.ge @!p1 [sflag:s11], $0x80  }
0x4b5: {  	(v2sf) =	vpush v2, $0x4;
	_ =	sdelay $0xe  }
0x4b6: {  	s2 =	spop (v2sf)  }
0x4b7: {  	[sflag:s11] =	ssyncset.done @!p1 $0x0;
	p0 =	sne.s32 s2, $0x0  }
0x4b8: {  	[sflag:s11] =	ssyncadd.s32 @!p1 $0xFFFFFF80;
	s11 =	sadd.s32 @!p0 s7, s12  }
0x4b9: {  	s15 =	simm.s32 @!p0 $0x0;
	s16 =	simm.s32 @!p0 $0x12C80;
	s11 =	sadd.s32 @!p0 $0x340, s11  }
0x4ba: {  	[hbm4b:s11+s15] =	stream.linear.scatter @!p0 [tilespmem:s16], [sflag:$0x12], $0x80, $0x38;
	[tilespmem:$0x12D00] =	vst v63  }
0x4bb: {  	s11 =	simm.s32 @!p0 $0x12  }
0x4bc: {  	_ =	swait.ge @!p0 [sflag:s11], $0x80  }
0x4bd: {  	(v2sf) =	vpush v2, $0x5;
	_ =	sdelay $0xe  }
0x4be: {  	s6 =	spop (v2sf)  }
0x4bf: {  	[sflag:s11] =	ssyncset.done @!p0 $0x0;
	p1 =	sne.s32 s6, $0x0  }
0x4c0: {  	[sflag:s11] =	ssyncadd.s32 @!p0 $0xFFFFFF80;
	s11 =	sadd.s32 @!p1 s7, s12  }
0x4c1: {  	s15 =	simm.s32 @!p1 $0x0;
	s16 =	simm.s32 @!p1 $0x12C80;
	s11 =	sadd.s32 @!p1 $0x350, s11  }
0x4c2: {  	[hbm4b:s11+s15] =	stream.linear.scatter @!p1 [tilespmem:s16], [sflag:$0x12], $0x80, $0x38;
	[tilespmem:$0x12D00] =	vst v63  }
0x4c3: {  	s11 =	simm.s32 @!p1 $0x12  }
0x4c4: {  	_ =	swait.ge @!p1 [sflag:s11], $0x80  }
0x4c5: {  	(v2sf) =	vpush v2, $0x6;
	_ =	sdelay $0xe  }
0x4c6: {  	s14 =	spop (v2sf)  }
0x4c7: {  	[sflag:s11] =	ssyncset.done @!p1 $0x0;
	p0 =	sne.s32 s14, $0x0  }
0x4c8: {  	[sflag:s11] =	ssyncadd.s32 @!p1 $0xFFFFFF80;
	s11 =	sadd.s32 @!p0 s7, s12  }
0x4c9: {  	s15 =	simm.s32 @!p0 $0x0;
	s16 =	simm.s32 @!p0 $0x12C80;
	s11 =	sadd.s32 @!p0 $0x360, s11  }
0x4ca: {  	[hbm4b:s11+s15] =	stream.linear.scatter @!p0 [tilespmem:s16], [sflag:$0x12], $0x80, $0x38;
	[tilespmem:$0x12D00] =	vst v63  }
0x4cb: {  	s11 =	simm.s32 @!p0 $0x12  }
0x4cc: {  	_ =	swait.ge @!p0 [sflag:s11], $0x80  }
0x4cd: {  	(v2sf) =	vpush v2, $0x7;
	_ =	sdelay $0xe  }
0x4ce: {  	s16 =	spop (v2sf)  }
0x4cf: {  	[sflag:s11] =	ssyncset.done @!p0 $0x0;
	p1 =	sne.s32 s16, $0x0  }
0x4d0: {  	[sflag:s11] =	ssyncadd.s32 @!p0 $0xFFFFFF80;
	s11 =	sadd.s32 @!p1 s7, s12  }
0x4d1: {  	s15 =	simm.s32 @!p1 $0x0;
	s16 =	simm.s32 @!p1 $0x12C80;
	s11 =	sadd.s32 @!p1 $0x370, s11  }
0x4d2: {  	[hbm4b:s11+s15] =	stream.linear.scatter @!p1 [tilespmem:s16], [sflag:$0x12], $0x80, $0x38;
	[tilespmem:$0x12D00] =	vst v63  }
0x4d3: {  	s11 =	simm.s32 @!p1 $0x12  }
0x4d4: {  	_ =	swait.ge @!p1 [sflag:s11], $0x80  }
0x4d5: {  	(v2sf) =	vpush v2, $0x8;
	_ =	sdelay $0xe  }
0x4d6: {  	s2 =	spop (v2sf)  }
0x4d7: {  	[sflag:s11] =	ssyncset.done @!p1 $0x0;
	p0 =	sne.s32 s2, $0x0  }
0x4d8: {  	[sflag:s11] =	ssyncadd.s32 @!p1 $0xFFFFFF80;
	s11 =	sadd.s32 @!p0 s7, s12  }
0x4d9: {  	s15 =	simm.s32 @!p0 $0x0;
	s16 =	simm.s32 @!p0 $0x12C80;
	s11 =	sadd.s32 @!p0 $0x380, s11  }
0x4da: {  	[hbm4b:s11+s15] =	stream.linear.scatter @!p0 [tilespmem:s16], [sflag:$0x12], $0x80, $0x38;
	[tilespmem:$0x12D00] =	vst v63  }
0x4db: {  	s11 =	simm.s32 @!p0 $0x12  }
0x4dc: {  	_ =	swait.ge @!p0 [sflag:s11], $0x80  }
0x4dd: {  	(v2sf) =	vpush v2, $0x9;
	_ =	sdelay $0xe  }
0x4de: {  	s6 =	spop (v2sf)  }
0x4df: {  	[sflag:s11] =	ssyncset.done @!p0 $0x0;
	p1 =	sne.s32 s6, $0x0  }
0x4e0: {  	[sflag:s11] =	ssyncadd.s32 @!p0 $0xFFFFFF80;
	s11 =	sadd.s32 @!p1 s7, s12  }
0x4e1: {  	s15 =	simm.s32 @!p1 $0x0;
	s16 =	simm.s32 @!p1 $0x12C80;
	s11 =	sadd.s32 @!p1 $0x390, s11  }
0x4e2: {  	[hbm4b:s11+s15] =	stream.linear.scatter @!p1 [tilespmem:s16], [sflag:$0x12], $0x80, $0x38;
	[tilespmem:$0x12D00] =	vst v63  }
0x4e3: {  	s11 =	simm.s32 @!p1 $0x12  }
0x4e4: {  	_ =	swait.ge @!p1 [sflag:s11], $0x80  }
0x4e5: {  	(v2sf) =	vpush v2, $0xA;
	_ =	sdelay $0xe  }
0x4e6: {  	s14 =	spop (v2sf)  }
0x4e7: {  	[sflag:s11] =	ssyncset.done @!p1 $0x0;
	p0 =	sne.s32 s14, $0x0  }
0x4e8: {  	[sflag:s11] =	ssyncadd.s32 @!p1 $0xFFFFFF80;
	s11 =	sadd.s32 @!p0 s7, s12  }
0x4e9: {  	s15 =	simm.s32 @!p0 $0x0;
	s16 =	simm.s32 @!p0 $0x12C80;
	s11 =	sadd.s32 @!p0 $0x3A0, s11  }
0x4ea: {  	[hbm4b:s11+s15] =	stream.linear.scatter @!p0 [tilespmem:s16], [sflag:$0x12], $0x80, $0x38;
	[tilespmem:$0x12D00] =	vst v63  }
0x4eb: {  	s11 =	simm.s32 @!p0 $0x12  }
0x4ec: {  	_ =	swait.ge @!p0 [sflag:s11], $0x80  }
0x4ed: {  	(v2sf) =	vpush v2, $0xB;
	_ =	sdelay $0xe  }
0x4ee: {  	s16 =	spop (v2sf)  }
0x4ef: {  	[sflag:s11] =	ssyncset.done @!p0 $0x0;
	p1 =	sne.s32 s16, $0x0  }
0x4f0: {  	[sflag:s11] =	ssyncadd.s32 @!p0 $0xFFFFFF80;
	s11 =	sadd.s32 @!p1 s7, s12  }
0x4f1: {  	s15 =	simm.s32 @!p1 $0x0;
	s16 =	simm.s32 @!p1 $0x12C80;
	s11 =	sadd.s32 @!p1 $0x3B0, s11  }
0x4f2: {  	[hbm4b:s11+s15] =	stream.linear.scatter @!p1 [tilespmem:s16], [sflag:$0x12], $0x80, $0x38;
	[tilespmem:$0x12D00] =	vst v63  }
0x4f3: {  	s11 =	simm.s32 @!p1 $0x12  }
0x4f4: {  	_ =	swait.ge @!p1 [sflag:s11], $0x80  }
0x4f5: {  	(v2sf) =	vpush v2, $0xC;
	_ =	sdelay $0xe  }
0x4f6: {  	s2 =	spop (v2sf)  }
0x4f7: {  	[sflag:s11] =	ssyncset.done @!p1 $0x0;
	p0 =	sne.s32 s2, $0x0  }
0x4f8: {  	[sflag:s11] =	ssyncadd.s32 @!p1 $0xFFFFFF80;
	s11 =	sadd.s32 @!p0 s7, s12  }
0x4f9: {  	s15 =	simm.s32 @!p0 $0x0;
	s16 =	simm.s32 @!p0 $0x12C80;
	s11 =	sadd.s32 @!p0 $0x3C0, s11  }
0x4fa: {  	[hbm4b:s11+s15] =	stream.linear.scatter @!p0 [tilespmem:s16], [sflag:$0x12], $0x80, $0x38;
	[tilespmem:$0x12D00] =	vst v63  }
0x4fb: {  	s11 =	simm.s32 @!p0 $0x12  }
0x4fc: {  	_ =	swait.ge @!p0 [sflag:s11], $0x80  }
0x4fd: {  	(v2sf) =	vpush v2, $0xD;
	_ =	sdelay $0xe  }
0x4fe: {  	s6 =	spop (v2sf)  }
0x4ff: {  	[sflag:s11] =	ssyncset.done @!p0 $0x0;
	p1 =	sne.s32 s6, $0x0  }
0x500: {  	[sflag:s11] =	ssyncadd.s32 @!p0 $0xFFFFFF80;
	s11 =	sadd.s32 @!p1 s7, s12  }
0x501: {  	s15 =	simm.s32 @!p1 $0x0;
	s16 =	simm.s32 @!p1 $0x12C80;
	s11 =	sadd.s32 @!p1 $0x3D0, s11  }
0x502: {  	[hbm4b:s11+s15] =	stream.linear.scatter @!p1 [tilespmem:s16], [sflag:$0x12], $0x80, $0x38;
	[tilespmem:$0x12D00] =	vst v63  }
0x503: {  	s11 =	simm.s32 @!p1 $0x12  }
0x504: {  	_ =	swait.ge @!p1 [sflag:s11], $0x80  }
0x505: {  	(v2sf) =	vpush v2, $0xE;
	_ =	sdelay $0xe  }
0x506: {  	s14 =	spop (v2sf)  }
0x507: {  	[sflag:s11] =	ssyncset.done @!p1 $0x0;
	p0 =	sne.s32 s14, $0x0  }
0x508: {  	[sflag:s11] =	ssyncadd.s32 @!p1 $0xFFFFFF80;
	s11 =	sadd.s32 @!p0 s7, s12  }
0x509: {  	s15 =	simm.s32 @!p0 $0x0;
	s16 =	simm.s32 @!p0 $0x12C80;
	s11 =	sadd.s32 @!p0 $0x3E0, s11  }
0x50a: {  	[hbm4b:s11+s15] =	stream.linear.scatter @!p0 [tilespmem:s16], [sflag:$0x12], $0x80, $0x38;
	[tilespmem:$0x12D00] =	vst v63  }
0x50b: {  	s11 =	simm.s32 @!p0 $0x12  }
0x50c: {  	_ =	swait.ge @!p0 [sflag:s11], $0x80  }
0x50d: {  	(v2sf) =	vpush v2, $0xF;
	_ =	sdelay $0xe  }
0x50e: {  	s16 =	spop (v2sf)  }
0x50f: {  	[sflag:s11] =	ssyncset.done @!p0 $0x0;
	p1 =	sne.s32 s16, $0x0  }
0x510: {  	[sflag:s11] =	ssyncadd.s32 @!p0 $0xFFFFFF80;
	s11 =	sadd.s32 @!p1 s7, s12  }
0x511: {  	s15 =	simm.s32 @!p1 $0x0;
	s16 =	simm.s32 @!p1 $0x12C80;
	s11 =	sadd.s32 @!p1 $0x3F0, s11  }
0x512: {  	[hbm4b:s11+s15] =	stream.linear.scatter @!p1 [tilespmem:s16], [sflag:$0x11], $0x80, $0x38;
	[tilespmem:$0x12D00] =	vst v63  }
.Ltmp7:
0x513: {  	_ = 	snop;
	(pc) =	sbr.rel .LBB2_7-.Ltmp7, $4  }
0x514: {  	s11 =	simm.s32 @!p1 $0x11  }
0x515: {  	_ =	swait.ge @!p1 [sflag:s11], $0x80  }
0x516: {  	[sflag:s11] =	ssyncset.done @!p1 $0x0  }
0x517: {  	s14 =	simm.s32 $0x1;
	s16 =	simm.s32 $0x2;
	[sflag:s11] =	ssyncadd.s32 @!p1 $0xFFFFFF80  }
.LBB2_9:
0x518: {  	_ =	sfence.sel $0x180000  }
0x519: {  	[bflag:$0x0] =	sbarrier.arrive $0xFFFF  }
0x51a: {  	_ =	strace $0x90000047  }
0x51b: {  	s0 =	stileid.u32;
	[bflag:$0x2] =	sbarrier.arrive $0xFFFF  }
0x51c: {  	p0 =	sne.s32 s0, $0x0;
	s0 =	rddreg [dreg:$0x4]  }
0x51d: {  	s0 =	sadd.s32 @!p0 $0x100000, s0  }
0x51e: {  	[sflag:s0] =	ssyncadd.tile.s32 @!p0 $0x1;
	_ =	shalt  }
.Lfunc_end2:
_tile_overlayer_lowered:
.L_overlay_start_2:
0x51f: {  	(tag) =	ssettag $0x2  }
0x520: {  	s0 =	rddreg [dreg:$0x0];
	s2 =	stileid.u32  }
0x521: {  	s1 =	rddreg [dreg:$0x1];
	p0 =	sne.s32 s2, $0x0  }
0x522: {  	s3 =	rddreg [dreg:$0x2];
	[bflag:$0x3] =	sbarrier.arrive $0xFFFF;
	s2 =	simm.s32 @!p0 $0x1C11  }
0x523: {  	[timem:s3], [sflag:s2] =	dma.local @!p0 [hbm:s0], s1  }
0x524: {  	s0 =	simm.s32 @!p0 $0x11  }
0x525: {  	_ =	swait.ge @!p0 [sflag:s0], s1  }
0x526: {  	s1 =	ssub.s32 @!p0 $0x0, s1;
	[sflag:s0] =	ssyncset.done @!p0 $0x0  }
0x527: {  	[sflag:s0] =	ssyncadd.s32 @!p0 s1  }
0x528: {  	[bflag:$0x3] =	sbarrier.arrive $0xFFFF  }
0x529: {  	_ =	shalt  }

</sc_bundles>
